<compile_context>
chip_gen: v7x
topology: tpu7x:2x2x1
jax: 0.10.2.dev20260603
libtpu: 0.0.44.dev20260713+nightly
codegen_flags: <defaults>
</compile_context>

<pallas_src>
import functools

import jax
import jax.numpy as jnp
from jax import lax
from jax.experimental import pallas as pl
from jax.experimental.pallas import tpu as pltpu
from jax.experimental.pallas import tpu_sc as plsc

H = 48
W = 48
S = H * W
N = 1024
B = 16
K = 16
L = 16
NCH = N // L
WPB = 2
QPW = S // WPB
RPW = H // WPB
TI = RPW // 4
TJ = W // 4
NT = TI * TJ
INF = float("inf")


def _sc_knn(pxs, pys, p2s, oidx, ybnd, fl, fh, pn):
    mesh = plsc.VectorSubcoreMesh(core_axis_name="c", subcore_axis_name="s")

    @functools.partial(
        pl.kernel,
        out_type=jax.ShapeDtypeStruct((B, WPB, QPW * 2), jnp.float32),
        mesh=mesh,
        compiler_params=pltpu.CompilerParams(needs_layout_passes=False),
        scratch_types=[
            pltpu.VMEM((N,), jnp.float32),
            pltpu.VMEM((N,), jnp.float32),
            pltpu.VMEM((N,), jnp.float32),
            pltpu.VMEM((N,), jnp.int32),
            pltpu.VMEM((2 * NCH,), jnp.float32),
            pltpu.VMEM((N,), jnp.float32),
            pltpu.VMEM((N,), jnp.float32),
            pltpu.VMEM((B,), jnp.int32),
            pltpu.VMEM((QPW * 2,), jnp.float32),
        ],
    )
    def knn(pxs_hbm, pys_hbm, p2s_hbm, oidx_hbm, ybnd_hbm, fl_hbm, fh_hbm,
            pn_hbm, out_hbm,
            pxs_v, pys_v, p2s_v, oidx_v, ybnd_v, fl_v, fh_v, pn_v, out_v):
        wid = lax.axis_index("s") * 2 + lax.axis_index("c")
        b = wid // WPB
        half = wid % WPB
        pltpu.sync_copy(pxs_hbm.at[b], pxs_v)
        pltpu.sync_copy(pys_hbm.at[b], pys_v)
        pltpu.sync_copy(p2s_hbm.at[b], p2s_v)
        pltpu.sync_copy(oidx_hbm.at[b], oidx_v)
        pltpu.sync_copy(ybnd_hbm.at[b], ybnd_v)
        pltpu.sync_copy(fl_hbm.at[b], fl_v)
        pltpu.sync_copy(fh_hbm.at[b], fh_v)
        pltpu.sync_copy(pn_hbm, pn_v)
        lanes = jnp.arange(L, dtype=jnp.int32)
        pn_b = plsc.load_gather(pn_v, [jnp.zeros((L,), jnp.int32) + b])
        small = pn_b < K
        row0 = half * RPW

        def tile_body(tt, carry):
            ti = tt // TJ
            tj = tt % TJ
            i0 = row0 + ti * 4
            j0 = tj * 4
            tqx = [(2 * (i0 + v)).astype(jnp.float32) for v in range(4)]
            tqy = [(2 * (j0 + v)).astype(jnp.float32) for v in range(4)]
            qylo = j0.astype(jnp.float32)
            qyhi = qylo + 3.0

            qx2 = [((i0 + v) * (i0 + v)).astype(jnp.float32) for v in range(4)]
            qy2 = [((j0 + v) * (j0 + v)).astype(jnp.float32) for v in range(4)]

            def _merge16(pxc, pyc, p2c, idxc, bks, bvs):
                ax = [p2c - tqx[v] * pxc + qx2[v] for v in range(4)]
                by = [tqy[v] * pyc - qy2[v] for v in range(4)]
                nk, nv = [], []
                for u in range(L):
                    d = ax[u // 4] - by[u % 4]
                    ds_, is_ = plsc.sort_key_val(d, idxc, descending=True)
                    take = ds_ < bks[u]
                    mk = jnp.where(take, ds_, bks[u])
                    mv = jnp.where(take, is_, bvs[u])
                    mk, mv = plsc.sort_key_val(mk, mv)
                    nk.append(mk)
                    nv.append(mv)
                return nk, nv

            def scan(t, bks, bvs):
                o = t * L
                pxc = pxs_v[pl.ds(o, L)]
                pyc = pys_v[pl.ds(o, L)]
                p2c = p2s_v[pl.ds(o, L)]
                return _merge16(pxc, pyc, p2c, o + lanes, bks, bvs)

            def bounds(t_dn, t_up):
                yb_dn = ybnd_v[pl.ds(t_dn, L)][0]
                yb_up = ybnd_v[pl.ds(t_up + 1, L)][0]
                g_dn = jnp.maximum(qylo - yb_dn, 0.0)
                g_up = jnp.maximum(yb_up - qyhi, 0.0)
                b_dn = jnp.where(t_dn > 0, g_dn * g_dn, INF)
                b_up = jnp.where(t_up < NCH - 1, g_up * g_up, INF)
                return b_dn, b_up

            def gmax_of(bks):
                m = bks[0]
                for u in range(1, L):
                    m = jnp.maximum(m, bks[u])
                return jnp.max(m)

            cy = qylo + 1.5
            acc = jnp.zeros((L,), jnp.int32)
            for v in range(NCH // L):
                yc = ybnd_v[pl.ds(v * L, L)]
                acc = acc + jnp.where(yc <= cy, 1, 0)
            t0 = jnp.clip(jnp.sum(acc) - 1, 0, NCH - 1)

            WIN = 28
            t_lo = jnp.clip(t0 - WIN // 2, 0, NCH - WIN)
            bk0 = [jnp.full((L,), INF, jnp.float32) for _ in range(L)]
            bv0 = [jnp.full((L,), 2**30, jnp.int32) for _ in range(L)]

            def win_body(w, c):
                bks, bvs = scan(t_lo + w, list(c[:L]), list(c[L:]))
                return (*bks, *bvs)

            c0 = lax.fori_loop(0, WIN, win_body, (*bk0, *bv0))
            b_dn, b_up = bounds(t_lo, t_lo + (WIN - 1))
            need_more = gmax_of(list(c0[:L])) > jnp.minimum(b_dn, b_up)

            def fb(c):
                def fb_body(w, cc):
                    t_sc = jnp.where(w < t_lo, w, w + WIN)
                    bks, bvs = scan(t_sc, list(cc[:L]), list(cc[L:]))
                    return (*bks, *bvs)

                return lax.fori_loop(0, NCH - WIN, fb_body, c)

            st = lax.cond(need_more, fb, lambda c: c, c0)
            bks = list(st[:L])
            bvs = list(st[L:2 * L])

            a0 = jnp.zeros((L,), jnp.float32)
            a1 = jnp.zeros((L,), jnp.float32)
            for u in range(L):
                orig = plsc.load_gather(oidx_v, [bvs[u]])
                orig = jnp.where(small, lanes, orig)
                f0 = plsc.load_gather(fl_v, [orig])
                f1 = plsc.load_gather(fh_v, [orig])
                s0 = jnp.sum(f0)
                s1 = jnp.sum(f1)
                c0 = jnp.sum(jnp.where(f0 != 0.0, 1.0, 0.0))
                c1 = jnp.sum(jnp.where(f1 != 0.0, 1.0, 0.0))
                c0 = jnp.where(c0 == 0.0, 1.0, c0)
                c1 = jnp.where(c1 == 0.0, 1.0, c1)
                av0 = jnp.broadcast_to(s0, (L,)) / jnp.broadcast_to(c0, (L,))
                av1 = jnp.broadcast_to(s1, (L,)) / jnp.broadcast_to(c1, (L,))
                sel = lanes == u
                a0 = jnp.where(sel, av0, a0)
                a1 = jnp.where(sel, av1, a1)

            m = jnp.maximum(a0, a1)
            u0 = jnp.exp(a0 - m)
            u1 = jnp.exp(a1 - m)
            den = u0 + u1
            p0 = u0 / den
            p1 = u1 / den
            eq = p0 == p1
            p0 = jnp.where(eq, 1.0, p0)
            p1 = jnp.where(eq, 0.0, p1)
            lq = (ti * 4 + lanes // 4) * W + j0 + lanes % 4
            plsc.store_scatter(out_v, [2 * lq], p0)
            plsc.store_scatter(out_v, [2 * lq + 1], p1)
            return carry

        lax.fori_loop(0, NT, tile_body, 0)
        pltpu.sync_copy(out_v, out_hbm.at[b, half])

    return knn(pxs, pys, p2s, oidx, ybnd, fl, fh, pn)


def kernel(coords, features, res, points_num):
    p = jnp.asarray(res, jnp.float32)
    cmax = jnp.max(coords, axis=-2, keepdims=True)
    cmin = jnp.min(coords, axis=-2, keepdims=True)
    center = (cmax + cmin) / 2
    scale = jnp.maximum(cmax - cmin, 1e-05) / 2
    cn = ((coords - center) / scale + 1) * 0.8 * p / 2 + 0.1 * p
    valid = jnp.arange(N)[None, :] < points_num[:, None]
    px = jnp.where(valid, cn[..., 0], 1e30)
    py = jnp.where(valid, cn[..., 1], 1e30)
    perm = jnp.argsort(py, axis=1, stable=True)
    pxs = jnp.take_along_axis(px, perm, axis=1)
    pys = jnp.take_along_axis(py, perm, axis=1)
    p2s = pxs * pxs + pys * pys
    ybnd = jnp.concatenate(
        [pys[:, ::L], jnp.full((B, NCH), jnp.inf, jnp.float32)], axis=1)
    fl = jnp.minimum(features[..., 0], features[..., 1])
    fh = jnp.maximum(features[..., 0], features[..., 1])
    out = _sc_knn(pxs, pys, p2s, perm.astype(jnp.int32), ybnd, fl, fh,
                  points_num.astype(jnp.int32))
    return out.reshape(B, H, W, 2)

# --- scband reference (transcript-rebuilt; emitter-appended) ---
"""Pipeline reference for scband-point2-mask-module-base-87686052315593 (READ-ONLY COPY).

The authoritative reference and input builder live on the scoring server;
editing this copy changes nothing except your own understanding.
"""

import jax, jax.numpy as jnp
import numpy as np

NSAMPLE = 16


def _knn_group(coords, samples, pts_feats, points_num, nsample):
    # coords: (B, N, 2) normalized point coords
    # samples: (B, S, 2) query grid cells
    # pts_feats: (B, C, N) per-point features
    # points_num: (B,) valid point counts (rest are paddings)
    N = coords.shape[1]
    d = jnp.sum((samples[:, :, None, :] - coords[:, None, :, :]) ** 2, axis=-1)  # (B, S, N)
    valid = jnp.arange(N)[None, None, :] < points_num[:, None, None]
    d = jnp.where(valid, d, jnp.inf)
    _, idx = jax.lax.top_k(-d, nsample)  # (B, S, k) nearest-neighbor indices
    # gather features: (B, C, N) indexed by (B, S, k) -> (B, C, S, k)
    gathered = jax.vmap(lambda f, i: f[:, i])(pts_feats, idx)
    return gathered


def setup_inputs(seed: int = 0) -> dict:
    key = jax.random.key(seed)
    k1, k2, k3 = jax.random.split(key, 3)
    B, N, C = 16, 1024, 2
    coords = jax.random.normal(k1, (B, N, 2), dtype=jnp.float32)
    features = jax.random.normal(k2, (B, N, C), dtype=jnp.float32)
    points_num = jnp.maximum(jax.random.randint(k3, (B,), 0, 1024), 1).astype(jnp.int32)
    return {"coords": coords, "features": features, "res": 48, "points_num": points_num}


def reference(coords, features, res, points_num):
    if isinstance(res, tuple):
        H, W = res
        p = jnp.asarray([[[H, W]]], dtype=jnp.float32)
    else:
        H = W = 48
        p = jnp.broadcast_to(jnp.reshape(jnp.asarray(res, dtype=jnp.float32), (1, 1, 1)), (1, 1, 2))
    cmax = jnp.max(coords, axis=-2, keepdims=True)
    cmin = jnp.min(coords, axis=-2, keepdims=True)
    center = jax.lax.stop_gradient((cmax + cmin) / 2)
    scale = jax.lax.stop_gradient(jnp.maximum(cmax - cmin, 1e-05) / 2)
    coords_n = ((coords - center) / scale + 1) * 0.8 * p / 2 + 0.1 * p
    B, N, _ = coords_n.shape
    coords_n = coords_n.reshape(-1, N, 2)
    x_grid, y_grid = jnp.meshgrid(jnp.arange(H), jnp.arange(W), indexing='ij')
    samples = jnp.stack([x_grid, y_grid], axis=-1).reshape(-1, 2)[None].astype(jnp.float32)
    samples = jnp.broadcast_to(samples, (B, H * W, 2))
    pts_feats = jnp.sort(features, axis=-1)[..., -2:]  # (B, N, 2)
    new_features = _knn_group(coords_n, samples, jnp.transpose(pts_feats, (0, 2, 1)), points_num, NSAMPLE)  # (B, 2, S, k)
    occupation = jnp.sum(new_features != 0.0, axis=-1).astype(jnp.float32)  # (B, 2, S)
    occupation = jnp.where(occupation == 0.0, 1.0, occupation)
    nf = jnp.sum(new_features, axis=-1)  # (B, 2, S)
    nf = jnp.transpose(nf / occupation, (0, 2, 1))  # (B, S, 2)
    nf = jax.nn.softmax(nf, axis=-1)
    empty_inds = (nf[..., 0] == nf[..., 1])[..., None]  # (B, S, 1)
    empty_pad = jnp.array([1.0, 0.0], dtype=jnp.float32)
    mask = jnp.where(empty_inds, empty_pad, nf)
    return mask.reshape(B, H, W, 2)

if __name__ == "__main__":
    import jax
    _d = setup_inputs()
    print(jax.jit(kernel)(*tuple(_d.values())))

</pallas_src>

<mosaic_0001>
#map = affine_map<(d0, d1) -> (0, 0)>
#map1 = affine_map<(d0, d1) -> (0)>
#map2 = affine_map<(d0, d1) -> (0, 0, 0)>
module attributes {stable_mosaic.version = 14 : i64} {
  func.func @knn(%arg0: i32, %arg1: i32, %arg2: memref<16x1024xf32, #tpu.memory_space<hbm>>, %arg3: memref<16x1024xf32, #tpu.memory_space<hbm>>, %arg4: memref<16x1024xf32, #tpu.memory_space<hbm>>, %arg5: memref<16x1024xi32, #tpu.memory_space<hbm>>, %arg6: memref<16x128xf32, #tpu.memory_space<hbm>>, %arg7: memref<16x1024xf32, #tpu.memory_space<hbm>>, %arg8: memref<16x1024xf32, #tpu.memory_space<hbm>>, %arg9: memref<16xi32, #tpu.memory_space<hbm>>, %arg10: memref<16x2x2304xf32, #tpu.memory_space<hbm>>, %arg11: memref<1024xf32, #tpu.memory_space<vmem>>, %arg12: memref<1024xf32, #tpu.memory_space<vmem>>, %arg13: memref<1024xf32, #tpu.memory_space<vmem>>, %arg14: memref<1024xi32, #tpu.memory_space<vmem>>, %arg15: memref<128xf32, #tpu.memory_space<vmem>>, %arg16: memref<1024xf32, #tpu.memory_space<vmem>>, %arg17: memref<1024xf32, #tpu.memory_space<vmem>>, %arg18: memref<16xi32, #tpu.memory_space<vmem>>, %arg19: memref<2304xf32, #tpu.memory_space<vmem>>) attributes {dimension_semantics = [#tpu.dimension_semantics<core_parallel>, #tpu.dimension_semantics<subcore_parallel>], iteration_bounds = array<i64: 2, 16>, scalar_prefetch = 0 : i64, scratch_operands = 9 : i64, tpu.core_type = #tpu.core_type<sc_vector_subcore>, window_params = [{transform_indices = #map}, {transform_indices = #map}, {transform_indices = #map}, {transform_indices = #map}, {transform_indices = #map}, {transform_indices = #map}, {transform_indices = #map}, {transform_indices = #map1}, {transform_indices = #map2}]} {
    %mul3A = arith.constant 2 : i32
    %mul3A_0 = arith.muli %arg1, %mul3A : i32
    %add3A = arith.addi %mul3A_0, %arg0 : i32
    %jit3A = arith.constant 2 : i32
    %div3A = arith.divsi %add3A, %jit3A : i32
    %sign3A = arith.constant 0 : i32
    %sign3A_1 = arith.cmpi sgt, %add3A, %sign3A : i32
    %sign3A_2 = arith.extui %sign3A_1 : i1 to i32
    %sign3A_3 = arith.constant 0 : i32
    %sign3A_4 = arith.cmpi slt, %add3A, %sign3A_3 : i32
    %sign3A_5 = arith.extui %sign3A_4 : i1 to i32
    %sign3A_6 = arith.subi %sign3A_2, %sign3A_5 : i32
    %sign3A_7 = arith.constant 0 : i32
    %sign3A_8 = arith.cmpi sgt, %jit3A, %sign3A_7 : i32
    %sign3A_9 = arith.extui %sign3A_8 : i1 to i32
    %sign3A_10 = arith.constant 0 : i32
    %sign3A_11 = arith.cmpi slt, %jit3A, %sign3A_10 : i32
    %sign3A_12 = arith.extui %sign3A_11 : i1 to i32
    %sign3A_13 = arith.subi %sign3A_9, %sign3A_12 : i32
    %ne3A = arith.cmpi ne, %sign3A_6, %sign3A_13 : i32
    %rem3A = arith.remsi %add3A, %jit3A : i32
    %ne3A_14 = arith.constant 0 : i32
    %ne3A_15 = arith.cmpi ne, %rem3A, %ne3A_14 : i32
    %and3A = arith.andi %ne3A, %ne3A_15 : i1
    %sub3A = arith.constant 1 : i32
    %sub3A_16 = arith.subi %div3A, %sub3A : i32
    %select_n3A = arith.select %and3A, %sub3A_16, %div3A : i32
    %jit3A_17 = arith.constant 2 : i32
    %eq3A = arith.constant 0 : i32
    %eq3A_18 = arith.cmpi eq, %jit3A_17, %eq3A : i32
    %jit3A_19 = arith.constant 1 : i32
    %select_n3A_20 = arith.select %eq3A_18, %jit3A_19, %jit3A_17 : i32
    %rem3A_21 = arith.remsi %add3A, %select_n3A_20 : i32
    %ne3A_22 = arith.constant 0 : i32
    %ne3A_23 = arith.cmpi ne, %rem3A_21, %ne3A_22 : i32
    %lt3A = arith.constant 0 : i32
    %lt3A_24 = arith.cmpi slt, %rem3A_21, %lt3A : i32
    %lt3A_25 = arith.constant 0 : i32
    %lt3A_26 = arith.cmpi slt, %select_n3A_20, %lt3A_25 : i32
    %ne3A_27 = arith.xori %lt3A_24, %lt3A_26 : i1
    %and3A_28 = arith.andi %ne3A_27, %ne3A_23 : i1
    %add3A_29 = arith.addi %rem3A_21, %select_n3A_20 : i32
    %select_n3A_30 = arith.select %and3A_28, %add3A_29, %rem3A_21 : i32
    "tpu.region"() ({
      %run_scoped3A = tpu.sem_alloc : memref<!tpu.dma_semaphore, #tpu.memory_space<semaphore_mem>>
      %dma_start3A = arith.constant 0 : i32
      %dma_start3A_44 = tpu.memref_slice %arg2[%select_n3A, %dma_start3A] : memref<16x1024xf32, #tpu.memory_space<hbm>> -> memref<1x1024xf32, #tpu.memory_space<hbm>>
      %dma_start3A_45 = tpu.memref_squeeze %dma_start3A_44 : memref<1x1024xf32, #tpu.memory_space<hbm>> -> memref<1024xf32, #tpu.memory_space<hbm>>
      %dma_start3A_46 = arith.constant 0 : i32
      %dma_start3A_47 = tpu.memref_slice %arg2[%select_n3A, %dma_start3A_46] : memref<16x1024xf32, #tpu.memory_space<hbm>> -> memref<1x1024xf32, #tpu.memory_space<hbm>>
      %dma_start3A_48 = tpu.memref_squeeze %dma_start3A_47 : memref<1x1024xf32, #tpu.memory_space<hbm>> -> memref<1024xf32, #tpu.memory_space<hbm>>
      tpu.enqueue_dma source(%dma_start3A_48 : memref<1024xf32, #tpu.memory_space<hbm>>) target(%arg11 : memref<1024xf32, #tpu.memory_space<vmem>>) target_semaphore(%run_scoped3A : memref<!tpu.dma_semaphore, #tpu.memory_space<semaphore_mem>>)
      %dma_wait3A = arith.constant 0 : i32
      %dma_wait3A_49 = tpu.memref_slice %arg2[%select_n3A, %dma_wait3A] : memref<16x1024xf32, #tpu.memory_space<hbm>> -> memref<1x1024xf32, #tpu.memory_space<hbm>>
      %dma_wait3A_50 = tpu.memref_squeeze %dma_wait3A_49 : memref<1x1024xf32, #tpu.memory_space<hbm>> -> memref<1024xf32, #tpu.memory_space<hbm>>
      %dma_wait3A_51 = arith.constant 0 : i32
      %dma_wait3A_52 = tpu.memref_slice %arg2[%select_n3A, %dma_wait3A_51] : memref<16x1024xf32, #tpu.memory_space<hbm>> -> memref<1x1024xf32, #tpu.memory_space<hbm>>
      %dma_wait3A_53 = tpu.memref_squeeze %dma_wait3A_52 : memref<1x1024xf32, #tpu.memory_space<hbm>> -> memref<1024xf32, #tpu.memory_space<hbm>>
      tpu.wait_dma2 semaphore(%run_scoped3A : memref<!tpu.dma_semaphore, #tpu.memory_space<semaphore_mem>>) src(%dma_wait3A_53 : memref<1024xf32, #tpu.memory_space<hbm>>) dst(%arg11 : memref<1024xf32, #tpu.memory_space<vmem>>)
      tpu.yield
    }) : () -> ()
    "tpu.region"() ({
      %run_scoped3A = tpu.sem_alloc : memref<!tpu.dma_semaphore, #tpu.memory_space<semaphore_mem>>
      %dma_start3A = arith.constant 0 : i32
      %dma_start3A_44 = tpu.memref_slice %arg3[%select_n3A, %dma_start3A] : memref<16x1024xf32, #tpu.memory_space<hbm>> -> memref<1x1024xf32, #tpu.memory_space<hbm>>
      %dma_start3A_45 = tpu.memref_squeeze %dma_start3A_44 : memref<1x1024xf32, #tpu.memory_space<hbm>> -> memref<1024xf32, #tpu.memory_space<hbm>>
      %dma_start3A_46 = arith.constant 0 : i32
      %dma_start3A_47 = tpu.memref_slice %arg3[%select_n3A, %dma_start3A_46] : memref<16x1024xf32, #tpu.memory_space<hbm>> -> memref<1x1024xf32, #tpu.memory_space<hbm>>
      %dma_start3A_48 = tpu.memref_squeeze %dma_start3A_47 : memref<1x1024xf32, #tpu.memory_space<hbm>> -> memref<1024xf32, #tpu.memory_space<hbm>>
      tpu.enqueue_dma source(%dma_start3A_48 : memref<1024xf32, #tpu.memory_space<hbm>>) target(%arg12 : memref<1024xf32, #tpu.memory_space<vmem>>) target_semaphore(%run_scoped3A : memref<!tpu.dma_semaphore, #tpu.memory_space<semaphore_mem>>)
      %dma_wait3A = arith.constant 0 : i32
      %dma_wait3A_49 = tpu.memref_slice %arg3[%select_n3A, %dma_wait3A] : memref<16x1024xf32, #tpu.memory_space<hbm>> -> memref<1x1024xf32, #tpu.memory_space<hbm>>
      %dma_wait3A_50 = tpu.memref_squeeze %dma_wait3A_49 : memref<1x1024xf32, #tpu.memory_space<hbm>> -> memref<1024xf32, #tpu.memory_space<hbm>>
      %dma_wait3A_51 = arith.constant 0 : i32
      %dma_wait3A_52 = tpu.memref_slice %arg3[%select_n3A, %dma_wait3A_51] : memref<16x1024xf32, #tpu.memory_space<hbm>> -> memref<1x1024xf32, #tpu.memory_space<hbm>>
      %dma_wait3A_53 = tpu.memref_squeeze %dma_wait3A_52 : memref<1x1024xf32, #tpu.memory_space<hbm>> -> memref<1024xf32, #tpu.memory_space<hbm>>
      tpu.wait_dma2 semaphore(%run_scoped3A : memref<!tpu.dma_semaphore, #tpu.memory_space<semaphore_mem>>) src(%dma_wait3A_53 : memref<1024xf32, #tpu.memory_space<hbm>>) dst(%arg12 : memref<1024xf32, #tpu.memory_space<vmem>>)
      tpu.yield
    }) : () -> ()
    "tpu.region"() ({
      %run_scoped3A = tpu.sem_alloc : memref<!tpu.dma_semaphore, #tpu.memory_space<semaphore_mem>>
      %dma_start3A = arith.constant 0 : i32
      %dma_start3A_44 = tpu.memref_slice %arg4[%select_n3A, %dma_start3A] : memref<16x1024xf32, #tpu.memory_space<hbm>> -> memref<1x1024xf32, #tpu.memory_space<hbm>>
      %dma_start3A_45 = tpu.memref_squeeze %dma_start3A_44 : memref<1x1024xf32, #tpu.memory_space<hbm>> -> memref<1024xf32, #tpu.memory_space<hbm>>
      %dma_start3A_46 = arith.constant 0 : i32
      %dma_start3A_47 = tpu.memref_slice %arg4[%select_n3A, %dma_start3A_46] : memref<16x1024xf32, #tpu.memory_space<hbm>> -> memref<1x1024xf32, #tpu.memory_space<hbm>>
      %dma_start3A_48 = tpu.memref_squeeze %dma_start3A_47 : memref<1x1024xf32, #tpu.memory_space<hbm>> -> memref<1024xf32, #tpu.memory_space<hbm>>
      tpu.enqueue_dma source(%dma_start3A_48 : memref<1024xf32, #tpu.memory_space<hbm>>) target(%arg13 : memref<1024xf32, #tpu.memory_space<vmem>>) target_semaphore(%run_scoped3A : memref<!tpu.dma_semaphore, #tpu.memory_space<semaphore_mem>>)
      %dma_wait3A = arith.constant 0 : i32
      %dma_wait3A_49 = tpu.memref_slice %arg4[%select_n3A, %dma_wait3A] : memref<16x1024xf32, #tpu.memory_space<hbm>> -> memref<1x1024xf32, #tpu.memory_space<hbm>>
      %dma_wait3A_50 = tpu.memref_squeeze %dma_wait3A_49 : memref<1x1024xf32, #tpu.memory_space<hbm>> -> memref<1024xf32, #tpu.memory_space<hbm>>
      %dma_wait3A_51 = arith.constant 0 : i32
      %dma_wait3A_52 = tpu.memref_slice %arg4[%select_n3A, %dma_wait3A_51] : memref<16x1024xf32, #tpu.memory_space<hbm>> -> memref<1x1024xf32, #tpu.memory_space<hbm>>
      %dma_wait3A_53 = tpu.memref_squeeze %dma_wait3A_52 : memref<1x1024xf32, #tpu.memory_space<hbm>> -> memref<1024xf32, #tpu.memory_space<hbm>>
      tpu.wait_dma2 semaphore(%run_scoped3A : memref<!tpu.dma_semaphore, #tpu.memory_space<semaphore_mem>>) src(%dma_wait3A_53 : memref<1024xf32, #tpu.memory_space<hbm>>) dst(%arg13 : memref<1024xf32, #tpu.memory_space<vmem>>)
      tpu.yield
    }) : () -> ()
    "tpu.region"() ({
      %run_scoped3A = tpu.sem_alloc : memref<!tpu.dma_semaphore, #tpu.memory_space<semaphore_mem>>
      %dma_start3A = arith.constant 0 : i32
      %dma_start3A_44 = tpu.memref_slice %arg5[%select_n3A, %dma_start3A] : memref<16x1024xi32, #tpu.memory_space<hbm>> -> memref<1x1024xi32, #tpu.memory_space<hbm>>
      %dma_start3A_45 = tpu.memref_squeeze %dma_start3A_44 : memref<1x1024xi32, #tpu.memory_space<hbm>> -> memref<1024xi32, #tpu.memory_space<hbm>>
      %dma_start3A_46 = arith.constant 0 : i32
      %dma_start3A_47 = tpu.memref_slice %arg5[%select_n3A, %dma_start3A_46] : memref<16x1024xi32, #tpu.memory_space<hbm>> -> memref<1x1024xi32, #tpu.memory_space<hbm>>
      %dma_start3A_48 = tpu.memref_squeeze %dma_start3A_47 : memref<1x1024xi32, #tpu.memory_space<hbm>> -> memref<1024xi32, #tpu.memory_space<hbm>>
      tpu.enqueue_dma source(%dma_start3A_48 : memref<1024xi32, #tpu.memory_space<hbm>>) target(%arg14 : memref<1024xi32, #tpu.memory_space<vmem>>) target_semaphore(%run_scoped3A : memref<!tpu.dma_semaphore, #tpu.memory_space<semaphore_mem>>)
      %dma_wait3A = arith.constant 0 : i32
      %dma_wait3A_49 = tpu.memref_slice %arg5[%select_n3A, %dma_wait3A] : memref<16x1024xi32, #tpu.memory_space<hbm>> -> memref<1x1024xi32, #tpu.memory_space<hbm>>
      %dma_wait3A_50 = tpu.memref_squeeze %dma_wait3A_49 : memref<1x1024xi32, #tpu.memory_space<hbm>> -> memref<1024xi32, #tpu.memory_space<hbm>>
      %dma_wait3A_51 = arith.constant 0 : i32
      %dma_wait3A_52 = tpu.memref_slice %arg5[%select_n3A, %dma_wait3A_51] : memref<16x1024xi32, #tpu.memory_space<hbm>> -> memref<1x1024xi32, #tpu.memory_space<hbm>>
      %dma_wait3A_53 = tpu.memref_squeeze %dma_wait3A_52 : memref<1x1024xi32, #tpu.memory_space<hbm>> -> memref<1024xi32, #tpu.memory_space<hbm>>
      tpu.wait_dma2 semaphore(%run_scoped3A : memref<!tpu.dma_semaphore, #tpu.memory_space<semaphore_mem>>) src(%dma_wait3A_53 : memref<1024xi32, #tpu.memory_space<hbm>>) dst(%arg14 : memref<1024xi32, #tpu.memory_space<vmem>>)
      tpu.yield
    }) : () -> ()
    "tpu.region"() ({
      %run_scoped3A = tpu.sem_alloc : memref<!tpu.dma_semaphore, #tpu.memory_space<semaphore_mem>>
      %dma_start3A = arith.constant 0 : i32
      %dma_start3A_44 = tpu.memref_slice %arg6[%select_n3A, %dma_start3A] : memref<16x128xf32, #tpu.memory_space<hbm>> -> memref<1x128xf32, #tpu.memory_space<hbm>>
      %dma_start3A_45 = tpu.memref_squeeze %dma_start3A_44 : memref<1x128xf32, #tpu.memory_space<hbm>> -> memref<128xf32, #tpu.memory_space<hbm>>
      %dma_start3A_46 = arith.constant 0 : i32
      %dma_start3A_47 = tpu.memref_slice %arg6[%select_n3A, %dma_start3A_46] : memref<16x128xf32, #tpu.memory_space<hbm>> -> memref<1x128xf32, #tpu.memory_space<hbm>>
      %dma_start3A_48 = tpu.memref_squeeze %dma_start3A_47 : memref<1x128xf32, #tpu.memory_space<hbm>> -> memref<128xf32, #tpu.memory_space<hbm>>
      tpu.enqueue_dma source(%dma_start3A_48 : memref<128xf32, #tpu.memory_space<hbm>>) target(%arg15 : memref<128xf32, #tpu.memory_space<vmem>>) target_semaphore(%run_scoped3A : memref<!tpu.dma_semaphore, #tpu.memory_space<semaphore_mem>>)
      %dma_wait3A = arith.constant 0 : i32
      %dma_wait3A_49 = tpu.memref_slice %arg6[%select_n3A, %dma_wait3A] : memref<16x128xf32, #tpu.memory_space<hbm>> -> memref<1x128xf32, #tpu.memory_space<hbm>>
      %dma_wait3A_50 = tpu.memref_squeeze %dma_wait3A_49 : memref<1x128xf32, #tpu.memory_space<hbm>> -> memref<128xf32, #tpu.memory_space<hbm>>
      %dma_wait3A_51 = arith.constant 0 : i32
      %dma_wait3A_52 = tpu.memref_slice %arg6[%select_n3A, %dma_wait3A_51] : memref<16x128xf32, #tpu.memory_space<hbm>> -> memref<1x128xf32, #tpu.memory_space<hbm>>
      %dma_wait3A_53 = tpu.memref_squeeze %dma_wait3A_52 : memref<1x128xf32, #tpu.memory_space<hbm>> -> memref<128xf32, #tpu.memory_space<hbm>>
      tpu.wait_dma2 semaphore(%run_scoped3A : memref<!tpu.dma_semaphore, #tpu.memory_space<semaphore_mem>>) src(%dma_wait3A_53 : memref<128xf32, #tpu.memory_space<hbm>>) dst(%arg15 : memref<128xf32, #tpu.memory_space<vmem>>)
      tpu.yield
    }) : () -> ()
    "tpu.region"() ({
      %run_scoped3A = tpu.sem_alloc : memref<!tpu.dma_semaphore, #tpu.memory_space<semaphore_mem>>
      %dma_start3A = arith.constant 0 : i32
      %dma_start3A_44 = tpu.memref_slice %arg7[%select_n3A, %dma_start3A] : memref<16x1024xf32, #tpu.memory_space<hbm>> -> memref<1x1024xf32, #tpu.memory_space<hbm>>
      %dma_start3A_45 = tpu.memref_squeeze %dma_start3A_44 : memref<1x1024xf32, #tpu.memory_space<hbm>> -> memref<1024xf32, #tpu.memory_space<hbm>>
      %dma_start3A_46 = arith.constant 0 : i32
      %dma_start3A_47 = tpu.memref_slice %arg7[%select_n3A, %dma_start3A_46] : memref<16x1024xf32, #tpu.memory_space<hbm>> -> memref<1x1024xf32, #tpu.memory_space<hbm>>
      %dma_start3A_48 = tpu.memref_squeeze %dma_start3A_47 : memref<1x1024xf32, #tpu.memory_space<hbm>> -> memref<1024xf32, #tpu.memory_space<hbm>>
      tpu.enqueue_dma source(%dma_start3A_48 : memref<1024xf32, #tpu.memory_space<hbm>>) target(%arg16 : memref<1024xf32, #tpu.memory_space<vmem>>) target_semaphore(%run_scoped3A : memref<!tpu.dma_semaphore, #tpu.memory_space<semaphore_mem>>)
      %dma_wait3A = arith.constant 0 : i32
      %dma_wait3A_49 = tpu.memref_slice %arg7[%select_n3A, %dma_wait3A] : memref<16x1024xf32, #tpu.memory_space<hbm>> -> memref<1x1024xf32, #tpu.memory_space<hbm>>
      %dma_wait3A_50 = tpu.memref_squeeze %dma_wait3A_49 : memref<1x1024xf32, #tpu.memory_space<hbm>> -> memref<1024xf32, #tpu.memory_space<hbm>>
      %dma_wait3A_51 = arith.constant 0 : i32
      %dma_wait3A_52 = tpu.memref_slice %arg7[%select_n3A, %dma_wait3A_51] : memref<16x1024xf32, #tpu.memory_space<hbm>> -> memref<1x1024xf32, #tpu.memory_space<hbm>>
      %dma_wait3A_53 = tpu.memref_squeeze %dma_wait3A_52 : memref<1x1024xf32, #tpu.memory_space<hbm>> -> memref<1024xf32, #tpu.memory_space<hbm>>
      tpu.wait_dma2 semaphore(%run_scoped3A : memref<!tpu.dma_semaphore, #tpu.memory_space<semaphore_mem>>) src(%dma_wait3A_53 : memref<1024xf32, #tpu.memory_space<hbm>>) dst(%arg16 : memref<1024xf32, #tpu.memory_space<vmem>>)
      tpu.yield
    }) : () -> ()
    "tpu.region"() ({
      %run_scoped3A = tpu.sem_alloc : memref<!tpu.dma_semaphore, #tpu.memory_space<semaphore_mem>>
      %dma_start3A = arith.constant 0 : i32
      %dma_start3A_44 = tpu.memref_slice %arg8[%select_n3A, %dma_start3A] : memref<16x1024xf32, #tpu.memory_space<hbm>> -> memref<1x1024xf32, #tpu.memory_space<hbm>>
      %dma_start3A_45 = tpu.memref_squeeze %dma_start3A_44 : memref<1x1024xf32, #tpu.memory_space<hbm>> -> memref<1024xf32, #tpu.memory_space<hbm>>
      %dma_start3A_46 = arith.constant 0 : i32
      %dma_start3A_47 = tpu.memref_slice %arg8[%select_n3A, %dma_start3A_46] : memref<16x1024xf32, #tpu.memory_space<hbm>> -> memref<1x1024xf32, #tpu.memory_space<hbm>>
      %dma_start3A_48 = tpu.memref_squeeze %dma_start3A_47 : memref<1x1024xf32, #tpu.memory_space<hbm>> -> memref<1024xf32, #tpu.memory_space<hbm>>
      tpu.enqueue_dma source(%dma_start3A_48 : memref<1024xf32, #tpu.memory_space<hbm>>) target(%arg17 : memref<1024xf32, #tpu.memory_space<vmem>>) target_semaphore(%run_scoped3A : memref<!tpu.dma_semaphore, #tpu.memory_space<semaphore_mem>>)
      %dma_wait3A = arith.constant 0 : i32
      %dma_wait3A_49 = tpu.memref_slice %arg8[%select_n3A, %dma_wait3A] : memref<16x1024xf32, #tpu.memory_space<hbm>> -> memref<1x1024xf32, #tpu.memory_space<hbm>>
      %dma_wait3A_50 = tpu.memref_squeeze %dma_wait3A_49 : memref<1x1024xf32, #tpu.memory_space<hbm>> -> memref<1024xf32, #tpu.memory_space<hbm>>
      %dma_wait3A_51 = arith.constant 0 : i32
      %dma_wait3A_52 = tpu.memref_slice %arg8[%select_n3A, %dma_wait3A_51] : memref<16x1024xf32, #tpu.memory_space<hbm>> -> memref<1x1024xf32, #tpu.memory_space<hbm>>
      %dma_wait3A_53 = tpu.memref_squeeze %dma_wait3A_52 : memref<1x1024xf32, #tpu.memory_space<hbm>> -> memref<1024xf32, #tpu.memory_space<hbm>>
      tpu.wait_dma2 semaphore(%run_scoped3A : memref<!tpu.dma_semaphore, #tpu.memory_space<semaphore_mem>>) src(%dma_wait3A_53 : memref<1024xf32, #tpu.memory_space<hbm>>) dst(%arg17 : memref<1024xf32, #tpu.memory_space<vmem>>)
      tpu.yield
    }) : () -> ()
    "tpu.region"() ({
      %run_scoped3A = tpu.sem_alloc : memref<!tpu.dma_semaphore, #tpu.memory_space<semaphore_mem>>
      tpu.enqueue_dma source(%arg9 : memref<16xi32, #tpu.memory_space<hbm>>) target(%arg18 : memref<16xi32, #tpu.memory_space<vmem>>) target_semaphore(%run_scoped3A : memref<!tpu.dma_semaphore, #tpu.memory_space<semaphore_mem>>)
      tpu.wait_dma2 semaphore(%run_scoped3A : memref<!tpu.dma_semaphore, #tpu.memory_space<semaphore_mem>>) src(%arg9 : memref<16xi32, #tpu.memory_space<hbm>>) dst(%arg18 : memref<16xi32, #tpu.memory_space<vmem>>)
      tpu.yield
    }) : () -> ()
    %iota3A = tpu.iota {dimensions = array<i32: 0>} : vector<16xi32>
    %broadcast_in_dim3A = arith.constant 0 : i32
    %broadcast_in_dim3A_31 = vector.broadcast %broadcast_in_dim3A : i32 to vector<16xi32>
    %add3A_32 = vector.broadcast %select_n3A : i32 to vector<16xi32>
    %add3A_33 = arith.addi %broadcast_in_dim3A_31, %add3A_32 : vector<16xi32>
    %gather3A = tpu.vector_load_idx %arg18[%add3A_33] : memref<16xi32, #tpu.memory_space<vmem>>[vector<16xi32>], vector<16xi32>,
    %lt3A_34 = arith.constant 16 : i32
    %lt3A_35 = vector.broadcast %lt3A_34 : i32 to vector<16xi32>
    %lt3A_36 = arith.cmpi slt, %gather3A, %lt3A_35 : vector<16xi32>
    %mul3A_37 = arith.constant 24 : i32
    %mul3A_38 = arith.muli %select_n3A_30, %mul3A_37 : i32
    %scan3A = arith.constant 0 : i32
    %scan3A_39 = arith.constant 0 : i32
    %scan3A_40 = arith.constant 72 : i32
    %scan3A_41 = arith.addi %scan3A_39, %scan3A_40 : i32
    %scan3A_42 = arith.constant 1 : i32
    scf.for %scan3A_44 = %scan3A_39 to %scan3A_41 step %scan3A_42  : i32 {
      %jit3A_45 = arith.constant 12 : i32
      %div3A_46 = arith.divsi %scan3A_44, %jit3A_45 : i32
      %sign3A_47 = arith.constant 0 : i32
      %sign3A_48 = arith.cmpi sgt, %scan3A_44, %sign3A_47 : i32
      %sign3A_49 = arith.extui %sign3A_48 : i1 to i32
      %sign3A_50 = arith.constant 0 : i32
      %sign3A_51 = arith.cmpi slt, %scan3A_44, %sign3A_50 : i32
      %sign3A_52 = arith.extui %sign3A_51 : i1 to i32
      %sign3A_53 = arith.subi %sign3A_49, %sign3A_52 : i32
      %sign3A_54 = arith.constant 0 : i32
      %sign3A_55 = arith.cmpi sgt, %jit3A_45, %sign3A_54 : i32
      %sign3A_56 = arith.extui %sign3A_55 : i1 to i32
      %sign3A_57 = arith.constant 0 : i32
      %sign3A_58 = arith.cmpi slt, %jit3A_45, %sign3A_57 : i32
      %sign3A_59 = arith.extui %sign3A_58 : i1 to i32
      %sign3A_60 = arith.subi %sign3A_56, %sign3A_59 : i32
      %ne3A_61 = arith.cmpi ne, %sign3A_53, %sign3A_60 : i32
      %rem3A_62 = arith.remsi %scan3A_44, %jit3A_45 : i32
      %ne3A_63 = arith.constant 0 : i32
      %ne3A_64 = arith.cmpi ne, %rem3A_62, %ne3A_63 : i32
      %and3A_65 = arith.andi %ne3A_61, %ne3A_64 : i1
      %sub3A_66 = arith.constant 1 : i32
      %sub3A_67 = arith.subi %div3A_46, %sub3A_66 : i32
      %select_n3A_68 = arith.select %and3A_65, %sub3A_67, %div3A_46 : i32
      %jit3A_69 = arith.constant 12 : i32
      %eq3A_70 = arith.constant 0 : i32
      %eq3A_71 = arith.cmpi eq, %jit3A_69, %eq3A_70 : i32
      %jit3A_72 = arith.constant 1 : i32
      %select_n3A_73 = arith.select %eq3A_71, %jit3A_72, %jit3A_69 : i32
      %rem3A_74 = arith.remsi %scan3A_44, %select_n3A_73 : i32
      %ne3A_75 = arith.constant 0 : i32
      %ne3A_76 = arith.cmpi ne, %rem3A_74, %ne3A_75 : i32
      %lt3A_77 = arith.constant 0 : i32
      %lt3A_78 = arith.cmpi slt, %rem3A_74, %lt3A_77 : i32
      %lt3A_79 = arith.constant 0 : i32
      %lt3A_80 = arith.cmpi slt, %select_n3A_73, %lt3A_79 : i32
      %ne3A_81 = arith.xori %lt3A_78, %lt3A_80 : i1
      %and3A_82 = arith.andi %ne3A_81, %ne3A_76 : i1
      %add3A_83 = arith.addi %rem3A_74, %select_n3A_73 : i32
      %select_n3A_84 = arith.select %and3A_82, %add3A_83, %rem3A_74 : i32
      %mul3A_85 = arith.constant 4 : i32
      %mul3A_86 = arith.muli %select_n3A_68, %mul3A_85 : i32
      %add3A_87 = arith.addi %mul3A_38, %mul3A_86 : i32
      %mul3A_88 = arith.constant 4 : i32
      %mul3A_89 = arith.muli %select_n3A_84, %mul3A_88 : i32
      %add3A_90 = arith.constant 0 : i32
      %add3A_91 = arith.addi %add3A_87, %add3A_90 : i32
      %mul3A_92 = arith.constant 2 : i32
      %mul3A_93 = arith.muli %mul3A_92, %add3A_91 : i32
      %convert_element_type3A = arith.sitofp %mul3A_93 : i32 to f32
      %add3A_94 = arith.constant 1 : i32
      %add3A_95 = arith.addi %add3A_87, %add3A_94 : i32
      %mul3A_96 = arith.constant 2 : i32
      %mul3A_97 = arith.muli %mul3A_96, %add3A_95 : i32
      %convert_element_type3A_98 = arith.sitofp %mul3A_97 : i32 to f32
      %add3A_99 = arith.constant 2 : i32
      %add3A_100 = arith.addi %add3A_87, %add3A_99 : i32
      %mul3A_101 = arith.constant 2 : i32
      %mul3A_102 = arith.muli %mul3A_101, %add3A_100 : i32
      %convert_element_type3A_103 = arith.sitofp %mul3A_102 : i32 to f32
      %add3A_104 = arith.constant 3 : i32
      %add3A_105 = arith.addi %add3A_87, %add3A_104 : i32
      %mul3A_106 = arith.constant 2 : i32
      %mul3A_107 = arith.muli %mul3A_106, %add3A_105 : i32
      %convert_element_type3A_108 = arith.sitofp %mul3A_107 : i32 to f32
      %add3A_109 = arith.constant 0 : i32
      %add3A_110 = arith.addi %mul3A_89, %add3A_109 : i32
      %mul3A_111 = arith.constant 2 : i32
      %mul3A_112 = arith.muli %mul3A_111, %add3A_110 : i32
      %convert_element_type3A_113 = arith.sitofp %mul3A_112 : i32 to f32
      %add3A_114 = arith.constant 1 : i32
      %add3A_115 = arith.addi %mul3A_89, %add3A_114 : i32
      %mul3A_116 = arith.constant 2 : i32
      %mul3A_117 = arith.muli %mul3A_116, %add3A_115 : i32
      %convert_element_type3A_118 = arith.sitofp %mul3A_117 : i32 to f32
      %add3A_119 = arith.constant 2 : i32
      %add3A_120 = arith.addi %mul3A_89, %add3A_119 : i32
      %mul3A_121 = arith.constant 2 : i32
      %mul3A_122 = arith.muli %mul3A_121, %add3A_120 : i32
      %convert_element_type3A_123 = arith.sitofp %mul3A_122 : i32 to f32
      %add3A_124 = arith.constant 3 : i32
      %add3A_125 = arith.addi %mul3A_89, %add3A_124 : i32
      %mul3A_126 = arith.constant 2 : i32
      %mul3A_127 = arith.muli %mul3A_126, %add3A_125 : i32
      %convert_element_type3A_128 = arith.sitofp %mul3A_127 : i32 to f32
      %convert_element_type3A_129 = arith.sitofp %mul3A_89 : i32 to f32
      %add3A_130 = arith.constant 3.000000e+00 : f32
      %add3A_131 = arith.addf %convert_element_type3A_129, %add3A_130 : f32
      %add3A_132 = arith.constant 0 : i32
      %add3A_133 = arith.addi %add3A_87, %add3A_132 : i32
      %add3A_134 = arith.constant 0 : i32
      %add3A_135 = arith.addi %add3A_87, %add3A_134 : i32
      %mul3A_136 = arith.muli %add3A_133, %add3A_135 : i32
      %convert_element_type3A_137 = arith.sitofp %mul3A_136 : i32 to f32
      %add3A_138 = arith.constant 1 : i32
      %add3A_139 = arith.addi %add3A_87, %add3A_138 : i32
      %add3A_140 = arith.constant 1 : i32
      %add3A_141 = arith.addi %add3A_87, %add3A_140 : i32
      %mul3A_142 = arith.muli %add3A_139, %add3A_141 : i32
      %convert_element_type3A_143 = arith.sitofp %mul3A_142 : i32 to f32
      %add3A_144 = arith.constant 2 : i32
      %add3A_145 = arith.addi %add3A_87, %add3A_144 : i32
      %add3A_146 = arith.constant 2 : i32
      %add3A_147 = arith.addi %add3A_87, %add3A_146 : i32
      %mul3A_148 = arith.muli %add3A_145, %add3A_147 : i32
      %convert_element_type3A_149 = arith.sitofp %mul3A_148 : i32 to f32
      %add3A_150 = arith.constant 3 : i32
      %add3A_151 = arith.addi %add3A_87, %add3A_150 : i32
      %add3A_152 = arith.constant 3 : i32
      %add3A_153 = arith.addi %add3A_87, %add3A_152 : i32
      %mul3A_154 = arith.muli %add3A_151, %add3A_153 : i32
      %convert_element_type3A_155 = arith.sitofp %mul3A_154 : i32 to f32
      %add3A_156 = arith.constant 0 : i32
      %add3A_157 = arith.addi %mul3A_89, %add3A_156 : i32
      %add3A_158 = arith.constant 0 : i32
      %add3A_159 = arith.addi %mul3A_89, %add3A_158 : i32
      %mul3A_160 = arith.muli %add3A_157, %add3A_159 : i32
      %convert_element_type3A_161 = arith.sitofp %mul3A_160 : i32 to f32
      %add3A_162 = arith.constant 1 : i32
      %add3A_163 = arith.addi %mul3A_89, %add3A_162 : i32
      %add3A_164 = arith.constant 1 : i32
      %add3A_165 = arith.addi %mul3A_89, %add3A_164 : i32
      %mul3A_166 = arith.muli %add3A_163, %add3A_165 : i32
      %convert_element_type3A_167 = arith.sitofp %mul3A_166 : i32 to f32
      %add3A_168 = arith.constant 2 : i32
      %add3A_169 = arith.addi %mul3A_89, %add3A_168 : i32
      %add3A_170 = arith.constant 2 : i32
      %add3A_171 = arith.addi %mul3A_89, %add3A_170 : i32
      %mul3A_172 = arith.muli %add3A_169, %add3A_171 : i32
      %convert_element_type3A_173 = arith.sitofp %mul3A_172 : i32 to f32
      %add3A_174 = arith.constant 3 : i32
      %add3A_175 = arith.addi %mul3A_89, %add3A_174 : i32
      %add3A_176 = arith.constant 3 : i32
      %add3A_177 = arith.addi %mul3A_89, %add3A_176 : i32
      %mul3A_178 = arith.muli %add3A_175, %add3A_177 : i32
      %convert_element_type3A_179 = arith.sitofp %mul3A_178 : i32 to f32
      %add3A_180 = arith.constant 1.500000e+00 : f32
      %add3A_181 = arith.addf %convert_element_type3A_129, %add3A_180 : f32
      %broadcast_in_dim3A_182 = arith.constant 0 : i32
      %broadcast_in_dim3A_183 = vector.broadcast %broadcast_in_dim3A_182 : i32 to vector<16xi32>
      %get3A = arith.constant 0 : index
      %get3A_184 = tpu.vector_load %arg15[%get3A] {strides = array<i32>} : memref<128xf32, #tpu.memory_space<vmem>>, vector<16xf32>,
      %le3A = vector.broadcast %add3A_181 : f32 to vector<16xf32>
      %le3A_185 = arith.cmpf ole, %get3A_184, %le3A : vector<16xf32>
      %jit3A_186 = arith.constant 1 : i32
      %jit3A_187 = arith.constant 0 : i32
      %broadcast_in_dim3A_188 = vector.broadcast %jit3A_186 : i32 to vector<16xi32>
      %broadcast_in_dim3A_189 = vector.broadcast %jit3A_187 : i32 to vector<16xi32>
      %select_n3A_190 = arith.select %le3A_185, %broadcast_in_dim3A_188, %broadcast_in_dim3A_189 : vector<16xi1>, vector<16xi32>
      %add3A_191 = arith.addi %broadcast_in_dim3A_183, %select_n3A_190 : vector<16xi32>
      %get3A_192 = arith.constant 16 : index
      %get3A_193 = tpu.vector_load %arg15[%get3A_192] {strides = array<i32>} : memref<128xf32, #tpu.memory_space<vmem>>, vector<16xf32>,
      %le3A_194 = vector.broadcast %add3A_181 : f32 to vector<16xf32>
      %le3A_195 = arith.cmpf ole, %get3A_193, %le3A_194 : vector<16xf32>
      %jit3A_196 = arith.constant 1 : i32
      %jit3A_197 = arith.constant 0 : i32
      %broadcast_in_dim3A_198 = vector.broadcast %jit3A_196 : i32 to vector<16xi32>
      %broadcast_in_dim3A_199 = vector.broadcast %jit3A_197 : i32 to vector<16xi32>
      %select_n3A_200 = arith.select %le3A_195, %broadcast_in_dim3A_198, %broadcast_in_dim3A_199 : vector<16xi1>, vector<16xi32>
      %add3A_201 = arith.addi %add3A_191, %select_n3A_200 : vector<16xi32>
      %get3A_202 = arith.constant 32 : index
      %get3A_203 = tpu.vector_load %arg15[%get3A_202] {strides = array<i32>} : memref<128xf32, #tpu.memory_space<vmem>>, vector<16xf32>,
      %le3A_204 = vector.broadcast %add3A_181 : f32 to vector<16xf32>
      %le3A_205 = arith.cmpf ole, %get3A_203, %le3A_204 : vector<16xf32>
      %jit3A_206 = arith.constant 1 : i32
      %jit3A_207 = arith.constant 0 : i32
      %broadcast_in_dim3A_208 = vector.broadcast %jit3A_206 : i32 to vector<16xi32>
      %broadcast_in_dim3A_209 = vector.broadcast %jit3A_207 : i32 to vector<16xi32>
      %select_n3A_210 = arith.select %le3A_205, %broadcast_in_dim3A_208, %broadcast_in_dim3A_209 : vector<16xi1>, vector<16xi32>
      %add3A_211 = arith.addi %add3A_201, %select_n3A_210 : vector<16xi32>
      %get3A_212 = arith.constant 48 : index
      %get3A_213 = tpu.vector_load %arg15[%get3A_212] {strides = array<i32>} : memref<128xf32, #tpu.memory_space<vmem>>, vector<16xf32>,
      %le3A_214 = vector.broadcast %add3A_181 : f32 to vector<16xf32>
      %le3A_215 = arith.cmpf ole, %get3A_213, %le3A_214 : vector<16xf32>
      %jit3A_216 = arith.constant 1 : i32
      %jit3A_217 = arith.constant 0 : i32
      %broadcast_in_dim3A_218 = vector.broadcast %jit3A_216 : i32 to vector<16xi32>
      %broadcast_in_dim3A_219 = vector.broadcast %jit3A_217 : i32 to vector<16xi32>
      %select_n3A_220 = arith.select %le3A_215, %broadcast_in_dim3A_218, %broadcast_in_dim3A_219 : vector<16xi1>, vector<16xi32>
      %add3A_221 = arith.addi %add3A_211, %select_n3A_220 : vector<16xi32>
      %reduce_sum3A = arith.constant true
      %reduce_sum3A_222 = vector.broadcast %reduce_sum3A : i1 to vector<16xi1>
      %reduce_sum3A_223 = tpu.scan <sum>, %add3A_221 masked %reduce_sum3A_222 : vector<16xi32>, vector<16xi1> -> vector<16xi32>
      %reduce_sum3A_224 = vector.extract %reduce_sum3A_223[15] : i32 from vector<16xi32>
      %sub3A_225 = arith.constant 1 : i32
      %sub3A_226 = arith.subi %reduce_sum3A_224, %sub3A_225 : i32
      %jit3A_227 = arith.constant 0 : i32
      %jit3A_228 = arith.constant 63 : i32
      %max3A = arith.maxsi %jit3A_227, %sub3A_226 : i32
      %min3A = arith.minsi %jit3A_228, %max3A : i32
      %sub3A_229 = arith.constant 14 : i32
      %sub3A_230 = arith.subi %min3A, %sub3A_229 : i32
      %jit3A_231 = arith.constant 0 : i32
      %jit3A_232 = arith.constant 36 : i32
      %max3A_233 = arith.maxsi %jit3A_231, %sub3A_230 : i32
      %min3A_234 = arith.minsi %jit3A_232, %max3A_233 : i32
      %broadcast_in_dim3A_235 = arith.constant 0x7F800000 : f32
      %broadcast_in_dim3A_236 = vector.broadcast %broadcast_in_dim3A_235 : f32 to vector<16xf32>
      %broadcast_in_dim3A_237 = arith.constant 0x7F800000 : f32
      %broadcast_in_dim3A_238 = vector.broadcast %broadcast_in_dim3A_237 : f32 to vector<16xf32>
      %broadcast_in_dim3A_239 = arith.constant 0x7F800000 : f32
      %broadcast_in_dim3A_240 = vector.broadcast %broadcast_in_dim3A_239 : f32 to vector<16xf32>
      %broadcast_in_dim3A_241 = arith.constant 0x7F800000 : f32
      %broadcast_in_dim3A_242 = vector.broadcast %broadcast_in_dim3A_241 : f32 to vector<16xf32>
      %broadcast_in_dim3A_243 = arith.constant 0x7F800000 : f32
      %broadcast_in_dim3A_244 = vector.broadcast %broadcast_in_dim3A_243 : f32 to vector<16xf32>
      %broadcast_in_dim3A_245 = arith.constant 0x7F800000 : f32
      %broadcast_in_dim3A_246 = vector.broadcast %broadcast_in_dim3A_245 : f32 to vector<16xf32>
      %broadcast_in_dim3A_247 = arith.constant 0x7F800000 : f32
      %broadcast_in_dim3A_248 = vector.broadcast %broadcast_in_dim3A_247 : f32 to vector<16xf32>
      %broadcast_in_dim3A_249 = arith.constant 0x7F800000 : f32
      %broadcast_in_dim3A_250 = vector.broadcast %broadcast_in_dim3A_249 : f32 to vector<16xf32>
      %broadcast_in_dim3A_251 = arith.constant 0x7F800000 : f32
      %broadcast_in_dim3A_252 = vector.broadcast %broadcast_in_dim3A_251 : f32 to vector<16xf32>
      %broadcast_in_dim3A_253 = arith.constant 0x7F800000 : f32
      %broadcast_in_dim3A_254 = vector.broadcast %broadcast_in_dim3A_253 : f32 to vector<16xf32>
      %broadcast_in_dim3A_255 = arith.constant 0x7F800000 : f32
      %broadcast_in_dim3A_256 = vector.broadcast %broadcast_in_dim3A_255 : f32 to vector<16xf32>
      %broadcast_in_dim3A_257 = arith.constant 0x7F800000 : f32
      %broadcast_in_dim3A_258 = vector.broadcast %broadcast_in_dim3A_257 : f32 to vector<16xf32>
      %broadcast_in_dim3A_259 = arith.constant 0x7F800000 : f32
      %broadcast_in_dim3A_260 = vector.broadcast %broadcast_in_dim3A_259 : f32 to vector<16xf32>
      %broadcast_in_dim3A_261 = arith.constant 0x7F800000 : f32
      %broadcast_in_dim3A_262 = vector.broadcast %broadcast_in_dim3A_261 : f32 to vector<16xf32>
      %broadcast_in_dim3A_263 = arith.constant 0x7F800000 : f32
      %broadcast_in_dim3A_264 = vector.broadcast %broadcast_in_dim3A_263 : f32 to vector<16xf32>
      %broadcast_in_dim3A_265 = arith.constant 0x7F800000 : f32
      %broadcast_in_dim3A_266 = vector.broadcast %broadcast_in_dim3A_265 : f32 to vector<16xf32>
      %broadcast_in_dim3A_267 = arith.constant 1073741824 : i32
      %broadcast_in_dim3A_268 = vector.broadcast %broadcast_in_dim3A_267 : i32 to vector<16xi32>
      %broadcast_in_dim3A_269 = arith.constant 1073741824 : i32
      %broadcast_in_dim3A_270 = vector.broadcast %broadcast_in_dim3A_269 : i32 to vector<16xi32>
      %broadcast_in_dim3A_271 = arith.constant 1073741824 : i32
      %broadcast_in_dim3A_272 = vector.broadcast %broadcast_in_dim3A_271 : i32 to vector<16xi32>
      %broadcast_in_dim3A_273 = arith.constant 1073741824 : i32
      %broadcast_in_dim3A_274 = vector.broadcast %broadcast_in_dim3A_273 : i32 to vector<16xi32>
      %broadcast_in_dim3A_275 = arith.constant 1073741824 : i32
      %broadcast_in_dim3A_276 = vector.broadcast %broadcast_in_dim3A_275 : i32 to vector<16xi32>
      %broadcast_in_dim3A_277 = arith.constant 1073741824 : i32
      %broadcast_in_dim3A_278 = vector.broadcast %broadcast_in_dim3A_277 : i32 to vector<16xi32>
      %broadcast_in_dim3A_279 = arith.constant 1073741824 : i32
      %broadcast_in_dim3A_280 = vector.broadcast %broadcast_in_dim3A_279 : i32 to vector<16xi32>
      %broadcast_in_dim3A_281 = arith.constant 1073741824 : i32
      %broadcast_in_dim3A_282 = vector.broadcast %broadcast_in_dim3A_281 : i32 to vector<16xi32>
      %broadcast_in_dim3A_283 = arith.constant 1073741824 : i32
      %broadcast_in_dim3A_284 = vector.broadcast %broadcast_in_dim3A_283 : i32 to vector<16xi32>
      %broadcast_in_dim3A_285 = arith.constant 1073741824 : i32
      %broadcast_in_dim3A_286 = vector.broadcast %broadcast_in_dim3A_285 : i32 to vector<16xi32>
      %broadcast_in_dim3A_287 = arith.constant 1073741824 : i32
      %broadcast_in_dim3A_288 = vector.broadcast %broadcast_in_dim3A_287 : i32 to vector<16xi32>
      %broadcast_in_dim3A_289 = arith.constant 1073741824 : i32
      %broadcast_in_dim3A_290 = vector.broadcast %broadcast_in_dim3A_289 : i32 to vector<16xi32>
      %broadcast_in_dim3A_291 = arith.constant 1073741824 : i32
      %broadcast_in_dim3A_292 = vector.broadcast %broadcast_in_dim3A_291 : i32 to vector<16xi32>
      %broadcast_in_dim3A_293 = arith.constant 1073741824 : i32
      %broadcast_in_dim3A_294 = vector.broadcast %broadcast_in_dim3A_293 : i32 to vector<16xi32>
      %broadcast_in_dim3A_295 = arith.constant 1073741824 : i32
      %broadcast_in_dim3A_296 = vector.broadcast %broadcast_in_dim3A_295 : i32 to vector<16xi32>
      %broadcast_in_dim3A_297 = arith.constant 1073741824 : i32
      %broadcast_in_dim3A_298 = vector.broadcast %broadcast_in_dim3A_297 : i32 to vector<16xi32>
      %scan3A_299 = arith.constant 0 : i32
      %scan3A_300 = arith.constant 28 : i32
      %scan3A_301 = arith.addi %scan3A_299, %scan3A_300 : i32
      %scan3A_302 = arith.constant 1 : i32
      %scan3A_303:32 = scf.for %scan3A_1323 = %scan3A_299 to %scan3A_301 step %scan3A_302 iter_args(%scan3A_1324 = %broadcast_in_dim3A_236, %scan3A_1325 = %broadcast_in_dim3A_238, %scan3A_1326 = %broadcast_in_dim3A_240, %scan3A_1327 = %broadcast_in_dim3A_242, %scan3A_1328 = %broadcast_in_dim3A_244, %scan3A_1329 = %broadcast_in_dim3A_246, %scan3A_1330 = %broadcast_in_dim3A_248, %scan3A_1331 = %broadcast_in_dim3A_250, %scan3A_1332 = %broadcast_in_dim3A_252, %scan3A_1333 = %broadcast_in_dim3A_254, %scan3A_1334 = %broadcast_in_dim3A_256, %scan3A_1335 = %broadcast_in_dim3A_258, %scan3A_1336 = %broadcast_in_dim3A_260, %scan3A_1337 = %broadcast_in_dim3A_262, %scan3A_1338 = %broadcast_in_dim3A_264, %scan3A_1339 = %broadcast_in_dim3A_266, %scan3A_1340 = %broadcast_in_dim3A_268, %scan3A_1341 = %broadcast_in_dim3A_270, %scan3A_1342 = %broadcast_in_dim3A_272, %scan3A_1343 = %broadcast_in_dim3A_274, %scan3A_1344 = %broadcast_in_dim3A_276, %scan3A_1345 = %broadcast_in_dim3A_278, %scan3A_1346 = %broadcast_in_dim3A_280, %scan3A_1347 = %broadcast_in_dim3A_282, %scan3A_1348 = %broadcast_in_dim3A_284, %scan3A_1349 = %broadcast_in_dim3A_286, %scan3A_1350 = %broadcast_in_dim3A_288, %scan3A_1351 = %broadcast_in_dim3A_290, %scan3A_1352 = %broadcast_in_dim3A_292, %scan3A_1353 = %broadcast_in_dim3A_294, %scan3A_1354 = %broadcast_in_dim3A_296, %scan3A_1355 = %broadcast_in_dim3A_298) -> (vector<16xf32>, vector<16xf32>, vector<16xf32>, vector<16xf32>, vector<16xf32>, vector<16xf32>, vector<16xf32>, vector<16xf32>, vector<16xf32>, vector<16xf32>, vector<16xf32>, vector<16xf32>, vector<16xf32>, vector<16xf32>, vector<16xf32>, vector<16xf32>, vector<16xi32>, vector<16xi32>, vector<16xi32>, vector<16xi32>, vector<16xi32>, vector<16xi32>, vector<16xi32>, vector<16xi32>, vector<16xi32>, vector<16xi32>, vector<16xi32>, vector<16xi32>, vector<16xi32>, vector<16xi32>, vector<16xi32>, vector<16xi32>)  : i32 {
        %add3A_1356 = arith.addi %min3A_234, %scan3A_1323 : i32
        %mul3A_1357 = arith.constant 16 : i32
        %mul3A_1358 = arith.muli %add3A_1356, %mul3A_1357 : i32
        %get3A_1359 = arith.index_cast %mul3A_1358 : i32 to index
        %get3A_1360 = tpu.vector_load %arg11[%get3A_1359] {strides = array<i32>} : memref<1024xf32, #tpu.memory_space<vmem>>, vector<16xf32>,
        %get3A_1361 = arith.index_cast %mul3A_1358 : i32 to index
        %get3A_1362 = tpu.vector_load %arg12[%get3A_1361] {strides = array<i32>} : memref<1024xf32, #tpu.memory_space<vmem>>, vector<16xf32>,
        %get3A_1363 = arith.index_cast %mul3A_1358 : i32 to index
        %get3A_1364 = tpu.vector_load %arg13[%get3A_1363] {strides = array<i32>} : memref<1024xf32, #tpu.memory_space<vmem>>, vector<16xf32>,
        %add3A_1365 = vector.broadcast %mul3A_1358 : i32 to vector<16xi32>
        %add3A_1366 = arith.addi %add3A_1365, %iota3A : vector<16xi32>
        %mul3A_1367 = vector.broadcast %convert_element_type3A : f32 to vector<16xf32>
        %mul3A_1368 = arith.mulf %mul3A_1367, %get3A_1360 : vector<16xf32>
        %sub3A_1369 = arith.subf %get3A_1364, %mul3A_1368 : vector<16xf32>
        %add3A_1370 = vector.broadcast %convert_element_type3A_137 : f32 to vector<16xf32>
        %add3A_1371 = arith.addf %sub3A_1369, %add3A_1370 : vector<16xf32>
        %mul3A_1372 = vector.broadcast %convert_element_type3A_98 : f32 to vector<16xf32>
        %mul3A_1373 = arith.mulf %mul3A_1372, %get3A_1360 : vector<16xf32>
        %sub3A_1374 = arith.subf %get3A_1364, %mul3A_1373 : vector<16xf32>
        %add3A_1375 = vector.broadcast %convert_element_type3A_143 : f32 to vector<16xf32>
        %add3A_1376 = arith.addf %sub3A_1374, %add3A_1375 : vector<16xf32>
        %mul3A_1377 = vector.broadcast %convert_element_type3A_103 : f32 to vector<16xf32>
        %mul3A_1378 = arith.mulf %mul3A_1377, %get3A_1360 : vector<16xf32>
        %sub3A_1379 = arith.subf %get3A_1364, %mul3A_1378 : vector<16xf32>
        %add3A_1380 = vector.broadcast %convert_element_type3A_149 : f32 to vector<16xf32>
        %add3A_1381 = arith.addf %sub3A_1379, %add3A_1380 : vector<16xf32>
        %mul3A_1382 = vector.broadcast %convert_element_type3A_108 : f32 to vector<16xf32>
        %mul3A_1383 = arith.mulf %mul3A_1382, %get3A_1360 : vector<16xf32>
        %sub3A_1384 = arith.subf %get3A_1364, %mul3A_1383 : vector<16xf32>
        %add3A_1385 = vector.broadcast %convert_element_type3A_155 : f32 to vector<16xf32>
        %add3A_1386 = arith.addf %sub3A_1384, %add3A_1385 : vector<16xf32>
        %mul3A_1387 = vector.broadcast %convert_element_type3A_113 : f32 to vector<16xf32>
        %mul3A_1388 = arith.mulf %mul3A_1387, %get3A_1362 : vector<16xf32>
        %sub3A_1389 = vector.broadcast %convert_element_type3A_161 : f32 to vector<16xf32>
        %sub3A_1390 = arith.subf %mul3A_1388, %sub3A_1389 : vector<16xf32>
        %mul3A_1391 = vector.broadcast %convert_element_type3A_118 : f32 to vector<16xf32>
        %mul3A_1392 = arith.mulf %mul3A_1391, %get3A_1362 : vector<16xf32>
        %sub3A_1393 = vector.broadcast %convert_element_type3A_167 : f32 to vector<16xf32>
        %sub3A_1394 = arith.subf %mul3A_1392, %sub3A_1393 : vector<16xf32>
        %mul3A_1395 = vector.broadcast %convert_element_type3A_123 : f32 to vector<16xf32>
        %mul3A_1396 = arith.mulf %mul3A_1395, %get3A_1362 : vector<16xf32>
        %sub3A_1397 = vector.broadcast %convert_element_type3A_173 : f32 to vector<16xf32>
        %sub3A_1398 = arith.subf %mul3A_1396, %sub3A_1397 : vector<16xf32>
        %mul3A_1399 = vector.broadcast %convert_element_type3A_128 : f32 to vector<16xf32>
        %mul3A_1400 = arith.mulf %mul3A_1399, %get3A_1362 : vector<16xf32>
        %sub3A_1401 = vector.broadcast %convert_element_type3A_179 : f32 to vector<16xf32>
        %sub3A_1402 = arith.subf %mul3A_1400, %sub3A_1401 : vector<16xf32>
        %sub3A_1403 = arith.subf %add3A_1371, %sub3A_1390 : vector<16xf32>
        %masked_sort3A = arith.constant dense<true> : vector<16xi1>
        %masked_sort3A_1404, %masked_sort3A_1405, %masked_sort3A_1406 = tpu.sort %sub3A_1403, %add3A_1366 masked %masked_sort3A {descending = true} : (vector<16xf32>, vector<16xi32>, vector<16xi1>) -> (vector<16xi1>, vector<16xf32>, vector<16xi32>)
        %lt3A_1407 = arith.cmpf olt, %masked_sort3A_1405, %scan3A_1324 : vector<16xf32>
        %select_n3A_1408 = arith.select %lt3A_1407, %masked_sort3A_1405, %scan3A_1324 : vector<16xi1>, vector<16xf32>
        %select_n3A_1409 = arith.select %lt3A_1407, %masked_sort3A_1406, %scan3A_1340 : vector<16xi1>, vector<16xi32>
        %masked_sort3A_1410 = arith.constant dense<true> : vector<16xi1>
        %masked_sort3A_1411, %masked_sort3A_1412, %masked_sort3A_1413 = tpu.sort %select_n3A_1408, %select_n3A_1409 masked %masked_sort3A_1410 : (vector<16xf32>, vector<16xi32>, vector<16xi1>) -> (vector<16xi1>, vector<16xf32>, vector<16xi32>)
        %sub3A_1414 = arith.subf %add3A_1371, %sub3A_1394 : vector<16xf32>
        %masked_sort3A_1415 = arith.constant dense<true> : vector<16xi1>
        %masked_sort3A_1416, %masked_sort3A_1417, %masked_sort3A_1418 = tpu.sort %sub3A_1414, %add3A_1366 masked %masked_sort3A_1415 {descending = true} : (vector<16xf32>, vector<16xi32>, vector<16xi1>) -> (vector<16xi1>, vector<16xf32>, vector<16xi32>)
        %lt3A_1419 = arith.cmpf olt, %masked_sort3A_1417, %scan3A_1325 : vector<16xf32>
        %select_n3A_1420 = arith.select %lt3A_1419, %masked_sort3A_1417, %scan3A_1325 : vector<16xi1>, vector<16xf32>
        %select_n3A_1421 = arith.select %lt3A_1419, %masked_sort3A_1418, %scan3A_1341 : vector<16xi1>, vector<16xi32>
        %masked_sort3A_1422 = arith.constant dense<true> : vector<16xi1>
        %masked_sort3A_1423, %masked_sort3A_1424, %masked_sort3A_1425 = tpu.sort %select_n3A_1420, %select_n3A_1421 masked %masked_sort3A_1422 : (vector<16xf32>, vector<16xi32>, vector<16xi1>) -> (vector<16xi1>, vector<16xf32>, vector<16xi32>)
        %sub3A_1426 = arith.subf %add3A_1371, %sub3A_1398 : vector<16xf32>
        %masked_sort3A_1427 = arith.constant dense<true> : vector<16xi1>
        %masked_sort3A_1428, %masked_sort3A_1429, %masked_sort3A_1430 = tpu.sort %sub3A_1426, %add3A_1366 masked %masked_sort3A_1427 {descending = true} : (vector<16xf32>, vector<16xi32>, vector<16xi1>) -> (vector<16xi1>, vector<16xf32>, vector<16xi32>)
        %lt3A_1431 = arith.cmpf olt, %masked_sort3A_1429, %scan3A_1326 : vector<16xf32>
        %select_n3A_1432 = arith.select %lt3A_1431, %masked_sort3A_1429, %scan3A_1326 : vector<16xi1>, vector<16xf32>
        %select_n3A_1433 = arith.select %lt3A_1431, %masked_sort3A_1430, %scan3A_1342 : vector<16xi1>, vector<16xi32>
        %masked_sort3A_1434 = arith.constant dense<true> : vector<16xi1>
        %masked_sort3A_1435, %masked_sort3A_1436, %masked_sort3A_1437 = tpu.sort %select_n3A_1432, %select_n3A_1433 masked %masked_sort3A_1434 : (vector<16xf32>, vector<16xi32>, vector<16xi1>) -> (vector<16xi1>, vector<16xf32>, vector<16xi32>)
        %sub3A_1438 = arith.subf %add3A_1371, %sub3A_1402 : vector<16xf32>
        %masked_sort3A_1439 = arith.constant dense<true> : vector<16xi1>
        %masked_sort3A_1440, %masked_sort3A_1441, %masked_sort3A_1442 = tpu.sort %sub3A_1438, %add3A_1366 masked %masked_sort3A_1439 {descending = true} : (vector<16xf32>, vector<16xi32>, vector<16xi1>) -> (vector<16xi1>, vector<16xf32>, vector<16xi32>)
        %lt3A_1443 = arith.cmpf olt, %masked_sort3A_1441, %scan3A_1327 : vector<16xf32>
        %select_n3A_1444 = arith.select %lt3A_1443, %masked_sort3A_1441, %scan3A_1327 : vector<16xi1>, vector<16xf32>
        %select_n3A_1445 = arith.select %lt3A_1443, %masked_sort3A_1442, %scan3A_1343 : vector<16xi1>, vector<16xi32>
        %masked_sort3A_1446 = arith.constant dense<true> : vector<16xi1>
        %masked_sort3A_1447, %masked_sort3A_1448, %masked_sort3A_1449 = tpu.sort %select_n3A_1444, %select_n3A_1445 masked %masked_sort3A_1446 : (vector<16xf32>, vector<16xi32>, vector<16xi1>) -> (vector<16xi1>, vector<16xf32>, vector<16xi32>)
        %sub3A_1450 = arith.subf %add3A_1376, %sub3A_1390 : vector<16xf32>
        %masked_sort3A_1451 = arith.constant dense<true> : vector<16xi1>
        %masked_sort3A_1452, %masked_sort3A_1453, %masked_sort3A_1454 = tpu.sort %sub3A_1450, %add3A_1366 masked %masked_sort3A_1451 {descending = true} : (vector<16xf32>, vector<16xi32>, vector<16xi1>) -> (vector<16xi1>, vector<16xf32>, vector<16xi32>)
        %lt3A_1455 = arith.cmpf olt, %masked_sort3A_1453, %scan3A_1328 : vector<16xf32>
        %select_n3A_1456 = arith.select %lt3A_1455, %masked_sort3A_1453, %scan3A_1328 : vector<16xi1>, vector<16xf32>
        %select_n3A_1457 = arith.select %lt3A_1455, %masked_sort3A_1454, %scan3A_1344 : vector<16xi1>, vector<16xi32>
        %masked_sort3A_1458 = arith.constant dense<true> : vector<16xi1>
        %masked_sort3A_1459, %masked_sort3A_1460, %masked_sort3A_1461 = tpu.sort %select_n3A_1456, %select_n3A_1457 masked %masked_sort3A_1458 : (vector<16xf32>, vector<16xi32>, vector<16xi1>) -> (vector<16xi1>, vector<16xf32>, vector<16xi32>)
        %sub3A_1462 = arith.subf %add3A_1376, %sub3A_1394 : vector<16xf32>
        %masked_sort3A_1463 = arith.constant dense<true> : vector<16xi1>
        %masked_sort3A_1464, %masked_sort3A_1465, %masked_sort3A_1466 = tpu.sort %sub3A_1462, %add3A_1366 masked %masked_sort3A_1463 {descending = true} : (vector<16xf32>, vector<16xi32>, vector<16xi1>) -> (vector<16xi1>, vector<16xf32>, vector<16xi32>)
        %lt3A_1467 = arith.cmpf olt, %masked_sort3A_1465, %scan3A_1329 : vector<16xf32>
        %select_n3A_1468 = arith.select %lt3A_1467, %masked_sort3A_1465, %scan3A_1329 : vector<16xi1>, vector<16xf32>
        %select_n3A_1469 = arith.select %lt3A_1467, %masked_sort3A_1466, %scan3A_1345 : vector<16xi1>, vector<16xi32>
        %masked_sort3A_1470 = arith.constant dense<true> : vector<16xi1>
        %masked_sort3A_1471, %masked_sort3A_1472, %masked_sort3A_1473 = tpu.sort %select_n3A_1468, %select_n3A_1469 masked %masked_sort3A_1470 : (vector<16xf32>, vector<16xi32>, vector<16xi1>) -> (vector<16xi1>, vector<16xf32>, vector<16xi32>)
        %sub3A_1474 = arith.subf %add3A_1376, %sub3A_1398 : vector<16xf32>
        %masked_sort3A_1475 = arith.constant dense<true> : vector<16xi1>
        %masked_sort3A_1476, %masked_sort3A_1477, %masked_sort3A_1478 = tpu.sort %sub3A_1474, %add3A_1366 masked %masked_sort3A_1475 {descending = true} : (vector<16xf32>, vector<16xi32>, vector<16xi1>) -> (vector<16xi1>, vector<16xf32>, vector<16xi32>)
        %lt3A_1479 = arith.cmpf olt, %masked_sort3A_1477, %scan3A_1330 : vector<16xf32>
        %select_n3A_1480 = arith.select %lt3A_1479, %masked_sort3A_1477, %scan3A_1330 : vector<16xi1>, vector<16xf32>
        %select_n3A_1481 = arith.select %lt3A_1479, %masked_sort3A_1478, %scan3A_1346 : vector<16xi1>, vector<16xi32>
        %masked_sort3A_1482 = arith.constant dense<true> : vector<16xi1>
        %masked_sort3A_1483, %masked_sort3A_1484, %masked_sort3A_1485 = tpu.sort %select_n3A_1480, %select_n3A_1481 masked %masked_sort3A_1482 : (vector<16xf32>, vector<16xi32>, vector<16xi1>) -> (vector<16xi1>, vector<16xf32>, vector<16xi32>)
        %sub3A_1486 = arith.subf %add3A_1376, %sub3A_1402 : vector<16xf32>
        %masked_sort3A_1487 = arith.constant dense<true> : vector<16xi1>
        %masked_sort3A_1488, %masked_sort3A_1489, %masked_sort3A_1490 = tpu.sort %sub3A_1486, %add3A_1366 masked %masked_sort3A_1487 {descending = true} : (vector<16xf32>, vector<16xi32>, vector<16xi1>) -> (vector<16xi1>, vector<16xf32>, vector<16xi32>)
        %lt3A_1491 = arith.cmpf olt, %masked_sort3A_1489, %scan3A_1331 : vector<16xf32>
        %select_n3A_1492 = arith.select %lt3A_1491, %masked_sort3A_1489, %scan3A_1331 : vector<16xi1>, vector<16xf32>
        %select_n3A_1493 = arith.select %lt3A_1491, %masked_sort3A_1490, %scan3A_1347 : vector<16xi1>, vector<16xi32>
        %masked_sort3A_1494 = arith.constant dense<true> : vector<16xi1>
        %masked_sort3A_1495, %masked_sort3A_1496, %masked_sort3A_1497 = tpu.sort %select_n3A_1492, %select_n3A_1493 masked %masked_sort3A_1494 : (vector<16xf32>, vector<16xi32>, vector<16xi1>) -> (vector<16xi1>, vector<16xf32>, vector<16xi32>)
        %sub3A_1498 = arith.subf %add3A_1381, %sub3A_1390 : vector<16xf32>
        %masked_sort3A_1499 = arith.constant dense<true> : vector<16xi1>
        %masked_sort3A_1500, %masked_sort3A_1501, %masked_sort3A_1502 = tpu.sort %sub3A_1498, %add3A_1366 masked %masked_sort3A_1499 {descending = true} : (vector<16xf32>, vector<16xi32>, vector<16xi1>) -> (vector<16xi1>, vector<16xf32>, vector<16xi32>)
        %lt3A_1503 = arith.cmpf olt, %masked_sort3A_1501, %scan3A_1332 : vector<16xf32>
        %select_n3A_1504 = arith.select %lt3A_1503, %masked_sort3A_1501, %scan3A_1332 : vector<16xi1>, vector<16xf32>
        %select_n3A_1505 = arith.select %lt3A_1503, %masked_sort3A_1502, %scan3A_1348 : vector<16xi1>, vector<16xi32>
        %masked_sort3A_1506 = arith.constant dense<true> : vector<16xi1>
        %masked_sort3A_1507, %masked_sort3A_1508, %masked_sort3A_1509 = tpu.sort %select_n3A_1504, %select_n3A_1505 masked %masked_sort3A_1506 : (vector<16xf32>, vector<16xi32>, vector<16xi1>) -> (vector<16xi1>, vector<16xf32>, vector<16xi32>)
        %sub3A_1510 = arith.subf %add3A_1381, %sub3A_1394 : vector<16xf32>
        %masked_sort3A_1511 = arith.constant dense<true> : vector<16xi1>
        %masked_sort3A_1512, %masked_sort3A_1513, %masked_sort3A_1514 = tpu.sort %sub3A_1510, %add3A_1366 masked %masked_sort3A_1511 {descending = true} : (vector<16xf32>, vector<16xi32>, vector<16xi1>) -> (vector<16xi1>, vector<16xf32>, vector<16xi32>)
        %lt3A_1515 = arith.cmpf olt, %masked_sort3A_1513, %scan3A_1333 : vector<16xf32>
        %select_n3A_1516 = arith.select %lt3A_1515, %masked_sort3A_1513, %scan3A_1333 : vector<16xi1>, vector<16xf32>
        %select_n3A_1517 = arith.select %lt3A_1515, %masked_sort3A_1514, %scan3A_1349 : vector<16xi1>, vector<16xi32>
        %masked_sort3A_1518 = arith.constant dense<true> : vector<16xi1>
        %masked_sort3A_1519, %masked_sort3A_1520, %masked_sort3A_1521 = tpu.sort %select_n3A_1516, %select_n3A_1517 masked %masked_sort3A_1518 : (vector<16xf32>, vector<16xi32>, vector<16xi1>) -> (vector<16xi1>, vector<16xf32>, vector<16xi32>)
        %sub3A_1522 = arith.subf %add3A_1381, %sub3A_1398 : vector<16xf32>
        %masked_sort3A_1523 = arith.constant dense<true> : vector<16xi1>
        %masked_sort3A_1524, %masked_sort3A_1525, %masked_sort3A_1526 = tpu.sort %sub3A_1522, %add3A_1366 masked %masked_sort3A_1523 {descending = true} : (vector<16xf32>, vector<16xi32>, vector<16xi1>) -> (vector<16xi1>, vector<16xf32>, vector<16xi32>)
        %lt3A_1527 = arith.cmpf olt, %masked_sort3A_1525, %scan3A_1334 : vector<16xf32>
        %select_n3A_1528 = arith.select %lt3A_1527, %masked_sort3A_1525, %scan3A_1334 : vector<16xi1>, vector<16xf32>
        %select_n3A_1529 = arith.select %lt3A_1527, %masked_sort3A_1526, %scan3A_1350 : vector<16xi1>, vector<16xi32>
        %masked_sort3A_1530 = arith.constant dense<true> : vector<16xi1>
        %masked_sort3A_1531, %masked_sort3A_1532, %masked_sort3A_1533 = tpu.sort %select_n3A_1528, %select_n3A_1529 masked %masked_sort3A_1530 : (vector<16xf32>, vector<16xi32>, vector<16xi1>) -> (vector<16xi1>, vector<16xf32>, vector<16xi32>)
        %sub3A_1534 = arith.subf %add3A_1381, %sub3A_1402 : vector<16xf32>
        %masked_sort3A_1535 = arith.constant dense<true> : vector<16xi1>
        %masked_sort3A_1536, %masked_sort3A_1537, %masked_sort3A_1538 = tpu.sort %sub3A_1534, %add3A_1366 masked %masked_sort3A_1535 {descending = true} : (vector<16xf32>, vector<16xi32>, vector<16xi1>) -> (vector<16xi1>, vector<16xf32>, vector<16xi32>)
        %lt3A_1539 = arith.cmpf olt, %masked_sort3A_1537, %scan3A_1335 : vector<16xf32>
        %select_n3A_1540 = arith.select %lt3A_1539, %masked_sort3A_1537, %scan3A_1335 : vector<16xi1>, vector<16xf32>
        %select_n3A_1541 = arith.select %lt3A_1539, %masked_sort3A_1538, %scan3A_1351 : vector<16xi1>, vector<16xi32>
        %masked_sort3A_1542 = arith.constant dense<true> : vector<16xi1>
        %masked_sort3A_1543, %masked_sort3A_1544, %masked_sort3A_1545 = tpu.sort %select_n3A_1540, %select_n3A_1541 masked %masked_sort3A_1542 : (vector<16xf32>, vector<16xi32>, vector<16xi1>) -> (vector<16xi1>, vector<16xf32>, vector<16xi32>)
        %sub3A_1546 = arith.subf %add3A_1386, %sub3A_1390 : vector<16xf32>
        %masked_sort3A_1547 = arith.constant dense<true> : vector<16xi1>
        %masked_sort3A_1548, %masked_sort3A_1549, %masked_sort3A_1550 = tpu.sort %sub3A_1546, %add3A_1366 masked %masked_sort3A_1547 {descending = true} : (vector<16xf32>, vector<16xi32>, vector<16xi1>) -> (vector<16xi1>, vector<16xf32>, vector<16xi32>)
        %lt3A_1551 = arith.cmpf olt, %masked_sort3A_1549, %scan3A_1336 : vector<16xf32>
        %select_n3A_1552 = arith.select %lt3A_1551, %masked_sort3A_1549, %scan3A_1336 : vector<16xi1>, vector<16xf32>
        %select_n3A_1553 = arith.select %lt3A_1551, %masked_sort3A_1550, %scan3A_1352 : vector<16xi1>, vector<16xi32>
        %masked_sort3A_1554 = arith.constant dense<true> : vector<16xi1>
        %masked_sort3A_1555, %masked_sort3A_1556, %masked_sort3A_1557 = tpu.sort %select_n3A_1552, %select_n3A_1553 masked %masked_sort3A_1554 : (vector<16xf32>, vector<16xi32>, vector<16xi1>) -> (vector<16xi1>, vector<16xf32>, vector<16xi32>)
        %sub3A_1558 = arith.subf %add3A_1386, %sub3A_1394 : vector<16xf32>
        %masked_sort3A_1559 = arith.constant dense<true> : vector<16xi1>
        %masked_sort3A_1560, %masked_sort3A_1561, %masked_sort3A_1562 = tpu.sort %sub3A_1558, %add3A_1366 masked %masked_sort3A_1559 {descending = true} : (vector<16xf32>, vector<16xi32>, vector<16xi1>) -> (vector<16xi1>, vector<16xf32>, vector<16xi32>)
        %lt3A_1563 = arith.cmpf olt, %masked_sort3A_1561, %scan3A_1337 : vector<16xf32>
        %select_n3A_1564 = arith.select %lt3A_1563, %masked_sort3A_1561, %scan3A_1337 : vector<16xi1>, vector<16xf32>
        %select_n3A_1565 = arith.select %lt3A_1563, %masked_sort3A_1562, %scan3A_1353 : vector<16xi1>, vector<16xi32>
        %masked_sort3A_1566 = arith.constant dense<true> : vector<16xi1>
        %masked_sort3A_1567, %masked_sort3A_1568, %masked_sort3A_1569 = tpu.sort %select_n3A_1564, %select_n3A_1565 masked %masked_sort3A_1566 : (vector<16xf32>, vector<16xi32>, vector<16xi1>) -> (vector<16xi1>, vector<16xf32>, vector<16xi32>)
        %sub3A_1570 = arith.subf %add3A_1386, %sub3A_1398 : vector<16xf32>
        %masked_sort3A_1571 = arith.constant dense<true> : vector<16xi1>
        %masked_sort3A_1572, %masked_sort3A_1573, %masked_sort3A_1574 = tpu.sort %sub3A_1570, %add3A_1366 masked %masked_sort3A_1571 {descending = true} : (vector<16xf32>, vector<16xi32>, vector<16xi1>) -> (vector<16xi1>, vector<16xf32>, vector<16xi32>)
        %lt3A_1575 = arith.cmpf olt, %masked_sort3A_1573, %scan3A_1338 : vector<16xf32>
        %select_n3A_1576 = arith.select %lt3A_1575, %masked_sort3A_1573, %scan3A_1338 : vector<16xi1>, vector<16xf32>
        %select_n3A_1577 = arith.select %lt3A_1575, %masked_sort3A_1574, %scan3A_1354 : vector<16xi1>, vector<16xi32>
        %masked_sort3A_1578 = arith.constant dense<true> : vector<16xi1>
        %masked_sort3A_1579, %masked_sort3A_1580, %masked_sort3A_1581 = tpu.sort %select_n3A_1576, %select_n3A_1577 masked %masked_sort3A_1578 : (vector<16xf32>, vector<16xi32>, vector<16xi1>) -> (vector<16xi1>, vector<16xf32>, vector<16xi32>)
        %sub3A_1582 = arith.subf %add3A_1386, %sub3A_1402 : vector<16xf32>
        %masked_sort3A_1583 = arith.constant dense<true> : vector<16xi1>
        %masked_sort3A_1584, %masked_sort3A_1585, %masked_sort3A_1586 = tpu.sort %sub3A_1582, %add3A_1366 masked %masked_sort3A_1583 {descending = true} : (vector<16xf32>, vector<16xi32>, vector<16xi1>) -> (vector<16xi1>, vector<16xf32>, vector<16xi32>)
        %lt3A_1587 = arith.cmpf olt, %masked_sort3A_1585, %scan3A_1339 : vector<16xf32>
        %select_n3A_1588 = arith.select %lt3A_1587, %masked_sort3A_1585, %scan3A_1339 : vector<16xi1>, vector<16xf32>
        %select_n3A_1589 = arith.select %lt3A_1587, %masked_sort3A_1586, %scan3A_1355 : vector<16xi1>, vector<16xi32>
        %masked_sort3A_1590 = arith.constant dense<true> : vector<16xi1>
        %masked_sort3A_1591, %masked_sort3A_1592, %masked_sort3A_1593 = tpu.sort %select_n3A_1588, %select_n3A_1589 masked %masked_sort3A_1590 : (vector<16xf32>, vector<16xi32>, vector<16xi1>) -> (vector<16xi1>, vector<16xf32>, vector<16xi32>)
        scf.yield %masked_sort3A_1412, %masked_sort3A_1424, %masked_sort3A_1436, %masked_sort3A_1448, %masked_sort3A_1460, %masked_sort3A_1472, %masked_sort3A_1484, %masked_sort3A_1496, %masked_sort3A_1508, %masked_sort3A_1520, %masked_sort3A_1532, %masked_sort3A_1544, %masked_sort3A_1556, %masked_sort3A_1568, %masked_sort3A_1580, %masked_sort3A_1592, %masked_sort3A_1413, %masked_sort3A_1425, %masked_sort3A_1437, %masked_sort3A_1449, %masked_sort3A_1461, %masked_sort3A_1473, %masked_sort3A_1485, %masked_sort3A_1497, %masked_sort3A_1509, %masked_sort3A_1521, %masked_sort3A_1533, %masked_sort3A_1545, %masked_sort3A_1557, %masked_sort3A_1569, %masked_sort3A_1581, %masked_sort3A_1593 : vector<16xf32>, vector<16xf32>, vector<16xf32>, vector<16xf32>, vector<16xf32>, vector<16xf32>, vector<16xf32>, vector<16xf32>, vector<16xf32>, vector<16xf32>, vector<16xf32>, vector<16xf32>, vector<16xf32>, vector<16xf32>, vector<16xf32>, vector<16xf32>, vector<16xi32>, vector<16xi32>, vector<16xi32>, vector<16xi32>, vector<16xi32>, vector<16xi32>, vector<16xi32>, vector<16xi32>, vector<16xi32>, vector<16xi32>, vector<16xi32>, vector<16xi32>, vector<16xi32>, vector<16xi32>, vector<16xi32>, vector<16xi32>
      }
      %scan3A_304 = arith.constant 28 : i32
      %add3A_305 = arith.constant 27 : i32
      %add3A_306 = arith.addi %min3A_234, %add3A_305 : i32
      %get3A_307 = arith.index_cast %min3A_234 : i32 to index
      %get3A_308 = tpu.vector_load %arg15[%get3A_307] {strides = array<i32>} : memref<128xf32, #tpu.memory_space<vmem>>, vector<16xf32>,
      %slice3A = vector.extract_strided_slice %get3A_308 {offsets = [0], sizes = [1], strides = [1]} : vector<16xf32> to vector<1xf32>
      %squeeze3A = vector.extract %slice3A[0] : f32 from vector<1xf32>
      %add3A_309 = arith.constant 1 : i32
      %add3A_310 = arith.addi %add3A_306, %add3A_309 : i32
      %get3A_311 = arith.index_cast %add3A_310 : i32 to index
      %get3A_312 = tpu.vector_load %arg15[%get3A_311] {strides = array<i32>} : memref<128xf32, #tpu.memory_space<vmem>>, vector<16xf32>,
      %slice3A_313 = vector.extract_strided_slice %get3A_312 {offsets = [0], sizes = [1], strides = [1]} : vector<16xf32> to vector<1xf32>
      %squeeze3A_314 = vector.extract %slice3A_313[0] : f32 from vector<1xf32>
      %sub3A_315 = arith.subf %convert_element_type3A_129, %squeeze3A : f32
      %max3A_316 = arith.constant 0.000000e+00 : f32
      %max3A_317 = arith.maximumf %sub3A_315, %max3A_316 : f32
      %sub3A_318 = arith.subf %squeeze3A_314, %add3A_131 : f32
      %max3A_319 = arith.constant 0.000000e+00 : f32
      %max3A_320 = arith.maximumf %sub3A_318, %max3A_319 : f32
      %gt3A = arith.constant 0 : i32
      %gt3A_321 = arith.cmpi sgt, %min3A_234, %gt3A : i32
      %mul3A_322 = arith.mulf %max3A_317, %max3A_317 : f32
      %jit3A_323 = arith.constant 0x7F800000 : f32
      %select_n3A_324 = arith.select %gt3A_321, %mul3A_322, %jit3A_323 : f32
      %lt3A_325 = arith.constant 63 : i32
      %lt3A_326 = arith.cmpi slt, %add3A_306, %lt3A_325 : i32
      %mul3A_327 = arith.mulf %max3A_320, %max3A_320 : f32
      %jit3A_328 = arith.constant 0x7F800000 : f32
      %select_n3A_329 = arith.select %lt3A_326, %mul3A_327, %jit3A_328 : f32
      %max3A_330 = arith.maximumf %scan3A_303#0, %scan3A_303#1 : vector<16xf32>
      %max3A_331 = arith.maximumf %max3A_330, %scan3A_303#2 : vector<16xf32>
      %max3A_332 = arith.maximumf %max3A_331, %scan3A_303#3 : vector<16xf32>
      %max3A_333 = arith.maximumf %max3A_332, %scan3A_303#4 : vector<16xf32>
      %max3A_334 = arith.maximumf %max3A_333, %scan3A_303#5 : vector<16xf32>
      %max3A_335 = arith.maximumf %max3A_334, %scan3A_303#6 : vector<16xf32>
      %max3A_336 = arith.maximumf %max3A_335, %scan3A_303#7 : vector<16xf32>
      %max3A_337 = arith.maximumf %max3A_336, %scan3A_303#8 : vector<16xf32>
      %max3A_338 = arith.maximumf %max3A_337, %scan3A_303#9 : vector<16xf32>
      %max3A_339 = arith.maximumf %max3A_338, %scan3A_303#10 : vector<16xf32>
      %max3A_340 = arith.maximumf %max3A_339, %scan3A_303#11 : vector<16xf32>
      %max3A_341 = arith.maximumf %max3A_340, %scan3A_303#12 : vector<16xf32>
      %max3A_342 = arith.maximumf %max3A_341, %scan3A_303#13 : vector<16xf32>
      %max3A_343 = arith.maximumf %max3A_342, %scan3A_303#14 : vector<16xf32>
      %max3A_344 = arith.maximumf %max3A_343, %scan3A_303#15 : vector<16xf32>
      %reduce_max3A = arith.constant true
      %reduce_max3A_345 = vector.broadcast %reduce_max3A : i1 to vector<16xi1>
      %reduce_max3A_346 = tpu.scan <max>, %max3A_344 masked %reduce_max3A_345 : vector<16xf32>, vector<16xi1> -> vector<16xf32>
      %reduce_max3A_347 = vector.extract %reduce_max3A_346[15] : f32 from vector<16xf32>
      %min3A_348 = arith.minimumf %select_n3A_324, %select_n3A_329 : f32
      %gt3A_349 = arith.cmpf ogt, %reduce_max3A_347, %min3A_348 : f32
      %convert_element_type3A_350 = arith.extui %gt3A_349 : i1 to i32
      %cond3A = arith.constant 0 : i32
      %cond3A_351 = arith.cmpi ne, %convert_element_type3A_350, %cond3A : i32
      %cond3A_352:32 = scf.if %cond3A_351 -> (vector<16xf32>, vector<16xf32>, vector<16xf32>, vector<16xf32>, vector<16xf32>, vector<16xf32>, vector<16xf32>, vector<16xf32>, vector<16xf32>, vector<16xf32>, vector<16xf32>, vector<16xf32>, vector<16xf32>, vector<16xf32>, vector<16xf32>, vector<16xf32>, vector<16xi32>, vector<16xi32>, vector<16xi32>, vector<16xi32>, vector<16xi32>, vector<16xi32>, vector<16xi32>, vector<16xi32>, vector<16xi32>, vector<16xi32>, vector<16xi32>, vector<16xi32>, vector<16xi32>, vector<16xi32>, vector<16xi32>, vector<16xi32>) {
        %scan3A_1323 = arith.constant 0 : i32
        %scan3A_1324 = arith.constant 36 : i32
        %scan3A_1325 = arith.addi %scan3A_1323, %scan3A_1324 : i32
        %scan3A_1326 = arith.constant 1 : i32
        %scan3A_1327:32 = scf.for %scan3A_1329 = %scan3A_1323 to %scan3A_1325 step %scan3A_1326 iter_args(%scan3A_1330 = %scan3A_303#0, %scan3A_1331 = %scan3A_303#1, %scan3A_1332 = %scan3A_303#2, %scan3A_1333 = %scan3A_303#3, %scan3A_1334 = %scan3A_303#4, %scan3A_1335 = %scan3A_303#5, %scan3A_1336 = %scan3A_303#6, %scan3A_1337 = %scan3A_303#7, %scan3A_1338 = %scan3A_303#8, %scan3A_1339 = %scan3A_303#9, %scan3A_1340 = %scan3A_303#10, %scan3A_1341 = %scan3A_303#11, %scan3A_1342 = %scan3A_303#12, %scan3A_1343 = %scan3A_303#13, %scan3A_1344 = %scan3A_303#14, %scan3A_1345 = %scan3A_303#15, %scan3A_1346 = %scan3A_303#16, %scan3A_1347 = %scan3A_303#17, %scan3A_1348 = %scan3A_303#18, %scan3A_1349 = %scan3A_303#19, %scan3A_1350 = %scan3A_303#20, %scan3A_1351 = %scan3A_303#21, %scan3A_1352 = %scan3A_303#22, %scan3A_1353 = %scan3A_303#23, %scan3A_1354 = %scan3A_303#24, %scan3A_1355 = %scan3A_303#25, %scan3A_1356 = %scan3A_303#26, %scan3A_1357 = %scan3A_303#27, %scan3A_1358 = %scan3A_303#28, %scan3A_1359 = %scan3A_303#29, %scan3A_1360 = %scan3A_303#30, %scan3A_1361 = %scan3A_303#31) -> (vector<16xf32>, vector<16xf32>, vector<16xf32>, vector<16xf32>, vector<16xf32>, vector<16xf32>, vector<16xf32>, vector<16xf32>, vector<16xf32>, vector<16xf32>, vector<16xf32>, vector<16xf32>, vector<16xf32>, vector<16xf32>, vector<16xf32>, vector<16xf32>, vector<16xi32>, vector<16xi32>, vector<16xi32>, vector<16xi32>, vector<16xi32>, vector<16xi32>, vector<16xi32>, vector<16xi32>, vector<16xi32>, vector<16xi32>, vector<16xi32>, vector<16xi32>, vector<16xi32>, vector<16xi32>, vector<16xi32>, vector<16xi32>)  : i32 {
          %lt3A_1362 = arith.cmpi slt, %scan3A_1329, %min3A_234 : i32
          %add3A_1363 = arith.constant 28 : i32
          %add3A_1364 = arith.addi %scan3A_1329, %add3A_1363 : i32
          %select_n3A_1365 = arith.select %lt3A_1362, %scan3A_1329, %add3A_1364 : i32
          %mul3A_1366 = arith.constant 16 : i32
          %mul3A_1367 = arith.muli %select_n3A_1365, %mul3A_1366 : i32
          %get3A_1368 = arith.index_cast %mul3A_1367 : i32 to index
          %get3A_1369 = tpu.vector_load %arg11[%get3A_1368] {strides = array<i32>} : memref<1024xf32, #tpu.memory_space<vmem>>, vector<16xf32>,
          %get3A_1370 = arith.index_cast %mul3A_1367 : i32 to index
          %get3A_1371 = tpu.vector_load %arg12[%get3A_1370] {strides = array<i32>} : memref<1024xf32, #tpu.memory_space<vmem>>, vector<16xf32>,
          %get3A_1372 = arith.index_cast %mul3A_1367 : i32 to index
          %get3A_1373 = tpu.vector_load %arg13[%get3A_1372] {strides = array<i32>} : memref<1024xf32, #tpu.memory_space<vmem>>, vector<16xf32>,
          %add3A_1374 = vector.broadcast %mul3A_1367 : i32 to vector<16xi32>
          %add3A_1375 = arith.addi %add3A_1374, %iota3A : vector<16xi32>
          %mul3A_1376 = vector.broadcast %convert_element_type3A : f32 to vector<16xf32>
          %mul3A_1377 = arith.mulf %mul3A_1376, %get3A_1369 : vector<16xf32>
          %sub3A_1378 = arith.subf %get3A_1373, %mul3A_1377 : vector<16xf32>
          %add3A_1379 = vector.broadcast %convert_element_type3A_137 : f32 to vector<16xf32>
          %add3A_1380 = arith.addf %sub3A_1378, %add3A_1379 : vector<16xf32>
          %mul3A_1381 = vector.broadcast %convert_element_type3A_98 : f32 to vector<16xf32>
          %mul3A_1382 = arith.mulf %mul3A_1381, %get3A_1369 : vector<16xf32>
          %sub3A_1383 = arith.subf %get3A_1373, %mul3A_1382 : vector<16xf32>
          %add3A_1384 = vector.broadcast %convert_element_type3A_143 : f32 to vector<16xf32>
          %add3A_1385 = arith.addf %sub3A_1383, %add3A_1384 : vector<16xf32>
          %mul3A_1386 = vector.broadcast %convert_element_type3A_103 : f32 to vector<16xf32>
          %mul3A_1387 = arith.mulf %mul3A_1386, %get3A_1369 : vector<16xf32>
          %sub3A_1388 = arith.subf %get3A_1373, %mul3A_1387 : vector<16xf32>
          %add3A_1389 = vector.broadcast %convert_element_type3A_149 : f32 to vector<16xf32>
          %add3A_1390 = arith.addf %sub3A_1388, %add3A_1389 : vector<16xf32>
          %mul3A_1391 = vector.broadcast %convert_element_type3A_108 : f32 to vector<16xf32>
          %mul3A_1392 = arith.mulf %mul3A_1391, %get3A_1369 : vector<16xf32>
          %sub3A_1393 = arith.subf %get3A_1373, %mul3A_1392 : vector<16xf32>
          %add3A_1394 = vector.broadcast %convert_element_type3A_155 : f32 to vector<16xf32>
          %add3A_1395 = arith.addf %sub3A_1393, %add3A_1394 : vector<16xf32>
          %mul3A_1396 = vector.broadcast %convert_element_type3A_113 : f32 to vector<16xf32>
          %mul3A_1397 = arith.mulf %mul3A_1396, %get3A_1371 : vector<16xf32>
          %sub3A_1398 = vector.broadcast %convert_element_type3A_161 : f32 to vector<16xf32>
          %sub3A_1399 = arith.subf %mul3A_1397, %sub3A_1398 : vector<16xf32>
          %mul3A_1400 = vector.broadcast %convert_element_type3A_118 : f32 to vector<16xf32>
          %mul3A_1401 = arith.mulf %mul3A_1400, %get3A_1371 : vector<16xf32>
          %sub3A_1402 = vector.broadcast %convert_element_type3A_167 : f32 to vector<16xf32>
          %sub3A_1403 = arith.subf %mul3A_1401, %sub3A_1402 : vector<16xf32>
          %mul3A_1404 = vector.broadcast %convert_element_type3A_123 : f32 to vector<16xf32>
          %mul3A_1405 = arith.mulf %mul3A_1404, %get3A_1371 : vector<16xf32>
          %sub3A_1406 = vector.broadcast %convert_element_type3A_173 : f32 to vector<16xf32>
          %sub3A_1407 = arith.subf %mul3A_1405, %sub3A_1406 : vector<16xf32>
          %mul3A_1408 = vector.broadcast %convert_element_type3A_128 : f32 to vector<16xf32>
          %mul3A_1409 = arith.mulf %mul3A_1408, %get3A_1371 : vector<16xf32>
          %sub3A_1410 = vector.broadcast %convert_element_type3A_179 : f32 to vector<16xf32>
          %sub3A_1411 = arith.subf %mul3A_1409, %sub3A_1410 : vector<16xf32>
          %sub3A_1412 = arith.subf %add3A_1380, %sub3A_1399 : vector<16xf32>
          %masked_sort3A = arith.constant dense<true> : vector<16xi1>
          %masked_sort3A_1413, %masked_sort3A_1414, %masked_sort3A_1415 = tpu.sort %sub3A_1412, %add3A_1375 masked %masked_sort3A {descending = true} : (vector<16xf32>, vector<16xi32>, vector<16xi1>) -> (vector<16xi1>, vector<16xf32>, vector<16xi32>)
          %lt3A_1416 = arith.cmpf olt, %masked_sort3A_1414, %scan3A_1330 : vector<16xf32>
          %select_n3A_1417 = arith.select %lt3A_1416, %masked_sort3A_1414, %scan3A_1330 : vector<16xi1>, vector<16xf32>
          %select_n3A_1418 = arith.select %lt3A_1416, %masked_sort3A_1415, %scan3A_1346 : vector<16xi1>, vector<16xi32>
          %masked_sort3A_1419 = arith.constant dense<true> : vector<16xi1>
          %masked_sort3A_1420, %masked_sort3A_1421, %masked_sort3A_1422 = tpu.sort %select_n3A_1417, %select_n3A_1418 masked %masked_sort3A_1419 : (vector<16xf32>, vector<16xi32>, vector<16xi1>) -> (vector<16xi1>, vector<16xf32>, vector<16xi32>)
          %sub3A_1423 = arith.subf %add3A_1380, %sub3A_1403 : vector<16xf32>
          %masked_sort3A_1424 = arith.constant dense<true> : vector<16xi1>
          %masked_sort3A_1425, %masked_sort3A_1426, %masked_sort3A_1427 = tpu.sort %sub3A_1423, %add3A_1375 masked %masked_sort3A_1424 {descending = true} : (vector<16xf32>, vector<16xi32>, vector<16xi1>) -> (vector<16xi1>, vector<16xf32>, vector<16xi32>)
          %lt3A_1428 = arith.cmpf olt, %masked_sort3A_1426, %scan3A_1331 : vector<16xf32>
          %select_n3A_1429 = arith.select %lt3A_1428, %masked_sort3A_1426, %scan3A_1331 : vector<16xi1>, vector<16xf32>
          %select_n3A_1430 = arith.select %lt3A_1428, %masked_sort3A_1427, %scan3A_1347 : vector<16xi1>, vector<16xi32>
          %masked_sort3A_1431 = arith.constant dense<true> : vector<16xi1>
          %masked_sort3A_1432, %masked_sort3A_1433, %masked_sort3A_1434 = tpu.sort %select_n3A_1429, %select_n3A_1430 masked %masked_sort3A_1431 : (vector<16xf32>, vector<16xi32>, vector<16xi1>) -> (vector<16xi1>, vector<16xf32>, vector<16xi32>)
          %sub3A_1435 = arith.subf %add3A_1380, %sub3A_1407 : vector<16xf32>
          %masked_sort3A_1436 = arith.constant dense<true> : vector<16xi1>
          %masked_sort3A_1437, %masked_sort3A_1438, %masked_sort3A_1439 = tpu.sort %sub3A_1435, %add3A_1375 masked %masked_sort3A_1436 {descending = true} : (vector<16xf32>, vector<16xi32>, vector<16xi1>) -> (vector<16xi1>, vector<16xf32>, vector<16xi32>)
          %lt3A_1440 = arith.cmpf olt, %masked_sort3A_1438, %scan3A_1332 : vector<16xf32>
          %select_n3A_1441 = arith.select %lt3A_1440, %masked_sort3A_1438, %scan3A_1332 : vector<16xi1>, vector<16xf32>
          %select_n3A_1442 = arith.select %lt3A_1440, %masked_sort3A_1439, %scan3A_1348 : vector<16xi1>, vector<16xi32>
          %masked_sort3A_1443 = arith.constant dense<true> : vector<16xi1>
          %masked_sort3A_1444, %masked_sort3A_1445, %masked_sort3A_1446 = tpu.sort %select_n3A_1441, %select_n3A_1442 masked %masked_sort3A_1443 : (vector<16xf32>, vector<16xi32>, vector<16xi1>) -> (vector<16xi1>, vector<16xf32>, vector<16xi32>)
          %sub3A_1447 = arith.subf %add3A_1380, %sub3A_1411 : vector<16xf32>
          %masked_sort3A_1448 = arith.constant dense<true> : vector<16xi1>
          %masked_sort3A_1449, %masked_sort3A_1450, %masked_sort3A_1451 = tpu.sort %sub3A_1447, %add3A_1375 masked %masked_sort3A_1448 {descending = true} : (vector<16xf32>, vector<16xi32>, vector<16xi1>) -> (vector<16xi1>, vector<16xf32>, vector<16xi32>)
          %lt3A_1452 = arith.cmpf olt, %masked_sort3A_1450, %scan3A_1333 : vector<16xf32>
          %select_n3A_1453 = arith.select %lt3A_1452, %masked_sort3A_1450, %scan3A_1333 : vector<16xi1>, vector<16xf32>
          %select_n3A_1454 = arith.select %lt3A_1452, %masked_sort3A_1451, %scan3A_1349 : vector<16xi1>, vector<16xi32>
          %masked_sort3A_1455 = arith.constant dense<true> : vector<16xi1>
          %masked_sort3A_1456, %masked_sort3A_1457, %masked_sort3A_1458 = tpu.sort %select_n3A_1453, %select_n3A_1454 masked %masked_sort3A_1455 : (vector<16xf32>, vector<16xi32>, vector<16xi1>) -> (vector<16xi1>, vector<16xf32>, vector<16xi32>)
          %sub3A_1459 = arith.subf %add3A_1385, %sub3A_1399 : vector<16xf32>
          %masked_sort3A_1460 = arith.constant dense<true> : vector<16xi1>
          %masked_sort3A_1461, %masked_sort3A_1462, %masked_sort3A_1463 = tpu.sort %sub3A_1459, %add3A_1375 masked %masked_sort3A_1460 {descending = true} : (vector<16xf32>, vector<16xi32>, vector<16xi1>) -> (vector<16xi1>, vector<16xf32>, vector<16xi32>)
          %lt3A_1464 = arith.cmpf olt, %masked_sort3A_1462, %scan3A_1334 : vector<16xf32>
          %select_n3A_1465 = arith.select %lt3A_1464, %masked_sort3A_1462, %scan3A_1334 : vector<16xi1>, vector<16xf32>
          %select_n3A_1466 = arith.select %lt3A_1464, %masked_sort3A_1463, %scan3A_1350 : vector<16xi1>, vector<16xi32>
          %masked_sort3A_1467 = arith.constant dense<true> : vector<16xi1>
          %masked_sort3A_1468, %masked_sort3A_1469, %masked_sort3A_1470 = tpu.sort %select_n3A_1465, %select_n3A_1466 masked %masked_sort3A_1467 : (vector<16xf32>, vector<16xi32>, vector<16xi1>) -> (vector<16xi1>, vector<16xf32>, vector<16xi32>)
          %sub3A_1471 = arith.subf %add3A_1385, %sub3A_1403 : vector<16xf32>
          %masked_sort3A_1472 = arith.constant dense<true> : vector<16xi1>
          %masked_sort3A_1473, %masked_sort3A_1474, %masked_sort3A_1475 = tpu.sort %sub3A_1471, %add3A_1375 masked %masked_sort3A_1472 {descending = true} : (vector<16xf32>, vector<16xi32>, vector<16xi1>) -> (vector<16xi1>, vector<16xf32>, vector<16xi32>)
          %lt3A_1476 = arith.cmpf olt, %masked_sort3A_1474, %scan3A_1335 : vector<16xf32>
          %select_n3A_1477 = arith.select %lt3A_1476, %masked_sort3A_1474, %scan3A_1335 : vector<16xi1>, vector<16xf32>
          %select_n3A_1478 = arith.select %lt3A_1476, %masked_sort3A_1475, %scan3A_1351 : vector<16xi1>, vector<16xi32>
          %masked_sort3A_1479 = arith.constant dense<true> : vector<16xi1>
          %masked_sort3A_1480, %masked_sort3A_1481, %masked_sort3A_1482 = tpu.sort %select_n3A_1477, %select_n3A_1478 masked %masked_sort3A_1479 : (vector<16xf32>, vector<16xi32>, vector<16xi1>) -> (vector<16xi1>, vector<16xf32>, vector<16xi32>)
          %sub3A_1483 = arith.subf %add3A_1385, %sub3A_1407 : vector<16xf32>
          %masked_sort3A_1484 = arith.constant dense<true> : vector<16xi1>
          %masked_sort3A_1485, %masked_sort3A_1486, %masked_sort3A_1487 = tpu.sort %sub3A_1483, %add3A_1375 masked %masked_sort3A_1484 {descending = true} : (vector<16xf32>, vector<16xi32>, vector<16xi1>) -> (vector<16xi1>, vector<16xf32>, vector<16xi32>)
          %lt3A_1488 = arith.cmpf olt, %masked_sort3A_1486, %scan3A_1336 : vector<16xf32>
          %select_n3A_1489 = arith.select %lt3A_1488, %masked_sort3A_1486, %scan3A_1336 : vector<16xi1>, vector<16xf32>
          %select_n3A_1490 = arith.select %lt3A_1488, %masked_sort3A_1487, %scan3A_1352 : vector<16xi1>, vector<16xi32>
          %masked_sort3A_1491 = arith.constant dense<true> : vector<16xi1>
          %masked_sort3A_1492, %masked_sort3A_1493, %masked_sort3A_1494 = tpu.sort %select_n3A_1489, %select_n3A_1490 masked %masked_sort3A_1491 : (vector<16xf32>, vector<16xi32>, vector<16xi1>) -> (vector<16xi1>, vector<16xf32>, vector<16xi32>)
          %sub3A_1495 = arith.subf %add3A_1385, %sub3A_1411 : vector<16xf32>
          %masked_sort3A_1496 = arith.constant dense<true> : vector<16xi1>
          %masked_sort3A_1497, %masked_sort3A_1498, %masked_sort3A_1499 = tpu.sort %sub3A_1495, %add3A_1375 masked %masked_sort3A_1496 {descending = true} : (vector<16xf32>, vector<16xi32>, vector<16xi1>) -> (vector<16xi1>, vector<16xf32>, vector<16xi32>)
          %lt3A_1500 = arith.cmpf olt, %masked_sort3A_1498, %scan3A_1337 : vector<16xf32>
          %select_n3A_1501 = arith.select %lt3A_1500, %masked_sort3A_1498, %scan3A_1337 : vector<16xi1>, vector<16xf32>
          %select_n3A_1502 = arith.select %lt3A_1500, %masked_sort3A_1499, %scan3A_1353 : vector<16xi1>, vector<16xi32>
          %masked_sort3A_1503 = arith.constant dense<true> : vector<16xi1>
          %masked_sort3A_1504, %masked_sort3A_1505, %masked_sort3A_1506 = tpu.sort %select_n3A_1501, %select_n3A_1502 masked %masked_sort3A_1503 : (vector<16xf32>, vector<16xi32>, vector<16xi1>) -> (vector<16xi1>, vector<16xf32>, vector<16xi32>)
          %sub3A_1507 = arith.subf %add3A_1390, %sub3A_1399 : vector<16xf32>
          %masked_sort3A_1508 = arith.constant dense<true> : vector<16xi1>
          %masked_sort3A_1509, %masked_sort3A_1510, %masked_sort3A_1511 = tpu.sort %sub3A_1507, %add3A_1375 masked %masked_sort3A_1508 {descending = true} : (vector<16xf32>, vector<16xi32>, vector<16xi1>) -> (vector<16xi1>, vector<16xf32>, vector<16xi32>)
          %lt3A_1512 = arith.cmpf olt, %masked_sort3A_1510, %scan3A_1338 : vector<16xf32>
          %select_n3A_1513 = arith.select %lt3A_1512, %masked_sort3A_1510, %scan3A_1338 : vector<16xi1>, vector<16xf32>
          %select_n3A_1514 = arith.select %lt3A_1512, %masked_sort3A_1511, %scan3A_1354 : vector<16xi1>, vector<16xi32>
          %masked_sort3A_1515 = arith.constant dense<true> : vector<16xi1>
          %masked_sort3A_1516, %masked_sort3A_1517, %masked_sort3A_1518 = tpu.sort %select_n3A_1513, %select_n3A_1514 masked %masked_sort3A_1515 : (vector<16xf32>, vector<16xi32>, vector<16xi1>) -> (vector<16xi1>, vector<16xf32>, vector<16xi32>)
          %sub3A_1519 = arith.subf %add3A_1390, %sub3A_1403 : vector<16xf32>
          %masked_sort3A_1520 = arith.constant dense<true> : vector<16xi1>
          %masked_sort3A_1521, %masked_sort3A_1522, %masked_sort3A_1523 = tpu.sort %sub3A_1519, %add3A_1375 masked %masked_sort3A_1520 {descending = true} : (vector<16xf32>, vector<16xi32>, vector<16xi1>) -> (vector<16xi1>, vector<16xf32>, vector<16xi32>)
          %lt3A_1524 = arith.cmpf olt, %masked_sort3A_1522, %scan3A_1339 : vector<16xf32>
          %select_n3A_1525 = arith.select %lt3A_1524, %masked_sort3A_1522, %scan3A_1339 : vector<16xi1>, vector<16xf32>
          %select_n3A_1526 = arith.select %lt3A_1524, %masked_sort3A_1523, %scan3A_1355 : vector<16xi1>, vector<16xi32>
          %masked_sort3A_1527 = arith.constant dense<true> : vector<16xi1>
          %masked_sort3A_1528, %masked_sort3A_1529, %masked_sort3A_1530 = tpu.sort %select_n3A_1525, %select_n3A_1526 masked %masked_sort3A_1527 : (vector<16xf32>, vector<16xi32>, vector<16xi1>) -> (vector<16xi1>, vector<16xf32>, vector<16xi32>)
          %sub3A_1531 = arith.subf %add3A_1390, %sub3A_1407 : vector<16xf32>
          %masked_sort3A_1532 = arith.constant dense<true> : vector<16xi1>
          %masked_sort3A_1533, %masked_sort3A_1534, %masked_sort3A_1535 = tpu.sort %sub3A_1531, %add3A_1375 masked %masked_sort3A_1532 {descending = true} : (vector<16xf32>, vector<16xi32>, vector<16xi1>) -> (vector<16xi1>, vector<16xf32>, vector<16xi32>)
          %lt3A_1536 = arith.cmpf olt, %masked_sort3A_1534, %scan3A_1340 : vector<16xf32>
          %select_n3A_1537 = arith.select %lt3A_1536, %masked_sort3A_1534, %scan3A_1340 : vector<16xi1>, vector<16xf32>
          %select_n3A_1538 = arith.select %lt3A_1536, %masked_sort3A_1535, %scan3A_1356 : vector<16xi1>, vector<16xi32>
          %masked_sort3A_1539 = arith.constant dense<true> : vector<16xi1>
          %masked_sort3A_1540, %masked_sort3A_1541, %masked_sort3A_1542 = tpu.sort %select_n3A_1537, %select_n3A_1538 masked %masked_sort3A_1539 : (vector<16xf32>, vector<16xi32>, vector<16xi1>) -> (vector<16xi1>, vector<16xf32>, vector<16xi32>)
          %sub3A_1543 = arith.subf %add3A_1390, %sub3A_1411 : vector<16xf32>
          %masked_sort3A_1544 = arith.constant dense<true> : vector<16xi1>
          %masked_sort3A_1545, %masked_sort3A_1546, %masked_sort3A_1547 = tpu.sort %sub3A_1543, %add3A_1375 masked %masked_sort3A_1544 {descending = true} : (vector<16xf32>, vector<16xi32>, vector<16xi1>) -> (vector<16xi1>, vector<16xf32>, vector<16xi32>)
          %lt3A_1548 = arith.cmpf olt, %masked_sort3A_1546, %scan3A_1341 : vector<16xf32>
          %select_n3A_1549 = arith.select %lt3A_1548, %masked_sort3A_1546, %scan3A_1341 : vector<16xi1>, vector<16xf32>
          %select_n3A_1550 = arith.select %lt3A_1548, %masked_sort3A_1547, %scan3A_1357 : vector<16xi1>, vector<16xi32>
          %masked_sort3A_1551 = arith.constant dense<true> : vector<16xi1>
          %masked_sort3A_1552, %masked_sort3A_1553, %masked_sort3A_1554 = tpu.sort %select_n3A_1549, %select_n3A_1550 masked %masked_sort3A_1551 : (vector<16xf32>, vector<16xi32>, vector<16xi1>) -> (vector<16xi1>, vector<16xf32>, vector<16xi32>)
          %sub3A_1555 = arith.subf %add3A_1395, %sub3A_1399 : vector<16xf32>
          %masked_sort3A_1556 = arith.constant dense<true> : vector<16xi1>
          %masked_sort3A_1557, %masked_sort3A_1558, %masked_sort3A_1559 = tpu.sort %sub3A_1555, %add3A_1375 masked %masked_sort3A_1556 {descending = true} : (vector<16xf32>, vector<16xi32>, vector<16xi1>) -> (vector<16xi1>, vector<16xf32>, vector<16xi32>)
          %lt3A_1560 = arith.cmpf olt, %masked_sort3A_1558, %scan3A_1342 : vector<16xf32>
          %select_n3A_1561 = arith.select %lt3A_1560, %masked_sort3A_1558, %scan3A_1342 : vector<16xi1>, vector<16xf32>
          %select_n3A_1562 = arith.select %lt3A_1560, %masked_sort3A_1559, %scan3A_1358 : vector<16xi1>, vector<16xi32>
          %masked_sort3A_1563 = arith.constant dense<true> : vector<16xi1>
          %masked_sort3A_1564, %masked_sort3A_1565, %masked_sort3A_1566 = tpu.sort %select_n3A_1561, %select_n3A_1562 masked %masked_sort3A_1563 : (vector<16xf32>, vector<16xi32>, vector<16xi1>) -> (vector<16xi1>, vector<16xf32>, vector<16xi32>)
          %sub3A_1567 = arith.subf %add3A_1395, %sub3A_1403 : vector<16xf32>
          %masked_sort3A_1568 = arith.constant dense<true> : vector<16xi1>
          %masked_sort3A_1569, %masked_sort3A_1570, %masked_sort3A_1571 = tpu.sort %sub3A_1567, %add3A_1375 masked %masked_sort3A_1568 {descending = true} : (vector<16xf32>, vector<16xi32>, vector<16xi1>) -> (vector<16xi1>, vector<16xf32>, vector<16xi32>)
          %lt3A_1572 = arith.cmpf olt, %masked_sort3A_1570, %scan3A_1343 : vector<16xf32>
          %select_n3A_1573 = arith.select %lt3A_1572, %masked_sort3A_1570, %scan3A_1343 : vector<16xi1>, vector<16xf32>
          %select_n3A_1574 = arith.select %lt3A_1572, %masked_sort3A_1571, %scan3A_1359 : vector<16xi1>, vector<16xi32>
          %masked_sort3A_1575 = arith.constant dense<true> : vector<16xi1>
          %masked_sort3A_1576, %masked_sort3A_1577, %masked_sort3A_1578 = tpu.sort %select_n3A_1573, %select_n3A_1574 masked %masked_sort3A_1575 : (vector<16xf32>, vector<16xi32>, vector<16xi1>) -> (vector<16xi1>, vector<16xf32>, vector<16xi32>)
          %sub3A_1579 = arith.subf %add3A_1395, %sub3A_1407 : vector<16xf32>
          %masked_sort3A_1580 = arith.constant dense<true> : vector<16xi1>
          %masked_sort3A_1581, %masked_sort3A_1582, %masked_sort3A_1583 = tpu.sort %sub3A_1579, %add3A_1375 masked %masked_sort3A_1580 {descending = true} : (vector<16xf32>, vector<16xi32>, vector<16xi1>) -> (vector<16xi1>, vector<16xf32>, vector<16xi32>)
          %lt3A_1584 = arith.cmpf olt, %masked_sort3A_1582, %scan3A_1344 : vector<16xf32>
          %select_n3A_1585 = arith.select %lt3A_1584, %masked_sort3A_1582, %scan3A_1344 : vector<16xi1>, vector<16xf32>
          %select_n3A_1586 = arith.select %lt3A_1584, %masked_sort3A_1583, %scan3A_1360 : vector<16xi1>, vector<16xi32>
          %masked_sort3A_1587 = arith.constant dense<true> : vector<16xi1>
          %masked_sort3A_1588, %masked_sort3A_1589, %masked_sort3A_1590 = tpu.sort %select_n3A_1585, %select_n3A_1586 masked %masked_sort3A_1587 : (vector<16xf32>, vector<16xi32>, vector<16xi1>) -> (vector<16xi1>, vector<16xf32>, vector<16xi32>)
          %sub3A_1591 = arith.subf %add3A_1395, %sub3A_1411 : vector<16xf32>
          %masked_sort3A_1592 = arith.constant dense<true> : vector<16xi1>
          %masked_sort3A_1593, %masked_sort3A_1594, %masked_sort3A_1595 = tpu.sort %sub3A_1591, %add3A_1375 masked %masked_sort3A_1592 {descending = true} : (vector<16xf32>, vector<16xi32>, vector<16xi1>) -> (vector<16xi1>, vector<16xf32>, vector<16xi32>)
          %lt3A_1596 = arith.cmpf olt, %masked_sort3A_1594, %scan3A_1345 : vector<16xf32>
          %select_n3A_1597 = arith.select %lt3A_1596, %masked_sort3A_1594, %scan3A_1345 : vector<16xi1>, vector<16xf32>
          %select_n3A_1598 = arith.select %lt3A_1596, %masked_sort3A_1595, %scan3A_1361 : vector<16xi1>, vector<16xi32>
          %masked_sort3A_1599 = arith.constant dense<true> : vector<16xi1>
          %masked_sort3A_1600, %masked_sort3A_1601, %masked_sort3A_1602 = tpu.sort %select_n3A_1597, %select_n3A_1598 masked %masked_sort3A_1599 : (vector<16xf32>, vector<16xi32>, vector<16xi1>) -> (vector<16xi1>, vector<16xf32>, vector<16xi32>)
          scf.yield %masked_sort3A_1421, %masked_sort3A_1433, %masked_sort3A_1445, %masked_sort3A_1457, %masked_sort3A_1469, %masked_sort3A_1481, %masked_sort3A_1493, %masked_sort3A_1505, %masked_sort3A_1517, %masked_sort3A_1529, %masked_sort3A_1541, %masked_sort3A_1553, %masked_sort3A_1565, %masked_sort3A_1577, %masked_sort3A_1589, %masked_sort3A_1601, %masked_sort3A_1422, %masked_sort3A_1434, %masked_sort3A_1446, %masked_sort3A_1458, %masked_sort3A_1470, %masked_sort3A_1482, %masked_sort3A_1494, %masked_sort3A_1506, %masked_sort3A_1518, %masked_sort3A_1530, %masked_sort3A_1542, %masked_sort3A_1554, %masked_sort3A_1566, %masked_sort3A_1578, %masked_sort3A_1590, %masked_sort3A_1602 : vector<16xf32>, vector<16xf32>, vector<16xf32>, vector<16xf32>, vector<16xf32>, vector<16xf32>, vector<16xf32>, vector<16xf32>, vector<16xf32>, vector<16xf32>, vector<16xf32>, vector<16xf32>, vector<16xf32>, vector<16xf32>, vector<16xf32>, vector<16xf32>, vector<16xi32>, vector<16xi32>, vector<16xi32>, vector<16xi32>, vector<16xi32>, vector<16xi32>, vector<16xi32>, vector<16xi32>, vector<16xi32>, vector<16xi32>, vector<16xi32>, vector<16xi32>, vector<16xi32>, vector<16xi32>, vector<16xi32>, vector<16xi32>
        }
        %scan3A_1328 = arith.constant 36 : i32
        scf.yield %scan3A_1327#0, %scan3A_1327#1, %scan3A_1327#2, %scan3A_1327#3, %scan3A_1327#4, %scan3A_1327#5, %scan3A_1327#6, %scan3A_1327#7, %scan3A_1327#8, %scan3A_1327#9, %scan3A_1327#10, %scan3A_1327#11, %scan3A_1327#12, %scan3A_1327#13, %scan3A_1327#14, %scan3A_1327#15, %scan3A_1327#16, %scan3A_1327#17, %scan3A_1327#18, %scan3A_1327#19, %scan3A_1327#20, %scan3A_1327#21, %scan3A_1327#22, %scan3A_1327#23, %scan3A_1327#24, %scan3A_1327#25, %scan3A_1327#26, %scan3A_1327#27, %scan3A_1327#28, %scan3A_1327#29, %scan3A_1327#30, %scan3A_1327#31 : vector<16xf32>, vector<16xf32>, vector<16xf32>, vector<16xf32>, vector<16xf32>, vector<16xf32>, vector<16xf32>, vector<16xf32>, vector<16xf32>, vector<16xf32>, vector<16xf32>, vector<16xf32>, vector<16xf32>, vector<16xf32>, vector<16xf32>, vector<16xf32>, vector<16xi32>, vector<16xi32>, vector<16xi32>, vector<16xi32>, vector<16xi32>, vector<16xi32>, vector<16xi32>, vector<16xi32>, vector<16xi32>, vector<16xi32>, vector<16xi32>, vector<16xi32>, vector<16xi32>, vector<16xi32>, vector<16xi32>, vector<16xi32>
      } else {
        scf.yield %scan3A_303#0, %scan3A_303#1, %scan3A_303#2, %scan3A_303#3, %scan3A_303#4, %scan3A_303#5, %scan3A_303#6, %scan3A_303#7, %scan3A_303#8, %scan3A_303#9, %scan3A_303#10, %scan3A_303#11, %scan3A_303#12, %scan3A_303#13, %scan3A_303#14, %scan3A_303#15, %scan3A_303#16, %scan3A_303#17, %scan3A_303#18, %scan3A_303#19, %scan3A_303#20, %scan3A_303#21, %scan3A_303#22, %scan3A_303#23, %scan3A_303#24, %scan3A_303#25, %scan3A_303#26, %scan3A_303#27, %scan3A_303#28, %scan3A_303#29, %scan3A_303#30, %scan3A_303#31 : vector<16xf32>, vector<16xf32>, vector<16xf32>, vector<16xf32>, vector<16xf32>, vector<16xf32>, vector<16xf32>, vector<16xf32>, vector<16xf32>, vector<16xf32>, vector<16xf32>, vector<16xf32>, vector<16xf32>, vector<16xf32>, vector<16xf32>, vector<16xf32>, vector<16xi32>, vector<16xi32>, vector<16xi32>, vector<16xi32>, vector<16xi32>, vector<16xi32>, vector<16xi32>, vector<16xi32>, vector<16xi32>, vector<16xi32>, vector<16xi32>, vector<16xi32>, vector<16xi32>, vector<16xi32>, vector<16xi32>, vector<16xi32>
      }
      %broadcast_in_dim3A_353 = arith.constant 0.000000e+00 : f32
      %broadcast_in_dim3A_354 = vector.broadcast %broadcast_in_dim3A_353 : f32 to vector<16xf32>
      %broadcast_in_dim3A_355 = arith.constant 0.000000e+00 : f32
      %broadcast_in_dim3A_356 = vector.broadcast %broadcast_in_dim3A_355 : f32 to vector<16xf32>
      %gather3A_357 = tpu.vector_load_idx %arg14[%cond3A_352#16] : memref<1024xi32, #tpu.memory_space<vmem>>[vector<16xi32>], vector<16xi32>,
      %select_n3A_358 = arith.select %lt3A_36, %iota3A, %gather3A_357 : vector<16xi1>, vector<16xi32>
      %gather3A_359 = tpu.vector_load_idx %arg16[%select_n3A_358] : memref<1024xf32, #tpu.memory_space<vmem>>[vector<16xi32>], vector<16xf32>,
      %gather3A_360 = tpu.vector_load_idx %arg17[%select_n3A_358] : memref<1024xf32, #tpu.memory_space<vmem>>[vector<16xi32>], vector<16xf32>,
      %reduce_sum3A_361 = arith.constant true
      %reduce_sum3A_362 = vector.broadcast %reduce_sum3A_361 : i1 to vector<16xi1>
      %reduce_sum3A_363 = tpu.scan <sum>, %gather3A_359 masked %reduce_sum3A_362 : vector<16xf32>, vector<16xi1> -> vector<16xf32>
      %reduce_sum3A_364 = vector.extract %reduce_sum3A_363[15] : f32 from vector<16xf32>
      %reduce_sum3A_365 = arith.constant true
      %reduce_sum3A_366 = vector.broadcast %reduce_sum3A_365 : i1 to vector<16xi1>
      %reduce_sum3A_367 = tpu.scan <sum>, %gather3A_360 masked %reduce_sum3A_366 : vector<16xf32>, vector<16xi1> -> vector<16xf32>
      %reduce_sum3A_368 = vector.extract %reduce_sum3A_367[15] : f32 from vector<16xf32>
      %ne3A_369 = arith.constant 0.000000e+00 : f32
      %ne3A_370 = vector.broadcast %ne3A_369 : f32 to vector<16xf32>
      %ne3A_371 = arith.cmpf one, %gather3A_359, %ne3A_370 : vector<16xf32>
      %jit3A_372 = arith.constant 1.000000e+00 : f32
      %jit3A_373 = arith.constant 0.000000e+00 : f32
      %broadcast_in_dim3A_374 = vector.broadcast %jit3A_372 : f32 to vector<16xf32>
      %broadcast_in_dim3A_375 = vector.broadcast %jit3A_373 : f32 to vector<16xf32>
      %select_n3A_376 = arith.select %ne3A_371, %broadcast_in_dim3A_374, %broadcast_in_dim3A_375 : vector<16xi1>, vector<16xf32>
      %reduce_sum3A_377 = arith.constant true
      %reduce_sum3A_378 = vector.broadcast %reduce_sum3A_377 : i1 to vector<16xi1>
      %reduce_sum3A_379 = tpu.scan <sum>, %select_n3A_376 masked %reduce_sum3A_378 : vector<16xf32>, vector<16xi1> -> vector<16xf32>
      %reduce_sum3A_380 = vector.extract %reduce_sum3A_379[15] : f32 from vector<16xf32>
      %ne3A_381 = arith.constant 0.000000e+00 : f32
      %ne3A_382 = vector.broadcast %ne3A_381 : f32 to vector<16xf32>
      %ne3A_383 = arith.cmpf one, %gather3A_360, %ne3A_382 : vector<16xf32>
      %jit3A_384 = arith.constant 1.000000e+00 : f32
      %jit3A_385 = arith.constant 0.000000e+00 : f32
      %broadcast_in_dim3A_386 = vector.broadcast %jit3A_384 : f32 to vector<16xf32>
      %broadcast_in_dim3A_387 = vector.broadcast %jit3A_385 : f32 to vector<16xf32>
      %select_n3A_388 = arith.select %ne3A_383, %broadcast_in_dim3A_386, %broadcast_in_dim3A_387 : vector<16xi1>, vector<16xf32>
      %reduce_sum3A_389 = arith.constant true
      %reduce_sum3A_390 = vector.broadcast %reduce_sum3A_389 : i1 to vector<16xi1>
      %reduce_sum3A_391 = tpu.scan <sum>, %select_n3A_388 masked %reduce_sum3A_390 : vector<16xf32>, vector<16xi1> -> vector<16xf32>
      %reduce_sum3A_392 = vector.extract %reduce_sum3A_391[15] : f32 from vector<16xf32>
      %eq3A_393 = arith.constant 0.000000e+00 : f32
      %eq3A_394 = arith.cmpf oeq, %reduce_sum3A_380, %eq3A_393 : f32
      %jit3A_395 = arith.constant 1.000000e+00 : f32
      %select_n3A_396 = arith.select %eq3A_394, %jit3A_395, %reduce_sum3A_380 : f32
      %eq3A_397 = arith.constant 0.000000e+00 : f32
      %eq3A_398 = arith.cmpf oeq, %reduce_sum3A_392, %eq3A_397 : f32
      %jit3A_399 = arith.constant 1.000000e+00 : f32
      %select_n3A_400 = arith.select %eq3A_398, %jit3A_399, %reduce_sum3A_392 : f32
      %broadcast_in_dim3A_401 = vector.broadcast %reduce_sum3A_364 : f32 to vector<16xf32>
      %broadcast_in_dim3A_402 = vector.broadcast %select_n3A_396 : f32 to vector<16xf32>
      %div3A_403 = arith.divf %broadcast_in_dim3A_401, %broadcast_in_dim3A_402 : vector<16xf32>
      %broadcast_in_dim3A_404 = vector.broadcast %reduce_sum3A_368 : f32 to vector<16xf32>
      %broadcast_in_dim3A_405 = vector.broadcast %select_n3A_400 : f32 to vector<16xf32>
      %div3A_406 = arith.divf %broadcast_in_dim3A_404, %broadcast_in_dim3A_405 : vector<16xf32>
      %eq3A_407 = arith.constant 0 : i32
      %eq3A_408 = vector.broadcast %eq3A_407 : i32 to vector<16xi32>
      %eq3A_409 = arith.cmpi eq, %iota3A, %eq3A_408 : vector<16xi32>
      %select_n3A_410 = arith.select %eq3A_409, %div3A_403, %broadcast_in_dim3A_354 : vector<16xi1>, vector<16xf32>
      %select_n3A_411 = arith.select %eq3A_409, %div3A_406, %broadcast_in_dim3A_356 : vector<16xi1>, vector<16xf32>
      %gather3A_412 = tpu.vector_load_idx %arg14[%cond3A_352#17] : memref<1024xi32, #tpu.memory_space<vmem>>[vector<16xi32>], vector<16xi32>,
      %select_n3A_413 = arith.select %lt3A_36, %iota3A, %gather3A_412 : vector<16xi1>, vector<16xi32>
      %gather3A_414 = tpu.vector_load_idx %arg16[%select_n3A_413] : memref<1024xf32, #tpu.memory_space<vmem>>[vector<16xi32>], vector<16xf32>,
      %gather3A_415 = tpu.vector_load_idx %arg17[%select_n3A_413] : memref<1024xf32, #tpu.memory_space<vmem>>[vector<16xi32>], vector<16xf32>,
      %reduce_sum3A_416 = arith.constant true
      %reduce_sum3A_417 = vector.broadcast %reduce_sum3A_416 : i1 to vector<16xi1>
      %reduce_sum3A_418 = tpu.scan <sum>, %gather3A_414 masked %reduce_sum3A_417 : vector<16xf32>, vector<16xi1> -> vector<16xf32>
      %reduce_sum3A_419 = vector.extract %reduce_sum3A_418[15] : f32 from vector<16xf32>
      %reduce_sum3A_420 = arith.constant true
      %reduce_sum3A_421 = vector.broadcast %reduce_sum3A_420 : i1 to vector<16xi1>
      %reduce_sum3A_422 = tpu.scan <sum>, %gather3A_415 masked %reduce_sum3A_421 : vector<16xf32>, vector<16xi1> -> vector<16xf32>
      %reduce_sum3A_423 = vector.extract %reduce_sum3A_422[15] : f32 from vector<16xf32>
      %ne3A_424 = arith.constant 0.000000e+00 : f32
      %ne3A_425 = vector.broadcast %ne3A_424 : f32 to vector<16xf32>
      %ne3A_426 = arith.cmpf one, %gather3A_414, %ne3A_425 : vector<16xf32>
      %jit3A_427 = arith.constant 1.000000e+00 : f32
      %jit3A_428 = arith.constant 0.000000e+00 : f32
      %broadcast_in_dim3A_429 = vector.broadcast %jit3A_427 : f32 to vector<16xf32>
      %broadcast_in_dim3A_430 = vector.broadcast %jit3A_428 : f32 to vector<16xf32>
      %select_n3A_431 = arith.select %ne3A_426, %broadcast_in_dim3A_429, %broadcast_in_dim3A_430 : vector<16xi1>, vector<16xf32>
      %reduce_sum3A_432 = arith.constant true
      %reduce_sum3A_433 = vector.broadcast %reduce_sum3A_432 : i1 to vector<16xi1>
      %reduce_sum3A_434 = tpu.scan <sum>, %select_n3A_431 masked %reduce_sum3A_433 : vector<16xf32>, vector<16xi1> -> vector<16xf32>
      %reduce_sum3A_435 = vector.extract %reduce_sum3A_434[15] : f32 from vector<16xf32>
      %ne3A_436 = arith.constant 0.000000e+00 : f32
      %ne3A_437 = vector.broadcast %ne3A_436 : f32 to vector<16xf32>
      %ne3A_438 = arith.cmpf one, %gather3A_415, %ne3A_437 : vector<16xf32>
      %jit3A_439 = arith.constant 1.000000e+00 : f32
      %jit3A_440 = arith.constant 0.000000e+00 : f32
      %broadcast_in_dim3A_441 = vector.broadcast %jit3A_439 : f32 to vector<16xf32>
      %broadcast_in_dim3A_442 = vector.broadcast %jit3A_440 : f32 to vector<16xf32>
      %select_n3A_443 = arith.select %ne3A_438, %broadcast_in_dim3A_441, %broadcast_in_dim3A_442 : vector<16xi1>, vector<16xf32>
      %reduce_sum3A_444 = arith.constant true
      %reduce_sum3A_445 = vector.broadcast %reduce_sum3A_444 : i1 to vector<16xi1>
      %reduce_sum3A_446 = tpu.scan <sum>, %select_n3A_443 masked %reduce_sum3A_445 : vector<16xf32>, vector<16xi1> -> vector<16xf32>
      %reduce_sum3A_447 = vector.extract %reduce_sum3A_446[15] : f32 from vector<16xf32>
      %eq3A_448 = arith.constant 0.000000e+00 : f32
      %eq3A_449 = arith.cmpf oeq, %reduce_sum3A_435, %eq3A_448 : f32
      %jit3A_450 = arith.constant 1.000000e+00 : f32
      %select_n3A_451 = arith.select %eq3A_449, %jit3A_450, %reduce_sum3A_435 : f32
      %eq3A_452 = arith.constant 0.000000e+00 : f32
      %eq3A_453 = arith.cmpf oeq, %reduce_sum3A_447, %eq3A_452 : f32
      %jit3A_454 = arith.constant 1.000000e+00 : f32
      %select_n3A_455 = arith.select %eq3A_453, %jit3A_454, %reduce_sum3A_447 : f32
      %broadcast_in_dim3A_456 = vector.broadcast %reduce_sum3A_419 : f32 to vector<16xf32>
      %broadcast_in_dim3A_457 = vector.broadcast %select_n3A_451 : f32 to vector<16xf32>
      %div3A_458 = arith.divf %broadcast_in_dim3A_456, %broadcast_in_dim3A_457 : vector<16xf32>
      %broadcast_in_dim3A_459 = vector.broadcast %reduce_sum3A_423 : f32 to vector<16xf32>
      %broadcast_in_dim3A_460 = vector.broadcast %select_n3A_455 : f32 to vector<16xf32>
      %div3A_461 = arith.divf %broadcast_in_dim3A_459, %broadcast_in_dim3A_460 : vector<16xf32>
      %eq3A_462 = arith.constant 1 : i32
      %eq3A_463 = vector.broadcast %eq3A_462 : i32 to vector<16xi32>
      %eq3A_464 = arith.cmpi eq, %iota3A, %eq3A_463 : vector<16xi32>
      %select_n3A_465 = arith.select %eq3A_464, %div3A_458, %select_n3A_410 : vector<16xi1>, vector<16xf32>
      %select_n3A_466 = arith.select %eq3A_464, %div3A_461, %select_n3A_411 : vector<16xi1>, vector<16xf32>
      %gather3A_467 = tpu.vector_load_idx %arg14[%cond3A_352#18] : memref<1024xi32, #tpu.memory_space<vmem>>[vector<16xi32>], vector<16xi32>,
      %select_n3A_468 = arith.select %lt3A_36, %iota3A, %gather3A_467 : vector<16xi1>, vector<16xi32>
      %gather3A_469 = tpu.vector_load_idx %arg16[%select_n3A_468] : memref<1024xf32, #tpu.memory_space<vmem>>[vector<16xi32>], vector<16xf32>,
      %gather3A_470 = tpu.vector_load_idx %arg17[%select_n3A_468] : memref<1024xf32, #tpu.memory_space<vmem>>[vector<16xi32>], vector<16xf32>,
      %reduce_sum3A_471 = arith.constant true
      %reduce_sum3A_472 = vector.broadcast %reduce_sum3A_471 : i1 to vector<16xi1>
      %reduce_sum3A_473 = tpu.scan <sum>, %gather3A_469 masked %reduce_sum3A_472 : vector<16xf32>, vector<16xi1> -> vector<16xf32>
      %reduce_sum3A_474 = vector.extract %reduce_sum3A_473[15] : f32 from vector<16xf32>
      %reduce_sum3A_475 = arith.constant true
      %reduce_sum3A_476 = vector.broadcast %reduce_sum3A_475 : i1 to vector<16xi1>
      %reduce_sum3A_477 = tpu.scan <sum>, %gather3A_470 masked %reduce_sum3A_476 : vector<16xf32>, vector<16xi1> -> vector<16xf32>
      %reduce_sum3A_478 = vector.extract %reduce_sum3A_477[15] : f32 from vector<16xf32>
      %ne3A_479 = arith.constant 0.000000e+00 : f32
      %ne3A_480 = vector.broadcast %ne3A_479 : f32 to vector<16xf32>
      %ne3A_481 = arith.cmpf one, %gather3A_469, %ne3A_480 : vector<16xf32>
      %jit3A_482 = arith.constant 1.000000e+00 : f32
      %jit3A_483 = arith.constant 0.000000e+00 : f32
      %broadcast_in_dim3A_484 = vector.broadcast %jit3A_482 : f32 to vector<16xf32>
      %broadcast_in_dim3A_485 = vector.broadcast %jit3A_483 : f32 to vector<16xf32>
      %select_n3A_486 = arith.select %ne3A_481, %broadcast_in_dim3A_484, %broadcast_in_dim3A_485 : vector<16xi1>, vector<16xf32>
      %reduce_sum3A_487 = arith.constant true
      %reduce_sum3A_488 = vector.broadcast %reduce_sum3A_487 : i1 to vector<16xi1>
      %reduce_sum3A_489 = tpu.scan <sum>, %select_n3A_486 masked %reduce_sum3A_488 : vector<16xf32>, vector<16xi1> -> vector<16xf32>
      %reduce_sum3A_490 = vector.extract %reduce_sum3A_489[15] : f32 from vector<16xf32>
      %ne3A_491 = arith.constant 0.000000e+00 : f32
      %ne3A_492 = vector.broadcast %ne3A_491 : f32 to vector<16xf32>
      %ne3A_493 = arith.cmpf one, %gather3A_470, %ne3A_492 : vector<16xf32>
      %jit3A_494 = arith.constant 1.000000e+00 : f32
      %jit3A_495 = arith.constant 0.000000e+00 : f32
      %broadcast_in_dim3A_496 = vector.broadcast %jit3A_494 : f32 to vector<16xf32>
      %broadcast_in_dim3A_497 = vector.broadcast %jit3A_495 : f32 to vector<16xf32>
      %select_n3A_498 = arith.select %ne3A_493, %broadcast_in_dim3A_496, %broadcast_in_dim3A_497 : vector<16xi1>, vector<16xf32>
      %reduce_sum3A_499 = arith.constant true
      %reduce_sum3A_500 = vector.broadcast %reduce_sum3A_499 : i1 to vector<16xi1>
      %reduce_sum3A_501 = tpu.scan <sum>, %select_n3A_498 masked %reduce_sum3A_500 : vector<16xf32>, vector<16xi1> -> vector<16xf32>
      %reduce_sum3A_502 = vector.extract %reduce_sum3A_501[15] : f32 from vector<16xf32>
      %eq3A_503 = arith.constant 0.000000e+00 : f32
      %eq3A_504 = arith.cmpf oeq, %reduce_sum3A_490, %eq3A_503 : f32
      %jit3A_505 = arith.constant 1.000000e+00 : f32
      %select_n3A_506 = arith.select %eq3A_504, %jit3A_505, %reduce_sum3A_490 : f32
      %eq3A_507 = arith.constant 0.000000e+00 : f32
      %eq3A_508 = arith.cmpf oeq, %reduce_sum3A_502, %eq3A_507 : f32
      %jit3A_509 = arith.constant 1.000000e+00 : f32
      %select_n3A_510 = arith.select %eq3A_508, %jit3A_509, %reduce_sum3A_502 : f32
      %broadcast_in_dim3A_511 = vector.broadcast %reduce_sum3A_474 : f32 to vector<16xf32>
      %broadcast_in_dim3A_512 = vector.broadcast %select_n3A_506 : f32 to vector<16xf32>
      %div3A_513 = arith.divf %broadcast_in_dim3A_511, %broadcast_in_dim3A_512 : vector<16xf32>
      %broadcast_in_dim3A_514 = vector.broadcast %reduce_sum3A_478 : f32 to vector<16xf32>
      %broadcast_in_dim3A_515 = vector.broadcast %select_n3A_510 : f32 to vector<16xf32>
      %div3A_516 = arith.divf %broadcast_in_dim3A_514, %broadcast_in_dim3A_515 : vector<16xf32>
      %eq3A_517 = arith.constant 2 : i32
      %eq3A_518 = vector.broadcast %eq3A_517 : i32 to vector<16xi32>
      %eq3A_519 = arith.cmpi eq, %iota3A, %eq3A_518 : vector<16xi32>
      %select_n3A_520 = arith.select %eq3A_519, %div3A_513, %select_n3A_465 : vector<16xi1>, vector<16xf32>
      %select_n3A_521 = arith.select %eq3A_519, %div3A_516, %select_n3A_466 : vector<16xi1>, vector<16xf32>
      %gather3A_522 = tpu.vector_load_idx %arg14[%cond3A_352#19] : memref<1024xi32, #tpu.memory_space<vmem>>[vector<16xi32>], vector<16xi32>,
      %select_n3A_523 = arith.select %lt3A_36, %iota3A, %gather3A_522 : vector<16xi1>, vector<16xi32>
      %gather3A_524 = tpu.vector_load_idx %arg16[%select_n3A_523] : memref<1024xf32, #tpu.memory_space<vmem>>[vector<16xi32>], vector<16xf32>,
      %gather3A_525 = tpu.vector_load_idx %arg17[%select_n3A_523] : memref<1024xf32, #tpu.memory_space<vmem>>[vector<16xi32>], vector<16xf32>,
      %reduce_sum3A_526 = arith.constant true
      %reduce_sum3A_527 = vector.broadcast %reduce_sum3A_526 : i1 to vector<16xi1>
      %reduce_sum3A_528 = tpu.scan <sum>, %gather3A_524 masked %reduce_sum3A_527 : vector<16xf32>, vector<16xi1> -> vector<16xf32>
      %reduce_sum3A_529 = vector.extract %reduce_sum3A_528[15] : f32 from vector<16xf32>
      %reduce_sum3A_530 = arith.constant true
      %reduce_sum3A_531 = vector.broadcast %reduce_sum3A_530 : i1 to vector<16xi1>
      %reduce_sum3A_532 = tpu.scan <sum>, %gather3A_525 masked %reduce_sum3A_531 : vector<16xf32>, vector<16xi1> -> vector<16xf32>
      %reduce_sum3A_533 = vector.extract %reduce_sum3A_532[15] : f32 from vector<16xf32>
      %ne3A_534 = arith.constant 0.000000e+00 : f32
      %ne3A_535 = vector.broadcast %ne3A_534 : f32 to vector<16xf32>
      %ne3A_536 = arith.cmpf one, %gather3A_524, %ne3A_535 : vector<16xf32>
      %jit3A_537 = arith.constant 1.000000e+00 : f32
      %jit3A_538 = arith.constant 0.000000e+00 : f32
      %broadcast_in_dim3A_539 = vector.broadcast %jit3A_537 : f32 to vector<16xf32>
      %broadcast_in_dim3A_540 = vector.broadcast %jit3A_538 : f32 to vector<16xf32>
      %select_n3A_541 = arith.select %ne3A_536, %broadcast_in_dim3A_539, %broadcast_in_dim3A_540 : vector<16xi1>, vector<16xf32>
      %reduce_sum3A_542 = arith.constant true
      %reduce_sum3A_543 = vector.broadcast %reduce_sum3A_542 : i1 to vector<16xi1>
      %reduce_sum3A_544 = tpu.scan <sum>, %select_n3A_541 masked %reduce_sum3A_543 : vector<16xf32>, vector<16xi1> -> vector<16xf32>
      %reduce_sum3A_545 = vector.extract %reduce_sum3A_544[15] : f32 from vector<16xf32>
      %ne3A_546 = arith.constant 0.000000e+00 : f32
      %ne3A_547 = vector.broadcast %ne3A_546 : f32 to vector<16xf32>
      %ne3A_548 = arith.cmpf one, %gather3A_525, %ne3A_547 : vector<16xf32>
      %jit3A_549 = arith.constant 1.000000e+00 : f32
      %jit3A_550 = arith.constant 0.000000e+00 : f32
      %broadcast_in_dim3A_551 = vector.broadcast %jit3A_549 : f32 to vector<16xf32>
      %broadcast_in_dim3A_552 = vector.broadcast %jit3A_550 : f32 to vector<16xf32>
      %select_n3A_553 = arith.select %ne3A_548, %broadcast_in_dim3A_551, %broadcast_in_dim3A_552 : vector<16xi1>, vector<16xf32>
      %reduce_sum3A_554 = arith.constant true
      %reduce_sum3A_555 = vector.broadcast %reduce_sum3A_554 : i1 to vector<16xi1>
      %reduce_sum3A_556 = tpu.scan <sum>, %select_n3A_553 masked %reduce_sum3A_555 : vector<16xf32>, vector<16xi1> -> vector<16xf32>
      %reduce_sum3A_557 = vector.extract %reduce_sum3A_556[15] : f32 from vector<16xf32>
      %eq3A_558 = arith.constant 0.000000e+00 : f32
      %eq3A_559 = arith.cmpf oeq, %reduce_sum3A_545, %eq3A_558 : f32
      %jit3A_560 = arith.constant 1.000000e+00 : f32
      %select_n3A_561 = arith.select %eq3A_559, %jit3A_560, %reduce_sum3A_545 : f32
      %eq3A_562 = arith.constant 0.000000e+00 : f32
      %eq3A_563 = arith.cmpf oeq, %reduce_sum3A_557, %eq3A_562 : f32
      %jit3A_564 = arith.constant 1.000000e+00 : f32
      %select_n3A_565 = arith.select %eq3A_563, %jit3A_564, %reduce_sum3A_557 : f32
      %broadcast_in_dim3A_566 = vector.broadcast %reduce_sum3A_529 : f32 to vector<16xf32>
      %broadcast_in_dim3A_567 = vector.broadcast %select_n3A_561 : f32 to vector<16xf32>
      %div3A_568 = arith.divf %broadcast_in_dim3A_566, %broadcast_in_dim3A_567 : vector<16xf32>
      %broadcast_in_dim3A_569 = vector.broadcast %reduce_sum3A_533 : f32 to vector<16xf32>
      %broadcast_in_dim3A_570 = vector.broadcast %select_n3A_565 : f32 to vector<16xf32>
      %div3A_571 = arith.divf %broadcast_in_dim3A_569, %broadcast_in_dim3A_570 : vector<16xf32>
      %eq3A_572 = arith.constant 3 : i32
      %eq3A_573 = vector.broadcast %eq3A_572 : i32 to vector<16xi32>
      %eq3A_574 = arith.cmpi eq, %iota3A, %eq3A_573 : vector<16xi32>
      %select_n3A_575 = arith.select %eq3A_574, %div3A_568, %select_n3A_520 : vector<16xi1>, vector<16xf32>
      %select_n3A_576 = arith.select %eq3A_574, %div3A_571, %select_n3A_521 : vector<16xi1>, vector<16xf32>
      %gather3A_577 = tpu.vector_load_idx %arg14[%cond3A_352#20] : memref<1024xi32, #tpu.memory_space<vmem>>[vector<16xi32>], vector<16xi32>,
      %select_n3A_578 = arith.select %lt3A_36, %iota3A, %gather3A_577 : vector<16xi1>, vector<16xi32>
      %gather3A_579 = tpu.vector_load_idx %arg16[%select_n3A_578] : memref<1024xf32, #tpu.memory_space<vmem>>[vector<16xi32>], vector<16xf32>,
      %gather3A_580 = tpu.vector_load_idx %arg17[%select_n3A_578] : memref<1024xf32, #tpu.memory_space<vmem>>[vector<16xi32>], vector<16xf32>,
      %reduce_sum3A_581 = arith.constant true
      %reduce_sum3A_582 = vector.broadcast %reduce_sum3A_581 : i1 to vector<16xi1>
      %reduce_sum3A_583 = tpu.scan <sum>, %gather3A_579 masked %reduce_sum3A_582 : vector<16xf32>, vector<16xi1> -> vector<16xf32>
      %reduce_sum3A_584 = vector.extract %reduce_sum3A_583[15] : f32 from vector<16xf32>
      %reduce_sum3A_585 = arith.constant true
      %reduce_sum3A_586 = vector.broadcast %reduce_sum3A_585 : i1 to vector<16xi1>
      %reduce_sum3A_587 = tpu.scan <sum>, %gather3A_580 masked %reduce_sum3A_586 : vector<16xf32>, vector<16xi1> -> vector<16xf32>
      %reduce_sum3A_588 = vector.extract %reduce_sum3A_587[15] : f32 from vector<16xf32>
      %ne3A_589 = arith.constant 0.000000e+00 : f32
      %ne3A_590 = vector.broadcast %ne3A_589 : f32 to vector<16xf32>
      %ne3A_591 = arith.cmpf one, %gather3A_579, %ne3A_590 : vector<16xf32>
      %jit3A_592 = arith.constant 1.000000e+00 : f32
      %jit3A_593 = arith.constant 0.000000e+00 : f32
      %broadcast_in_dim3A_594 = vector.broadcast %jit3A_592 : f32 to vector<16xf32>
      %broadcast_in_dim3A_595 = vector.broadcast %jit3A_593 : f32 to vector<16xf32>
      %select_n3A_596 = arith.select %ne3A_591, %broadcast_in_dim3A_594, %broadcast_in_dim3A_595 : vector<16xi1>, vector<16xf32>
      %reduce_sum3A_597 = arith.constant true
      %reduce_sum3A_598 = vector.broadcast %reduce_sum3A_597 : i1 to vector<16xi1>
      %reduce_sum3A_599 = tpu.scan <sum>, %select_n3A_596 masked %reduce_sum3A_598 : vector<16xf32>, vector<16xi1> -> vector<16xf32>
      %reduce_sum3A_600 = vector.extract %reduce_sum3A_599[15] : f32 from vector<16xf32>
      %ne3A_601 = arith.constant 0.000000e+00 : f32
      %ne3A_602 = vector.broadcast %ne3A_601 : f32 to vector<16xf32>
      %ne3A_603 = arith.cmpf one, %gather3A_580, %ne3A_602 : vector<16xf32>
      %jit3A_604 = arith.constant 1.000000e+00 : f32
      %jit3A_605 = arith.constant 0.000000e+00 : f32
      %broadcast_in_dim3A_606 = vector.broadcast %jit3A_604 : f32 to vector<16xf32>
      %broadcast_in_dim3A_607 = vector.broadcast %jit3A_605 : f32 to vector<16xf32>
      %select_n3A_608 = arith.select %ne3A_603, %broadcast_in_dim3A_606, %broadcast_in_dim3A_607 : vector<16xi1>, vector<16xf32>
      %reduce_sum3A_609 = arith.constant true
      %reduce_sum3A_610 = vector.broadcast %reduce_sum3A_609 : i1 to vector<16xi1>
      %reduce_sum3A_611 = tpu.scan <sum>, %select_n3A_608 masked %reduce_sum3A_610 : vector<16xf32>, vector<16xi1> -> vector<16xf32>
      %reduce_sum3A_612 = vector.extract %reduce_sum3A_611[15] : f32 from vector<16xf32>
      %eq3A_613 = arith.constant 0.000000e+00 : f32
      %eq3A_614 = arith.cmpf oeq, %reduce_sum3A_600, %eq3A_613 : f32
      %jit3A_615 = arith.constant 1.000000e+00 : f32
      %select_n3A_616 = arith.select %eq3A_614, %jit3A_615, %reduce_sum3A_600 : f32
      %eq3A_617 = arith.constant 0.000000e+00 : f32
      %eq3A_618 = arith.cmpf oeq, %reduce_sum3A_612, %eq3A_617 : f32
      %jit3A_619 = arith.constant 1.000000e+00 : f32
      %select_n3A_620 = arith.select %eq3A_618, %jit3A_619, %reduce_sum3A_612 : f32
      %broadcast_in_dim3A_621 = vector.broadcast %reduce_sum3A_584 : f32 to vector<16xf32>
      %broadcast_in_dim3A_622 = vector.broadcast %select_n3A_616 : f32 to vector<16xf32>
      %div3A_623 = arith.divf %broadcast_in_dim3A_621, %broadcast_in_dim3A_622 : vector<16xf32>
      %broadcast_in_dim3A_624 = vector.broadcast %reduce_sum3A_588 : f32 to vector<16xf32>
      %broadcast_in_dim3A_625 = vector.broadcast %select_n3A_620 : f32 to vector<16xf32>
      %div3A_626 = arith.divf %broadcast_in_dim3A_624, %broadcast_in_dim3A_625 : vector<16xf32>
      %eq3A_627 = arith.constant 4 : i32
      %eq3A_628 = vector.broadcast %eq3A_627 : i32 to vector<16xi32>
      %eq3A_629 = arith.cmpi eq, %iota3A, %eq3A_628 : vector<16xi32>
      %select_n3A_630 = arith.select %eq3A_629, %div3A_623, %select_n3A_575 : vector<16xi1>, vector<16xf32>
      %select_n3A_631 = arith.select %eq3A_629, %div3A_626, %select_n3A_576 : vector<16xi1>, vector<16xf32>
      %gather3A_632 = tpu.vector_load_idx %arg14[%cond3A_352#21] : memref<1024xi32, #tpu.memory_space<vmem>>[vector<16xi32>], vector<16xi32>,
      %select_n3A_633 = arith.select %lt3A_36, %iota3A, %gather3A_632 : vector<16xi1>, vector<16xi32>
      %gather3A_634 = tpu.vector_load_idx %arg16[%select_n3A_633] : memref<1024xf32, #tpu.memory_space<vmem>>[vector<16xi32>], vector<16xf32>,
      %gather3A_635 = tpu.vector_load_idx %arg17[%select_n3A_633] : memref<1024xf32, #tpu.memory_space<vmem>>[vector<16xi32>], vector<16xf32>,
      %reduce_sum3A_636 = arith.constant true
      %reduce_sum3A_637 = vector.broadcast %reduce_sum3A_636 : i1 to vector<16xi1>
      %reduce_sum3A_638 = tpu.scan <sum>, %gather3A_634 masked %reduce_sum3A_637 : vector<16xf32>, vector<16xi1> -> vector<16xf32>
      %reduce_sum3A_639 = vector.extract %reduce_sum3A_638[15] : f32 from vector<16xf32>
      %reduce_sum3A_640 = arith.constant true
      %reduce_sum3A_641 = vector.broadcast %reduce_sum3A_640 : i1 to vector<16xi1>
      %reduce_sum3A_642 = tpu.scan <sum>, %gather3A_635 masked %reduce_sum3A_641 : vector<16xf32>, vector<16xi1> -> vector<16xf32>
      %reduce_sum3A_643 = vector.extract %reduce_sum3A_642[15] : f32 from vector<16xf32>
      %ne3A_644 = arith.constant 0.000000e+00 : f32
      %ne3A_645 = vector.broadcast %ne3A_644 : f32 to vector<16xf32>
      %ne3A_646 = arith.cmpf one, %gather3A_634, %ne3A_645 : vector<16xf32>
      %jit3A_647 = arith.constant 1.000000e+00 : f32
      %jit3A_648 = arith.constant 0.000000e+00 : f32
      %broadcast_in_dim3A_649 = vector.broadcast %jit3A_647 : f32 to vector<16xf32>
      %broadcast_in_dim3A_650 = vector.broadcast %jit3A_648 : f32 to vector<16xf32>
      %select_n3A_651 = arith.select %ne3A_646, %broadcast_in_dim3A_649, %broadcast_in_dim3A_650 : vector<16xi1>, vector<16xf32>
      %reduce_sum3A_652 = arith.constant true
      %reduce_sum3A_653 = vector.broadcast %reduce_sum3A_652 : i1 to vector<16xi1>
      %reduce_sum3A_654 = tpu.scan <sum>, %select_n3A_651 masked %reduce_sum3A_653 : vector<16xf32>, vector<16xi1> -> vector<16xf32>
      %reduce_sum3A_655 = vector.extract %reduce_sum3A_654[15] : f32 from vector<16xf32>
      %ne3A_656 = arith.constant 0.000000e+00 : f32
      %ne3A_657 = vector.broadcast %ne3A_656 : f32 to vector<16xf32>
      %ne3A_658 = arith.cmpf one, %gather3A_635, %ne3A_657 : vector<16xf32>
      %jit3A_659 = arith.constant 1.000000e+00 : f32
      %jit3A_660 = arith.constant 0.000000e+00 : f32
      %broadcast_in_dim3A_661 = vector.broadcast %jit3A_659 : f32 to vector<16xf32>
      %broadcast_in_dim3A_662 = vector.broadcast %jit3A_660 : f32 to vector<16xf32>
      %select_n3A_663 = arith.select %ne3A_658, %broadcast_in_dim3A_661, %broadcast_in_dim3A_662 : vector<16xi1>, vector<16xf32>
      %reduce_sum3A_664 = arith.constant true
      %reduce_sum3A_665 = vector.broadcast %reduce_sum3A_664 : i1 to vector<16xi1>
      %reduce_sum3A_666 = tpu.scan <sum>, %select_n3A_663 masked %reduce_sum3A_665 : vector<16xf32>, vector<16xi1> -> vector<16xf32>
      %reduce_sum3A_667 = vector.extract %reduce_sum3A_666[15] : f32 from vector<16xf32>
      %eq3A_668 = arith.constant 0.000000e+00 : f32
      %eq3A_669 = arith.cmpf oeq, %reduce_sum3A_655, %eq3A_668 : f32
      %jit3A_670 = arith.constant 1.000000e+00 : f32
      %select_n3A_671 = arith.select %eq3A_669, %jit3A_670, %reduce_sum3A_655 : f32
      %eq3A_672 = arith.constant 0.000000e+00 : f32
      %eq3A_673 = arith.cmpf oeq, %reduce_sum3A_667, %eq3A_672 : f32
      %jit3A_674 = arith.constant 1.000000e+00 : f32
      %select_n3A_675 = arith.select %eq3A_673, %jit3A_674, %reduce_sum3A_667 : f32
      %broadcast_in_dim3A_676 = vector.broadcast %reduce_sum3A_639 : f32 to vector<16xf32>
      %broadcast_in_dim3A_677 = vector.broadcast %select_n3A_671 : f32 to vector<16xf32>
      %div3A_678 = arith.divf %broadcast_in_dim3A_676, %broadcast_in_dim3A_677 : vector<16xf32>
      %broadcast_in_dim3A_679 = vector.broadcast %reduce_sum3A_643 : f32 to vector<16xf32>
      %broadcast_in_dim3A_680 = vector.broadcast %select_n3A_675 : f32 to vector<16xf32>
      %div3A_681 = arith.divf %broadcast_in_dim3A_679, %broadcast_in_dim3A_680 : vector<16xf32>
      %eq3A_682 = arith.constant 5 : i32
      %eq3A_683 = vector.broadcast %eq3A_682 : i32 to vector<16xi32>
      %eq3A_684 = arith.cmpi eq, %iota3A, %eq3A_683 : vector<16xi32>
      %select_n3A_685 = arith.select %eq3A_684, %div3A_678, %select_n3A_630 : vector<16xi1>, vector<16xf32>
      %select_n3A_686 = arith.select %eq3A_684, %div3A_681, %select_n3A_631 : vector<16xi1>, vector<16xf32>
      %gather3A_687 = tpu.vector_load_idx %arg14[%cond3A_352#22] : memref<1024xi32, #tpu.memory_space<vmem>>[vector<16xi32>], vector<16xi32>,
      %select_n3A_688 = arith.select %lt3A_36, %iota3A, %gather3A_687 : vector<16xi1>, vector<16xi32>
      %gather3A_689 = tpu.vector_load_idx %arg16[%select_n3A_688] : memref<1024xf32, #tpu.memory_space<vmem>>[vector<16xi32>], vector<16xf32>,
      %gather3A_690 = tpu.vector_load_idx %arg17[%select_n3A_688] : memref<1024xf32, #tpu.memory_space<vmem>>[vector<16xi32>], vector<16xf32>,
      %reduce_sum3A_691 = arith.constant true
      %reduce_sum3A_692 = vector.broadcast %reduce_sum3A_691 : i1 to vector<16xi1>
      %reduce_sum3A_693 = tpu.scan <sum>, %gather3A_689 masked %reduce_sum3A_692 : vector<16xf32>, vector<16xi1> -> vector<16xf32>
      %reduce_sum3A_694 = vector.extract %reduce_sum3A_693[15] : f32 from vector<16xf32>
      %reduce_sum3A_695 = arith.constant true
      %reduce_sum3A_696 = vector.broadcast %reduce_sum3A_695 : i1 to vector<16xi1>
      %reduce_sum3A_697 = tpu.scan <sum>, %gather3A_690 masked %reduce_sum3A_696 : vector<16xf32>, vector<16xi1> -> vector<16xf32>
      %reduce_sum3A_698 = vector.extract %reduce_sum3A_697[15] : f32 from vector<16xf32>
      %ne3A_699 = arith.constant 0.000000e+00 : f32
      %ne3A_700 = vector.broadcast %ne3A_699 : f32 to vector<16xf32>
      %ne3A_701 = arith.cmpf one, %gather3A_689, %ne3A_700 : vector<16xf32>
      %jit3A_702 = arith.constant 1.000000e+00 : f32
      %jit3A_703 = arith.constant 0.000000e+00 : f32
      %broadcast_in_dim3A_704 = vector.broadcast %jit3A_702 : f32 to vector<16xf32>
      %broadcast_in_dim3A_705 = vector.broadcast %jit3A_703 : f32 to vector<16xf32>
      %select_n3A_706 = arith.select %ne3A_701, %broadcast_in_dim3A_704, %broadcast_in_dim3A_705 : vector<16xi1>, vector<16xf32>
      %reduce_sum3A_707 = arith.constant true
      %reduce_sum3A_708 = vector.broadcast %reduce_sum3A_707 : i1 to vector<16xi1>
      %reduce_sum3A_709 = tpu.scan <sum>, %select_n3A_706 masked %reduce_sum3A_708 : vector<16xf32>, vector<16xi1> -> vector<16xf32>
      %reduce_sum3A_710 = vector.extract %reduce_sum3A_709[15] : f32 from vector<16xf32>
      %ne3A_711 = arith.constant 0.000000e+00 : f32
      %ne3A_712 = vector.broadcast %ne3A_711 : f32 to vector<16xf32>
      %ne3A_713 = arith.cmpf one, %gather3A_690, %ne3A_712 : vector<16xf32>
      %jit3A_714 = arith.constant 1.000000e+00 : f32
      %jit3A_715 = arith.constant 0.000000e+00 : f32
      %broadcast_in_dim3A_716 = vector.broadcast %jit3A_714 : f32 to vector<16xf32>
      %broadcast_in_dim3A_717 = vector.broadcast %jit3A_715 : f32 to vector<16xf32>
      %select_n3A_718 = arith.select %ne3A_713, %broadcast_in_dim3A_716, %broadcast_in_dim3A_717 : vector<16xi1>, vector<16xf32>
      %reduce_sum3A_719 = arith.constant true
      %reduce_sum3A_720 = vector.broadcast %reduce_sum3A_719 : i1 to vector<16xi1>
      %reduce_sum3A_721 = tpu.scan <sum>, %select_n3A_718 masked %reduce_sum3A_720 : vector<16xf32>, vector<16xi1> -> vector<16xf32>
      %reduce_sum3A_722 = vector.extract %reduce_sum3A_721[15] : f32 from vector<16xf32>
      %eq3A_723 = arith.constant 0.000000e+00 : f32
      %eq3A_724 = arith.cmpf oeq, %reduce_sum3A_710, %eq3A_723 : f32
      %jit3A_725 = arith.constant 1.000000e+00 : f32
      %select_n3A_726 = arith.select %eq3A_724, %jit3A_725, %reduce_sum3A_710 : f32
      %eq3A_727 = arith.constant 0.000000e+00 : f32
      %eq3A_728 = arith.cmpf oeq, %reduce_sum3A_722, %eq3A_727 : f32
      %jit3A_729 = arith.constant 1.000000e+00 : f32
      %select_n3A_730 = arith.select %eq3A_728, %jit3A_729, %reduce_sum3A_722 : f32
      %broadcast_in_dim3A_731 = vector.broadcast %reduce_sum3A_694 : f32 to vector<16xf32>
      %broadcast_in_dim3A_732 = vector.broadcast %select_n3A_726 : f32 to vector<16xf32>
      %div3A_733 = arith.divf %broadcast_in_dim3A_731, %broadcast_in_dim3A_732 : vector<16xf32>
      %broadcast_in_dim3A_734 = vector.broadcast %reduce_sum3A_698 : f32 to vector<16xf32>
      %broadcast_in_dim3A_735 = vector.broadcast %select_n3A_730 : f32 to vector<16xf32>
      %div3A_736 = arith.divf %broadcast_in_dim3A_734, %broadcast_in_dim3A_735 : vector<16xf32>
      %eq3A_737 = arith.constant 6 : i32
      %eq3A_738 = vector.broadcast %eq3A_737 : i32 to vector<16xi32>
      %eq3A_739 = arith.cmpi eq, %iota3A, %eq3A_738 : vector<16xi32>
      %select_n3A_740 = arith.select %eq3A_739, %div3A_733, %select_n3A_685 : vector<16xi1>, vector<16xf32>
      %select_n3A_741 = arith.select %eq3A_739, %div3A_736, %select_n3A_686 : vector<16xi1>, vector<16xf32>
      %gather3A_742 = tpu.vector_load_idx %arg14[%cond3A_352#23] : memref<1024xi32, #tpu.memory_space<vmem>>[vector<16xi32>], vector<16xi32>,
      %select_n3A_743 = arith.select %lt3A_36, %iota3A, %gather3A_742 : vector<16xi1>, vector<16xi32>
      %gather3A_744 = tpu.vector_load_idx %arg16[%select_n3A_743] : memref<1024xf32, #tpu.memory_space<vmem>>[vector<16xi32>], vector<16xf32>,
      %gather3A_745 = tpu.vector_load_idx %arg17[%select_n3A_743] : memref<1024xf32, #tpu.memory_space<vmem>>[vector<16xi32>], vector<16xf32>,
      %reduce_sum3A_746 = arith.constant true
      %reduce_sum3A_747 = vector.broadcast %reduce_sum3A_746 : i1 to vector<16xi1>
      %reduce_sum3A_748 = tpu.scan <sum>, %gather3A_744 masked %reduce_sum3A_747 : vector<16xf32>, vector<16xi1> -> vector<16xf32>
      %reduce_sum3A_749 = vector.extract %reduce_sum3A_748[15] : f32 from vector<16xf32>
      %reduce_sum3A_750 = arith.constant true
      %reduce_sum3A_751 = vector.broadcast %reduce_sum3A_750 : i1 to vector<16xi1>
      %reduce_sum3A_752 = tpu.scan <sum>, %gather3A_745 masked %reduce_sum3A_751 : vector<16xf32>, vector<16xi1> -> vector<16xf32>
      %reduce_sum3A_753 = vector.extract %reduce_sum3A_752[15] : f32 from vector<16xf32>
      %ne3A_754 = arith.constant 0.000000e+00 : f32
      %ne3A_755 = vector.broadcast %ne3A_754 : f32 to vector<16xf32>
      %ne3A_756 = arith.cmpf one, %gather3A_744, %ne3A_755 : vector<16xf32>
      %jit3A_757 = arith.constant 1.000000e+00 : f32
      %jit3A_758 = arith.constant 0.000000e+00 : f32
      %broadcast_in_dim3A_759 = vector.broadcast %jit3A_757 : f32 to vector<16xf32>
      %broadcast_in_dim3A_760 = vector.broadcast %jit3A_758 : f32 to vector<16xf32>
      %select_n3A_761 = arith.select %ne3A_756, %broadcast_in_dim3A_759, %broadcast_in_dim3A_760 : vector<16xi1>, vector<16xf32>
      %reduce_sum3A_762 = arith.constant true
      %reduce_sum3A_763 = vector.broadcast %reduce_sum3A_762 : i1 to vector<16xi1>
      %reduce_sum3A_764 = tpu.scan <sum>, %select_n3A_761 masked %reduce_sum3A_763 : vector<16xf32>, vector<16xi1> -> vector<16xf32>
      %reduce_sum3A_765 = vector.extract %reduce_sum3A_764[15] : f32 from vector<16xf32>
      %ne3A_766 = arith.constant 0.000000e+00 : f32
      %ne3A_767 = vector.broadcast %ne3A_766 : f32 to vector<16xf32>
      %ne3A_768 = arith.cmpf one, %gather3A_745, %ne3A_767 : vector<16xf32>
      %jit3A_769 = arith.constant 1.000000e+00 : f32
      %jit3A_770 = arith.constant 0.000000e+00 : f32
      %broadcast_in_dim3A_771 = vector.broadcast %jit3A_769 : f32 to vector<16xf32>
      %broadcast_in_dim3A_772 = vector.broadcast %jit3A_770 : f32 to vector<16xf32>
      %select_n3A_773 = arith.select %ne3A_768, %broadcast_in_dim3A_771, %broadcast_in_dim3A_772 : vector<16xi1>, vector<16xf32>
      %reduce_sum3A_774 = arith.constant true
      %reduce_sum3A_775 = vector.broadcast %reduce_sum3A_774 : i1 to vector<16xi1>
      %reduce_sum3A_776 = tpu.scan <sum>, %select_n3A_773 masked %reduce_sum3A_775 : vector<16xf32>, vector<16xi1> -> vector<16xf32>
      %reduce_sum3A_777 = vector.extract %reduce_sum3A_776[15] : f32 from vector<16xf32>
      %eq3A_778 = arith.constant 0.000000e+00 : f32
      %eq3A_779 = arith.cmpf oeq, %reduce_sum3A_765, %eq3A_778 : f32
      %jit3A_780 = arith.constant 1.000000e+00 : f32
      %select_n3A_781 = arith.select %eq3A_779, %jit3A_780, %reduce_sum3A_765 : f32
      %eq3A_782 = arith.constant 0.000000e+00 : f32
      %eq3A_783 = arith.cmpf oeq, %reduce_sum3A_777, %eq3A_782 : f32
      %jit3A_784 = arith.constant 1.000000e+00 : f32
      %select_n3A_785 = arith.select %eq3A_783, %jit3A_784, %reduce_sum3A_777 : f32
      %broadcast_in_dim3A_786 = vector.broadcast %reduce_sum3A_749 : f32 to vector<16xf32>
      %broadcast_in_dim3A_787 = vector.broadcast %select_n3A_781 : f32 to vector<16xf32>
      %div3A_788 = arith.divf %broadcast_in_dim3A_786, %broadcast_in_dim3A_787 : vector<16xf32>
      %broadcast_in_dim3A_789 = vector.broadcast %reduce_sum3A_753 : f32 to vector<16xf32>
      %broadcast_in_dim3A_790 = vector.broadcast %select_n3A_785 : f32 to vector<16xf32>
      %div3A_791 = arith.divf %broadcast_in_dim3A_789, %broadcast_in_dim3A_790 : vector<16xf32>
      %eq3A_792 = arith.constant 7 : i32
      %eq3A_793 = vector.broadcast %eq3A_792 : i32 to vector<16xi32>
      %eq3A_794 = arith.cmpi eq, %iota3A, %eq3A_793 : vector<16xi32>
      %select_n3A_795 = arith.select %eq3A_794, %div3A_788, %select_n3A_740 : vector<16xi1>, vector<16xf32>
      %select_n3A_796 = arith.select %eq3A_794, %div3A_791, %select_n3A_741 : vector<16xi1>, vector<16xf32>
      %gather3A_797 = tpu.vector_load_idx %arg14[%cond3A_352#24] : memref<1024xi32, #tpu.memory_space<vmem>>[vector<16xi32>], vector<16xi32>,
      %select_n3A_798 = arith.select %lt3A_36, %iota3A, %gather3A_797 : vector<16xi1>, vector<16xi32>
      %gather3A_799 = tpu.vector_load_idx %arg16[%select_n3A_798] : memref<1024xf32, #tpu.memory_space<vmem>>[vector<16xi32>], vector<16xf32>,
      %gather3A_800 = tpu.vector_load_idx %arg17[%select_n3A_798] : memref<1024xf32, #tpu.memory_space<vmem>>[vector<16xi32>], vector<16xf32>,
      %reduce_sum3A_801 = arith.constant true
      %reduce_sum3A_802 = vector.broadcast %reduce_sum3A_801 : i1 to vector<16xi1>
      %reduce_sum3A_803 = tpu.scan <sum>, %gather3A_799 masked %reduce_sum3A_802 : vector<16xf32>, vector<16xi1> -> vector<16xf32>
      %reduce_sum3A_804 = vector.extract %reduce_sum3A_803[15] : f32 from vector<16xf32>
      %reduce_sum3A_805 = arith.constant true
      %reduce_sum3A_806 = vector.broadcast %reduce_sum3A_805 : i1 to vector<16xi1>
      %reduce_sum3A_807 = tpu.scan <sum>, %gather3A_800 masked %reduce_sum3A_806 : vector<16xf32>, vector<16xi1> -> vector<16xf32>
      %reduce_sum3A_808 = vector.extract %reduce_sum3A_807[15] : f32 from vector<16xf32>
      %ne3A_809 = arith.constant 0.000000e+00 : f32
      %ne3A_810 = vector.broadcast %ne3A_809 : f32 to vector<16xf32>
      %ne3A_811 = arith.cmpf one, %gather3A_799, %ne3A_810 : vector<16xf32>
      %jit3A_812 = arith.constant 1.000000e+00 : f32
      %jit3A_813 = arith.constant 0.000000e+00 : f32
      %broadcast_in_dim3A_814 = vector.broadcast %jit3A_812 : f32 to vector<16xf32>
      %broadcast_in_dim3A_815 = vector.broadcast %jit3A_813 : f32 to vector<16xf32>
      %select_n3A_816 = arith.select %ne3A_811, %broadcast_in_dim3A_814, %broadcast_in_dim3A_815 : vector<16xi1>, vector<16xf32>
      %reduce_sum3A_817 = arith.constant true
      %reduce_sum3A_818 = vector.broadcast %reduce_sum3A_817 : i1 to vector<16xi1>
      %reduce_sum3A_819 = tpu.scan <sum>, %select_n3A_816 masked %reduce_sum3A_818 : vector<16xf32>, vector<16xi1> -> vector<16xf32>
      %reduce_sum3A_820 = vector.extract %reduce_sum3A_819[15] : f32 from vector<16xf32>
      %ne3A_821 = arith.constant 0.000000e+00 : f32
      %ne3A_822 = vector.broadcast %ne3A_821 : f32 to vector<16xf32>
      %ne3A_823 = arith.cmpf one, %gather3A_800, %ne3A_822 : vector<16xf32>
      %jit3A_824 = arith.constant 1.000000e+00 : f32
      %jit3A_825 = arith.constant 0.000000e+00 : f32
      %broadcast_in_dim3A_826 = vector.broadcast %jit3A_824 : f32 to vector<16xf32>
      %broadcast_in_dim3A_827 = vector.broadcast %jit3A_825 : f32 to vector<16xf32>
      %select_n3A_828 = arith.select %ne3A_823, %broadcast_in_dim3A_826, %broadcast_in_dim3A_827 : vector<16xi1>, vector<16xf32>
      %reduce_sum3A_829 = arith.constant true
      %reduce_sum3A_830 = vector.broadcast %reduce_sum3A_829 : i1 to vector<16xi1>
      %reduce_sum3A_831 = tpu.scan <sum>, %select_n3A_828 masked %reduce_sum3A_830 : vector<16xf32>, vector<16xi1> -> vector<16xf32>
      %reduce_sum3A_832 = vector.extract %reduce_sum3A_831[15] : f32 from vector<16xf32>
      %eq3A_833 = arith.constant 0.000000e+00 : f32
      %eq3A_834 = arith.cmpf oeq, %reduce_sum3A_820, %eq3A_833 : f32
      %jit3A_835 = arith.constant 1.000000e+00 : f32
      %select_n3A_836 = arith.select %eq3A_834, %jit3A_835, %reduce_sum3A_820 : f32
      %eq3A_837 = arith.constant 0.000000e+00 : f32
      %eq3A_838 = arith.cmpf oeq, %reduce_sum3A_832, %eq3A_837 : f32
      %jit3A_839 = arith.constant 1.000000e+00 : f32
      %select_n3A_840 = arith.select %eq3A_838, %jit3A_839, %reduce_sum3A_832 : f32
      %broadcast_in_dim3A_841 = vector.broadcast %reduce_sum3A_804 : f32 to vector<16xf32>
      %broadcast_in_dim3A_842 = vector.broadcast %select_n3A_836 : f32 to vector<16xf32>
      %div3A_843 = arith.divf %broadcast_in_dim3A_841, %broadcast_in_dim3A_842 : vector<16xf32>
      %broadcast_in_dim3A_844 = vector.broadcast %reduce_sum3A_808 : f32 to vector<16xf32>
      %broadcast_in_dim3A_845 = vector.broadcast %select_n3A_840 : f32 to vector<16xf32>
      %div3A_846 = arith.divf %broadcast_in_dim3A_844, %broadcast_in_dim3A_845 : vector<16xf32>
      %eq3A_847 = arith.constant 8 : i32
      %eq3A_848 = vector.broadcast %eq3A_847 : i32 to vector<16xi32>
      %eq3A_849 = arith.cmpi eq, %iota3A, %eq3A_848 : vector<16xi32>
      %select_n3A_850 = arith.select %eq3A_849, %div3A_843, %select_n3A_795 : vector<16xi1>, vector<16xf32>
      %select_n3A_851 = arith.select %eq3A_849, %div3A_846, %select_n3A_796 : vector<16xi1>, vector<16xf32>
      %gather3A_852 = tpu.vector_load_idx %arg14[%cond3A_352#25] : memref<1024xi32, #tpu.memory_space<vmem>>[vector<16xi32>], vector<16xi32>,
      %select_n3A_853 = arith.select %lt3A_36, %iota3A, %gather3A_852 : vector<16xi1>, vector<16xi32>
      %gather3A_854 = tpu.vector_load_idx %arg16[%select_n3A_853] : memref<1024xf32, #tpu.memory_space<vmem>>[vector<16xi32>], vector<16xf32>,
      %gather3A_855 = tpu.vector_load_idx %arg17[%select_n3A_853] : memref<1024xf32, #tpu.memory_space<vmem>>[vector<16xi32>], vector<16xf32>,
      %reduce_sum3A_856 = arith.constant true
      %reduce_sum3A_857 = vector.broadcast %reduce_sum3A_856 : i1 to vector<16xi1>
      %reduce_sum3A_858 = tpu.scan <sum>, %gather3A_854 masked %reduce_sum3A_857 : vector<16xf32>, vector<16xi1> -> vector<16xf32>
      %reduce_sum3A_859 = vector.extract %reduce_sum3A_858[15] : f32 from vector<16xf32>
      %reduce_sum3A_860 = arith.constant true
      %reduce_sum3A_861 = vector.broadcast %reduce_sum3A_860 : i1 to vector<16xi1>
      %reduce_sum3A_862 = tpu.scan <sum>, %gather3A_855 masked %reduce_sum3A_861 : vector<16xf32>, vector<16xi1> -> vector<16xf32>
      %reduce_sum3A_863 = vector.extract %reduce_sum3A_862[15] : f32 from vector<16xf32>
      %ne3A_864 = arith.constant 0.000000e+00 : f32
      %ne3A_865 = vector.broadcast %ne3A_864 : f32 to vector<16xf32>
      %ne3A_866 = arith.cmpf one, %gather3A_854, %ne3A_865 : vector<16xf32>
      %jit3A_867 = arith.constant 1.000000e+00 : f32
      %jit3A_868 = arith.constant 0.000000e+00 : f32
      %broadcast_in_dim3A_869 = vector.broadcast %jit3A_867 : f32 to vector<16xf32>
      %broadcast_in_dim3A_870 = vector.broadcast %jit3A_868 : f32 to vector<16xf32>
      %select_n3A_871 = arith.select %ne3A_866, %broadcast_in_dim3A_869, %broadcast_in_dim3A_870 : vector<16xi1>, vector<16xf32>
      %reduce_sum3A_872 = arith.constant true
      %reduce_sum3A_873 = vector.broadcast %reduce_sum3A_872 : i1 to vector<16xi1>
      %reduce_sum3A_874 = tpu.scan <sum>, %select_n3A_871 masked %reduce_sum3A_873 : vector<16xf32>, vector<16xi1> -> vector<16xf32>
      %reduce_sum3A_875 = vector.extract %reduce_sum3A_874[15] : f32 from vector<16xf32>
      %ne3A_876 = arith.constant 0.000000e+00 : f32
      %ne3A_877 = vector.broadcast %ne3A_876 : f32 to vector<16xf32>
      %ne3A_878 = arith.cmpf one, %gather3A_855, %ne3A_877 : vector<16xf32>
      %jit3A_879 = arith.constant 1.000000e+00 : f32
      %jit3A_880 = arith.constant 0.000000e+00 : f32
      %broadcast_in_dim3A_881 = vector.broadcast %jit3A_879 : f32 to vector<16xf32>
      %broadcast_in_dim3A_882 = vector.broadcast %jit3A_880 : f32 to vector<16xf32>
      %select_n3A_883 = arith.select %ne3A_878, %broadcast_in_dim3A_881, %broadcast_in_dim3A_882 : vector<16xi1>, vector<16xf32>
      %reduce_sum3A_884 = arith.constant true
      %reduce_sum3A_885 = vector.broadcast %reduce_sum3A_884 : i1 to vector<16xi1>
      %reduce_sum3A_886 = tpu.scan <sum>, %select_n3A_883 masked %reduce_sum3A_885 : vector<16xf32>, vector<16xi1> -> vector<16xf32>
      %reduce_sum3A_887 = vector.extract %reduce_sum3A_886[15] : f32 from vector<16xf32>
      %eq3A_888 = arith.constant 0.000000e+00 : f32
      %eq3A_889 = arith.cmpf oeq, %reduce_sum3A_875, %eq3A_888 : f32
      %jit3A_890 = arith.constant 1.000000e+00 : f32
      %select_n3A_891 = arith.select %eq3A_889, %jit3A_890, %reduce_sum3A_875 : f32
      %eq3A_892 = arith.constant 0.000000e+00 : f32
      %eq3A_893 = arith.cmpf oeq, %reduce_sum3A_887, %eq3A_892 : f32
      %jit3A_894 = arith.constant 1.000000e+00 : f32
      %select_n3A_895 = arith.select %eq3A_893, %jit3A_894, %reduce_sum3A_887 : f32
      %broadcast_in_dim3A_896 = vector.broadcast %reduce_sum3A_859 : f32 to vector<16xf32>
      %broadcast_in_dim3A_897 = vector.broadcast %select_n3A_891 : f32 to vector<16xf32>
      %div3A_898 = arith.divf %broadcast_in_dim3A_896, %broadcast_in_dim3A_897 : vector<16xf32>
      %broadcast_in_dim3A_899 = vector.broadcast %reduce_sum3A_863 : f32 to vector<16xf32>
      %broadcast_in_dim3A_900 = vector.broadcast %select_n3A_895 : f32 to vector<16xf32>
      %div3A_901 = arith.divf %broadcast_in_dim3A_899, %broadcast_in_dim3A_900 : vector<16xf32>
      %eq3A_902 = arith.constant 9 : i32
      %eq3A_903 = vector.broadcast %eq3A_902 : i32 to vector<16xi32>
      %eq3A_904 = arith.cmpi eq, %iota3A, %eq3A_903 : vector<16xi32>
      %select_n3A_905 = arith.select %eq3A_904, %div3A_898, %select_n3A_850 : vector<16xi1>, vector<16xf32>
      %select_n3A_906 = arith.select %eq3A_904, %div3A_901, %select_n3A_851 : vector<16xi1>, vector<16xf32>
      %gather3A_907 = tpu.vector_load_idx %arg14[%cond3A_352#26] : memref<1024xi32, #tpu.memory_space<vmem>>[vector<16xi32>], vector<16xi32>,
      %select_n3A_908 = arith.select %lt3A_36, %iota3A, %gather3A_907 : vector<16xi1>, vector<16xi32>
      %gather3A_909 = tpu.vector_load_idx %arg16[%select_n3A_908] : memref<1024xf32, #tpu.memory_space<vmem>>[vector<16xi32>], vector<16xf32>,
      %gather3A_910 = tpu.vector_load_idx %arg17[%select_n3A_908] : memref<1024xf32, #tpu.memory_space<vmem>>[vector<16xi32>], vector<16xf32>,
      %reduce_sum3A_911 = arith.constant true
      %reduce_sum3A_912 = vector.broadcast %reduce_sum3A_911 : i1 to vector<16xi1>
      %reduce_sum3A_913 = tpu.scan <sum>, %gather3A_909 masked %reduce_sum3A_912 : vector<16xf32>, vector<16xi1> -> vector<16xf32>
      %reduce_sum3A_914 = vector.extract %reduce_sum3A_913[15] : f32 from vector<16xf32>
      %reduce_sum3A_915 = arith.constant true
      %reduce_sum3A_916 = vector.broadcast %reduce_sum3A_915 : i1 to vector<16xi1>
      %reduce_sum3A_917 = tpu.scan <sum>, %gather3A_910 masked %reduce_sum3A_916 : vector<16xf32>, vector<16xi1> -> vector<16xf32>
      %reduce_sum3A_918 = vector.extract %reduce_sum3A_917[15] : f32 from vector<16xf32>
      %ne3A_919 = arith.constant 0.000000e+00 : f32
      %ne3A_920 = vector.broadcast %ne3A_919 : f32 to vector<16xf32>
      %ne3A_921 = arith.cmpf one, %gather3A_909, %ne3A_920 : vector<16xf32>
      %jit3A_922 = arith.constant 1.000000e+00 : f32
      %jit3A_923 = arith.constant 0.000000e+00 : f32
      %broadcast_in_dim3A_924 = vector.broadcast %jit3A_922 : f32 to vector<16xf32>
      %broadcast_in_dim3A_925 = vector.broadcast %jit3A_923 : f32 to vector<16xf32>
      %select_n3A_926 = arith.select %ne3A_921, %broadcast_in_dim3A_924, %broadcast_in_dim3A_925 : vector<16xi1>, vector<16xf32>
      %reduce_sum3A_927 = arith.constant true
      %reduce_sum3A_928 = vector.broadcast %reduce_sum3A_927 : i1 to vector<16xi1>
      %reduce_sum3A_929 = tpu.scan <sum>, %select_n3A_926 masked %reduce_sum3A_928 : vector<16xf32>, vector<16xi1> -> vector<16xf32>
      %reduce_sum3A_930 = vector.extract %reduce_sum3A_929[15] : f32 from vector<16xf32>
      %ne3A_931 = arith.constant 0.000000e+00 : f32
      %ne3A_932 = vector.broadcast %ne3A_931 : f32 to vector<16xf32>
      %ne3A_933 = arith.cmpf one, %gather3A_910, %ne3A_932 : vector<16xf32>
      %jit3A_934 = arith.constant 1.000000e+00 : f32
      %jit3A_935 = arith.constant 0.000000e+00 : f32
      %broadcast_in_dim3A_936 = vector.broadcast %jit3A_934 : f32 to vector<16xf32>
      %broadcast_in_dim3A_937 = vector.broadcast %jit3A_935 : f32 to vector<16xf32>
      %select_n3A_938 = arith.select %ne3A_933, %broadcast_in_dim3A_936, %broadcast_in_dim3A_937 : vector<16xi1>, vector<16xf32>
      %reduce_sum3A_939 = arith.constant true
      %reduce_sum3A_940 = vector.broadcast %reduce_sum3A_939 : i1 to vector<16xi1>
      %reduce_sum3A_941 = tpu.scan <sum>, %select_n3A_938 masked %reduce_sum3A_940 : vector<16xf32>, vector<16xi1> -> vector<16xf32>
      %reduce_sum3A_942 = vector.extract %reduce_sum3A_941[15] : f32 from vector<16xf32>
      %eq3A_943 = arith.constant 0.000000e+00 : f32
      %eq3A_944 = arith.cmpf oeq, %reduce_sum3A_930, %eq3A_943 : f32
      %jit3A_945 = arith.constant 1.000000e+00 : f32
      %select_n3A_946 = arith.select %eq3A_944, %jit3A_945, %reduce_sum3A_930 : f32
      %eq3A_947 = arith.constant 0.000000e+00 : f32
      %eq3A_948 = arith.cmpf oeq, %reduce_sum3A_942, %eq3A_947 : f32
      %jit3A_949 = arith.constant 1.000000e+00 : f32
      %select_n3A_950 = arith.select %eq3A_948, %jit3A_949, %reduce_sum3A_942 : f32
      %broadcast_in_dim3A_951 = vector.broadcast %reduce_sum3A_914 : f32 to vector<16xf32>
      %broadcast_in_dim3A_952 = vector.broadcast %select_n3A_946 : f32 to vector<16xf32>
      %div3A_953 = arith.divf %broadcast_in_dim3A_951, %broadcast_in_dim3A_952 : vector<16xf32>
      %broadcast_in_dim3A_954 = vector.broadcast %reduce_sum3A_918 : f32 to vector<16xf32>
      %broadcast_in_dim3A_955 = vector.broadcast %select_n3A_950 : f32 to vector<16xf32>
      %div3A_956 = arith.divf %broadcast_in_dim3A_954, %broadcast_in_dim3A_955 : vector<16xf32>
      %eq3A_957 = arith.constant 10 : i32
      %eq3A_958 = vector.broadcast %eq3A_957 : i32 to vector<16xi32>
      %eq3A_959 = arith.cmpi eq, %iota3A, %eq3A_958 : vector<16xi32>
      %select_n3A_960 = arith.select %eq3A_959, %div3A_953, %select_n3A_905 : vector<16xi1>, vector<16xf32>
      %select_n3A_961 = arith.select %eq3A_959, %div3A_956, %select_n3A_906 : vector<16xi1>, vector<16xf32>
      %gather3A_962 = tpu.vector_load_idx %arg14[%cond3A_352#27] : memref<1024xi32, #tpu.memory_space<vmem>>[vector<16xi32>], vector<16xi32>,
      %select_n3A_963 = arith.select %lt3A_36, %iota3A, %gather3A_962 : vector<16xi1>, vector<16xi32>
      %gather3A_964 = tpu.vector_load_idx %arg16[%select_n3A_963] : memref<1024xf32, #tpu.memory_space<vmem>>[vector<16xi32>], vector<16xf32>,
      %gather3A_965 = tpu.vector_load_idx %arg17[%select_n3A_963] : memref<1024xf32, #tpu.memory_space<vmem>>[vector<16xi32>], vector<16xf32>,
      %reduce_sum3A_966 = arith.constant true
      %reduce_sum3A_967 = vector.broadcast %reduce_sum3A_966 : i1 to vector<16xi1>
      %reduce_sum3A_968 = tpu.scan <sum>, %gather3A_964 masked %reduce_sum3A_967 : vector<16xf32>, vector<16xi1> -> vector<16xf32>
      %reduce_sum3A_969 = vector.extract %reduce_sum3A_968[15] : f32 from vector<16xf32>
      %reduce_sum3A_970 = arith.constant true
      %reduce_sum3A_971 = vector.broadcast %reduce_sum3A_970 : i1 to vector<16xi1>
      %reduce_sum3A_972 = tpu.scan <sum>, %gather3A_965 masked %reduce_sum3A_971 : vector<16xf32>, vector<16xi1> -> vector<16xf32>
      %reduce_sum3A_973 = vector.extract %reduce_sum3A_972[15] : f32 from vector<16xf32>
      %ne3A_974 = arith.constant 0.000000e+00 : f32
      %ne3A_975 = vector.broadcast %ne3A_974 : f32 to vector<16xf32>
      %ne3A_976 = arith.cmpf one, %gather3A_964, %ne3A_975 : vector<16xf32>
      %jit3A_977 = arith.constant 1.000000e+00 : f32
      %jit3A_978 = arith.constant 0.000000e+00 : f32
      %broadcast_in_dim3A_979 = vector.broadcast %jit3A_977 : f32 to vector<16xf32>
      %broadcast_in_dim3A_980 = vector.broadcast %jit3A_978 : f32 to vector<16xf32>
      %select_n3A_981 = arith.select %ne3A_976, %broadcast_in_dim3A_979, %broadcast_in_dim3A_980 : vector<16xi1>, vector<16xf32>
      %reduce_sum3A_982 = arith.constant true
      %reduce_sum3A_983 = vector.broadcast %reduce_sum3A_982 : i1 to vector<16xi1>
      %reduce_sum3A_984 = tpu.scan <sum>, %select_n3A_981 masked %reduce_sum3A_983 : vector<16xf32>, vector<16xi1> -> vector<16xf32>
      %reduce_sum3A_985 = vector.extract %reduce_sum3A_984[15] : f32 from vector<16xf32>
      %ne3A_986 = arith.constant 0.000000e+00 : f32
      %ne3A_987 = vector.broadcast %ne3A_986 : f32 to vector<16xf32>
      %ne3A_988 = arith.cmpf one, %gather3A_965, %ne3A_987 : vector<16xf32>
      %jit3A_989 = arith.constant 1.000000e+00 : f32
      %jit3A_990 = arith.constant 0.000000e+00 : f32
      %broadcast_in_dim3A_991 = vector.broadcast %jit3A_989 : f32 to vector<16xf32>
      %broadcast_in_dim3A_992 = vector.broadcast %jit3A_990 : f32 to vector<16xf32>
      %select_n3A_993 = arith.select %ne3A_988, %broadcast_in_dim3A_991, %broadcast_in_dim3A_992 : vector<16xi1>, vector<16xf32>
      %reduce_sum3A_994 = arith.constant true
      %reduce_sum3A_995 = vector.broadcast %reduce_sum3A_994 : i1 to vector<16xi1>
      %reduce_sum3A_996 = tpu.scan <sum>, %select_n3A_993 masked %reduce_sum3A_995 : vector<16xf32>, vector<16xi1> -> vector<16xf32>
      %reduce_sum3A_997 = vector.extract %reduce_sum3A_996[15] : f32 from vector<16xf32>
      %eq3A_998 = arith.constant 0.000000e+00 : f32
      %eq3A_999 = arith.cmpf oeq, %reduce_sum3A_985, %eq3A_998 : f32
      %jit3A_1000 = arith.constant 1.000000e+00 : f32
      %select_n3A_1001 = arith.select %eq3A_999, %jit3A_1000, %reduce_sum3A_985 : f32
      %eq3A_1002 = arith.constant 0.000000e+00 : f32
      %eq3A_1003 = arith.cmpf oeq, %reduce_sum3A_997, %eq3A_1002 : f32
      %jit3A_1004 = arith.constant 1.000000e+00 : f32
      %select_n3A_1005 = arith.select %eq3A_1003, %jit3A_1004, %reduce_sum3A_997 : f32
      %broadcast_in_dim3A_1006 = vector.broadcast %reduce_sum3A_969 : f32 to vector<16xf32>
      %broadcast_in_dim3A_1007 = vector.broadcast %select_n3A_1001 : f32 to vector<16xf32>
      %div3A_1008 = arith.divf %broadcast_in_dim3A_1006, %broadcast_in_dim3A_1007 : vector<16xf32>
      %broadcast_in_dim3A_1009 = vector.broadcast %reduce_sum3A_973 : f32 to vector<16xf32>
      %broadcast_in_dim3A_1010 = vector.broadcast %select_n3A_1005 : f32 to vector<16xf32>
      %div3A_1011 = arith.divf %broadcast_in_dim3A_1009, %broadcast_in_dim3A_1010 : vector<16xf32>
      %eq3A_1012 = arith.constant 11 : i32
      %eq3A_1013 = vector.broadcast %eq3A_1012 : i32 to vector<16xi32>
      %eq3A_1014 = arith.cmpi eq, %iota3A, %eq3A_1013 : vector<16xi32>
      %select_n3A_1015 = arith.select %eq3A_1014, %div3A_1008, %select_n3A_960 : vector<16xi1>, vector<16xf32>
      %select_n3A_1016 = arith.select %eq3A_1014, %div3A_1011, %select_n3A_961 : vector<16xi1>, vector<16xf32>
      %gather3A_1017 = tpu.vector_load_idx %arg14[%cond3A_352#28] : memref<1024xi32, #tpu.memory_space<vmem>>[vector<16xi32>], vector<16xi32>,
      %select_n3A_1018 = arith.select %lt3A_36, %iota3A, %gather3A_1017 : vector<16xi1>, vector<16xi32>
      %gather3A_1019 = tpu.vector_load_idx %arg16[%select_n3A_1018] : memref<1024xf32, #tpu.memory_space<vmem>>[vector<16xi32>], vector<16xf32>,
      %gather3A_1020 = tpu.vector_load_idx %arg17[%select_n3A_1018] : memref<1024xf32, #tpu.memory_space<vmem>>[vector<16xi32>], vector<16xf32>,
      %reduce_sum3A_1021 = arith.constant true
      %reduce_sum3A_1022 = vector.broadcast %reduce_sum3A_1021 : i1 to vector<16xi1>
      %reduce_sum3A_1023 = tpu.scan <sum>, %gather3A_1019 masked %reduce_sum3A_1022 : vector<16xf32>, vector<16xi1> -> vector<16xf32>
      %reduce_sum3A_1024 = vector.extract %reduce_sum3A_1023[15] : f32 from vector<16xf32>
      %reduce_sum3A_1025 = arith.constant true
      %reduce_sum3A_1026 = vector.broadcast %reduce_sum3A_1025 : i1 to vector<16xi1>
      %reduce_sum3A_1027 = tpu.scan <sum>, %gather3A_1020 masked %reduce_sum3A_1026 : vector<16xf32>, vector<16xi1> -> vector<16xf32>
      %reduce_sum3A_1028 = vector.extract %reduce_sum3A_1027[15] : f32 from vector<16xf32>
      %ne3A_1029 = arith.constant 0.000000e+00 : f32
      %ne3A_1030 = vector.broadcast %ne3A_1029 : f32 to vector<16xf32>
      %ne3A_1031 = arith.cmpf one, %gather3A_1019, %ne3A_1030 : vector<16xf32>
      %jit3A_1032 = arith.constant 1.000000e+00 : f32
      %jit3A_1033 = arith.constant 0.000000e+00 : f32
      %broadcast_in_dim3A_1034 = vector.broadcast %jit3A_1032 : f32 to vector<16xf32>
      %broadcast_in_dim3A_1035 = vector.broadcast %jit3A_1033 : f32 to vector<16xf32>
      %select_n3A_1036 = arith.select %ne3A_1031, %broadcast_in_dim3A_1034, %broadcast_in_dim3A_1035 : vector<16xi1>, vector<16xf32>
      %reduce_sum3A_1037 = arith.constant true
      %reduce_sum3A_1038 = vector.broadcast %reduce_sum3A_1037 : i1 to vector<16xi1>
      %reduce_sum3A_1039 = tpu.scan <sum>, %select_n3A_1036 masked %reduce_sum3A_1038 : vector<16xf32>, vector<16xi1> -> vector<16xf32>
      %reduce_sum3A_1040 = vector.extract %reduce_sum3A_1039[15] : f32 from vector<16xf32>
      %ne3A_1041 = arith.constant 0.000000e+00 : f32
      %ne3A_1042 = vector.broadcast %ne3A_1041 : f32 to vector<16xf32>
      %ne3A_1043 = arith.cmpf one, %gather3A_1020, %ne3A_1042 : vector<16xf32>
      %jit3A_1044 = arith.constant 1.000000e+00 : f32
      %jit3A_1045 = arith.constant 0.000000e+00 : f32
      %broadcast_in_dim3A_1046 = vector.broadcast %jit3A_1044 : f32 to vector<16xf32>
      %broadcast_in_dim3A_1047 = vector.broadcast %jit3A_1045 : f32 to vector<16xf32>
      %select_n3A_1048 = arith.select %ne3A_1043, %broadcast_in_dim3A_1046, %broadcast_in_dim3A_1047 : vector<16xi1>, vector<16xf32>
      %reduce_sum3A_1049 = arith.constant true
      %reduce_sum3A_1050 = vector.broadcast %reduce_sum3A_1049 : i1 to vector<16xi1>
      %reduce_sum3A_1051 = tpu.scan <sum>, %select_n3A_1048 masked %reduce_sum3A_1050 : vector<16xf32>, vector<16xi1> -> vector<16xf32>
      %reduce_sum3A_1052 = vector.extract %reduce_sum3A_1051[15] : f32 from vector<16xf32>
      %eq3A_1053 = arith.constant 0.000000e+00 : f32
      %eq3A_1054 = arith.cmpf oeq, %reduce_sum3A_1040, %eq3A_1053 : f32
      %jit3A_1055 = arith.constant 1.000000e+00 : f32
      %select_n3A_1056 = arith.select %eq3A_1054, %jit3A_1055, %reduce_sum3A_1040 : f32
      %eq3A_1057 = arith.constant 0.000000e+00 : f32
      %eq3A_1058 = arith.cmpf oeq, %reduce_sum3A_1052, %eq3A_1057 : f32
      %jit3A_1059 = arith.constant 1.000000e+00 : f32
      %select_n3A_1060 = arith.select %eq3A_1058, %jit3A_1059, %reduce_sum3A_1052 : f32
      %broadcast_in_dim3A_1061 = vector.broadcast %reduce_sum3A_1024 : f32 to vector<16xf32>
      %broadcast_in_dim3A_1062 = vector.broadcast %select_n3A_1056 : f32 to vector<16xf32>
      %div3A_1063 = arith.divf %broadcast_in_dim3A_1061, %broadcast_in_dim3A_1062 : vector<16xf32>
      %broadcast_in_dim3A_1064 = vector.broadcast %reduce_sum3A_1028 : f32 to vector<16xf32>
      %broadcast_in_dim3A_1065 = vector.broadcast %select_n3A_1060 : f32 to vector<16xf32>
      %div3A_1066 = arith.divf %broadcast_in_dim3A_1064, %broadcast_in_dim3A_1065 : vector<16xf32>
      %eq3A_1067 = arith.constant 12 : i32
      %eq3A_1068 = vector.broadcast %eq3A_1067 : i32 to vector<16xi32>
      %eq3A_1069 = arith.cmpi eq, %iota3A, %eq3A_1068 : vector<16xi32>
      %select_n3A_1070 = arith.select %eq3A_1069, %div3A_1063, %select_n3A_1015 : vector<16xi1>, vector<16xf32>
      %select_n3A_1071 = arith.select %eq3A_1069, %div3A_1066, %select_n3A_1016 : vector<16xi1>, vector<16xf32>
      %gather3A_1072 = tpu.vector_load_idx %arg14[%cond3A_352#29] : memref<1024xi32, #tpu.memory_space<vmem>>[vector<16xi32>], vector<16xi32>,
      %select_n3A_1073 = arith.select %lt3A_36, %iota3A, %gather3A_1072 : vector<16xi1>, vector<16xi32>
      %gather3A_1074 = tpu.vector_load_idx %arg16[%select_n3A_1073] : memref<1024xf32, #tpu.memory_space<vmem>>[vector<16xi32>], vector<16xf32>,
      %gather3A_1075 = tpu.vector_load_idx %arg17[%select_n3A_1073] : memref<1024xf32, #tpu.memory_space<vmem>>[vector<16xi32>], vector<16xf32>,
      %reduce_sum3A_1076 = arith.constant true
      %reduce_sum3A_1077 = vector.broadcast %reduce_sum3A_1076 : i1 to vector<16xi1>
      %reduce_sum3A_1078 = tpu.scan <sum>, %gather3A_1074 masked %reduce_sum3A_1077 : vector<16xf32>, vector<16xi1> -> vector<16xf32>
      %reduce_sum3A_1079 = vector.extract %reduce_sum3A_1078[15] : f32 from vector<16xf32>
      %reduce_sum3A_1080 = arith.constant true
      %reduce_sum3A_1081 = vector.broadcast %reduce_sum3A_1080 : i1 to vector<16xi1>
      %reduce_sum3A_1082 = tpu.scan <sum>, %gather3A_1075 masked %reduce_sum3A_1081 : vector<16xf32>, vector<16xi1> -> vector<16xf32>
      %reduce_sum3A_1083 = vector.extract %reduce_sum3A_1082[15] : f32 from vector<16xf32>
      %ne3A_1084 = arith.constant 0.000000e+00 : f32
      %ne3A_1085 = vector.broadcast %ne3A_1084 : f32 to vector<16xf32>
      %ne3A_1086 = arith.cmpf one, %gather3A_1074, %ne3A_1085 : vector<16xf32>
      %jit3A_1087 = arith.constant 1.000000e+00 : f32
      %jit3A_1088 = arith.constant 0.000000e+00 : f32
      %broadcast_in_dim3A_1089 = vector.broadcast %jit3A_1087 : f32 to vector<16xf32>
      %broadcast_in_dim3A_1090 = vector.broadcast %jit3A_1088 : f32 to vector<16xf32>
      %select_n3A_1091 = arith.select %ne3A_1086, %broadcast_in_dim3A_1089, %broadcast_in_dim3A_1090 : vector<16xi1>, vector<16xf32>
      %reduce_sum3A_1092 = arith.constant true
      %reduce_sum3A_1093 = vector.broadcast %reduce_sum3A_1092 : i1 to vector<16xi1>
      %reduce_sum3A_1094 = tpu.scan <sum>, %select_n3A_1091 masked %reduce_sum3A_1093 : vector<16xf32>, vector<16xi1> -> vector<16xf32>
      %reduce_sum3A_1095 = vector.extract %reduce_sum3A_1094[15] : f32 from vector<16xf32>
      %ne3A_1096 = arith.constant 0.000000e+00 : f32
      %ne3A_1097 = vector.broadcast %ne3A_1096 : f32 to vector<16xf32>
      %ne3A_1098 = arith.cmpf one, %gather3A_1075, %ne3A_1097 : vector<16xf32>
      %jit3A_1099 = arith.constant 1.000000e+00 : f32
      %jit3A_1100 = arith.constant 0.000000e+00 : f32
      %broadcast_in_dim3A_1101 = vector.broadcast %jit3A_1099 : f32 to vector<16xf32>
      %broadcast_in_dim3A_1102 = vector.broadcast %jit3A_1100 : f32 to vector<16xf32>
      %select_n3A_1103 = arith.select %ne3A_1098, %broadcast_in_dim3A_1101, %broadcast_in_dim3A_1102 : vector<16xi1>, vector<16xf32>
      %reduce_sum3A_1104 = arith.constant true
      %reduce_sum3A_1105 = vector.broadcast %reduce_sum3A_1104 : i1 to vector<16xi1>
      %reduce_sum3A_1106 = tpu.scan <sum>, %select_n3A_1103 masked %reduce_sum3A_1105 : vector<16xf32>, vector<16xi1> -> vector<16xf32>
      %reduce_sum3A_1107 = vector.extract %reduce_sum3A_1106[15] : f32 from vector<16xf32>
      %eq3A_1108 = arith.constant 0.000000e+00 : f32
      %eq3A_1109 = arith.cmpf oeq, %reduce_sum3A_1095, %eq3A_1108 : f32
      %jit3A_1110 = arith.constant 1.000000e+00 : f32
      %select_n3A_1111 = arith.select %eq3A_1109, %jit3A_1110, %reduce_sum3A_1095 : f32
      %eq3A_1112 = arith.constant 0.000000e+00 : f32
      %eq3A_1113 = arith.cmpf oeq, %reduce_sum3A_1107, %eq3A_1112 : f32
      %jit3A_1114 = arith.constant 1.000000e+00 : f32
      %select_n3A_1115 = arith.select %eq3A_1113, %jit3A_1114, %reduce_sum3A_1107 : f32
      %broadcast_in_dim3A_1116 = vector.broadcast %reduce_sum3A_1079 : f32 to vector<16xf32>
      %broadcast_in_dim3A_1117 = vector.broadcast %select_n3A_1111 : f32 to vector<16xf32>
      %div3A_1118 = arith.divf %broadcast_in_dim3A_1116, %broadcast_in_dim3A_1117 : vector<16xf32>
      %broadcast_in_dim3A_1119 = vector.broadcast %reduce_sum3A_1083 : f32 to vector<16xf32>
      %broadcast_in_dim3A_1120 = vector.broadcast %select_n3A_1115 : f32 to vector<16xf32>
      %div3A_1121 = arith.divf %broadcast_in_dim3A_1119, %broadcast_in_dim3A_1120 : vector<16xf32>
      %eq3A_1122 = arith.constant 13 : i32
      %eq3A_1123 = vector.broadcast %eq3A_1122 : i32 to vector<16xi32>
      %eq3A_1124 = arith.cmpi eq, %iota3A, %eq3A_1123 : vector<16xi32>
      %select_n3A_1125 = arith.select %eq3A_1124, %div3A_1118, %select_n3A_1070 : vector<16xi1>, vector<16xf32>
      %select_n3A_1126 = arith.select %eq3A_1124, %div3A_1121, %select_n3A_1071 : vector<16xi1>, vector<16xf32>
      %gather3A_1127 = tpu.vector_load_idx %arg14[%cond3A_352#30] : memref<1024xi32, #tpu.memory_space<vmem>>[vector<16xi32>], vector<16xi32>,
      %select_n3A_1128 = arith.select %lt3A_36, %iota3A, %gather3A_1127 : vector<16xi1>, vector<16xi32>
      %gather3A_1129 = tpu.vector_load_idx %arg16[%select_n3A_1128] : memref<1024xf32, #tpu.memory_space<vmem>>[vector<16xi32>], vector<16xf32>,
      %gather3A_1130 = tpu.vector_load_idx %arg17[%select_n3A_1128] : memref<1024xf32, #tpu.memory_space<vmem>>[vector<16xi32>], vector<16xf32>,
      %reduce_sum3A_1131 = arith.constant true
      %reduce_sum3A_1132 = vector.broadcast %reduce_sum3A_1131 : i1 to vector<16xi1>
      %reduce_sum3A_1133 = tpu.scan <sum>, %gather3A_1129 masked %reduce_sum3A_1132 : vector<16xf32>, vector<16xi1> -> vector<16xf32>
      %reduce_sum3A_1134 = vector.extract %reduce_sum3A_1133[15] : f32 from vector<16xf32>
      %reduce_sum3A_1135 = arith.constant true
      %reduce_sum3A_1136 = vector.broadcast %reduce_sum3A_1135 : i1 to vector<16xi1>
      %reduce_sum3A_1137 = tpu.scan <sum>, %gather3A_1130 masked %reduce_sum3A_1136 : vector<16xf32>, vector<16xi1> -> vector<16xf32>
      %reduce_sum3A_1138 = vector.extract %reduce_sum3A_1137[15] : f32 from vector<16xf32>
      %ne3A_1139 = arith.constant 0.000000e+00 : f32
      %ne3A_1140 = vector.broadcast %ne3A_1139 : f32 to vector<16xf32>
      %ne3A_1141 = arith.cmpf one, %gather3A_1129, %ne3A_1140 : vector<16xf32>
      %jit3A_1142 = arith.constant 1.000000e+00 : f32
      %jit3A_1143 = arith.constant 0.000000e+00 : f32
      %broadcast_in_dim3A_1144 = vector.broadcast %jit3A_1142 : f32 to vector<16xf32>
      %broadcast_in_dim3A_1145 = vector.broadcast %jit3A_1143 : f32 to vector<16xf32>
      %select_n3A_1146 = arith.select %ne3A_1141, %broadcast_in_dim3A_1144, %broadcast_in_dim3A_1145 : vector<16xi1>, vector<16xf32>
      %reduce_sum3A_1147 = arith.constant true
      %reduce_sum3A_1148 = vector.broadcast %reduce_sum3A_1147 : i1 to vector<16xi1>
      %reduce_sum3A_1149 = tpu.scan <sum>, %select_n3A_1146 masked %reduce_sum3A_1148 : vector<16xf32>, vector<16xi1> -> vector<16xf32>
      %reduce_sum3A_1150 = vector.extract %reduce_sum3A_1149[15] : f32 from vector<16xf32>
      %ne3A_1151 = arith.constant 0.000000e+00 : f32
      %ne3A_1152 = vector.broadcast %ne3A_1151 : f32 to vector<16xf32>
      %ne3A_1153 = arith.cmpf one, %gather3A_1130, %ne3A_1152 : vector<16xf32>
      %jit3A_1154 = arith.constant 1.000000e+00 : f32
      %jit3A_1155 = arith.constant 0.000000e+00 : f32
      %broadcast_in_dim3A_1156 = vector.broadcast %jit3A_1154 : f32 to vector<16xf32>
      %broadcast_in_dim3A_1157 = vector.broadcast %jit3A_1155 : f32 to vector<16xf32>
      %select_n3A_1158 = arith.select %ne3A_1153, %broadcast_in_dim3A_1156, %broadcast_in_dim3A_1157 : vector<16xi1>, vector<16xf32>
      %reduce_sum3A_1159 = arith.constant true
      %reduce_sum3A_1160 = vector.broadcast %reduce_sum3A_1159 : i1 to vector<16xi1>
      %reduce_sum3A_1161 = tpu.scan <sum>, %select_n3A_1158 masked %reduce_sum3A_1160 : vector<16xf32>, vector<16xi1> -> vector<16xf32>
      %reduce_sum3A_1162 = vector.extract %reduce_sum3A_1161[15] : f32 from vector<16xf32>
      %eq3A_1163 = arith.constant 0.000000e+00 : f32
      %eq3A_1164 = arith.cmpf oeq, %reduce_sum3A_1150, %eq3A_1163 : f32
      %jit3A_1165 = arith.constant 1.000000e+00 : f32
      %select_n3A_1166 = arith.select %eq3A_1164, %jit3A_1165, %reduce_sum3A_1150 : f32
      %eq3A_1167 = arith.constant 0.000000e+00 : f32
      %eq3A_1168 = arith.cmpf oeq, %reduce_sum3A_1162, %eq3A_1167 : f32
      %jit3A_1169 = arith.constant 1.000000e+00 : f32
      %select_n3A_1170 = arith.select %eq3A_1168, %jit3A_1169, %reduce_sum3A_1162 : f32
      %broadcast_in_dim3A_1171 = vector.broadcast %reduce_sum3A_1134 : f32 to vector<16xf32>
      %broadcast_in_dim3A_1172 = vector.broadcast %select_n3A_1166 : f32 to vector<16xf32>
      %div3A_1173 = arith.divf %broadcast_in_dim3A_1171, %broadcast_in_dim3A_1172 : vector<16xf32>
      %broadcast_in_dim3A_1174 = vector.broadcast %reduce_sum3A_1138 : f32 to vector<16xf32>
      %broadcast_in_dim3A_1175 = vector.broadcast %select_n3A_1170 : f32 to vector<16xf32>
      %div3A_1176 = arith.divf %broadcast_in_dim3A_1174, %broadcast_in_dim3A_1175 : vector<16xf32>
      %eq3A_1177 = arith.constant 14 : i32
      %eq3A_1178 = vector.broadcast %eq3A_1177 : i32 to vector<16xi32>
      %eq3A_1179 = arith.cmpi eq, %iota3A, %eq3A_1178 : vector<16xi32>
      %select_n3A_1180 = arith.select %eq3A_1179, %div3A_1173, %select_n3A_1125 : vector<16xi1>, vector<16xf32>
      %select_n3A_1181 = arith.select %eq3A_1179, %div3A_1176, %select_n3A_1126 : vector<16xi1>, vector<16xf32>
      %gather3A_1182 = tpu.vector_load_idx %arg14[%cond3A_352#31] : memref<1024xi32, #tpu.memory_space<vmem>>[vector<16xi32>], vector<16xi32>,
      %select_n3A_1183 = arith.select %lt3A_36, %iota3A, %gather3A_1182 : vector<16xi1>, vector<16xi32>
      %gather3A_1184 = tpu.vector_load_idx %arg16[%select_n3A_1183] : memref<1024xf32, #tpu.memory_space<vmem>>[vector<16xi32>], vector<16xf32>,
      %gather3A_1185 = tpu.vector_load_idx %arg17[%select_n3A_1183] : memref<1024xf32, #tpu.memory_space<vmem>>[vector<16xi32>], vector<16xf32>,
      %reduce_sum3A_1186 = arith.constant true
      %reduce_sum3A_1187 = vector.broadcast %reduce_sum3A_1186 : i1 to vector<16xi1>
      %reduce_sum3A_1188 = tpu.scan <sum>, %gather3A_1184 masked %reduce_sum3A_1187 : vector<16xf32>, vector<16xi1> -> vector<16xf32>
      %reduce_sum3A_1189 = vector.extract %reduce_sum3A_1188[15] : f32 from vector<16xf32>
      %reduce_sum3A_1190 = arith.constant true
      %reduce_sum3A_1191 = vector.broadcast %reduce_sum3A_1190 : i1 to vector<16xi1>
      %reduce_sum3A_1192 = tpu.scan <sum>, %gather3A_1185 masked %reduce_sum3A_1191 : vector<16xf32>, vector<16xi1> -> vector<16xf32>
      %reduce_sum3A_1193 = vector.extract %reduce_sum3A_1192[15] : f32 from vector<16xf32>
      %ne3A_1194 = arith.constant 0.000000e+00 : f32
      %ne3A_1195 = vector.broadcast %ne3A_1194 : f32 to vector<16xf32>
      %ne3A_1196 = arith.cmpf one, %gather3A_1184, %ne3A_1195 : vector<16xf32>
      %jit3A_1197 = arith.constant 1.000000e+00 : f32
      %jit3A_1198 = arith.constant 0.000000e+00 : f32
      %broadcast_in_dim3A_1199 = vector.broadcast %jit3A_1197 : f32 to vector<16xf32>
      %broadcast_in_dim3A_1200 = vector.broadcast %jit3A_1198 : f32 to vector<16xf32>
      %select_n3A_1201 = arith.select %ne3A_1196, %broadcast_in_dim3A_1199, %broadcast_in_dim3A_1200 : vector<16xi1>, vector<16xf32>
      %reduce_sum3A_1202 = arith.constant true
      %reduce_sum3A_1203 = vector.broadcast %reduce_sum3A_1202 : i1 to vector<16xi1>
      %reduce_sum3A_1204 = tpu.scan <sum>, %select_n3A_1201 masked %reduce_sum3A_1203 : vector<16xf32>, vector<16xi1> -> vector<16xf32>
      %reduce_sum3A_1205 = vector.extract %reduce_sum3A_1204[15] : f32 from vector<16xf32>
      %ne3A_1206 = arith.constant 0.000000e+00 : f32
      %ne3A_1207 = vector.broadcast %ne3A_1206 : f32 to vector<16xf32>
      %ne3A_1208 = arith.cmpf one, %gather3A_1185, %ne3A_1207 : vector<16xf32>
      %jit3A_1209 = arith.constant 1.000000e+00 : f32
      %jit3A_1210 = arith.constant 0.000000e+00 : f32
      %broadcast_in_dim3A_1211 = vector.broadcast %jit3A_1209 : f32 to vector<16xf32>
      %broadcast_in_dim3A_1212 = vector.broadcast %jit3A_1210 : f32 to vector<16xf32>
      %select_n3A_1213 = arith.select %ne3A_1208, %broadcast_in_dim3A_1211, %broadcast_in_dim3A_1212 : vector<16xi1>, vector<16xf32>
      %reduce_sum3A_1214 = arith.constant true
      %reduce_sum3A_1215 = vector.broadcast %reduce_sum3A_1214 : i1 to vector<16xi1>
      %reduce_sum3A_1216 = tpu.scan <sum>, %select_n3A_1213 masked %reduce_sum3A_1215 : vector<16xf32>, vector<16xi1> -> vector<16xf32>
      %reduce_sum3A_1217 = vector.extract %reduce_sum3A_1216[15] : f32 from vector<16xf32>
      %eq3A_1218 = arith.constant 0.000000e+00 : f32
      %eq3A_1219 = arith.cmpf oeq, %reduce_sum3A_1205, %eq3A_1218 : f32
      %jit3A_1220 = arith.constant 1.000000e+00 : f32
      %select_n3A_1221 = arith.select %eq3A_1219, %jit3A_1220, %reduce_sum3A_1205 : f32
      %eq3A_1222 = arith.constant 0.000000e+00 : f32
      %eq3A_1223 = arith.cmpf oeq, %reduce_sum3A_1217, %eq3A_1222 : f32
      %jit3A_1224 = arith.constant 1.000000e+00 : f32
      %select_n3A_1225 = arith.select %eq3A_1223, %jit3A_1224, %reduce_sum3A_1217 : f32
      %broadcast_in_dim3A_1226 = vector.broadcast %reduce_sum3A_1189 : f32 to vector<16xf32>
      %broadcast_in_dim3A_1227 = vector.broadcast %select_n3A_1221 : f32 to vector<16xf32>
      %div3A_1228 = arith.divf %broadcast_in_dim3A_1226, %broadcast_in_dim3A_1227 : vector<16xf32>
      %broadcast_in_dim3A_1229 = vector.broadcast %reduce_sum3A_1193 : f32 to vector<16xf32>
      %broadcast_in_dim3A_1230 = vector.broadcast %select_n3A_1225 : f32 to vector<16xf32>
      %div3A_1231 = arith.divf %broadcast_in_dim3A_1229, %broadcast_in_dim3A_1230 : vector<16xf32>
      %eq3A_1232 = arith.constant 15 : i32
      %eq3A_1233 = vector.broadcast %eq3A_1232 : i32 to vector<16xi32>
      %eq3A_1234 = arith.cmpi eq, %iota3A, %eq3A_1233 : vector<16xi32>
      %select_n3A_1235 = arith.select %eq3A_1234, %div3A_1228, %select_n3A_1180 : vector<16xi1>, vector<16xf32>
      %select_n3A_1236 = arith.select %eq3A_1234, %div3A_1231, %select_n3A_1181 : vector<16xi1>, vector<16xf32>
      %max3A_1237 = arith.maximumf %select_n3A_1235, %select_n3A_1236 : vector<16xf32>
      %sub3A_1238 = arith.subf %select_n3A_1235, %max3A_1237 : vector<16xf32>
      %exp3A = math.exp %sub3A_1238 : vector<16xf32>
      %sub3A_1239 = arith.subf %select_n3A_1236, %max3A_1237 : vector<16xf32>
      %exp3A_1240 = math.exp %sub3A_1239 : vector<16xf32>
      %add3A_1241 = arith.addf %exp3A, %exp3A_1240 : vector<16xf32>
      %div3A_1242 = arith.divf %exp3A, %add3A_1241 : vector<16xf32>
      %div3A_1243 = arith.divf %exp3A_1240, %add3A_1241 : vector<16xf32>
      %eq3A_1244 = arith.cmpf oeq, %div3A_1242, %div3A_1243 : vector<16xf32>
      %jit3A_1245 = arith.constant 1.000000e+00 : f32
      %broadcast_in_dim3A_1246 = vector.broadcast %jit3A_1245 : f32 to vector<16xf32>
      %select_n3A_1247 = arith.select %eq3A_1244, %broadcast_in_dim3A_1246, %div3A_1242 : vector<16xi1>, vector<16xf32>
      %jit3A_1248 = arith.constant 0.000000e+00 : f32
      %broadcast_in_dim3A_1249 = vector.broadcast %jit3A_1248 : f32 to vector<16xf32>
      %select_n3A_1250 = arith.select %eq3A_1244, %broadcast_in_dim3A_1249, %div3A_1243 : vector<16xi1>, vector<16xf32>
      %mul3A_1251 = arith.constant 4 : i32
      %mul3A_1252 = arith.muli %select_n3A_68, %mul3A_1251 : i32
      %jit3A_1253 = arith.constant 4 : i32
      %div3A_1254 = vector.broadcast %jit3A_1253 : i32 to vector<16xi32>
      %div3A_1255 = arith.divsi %iota3A, %div3A_1254 : vector<16xi32>
      %sign3A_1256 = arith.constant 0 : i32
      %sign3A_1257 = vector.broadcast %sign3A_1256 : i32 to vector<16xi32>
      %sign3A_1258 = arith.cmpi sgt, %iota3A, %sign3A_1257 : vector<16xi32>
      %sign3A_1259 = arith.extui %sign3A_1258 : vector<16xi1> to vector<16xi32>
      %sign3A_1260 = arith.constant 0 : i32
      %sign3A_1261 = vector.broadcast %sign3A_1260 : i32 to vector<16xi32>
      %sign3A_1262 = arith.cmpi slt, %iota3A, %sign3A_1261 : vector<16xi32>
      %sign3A_1263 = arith.extui %sign3A_1262 : vector<16xi1> to vector<16xi32>
      %sign3A_1264 = arith.subi %sign3A_1259, %sign3A_1263 : vector<16xi32>
      %sign3A_1265 = arith.constant 0 : i32
      %sign3A_1266 = arith.cmpi sgt, %jit3A_1253, %sign3A_1265 : i32
      %sign3A_1267 = arith.extui %sign3A_1266 : i1 to i32
      %sign3A_1268 = arith.constant 0 : i32
      %sign3A_1269 = arith.cmpi slt, %jit3A_1253, %sign3A_1268 : i32
      %sign3A_1270 = arith.extui %sign3A_1269 : i1 to i32
      %sign3A_1271 = arith.subi %sign3A_1267, %sign3A_1270 : i32
      %ne3A_1272 = vector.broadcast %sign3A_1271 : i32 to vector<16xi32>
      %ne3A_1273 = arith.cmpi ne, %sign3A_1264, %ne3A_1272 : vector<16xi32>
      %rem3A_1274 = vector.broadcast %jit3A_1253 : i32 to vector<16xi32>
      %rem3A_1275 = arith.remsi %iota3A, %rem3A_1274 : vector<16xi32>
      %ne3A_1276 = arith.constant 0 : i32
      %ne3A_1277 = vector.broadcast %ne3A_1276 : i32 to vector<16xi32>
      %ne3A_1278 = arith.cmpi ne, %rem3A_1275, %ne3A_1277 : vector<16xi32>
      %and3A_1279 = arith.andi %ne3A_1273, %ne3A_1278 : vector<16xi1>
      %sub3A_1280 = arith.constant 1 : i32
      %sub3A_1281 = vector.broadcast %sub3A_1280 : i32 to vector<16xi32>
      %sub3A_1282 = arith.subi %div3A_1255, %sub3A_1281 : vector<16xi32>
      %select_n3A_1283 = arith.select %and3A_1279, %sub3A_1282, %div3A_1255 : vector<16xi1>, vector<16xi32>
      %add3A_1284 = vector.broadcast %mul3A_1252 : i32 to vector<16xi32>
      %add3A_1285 = arith.addi %add3A_1284, %select_n3A_1283 : vector<16xi32>
      %mul3A_1286 = arith.constant 48 : i32
      %mul3A_1287 = vector.broadcast %mul3A_1286 : i32 to vector<16xi32>
      %mul3A_1288 = arith.muli %add3A_1285, %mul3A_1287 : vector<16xi32>
      %add3A_1289 = vector.broadcast %mul3A_89 : i32 to vector<16xi32>
      %add3A_1290 = arith.addi %mul3A_1288, %add3A_1289 : vector<16xi32>
      %jit3A_1291 = arith.constant 4 : i32
      %eq3A_1292 = arith.constant 0 : i32
      %eq3A_1293 = arith.cmpi eq, %jit3A_1291, %eq3A_1292 : i32
      %jit3A_1294 = arith.constant 1 : i32
      %select_n3A_1295 = arith.select %eq3A_1293, %jit3A_1294, %jit3A_1291 : i32
      %rem3A_1296 = vector.broadcast %select_n3A_1295 : i32 to vector<16xi32>
      %rem3A_1297 = arith.remsi %iota3A, %rem3A_1296 : vector<16xi32>
      %ne3A_1298 = arith.constant 0 : i32
      %ne3A_1299 = vector.broadcast %ne3A_1298 : i32 to vector<16xi32>
      %ne3A_1300 = arith.cmpi ne, %rem3A_1297, %ne3A_1299 : vector<16xi32>
      %lt3A_1301 = arith.constant 0 : i32
      %lt3A_1302 = vector.broadcast %lt3A_1301 : i32 to vector<16xi32>
      %lt3A_1303 = arith.cmpi slt, %rem3A_1297, %lt3A_1302 : vector<16xi32>
      %lt3A_1304 = arith.constant 0 : i32
      %lt3A_1305 = arith.cmpi slt, %select_n3A_1295, %lt3A_1304 : i32
      %ne3A_1306 = vector.broadcast %lt3A_1305 : i1 to vector<16xi1>
      %ne3A_1307 = vector.broadcast %ne3A_1306 : vector<16xi1> to vector<16xi1>
      %ne3A_1308 = arith.xori %lt3A_1303, %ne3A_1307 : vector<16xi1>
      %and3A_1309 = arith.andi %ne3A_1308, %ne3A_1300 : vector<16xi1>
      %add3A_1310 = vector.broadcast %select_n3A_1295 : i32 to vector<16xi32>
      %add3A_1311 = arith.addi %rem3A_1297, %add3A_1310 : vector<16xi32>
      %select_n3A_1312 = arith.select %and3A_1309, %add3A_1311, %rem3A_1297 : vector<16xi1>, vector<16xi32>
      %add3A_1313 = arith.addi %add3A_1290, %select_n3A_1312 : vector<16xi32>
      %mul3A_1314 = arith.constant 2 : i32
      %mul3A_1315 = vector.broadcast %mul3A_1314 : i32 to vector<16xi32>
      %mul3A_1316 = arith.muli %mul3A_1315, %add3A_1313 : vector<16xi32>
      tpu.vector_store_idx %arg19[%mul3A_1316], %select_n3A_1247 : memref<2304xf32, #tpu.memory_space<vmem>>[vector<16xi32>], vector<16xf32>,
      %mul3A_1317 = arith.constant 2 : i32
      %mul3A_1318 = vector.broadcast %mul3A_1317 : i32 to vector<16xi32>
      %mul3A_1319 = arith.muli %mul3A_1318, %add3A_1313 : vector<16xi32>
      %add3A_1320 = arith.constant 1 : i32
      %add3A_1321 = vector.broadcast %add3A_1320 : i32 to vector<16xi32>
      %add3A_1322 = arith.addi %mul3A_1319, %add3A_1321 : vector<16xi32>
      tpu.vector_store_idx %arg19[%add3A_1322], %select_n3A_1250 : memref<2304xf32, #tpu.memory_space<vmem>>[vector<16xi32>], vector<16xf32>,
    }
    %scan3A_43 = arith.constant 72 : i32
    "tpu.region"() ({
      %run_scoped3A = tpu.sem_alloc : memref<!tpu.dma_semaphore, #tpu.memory_space<semaphore_mem>>
      %dma_start3A = arith.constant 0 : i32
      %dma_start3A_44 = tpu.memref_slice %arg10[%select_n3A, %select_n3A_30, %dma_start3A] : memref<16x2x2304xf32, #tpu.memory_space<hbm>> -> memref<1x1x2304xf32, #tpu.memory_space<hbm>>
      %dma_start3A_45 = tpu.memref_squeeze %dma_start3A_44 : memref<1x1x2304xf32, #tpu.memory_space<hbm>> -> memref<2304xf32, #tpu.memory_space<hbm>>
      %dma_start3A_46 = arith.constant 0 : i32
      %dma_start3A_47 = tpu.memref_slice %arg10[%select_n3A, %select_n3A_30, %dma_start3A_46] : memref<16x2x2304xf32, #tpu.memory_space<hbm>> -> memref<1x1x2304xf32, #tpu.memory_space<hbm>>
      %dma_start3A_48 = tpu.memref_squeeze %dma_start3A_47 : memref<1x1x2304xf32, #tpu.memory_space<hbm>> -> memref<2304xf32, #tpu.memory_space<hbm>>
      tpu.enqueue_dma source(%arg19 : memref<2304xf32, #tpu.memory_space<vmem>>) target(%dma_start3A_48 : memref<2304xf32, #tpu.memory_space<hbm>>) target_semaphore(%run_scoped3A : memref<!tpu.dma_semaphore, #tpu.memory_space<semaphore_mem>>)
      %dma_wait3A = arith.constant 0 : i32
      %dma_wait3A_49 = tpu.memref_slice %arg10[%select_n3A, %select_n3A_30, %dma_wait3A] : memref<16x2x2304xf32, #tpu.memory_space<hbm>> -> memref<1x1x2304xf32, #tpu.memory_space<hbm>>
      %dma_wait3A_50 = tpu.memref_squeeze %dma_wait3A_49 : memref<1x1x2304xf32, #tpu.memory_space<hbm>> -> memref<2304xf32, #tpu.memory_space<hbm>>
      %dma_wait3A_51 = arith.constant 0 : i32
      %dma_wait3A_52 = tpu.memref_slice %arg10[%select_n3A, %select_n3A_30, %dma_wait3A_51] : memref<16x2x2304xf32, #tpu.memory_space<hbm>> -> memref<1x1x2304xf32, #tpu.memory_space<hbm>>
      %dma_wait3A_53 = tpu.memref_squeeze %dma_wait3A_52 : memref<1x1x2304xf32, #tpu.memory_space<hbm>> -> memref<2304xf32, #tpu.memory_space<hbm>>
      tpu.wait_dma2 semaphore(%run_scoped3A : memref<!tpu.dma_semaphore, #tpu.memory_space<semaphore_mem>>) src(%arg19 : memref<2304xf32, #tpu.memory_space<vmem>>) dst(%dma_wait3A_53 : memref<2304xf32, #tpu.memory_space<hbm>>)
      tpu.yield
    }) : () -> ()
    return
  }
}

</mosaic_0001>

<sc_bundles>
// kernel: gather_offload_async_start.1
scs
__scs_entry_jumppad:
0x0: {  	(pc) =	sbr.rel $0x88, $3  }
0x1: {  	(tag) =	ssettag $0x0;
	lr =	simm.s32 $0x1  }
0x2: {  	[smem:$0x3F9D] =	sst lr;
	_ =	strace $0xD0000000  }
0x3: {  	_ = 	snop  }
0x4: {  	_ = 	snop  }
0x5: {  	_ = 	snop  }
0x6: {  	_ = 	snop  }
0x7: {  	_ = 	snop  }
__scs_overlays_trampoline_lowered:
0x8: {  	[smem:$0x3FAC] =	sst s0  }
0x9: {  	[smem:$0x3FAD] =	sst s1  }
0xa: {  	[smem:$0x3FAE] =	sst s2  }
0xb: {  	[smem:$0x3FAF] =	sst s3  }
0xc: {  	[smem:$0x3FB0] =	sst s4  }
0xd: {  	[smem:$0x3FB1] =	sst s5  }
0xe: {  	[smem:$0x3FB2] =	sst s6  }
0xf: {  	[smem:$0x3FB3] =	sst s7  }
0x10: {  	[smem:$0x3FB4] =	sst s8  }
0x11: {  	[smem:$0x3FB5] =	sst s9;
	s0 =	simm.s32 @!p0 $0x0  }
0x12: {  	s1 =	sld [smem:$0x3F9B];
	s0 =	simm.s32 @p0 $0x1  }
0x13: {  	[smem:$0x3FB6] =	sst s0;
	s0 =	simm.s32 @!p1 $0x0  }
0x14: {  	s2 =	sld [smem:$0x3F9A];
	s0 =	simm.s32 @p1 $0x1  }
0x15: {  	[smem:$0x3FB7] =	sst s0;
	s0 =	simm.s32 @!p2 $0x0  }
0x16: {  	s3 =	sld [smem:$0x3FDB];
	s0 =	simm.s32 @p2 $0x1  }
0x17: {  	s4 =	simm.s32 $0x1BF5;
	[smem:$0x3FB9] =	sst s0  }
0x18: {  	s0 =	sld [smem:$0x3F9C];
	_ =	swait.ge [sflag:s4], $0x0  }
0x19: {  	s7 =	sld [smem:$0x3F9D]  }
0x1a: {  	s8 =	sadd.s32 $0xFFFFE003, lr  }
0x1b: {  	s9 =	sadd.s32 $0xFFFFFEF7, lr;
	s5 =	simm.s32 $0xFFFFFFFF;
	p2 =	slt.u32 s8, $0xFFFFF086  }
0x1c: {  	p1 =	slt.u32 s9, $0xF7A;
	s5 =	simm.s32 @!p2 $0x0  }
0x1d: {  	s5 =	simm.s32 @p1 $0x1;
	p0 =	seq.s32 s7, s2  }
0x1e: {  	s7 =	smul.u32 @!p0 $0xF7A, s2;
	p2 =	seq.s32 @!p0 s5, $0x0  }
0x1f: {  	s9 =	smul.u32 $0xF7A, s1;
	s8 =	simm.s32 @!p0 $0x1BF5;
	p2 =	por !p2, p0  }
0x20: {  	[sflag:s8] =	ssyncset.s32 @!p0 $0xFFFFF086;
	s6 =	sadd.s32 @!p0 s3, s7;
	s7 =	simm.s32 @!p0 $0x108  }
0x21: {  	s3 =	sadd.s32 s3, s9;
	s6 =	sadd.s32 @!p0 $0x88, s6;
	s7 =	simm.s32 @p2 $0x1082  }
0x22: {  	[simem:s7], [sflag:s8] =	dma.local @!p0 [hbm:s6], $0xF7A  }
0x23: {  	s9 =	sor.u32 $0xD0000000, s2;
	s6 =	simm.s32 $0x108;
	_ =	swait.ge @!p0 [sflag:s8], $0x0  }
0x24: {  	s3 =	sadd.s32 $0x88, s3;
	s6 =	simm.s32 @!p1 $0x1082;
	[sflag:s4] =	ssyncset.s32 $0xFFFFF086  }
0x25: {  	[simem:s6], [sflag:s4] =	dma.local [hbm:s3], $0xF7A  }
0x26: {  	[smem:$0x3F9D] =	sst s1;
	(tag) =	ssettag s2;
	_ =	strace s9  }
0x27: {  	s1 =	sld [smem:$0x3FAD]  }
0x28: {  	s2 =	sld [smem:$0x3FAE]  }
0x29: {  	s4 =	sld [smem:$0x3FB0]  }
0x2a: {  	p0 =	seq.s32 s5, $0x0;
	s5 =	sld [smem:$0x3FB1]  }
0x2b: {  	s6 =	sld [smem:$0x3FB2]  }
0x2c: {  	s7 =	sld [smem:$0x3FB3]  }
0x2d: {  	s3 =	simm.s32 $0x108;
	s8 =	sld [smem:$0x3FB4]  }
0x2e: {  	s3 =	simm.s32 @!p0 $0x1082;
	s9 =	sld [smem:$0x3FB5]  }
0x2f: {  	lr =	sadd.s32 s0, s3;
	s0 =	sld [smem:$0x3FAC]  }
0x30: {  	s3 =	sld [smem:$0x3FAF]  }
0x31: {  	[smem:$0x3FB8] =	sst s10  }
0x32: {  	s10 =	sld [smem:$0x3FB6];
	_ =	sdelay $0x3  }
0x33: {  	p0 =	seq.s32 s10, $0x1;
	s10 =	sld [smem:$0x3FB8];
	_ =	sdelay $0x3  }
0x34: {  	[smem:$0x3FB8] =	sst s10  }
0x35: {  	s10 =	sld [smem:$0x3FB7];
	_ =	sdelay $0x3  }
0x36: {  	p1 =	seq.s32 s10, $0x1;
	s10 =	sld [smem:$0x3FB8];
	_ =	sdelay $0x3  }
0x37: {  	[smem:$0x3FB8] =	sst s10  }
0x38: {  	s10 =	sld [smem:$0x3FB9]  }
0x39: {  	_ = 	snop;
	(pc) =	sbr.ind lr, $3  }
0x3a: {  	_ = 	snop  }
0x3b: {  	_ = 	snop  }
0x3c: {  	p2 =	seq.s32 s10, $0x1;
	s10 =	sld [smem:$0x3FB8]  }
0x3d: {  	_ =	shalt  }
0x3e: {  	_ =	shalt  }
0x3f: {  	_ =	shalt  }
0x40: {  	_ =	shalt  }
0x41: {  	_ =	shalt  }
0x42: {  	_ =	shalt  }
0x43: {  	_ =	shalt  }
0x44: {  	_ =	shalt  }
0x45: {  	_ =	shalt  }
0x46: {  	_ =	shalt  }
0x47: {  	_ =	shalt  }
0x48: {  	_ =	shalt  }
0x49: {  	_ =	shalt  }
0x4a: {  	_ =	shalt  }
0x4b: {  	_ =	shalt  }
0x4c: {  	_ =	shalt  }
0x4d: {  	_ =	shalt  }
0x4e: {  	_ =	shalt  }
0x4f: {  	_ =	shalt  }
0x50: {  	_ =	shalt  }
0x51: {  	_ =	shalt  }
0x52: {  	_ =	shalt  }
0x53: {  	_ =	shalt  }
0x54: {  	_ =	shalt  }
0x55: {  	_ =	shalt  }
0x56: {  	_ =	shalt  }
0x57: {  	_ =	shalt  }
0x58: {  	_ =	shalt  }
0x59: {  	_ =	shalt  }
0x5a: {  	_ =	shalt  }
0x5b: {  	_ =	shalt  }
0x5c: {  	_ =	shalt  }
0x5d: {  	_ =	shalt  }
0x5e: {  	_ =	shalt  }
0x5f: {  	_ =	shalt  }
0x60: {  	_ =	shalt  }
0x61: {  	_ =	shalt  }
0x62: {  	_ =	shalt  }
0x63: {  	_ =	shalt  }
0x64: {  	_ =	shalt  }
0x65: {  	_ =	shalt  }
0x66: {  	_ =	shalt  }
0x67: {  	_ =	shalt  }
0x68: {  	_ =	shalt  }
0x69: {  	_ =	shalt  }
0x6a: {  	_ =	shalt  }
0x6b: {  	_ =	shalt  }
0x6c: {  	_ =	shalt  }
0x6d: {  	_ =	shalt  }
0x6e: {  	_ =	shalt  }
0x6f: {  	_ =	shalt  }
0x70: {  	_ =	shalt  }
0x71: {  	_ =	shalt  }
0x72: {  	_ =	shalt  }
0x73: {  	_ =	shalt  }
0x74: {  	_ =	shalt  }
0x75: {  	_ =	shalt  }
0x76: {  	_ =	shalt  }
0x77: {  	_ =	shalt  }
0x78: {  	_ =	shalt  }
0x79: {  	_ =	shalt  }
0x7a: {  	_ =	shalt  }
0x7b: {  	_ =	shalt  }
0x7c: {  	_ =	shalt  }
0x7d: {  	_ =	shalt  }
0x7e: {  	_ =	shalt  }
0x7f: {  	_ =	shalt  }
0x80: {  	_ =	shalt  }
0x81: {  	_ =	shalt  }
0x82: {  	_ =	shalt  }
0x83: {  	_ =	shalt  }
0x84: {  	_ =	shalt  }
0x85: {  	_ =	shalt  }
0x86: {  	_ =	shalt  }
0x87: {  	_ =	shalt  }
.Lfunc_end0:
.L_simem_size_0:
called_computation.1_lowered:
.L_overlay_start_0:
0x88: {  	s2 =	sld [smem:$0x3FD9]  }
0x89: {  	s3 =	sld [smem:$0x3FFE];
	_ =	sdelay $0x1  }
0x8a: {  	s1 =	srdreg.scid  }
0x8b: {  	s0 =	sand.u32 $0x1, s1  }
0x8c: {  	s16 =	sshll.u32 s0, $0xA;
	s2 =	sadd.s32 s3, s2  }
0x8d: {  	s2 =	sadd.s32 s2, s16  }
0x8e: {  	[smem:$0x3FC4] =	sst s2  }
0x8f: {  	_ = 	snop  }
0x90: {  	(tm) =	ssettm $0x1  }
0x91: {  	s17 =	sld [smem:$0x3FFB];
	_ =	sdelay $0x3  }
0x92: {  	_ =	strace s17  }
0x93: {  	s2 =	sld [smem:$0x3FFC];
	_ =	sdelay $0x3  }
0x94: {  	_ =	strace s2  }
0x95: {  	s2 =	sld [smem:$0x3FFD];
	_ =	sdelay $0x3  }
0x96: {  	_ =	strace s2  }
0x97: {  	_ =	strace $0x8FFFFFFF  }
0x98: {  	s18 =	sld [smem:$0x3FDB];
	_ =	sdelay $0x1  }
0x99: {  	s19 =	simm.s32 $_scs_section_size  }
0x9a: {  	s4 =	simm.s32 $_size__tile_overlayer_lowered;
	s5 =	simm.s32 $_tile_overlayer_lowered  }
0x9b: {  	s22 =	simm.s32 $0x1BFF;
	s21 =	sshll.u32 s5, $0x1;
	s2 =	sadd.s32 s19, s18  }
0x9c: {  	s6 =	simm.s32 $0x0;
	s20 =	sshll.u32 s4, $0x1;
	s4 =	sadd.s32 s21, s2  }
0x9d: {  	[timem:s6], [sflag:s22] =	dma.local [hbm:s4], s20  }
0x9e: {  	_ =	swait.ge [sflag:s22], s20  }
0x9f: {  	s3 =	ssub.s32 $0x0, s20;
	[sflag:s22] =	ssyncset.done $0x0  }
0xa0: {  	[sflag:s22] =	ssyncadd.s32 s3;
	_ =	sdelay $0x1  }
0xa1: {  	s23 =	simm.s32 $0x1B8B  }
0xa2: {  	_ =	swait.ge [sflag:s23], $0x1  }
0xa3: {  	[sflag:s23] =	ssyncset.done $0x0  }
0xa4: {  	s25 =	simm.s32 $0x1B8E;
	s24 =	sld [smem:$0x3FFE];
	[sflag:s23] =	ssyncadd.s32 $0xFFFFFFFF  }
0xa5: {  	s26 =	simm.s32 $execute0_lowered;
	[smem:$0x3FD2] =	sst s25  }
0xa6: {  	s4 =	sshll.u32 s26, $0x1;
	_ =	strace $0x80000046;
	[dreg:$0x1] =	wrdreg $0xFFFFFFFF  }
0xa7: {  	s28 =	simm.s32 $_size_execute0_lowered;
	s2 =	sadd.s32 s2, s4;
	[dreg:$0x0] =	wrdreg $0x0  }
0xa8: {  	s4 =	sshll.u32 s28, $0x1;
	[dreg:$0x2] =	wrdreg s2  }
0xa9: {  	[dreg:$0x3] =	wrdreg s4  }
0xaa: {  	[dreg:$0x4] =	wrdreg $0xC0  }
0xab: {  	_ =	task [dreg:s6], $0x5FFFF  }
0xac: {  	[dreg:$0x1] =	wrdreg $0xFFFFFFFF  }
0xad: {  	[dreg:$0x0] =	wrdreg $0x60  }
0xae: {  	[dreg:$0x2] =	wrdreg s24  }
0xaf: {  	[dreg:$0x3] =	wrdreg $0xA  }
0xb0: {  	_ =	task.clear_ibuf [dreg:s6], $0x4FFFF;
	_ =	strace $0x90000046  }
0xb1: {  	s29 =	simm.s32 $0xA;
	_ =	strace $0x80000048  }
0xb2: {  	_ =	swait.ge [sflag:s29], $0x1  }
0xb3: {  	[sflag:s29] =	ssyncadd.s32 $0xFFFFFFFF  }
0xb4: {  	_ =	strace $0x90000048  }
0xb5: {  	_ =	sfence  }
0xb6: {  	s30 =	sld [smem:$0x0];
	_ =	sdelay $0x2  }
0xb7: {  	s31 =	sshll.u32 s1, $0xD;
	s1 =	sshrl.u32 s1, $0x2  }
0xb8: {  	s3 =	sand.u32 $0x4000, s31;
	s1 =	sadd.s32 s1, s30  }
0xb9: {  	s0 =	sor.u32 s3, s0;
	s1 =	sshll.u32 s1, $0x11  }
0xba: {  	s0 =	sor.u32 s1, s0  }
0xbb: {  	s0 =	sadd.s32 $0x8F2B, s0  }
0xbc: {  	[sflag:s0] =	ssyncadd.remote.s32 $0x1  }
0xbd: {  	_ =	sfence.sel $0xFFFF  }
0xbe: {  	[dreg:$0x0] =	wrdreg $0xFFFFFFFF;
	(pc) =	sbr.abs _section_cstart, $3  }
0xbf: {  	[dreg:$0x1] =	wrdreg $0xFFFFFFFF  }
0xc0: {  	_ =	task.clear_ibuf [dreg:s6], $0x2FFFF;
	_ =	strace $0x9FFFFFFF  }
0xc1: {  	(tm) =	ssettm $0x7FFFFFFF  }
tec
execute0_lowered:
.L_overlay_start_1:
0x0: {  	(tag) =	ssettag $0x1  }
0x1: {  	s1 =	srdreg.scid  }
0x2: {  	s0 =	stileid.u32;
	s2 =	rddreg [dreg:$0x0];
	s6 =	simm.s32 $0x1  }
0x3: {  	s9 =	simm.s32 $0x1;
	s10 =	simm.s32 $0x3;
	s1 =	sshll.u32 s1, $0x8  }
0x4: {  	s13 =	simm.s32 $0x0;
	s3 =	sshll.u32 s0, $0x9;
	s4 =	sand.u32 $0x100, s1  }
0x5: {  	s12 =	simm.s32 $0x0;
	s5 =	sadd.s32 $0x2800, s2;
	s3 =	sor.u32 s3, s4  }
0x6: {  	s1 =	rddreg [dreg:$0x1];
	_ =	strace $0x80000047;
	s8 =	ssub.s32 $0x4000, s3  }
.Ltmp0:
0x7: {  	s4 =	sadd.s32 $0x1000, s2;
	s7 =	sand.u32 $0x1F00, s8;
	(pc) =	sbr.rel .LBB2_1-.Ltmp0, $4  }
0x8: {  	[sflag:s6] =	ssyncpa.u1 $0x0;
	s11 =	smov.u32 s3;
	p0 =	sne.s32 s7, $0x0  }
0x9: {  	s8 =	sshrl.u32 s8, $0xD;
	s7 =	simm.s32 $0x2;
	s9 =	simm.s32 @!p0 $0x0  }
0xa: {  	[sflag:s7] =	ssyncpa.u1 $0x0;
	p0 =	por $0x0, $0x0;
	s8 =	sadd.s32 s9, s8  }
0xb: {  	vm0 =	vmmov $0xffff;
	[sflag:s10] =	ssyncpa.u1 $0x0;
	s10 =	simm.s32 $0x0;
	s9 =	sadd.s32 $0x1, s8  }
.LBB2_4:
0xc: {  	vm1 =	veq.s32 v0, $0x80000000;
	v63 =	vand.u32 $0xF, v0;
	v2 =	vand.u32 $0x3FF, v2  }
0xd: {  	v0 =	vsel vm1, $0xFFFFFFFF, v63;
	v2 =	vsel vm1, $0xFFFFFFFF, v2  }
0xe: {  	v3 =	vshll.u32 v0, $0xA;
	v4 =	vshll.u32 v2, $0x3  }
0xf: {  	v0 =	vshll.u32 v0, $0x7;
	v3 =	vand.u32 $0xFFFFE000, v3;
	v4 =	vand.u32 $0xFFFFFC00, v4  }
0x10: {  	v0 =	vand.u32 $0x380, v0;
	v3 =	vadd.s32 v3, v4  }
0x11: {  	v2 =	vand.u32 $0x7F, v2;
	v0 =	vor.u32 v0, v3  }
0x12: {  	v0 =	vor.u32 v2, v0;
	_ =	sdelay $0x1  }
0x13: {  	(ifvalue) =	ssetifvalue $0x7FFFFFFF;
	s14 =	sadd.s32 $0x10, s14  }
0x14: {  	[tilespmem:s14], [sflag:$0x1] =	stream.indirect_vreg.gather [hbm4b:s2+s10], $0x1, v1, vm0, $0x4038;
	[tilespmem:$0x400] =	vst v63  }
0x15: {  	(ifvalue) =	ssetifvalue $0x7FFFFFFF;
	s14 =	sadd.s32 $0x10, s14  }
0x16: {  	[tilespmem:s14], [sflag:$0x1] =	stream.indirect_vreg.gather [hbm4b:s2+s10], $0x1, v0, vm0, $0x4038;
	[tilespmem:$0x400] =	vst v63  }
0x17: {  	_ =	swait.ge [sflag:s6], $0x100  }
0x18: {  	s30 =	sshrl.u32 s13, $0x3;
	[sflag:s6] =	ssyncset.done $0x0  }
0x19: {  	s31 =	sand.u32 $0x7, s13;
	s14 =	sadd.s32 s5, s30;
	[sflag:s6] =	ssyncadd.s32 $0xFFFFFF00  }
0x1a: {  	[hbm4b:s14+s31] =	stream.linear.scatter [tilespmem:s15], [sflag:$0x3], $0x100, $0x38;
	[tilespmem:$0x400] =	vst v63  }
.LBB2_5:
0x1b: {  	s15 =	sadd.s32 $0x2000, s11  }
0x1c: {  	p2 =	sgt.s32 s15, $0x3FFF  }
0x1d: {  	s15 =	smov.u32 @p2 s3;
	p2 =	sne.s32 s12, s9  }
.Ltmp1:
0x1e: {  	p1 =	slt.u32 s12, $0x2;
	(pc) =	sbr.rel @!p2 .LBB2_6-.Ltmp1, $4  }
0x1f: {  	s14 =	simm.s32 @!p1 $0x3  }
0x20: {  	s16 =	sadd.s32 $0x1, s12;
	_ =	swait.ge @!p1 [sflag:s14], $0x100  }
0x21: {  	s13 =	smov.u32 s11;
	p0 =	por !p0, !p0;
	[sflag:s14] =	ssyncset.done @!p1 $0x0  }
0x22: {  	s12 =	smov.u32 s16;
	s11 =	smov.u32 s15;
	[sflag:s14] =	ssyncadd.s32 @!p1 $0xFFFFFF00  }
.LBB2_1:
0x23: {  	p1 =	sge.u32 s12, s8  }
0x24: {  	s14 =	sxor.u32 @!p1 $0xFFFFFFFF, s12  }
0x25: {  	s31 =	sadd.s32 $0xFFFFFFFF, s12;
	s15 =	sshrl.u32 @!p1 s11, $0x3;
	s14 =	sshll.u32 @!p1 s14, $0x8  }
0x26: {  	s16 =	sand.u32 @!p1 $0x7, s11;
	s15 =	sadd.s32 @!p1 s4, s15;
	s14 =	sand.u32 @!p1 $0x100, s14  }
0x27: {  	[tilespmem:s14], [sflag:$0x2] =	stream.linear.gather @!p1 [hbm4b:s15+s16], $0x100, $0x38;
	[tilespmem:$0x400] =	vst v63  }
0x28: {  	p1 =	sge.u32 s31, s8  }
.Ltmp2:
0x29: {  	_ = 	snop;
	(pc) =	sbr.rel @p1 .LBB2_5-.Ltmp2, $1  }
0x2a: {  	_ =	sdelay $0x3  }
0x2b: {  	s14 =	simm.s32 $0x1  }
0x2c: {  	_ =	swait.ge [sflag:s7], $0x100;
	s14 =	simm.s32 @!p0 $0x0  }
0x2d: {  	[sflag:s7] =	ssyncset.done $0x0;
	s14 =	sshll.u32 s14, $0x8  }
0x2e: {  	[sflag:s7] =	ssyncadd.s32 $0xFFFFFF00;
	(ifvalue) =	ssetifvalue $0x7FFFFFFF;
	v0 =	vld.msk [tilespmem:s14+$0x0 ss:$0x1], $0xffff;
	_ =	sdelay $0x3  }
0x2f: {  	s15 =	sadd.s32 $0x10, s14  }
0x30: {  	v2 =	vld.msk [tilespmem:s15+$0x0 ss:$0x1], $0xffff;
	v1 =	vshrl.u32 v0, $0x4  }
0x31: {  	vm1 =	veq.s32 v0, $0x80000000;
	v0 =	vand.u32 $0xF, v0;
	v1 =	vand.u32 $0x3FF, v1  }
0x32: {  	v0 =	vsel vm1, $0xFFFFFFFF, v0;
	v1 =	vsel vm1, $0xFFFFFFFF, v1  }
0x33: {  	v3 =	vshll.u32 v0, $0xA;
	v4 =	vshll.u32 v1, $0x3  }
0x34: {  	v0 =	vshll.u32 v0, $0x7;
	v3 =	vand.u32 $0xFFFFE000, v3;
	v4 =	vand.u32 $0xFFFFFC00, v4  }
0x35: {  	vm1 =	veq.s32 v2, $0x80000000;
	v0 =	vand.u32 $0x380, v0;
	v3 =	vadd.s32 v3, v4  }
0x36: {  	v1 =	vand.u32 $0x7F, v1;
	v0 =	vor.u32 v0, v3;
	v3 =	vshrl.u32 v2, $0x4  }
0x37: {  	s17 =	sadd.s32 $0x10, s15;
	v2 =	vand.u32 $0xF, v2;
	v1 =	vor.u32 v1, v0;
	v3 =	vand.u32 $0x3FF, v3  }
0x38: {  	v0 =	vld.msk [tilespmem:s17+$0x0 ss:$0x1], $0xffff;
	v2 =	vsel vm1, $0xFFFFFFFF, v2;
	v3 =	vsel vm1, $0xFFFFFFFF, v3  }
0x39: {  	v63 =	vshll.u32 v2, $0xA;
	v5 =	vshll.u32 v3, $0x3  }
0x3a: {  	s31 =	sshll.u32 s12, $0x8;
	v2 =	vshll.u32 v2, $0x7;
	v4 =	vand.u32 $0xFFFFE000, v63;
	v5 =	vand.u32 $0xFFFFFC00, v5  }
0x3b: {  	s14 =	sor.u32 $0x200, s14;
	s15 =	sand.u32 $0x100, s31;
	(ifvalue) =	ssetifvalue $0x7FFFFFFF;
	v2 =	vand.u32 $0x380, v2;
	v4 =	vadd.s32 v4, v5  }
0x3c: {  	[tilespmem:s14], [sflag:$0x1] =	stream.indirect_vreg.gather [hbm4b:s2+s10], $0x1, v1, vm0, $0x4038;
	v1 =	vand.u32 $0x7F, v3;
	v3 =	vor.u32 v2, v4;
	[tilespmem:$0x400] =	vst v63  }
0x3d: {  	s16 =	simm.s32 $0x20;
	s15 =	sor.u32 $0x200, s15;
	s17 =	sadd.s32 $0x10, s17;
	v2 =	vshrl.u32 v0, $0x4;
	v1 =	vor.u32 v1, v3  }
.LBB2_3:
0x3e: {  	s16 =	sadd.s32 $0x10, s16;
	vm1 =	veq.s32 v0, $0x80000000;
	v3 =	vand.u32 $0xF, v0;
	v0 =	vld.msk [tilespmem:s17+$0x0 ss:$0x1], $0xffff;
	v2 =	vand.u32 $0x3FF, v2  }
0x3f: {  	p1 =	slt.u32 s16, $0xF0;
	v3 =	vsel vm1, $0xFFFFFFFF, v3;
	v2 =	vsel vm1, $0xFFFFFFFF, v2  }
.Ltmp3:
0x40: {  	v4 =	vshll.u32 v3, $0xA;
	v5 =	vshll.u32 v2, $0x3;
	(pc) =	sbr.rel @p1 .LBB2_3-.Ltmp3, $4  }
0x41: {  	s14 =	sadd.s32 $0x10, s14;
	v3 =	vshll.u32 v3, $0x7;
	v4 =	vand.u32 $0xFFFFE000, v4;
	v5 =	vand.u32 $0xFFFFFC00, v5;
	(ifvalue) =	ssetifvalue $0x7FFFFFFF  }
0x42: {  	v3 =	vand.u32 $0x380, v3;
	v4 =	vadd.s32 v4, v5;
	[tilespmem:s14], [sflag:$0x1] =	stream.indirect_vreg.gather [hbm4b:s2+s10], $0x1, v1, vm0, $0x4038;
	[tilespmem:$0x400] =	vst v63  }
0x43: {  	v1 =	vand.u32 $0x7F, v2;
	v3 =	vor.u32 v3, v4  }
0x44: {  	s17 =	sadd.s32 $0x10, s17;
	v2 =	vshrl.u32 v0, $0x4;
	v1 =	vor.u32 v1, v3  }
.Ltmp4:
0x45: {  	_ = 	snop;
	(pc) =	sbr.rel .LBB2_4-.Ltmp4, $1  }
0x46: {  	_ =	sdelay $0x3  }
.LBB2_6:
0x47: {  	_ =	sfence.sel $0x180000  }
0x48: {  	s2 =	simm.s32 $0x2;
	[bflag:$0x0] =	sbarrier.arrive $0xFFFF  }
0x49: {  	s30 =	simm.s32 $0x3;
	[sflag:s2] =	ssyncpa.u1 $0x1  }
0x4a: {  	s31 =	simm.s32 $0x1;
	[sflag:s30] =	ssyncpa.u1 $0x1  }
0x4b: {  	[sflag:s31] =	ssyncpa.u1 $0x1  }
0x4c: {  	p0 =	sne.s32 s0, $0x0;
	_ =	strace $0x90000047  }
0x4d: {  	s0 =	sadd.s32 @!p0 $0x100000, s1;
	[bflag:$0x2] =	sbarrier.arrive $0xFFFF  }
0x4e: {  	[sflag:s0] =	ssyncadd.tile.s32 @!p0 $0x1;
	_ =	shalt  }
.Lfunc_end2:
_tile_overlayer_lowered:
.L_overlay_start_2:
0x4f: {  	(tag) =	ssettag $0x2  }
0x50: {  	s0 =	rddreg [dreg:$0x0];
	s2 =	stileid.u32  }
0x51: {  	s1 =	rddreg [dreg:$0x1];
	p0 =	sne.s32 s2, $0x0  }
0x52: {  	s3 =	rddreg [dreg:$0x2];
	[bflag:$0x3] =	sbarrier.arrive $0xFFFF;
	s2 =	simm.s32 @!p0 $0x1C01  }
0x53: {  	[timem:s3], [sflag:s2] =	dma.local @!p0 [hbm:s0], s1  }
0x54: {  	s0 =	simm.s32 @!p0 $0x1  }
0x55: {  	_ =	swait.ge @!p0 [sflag:s0], s1  }
0x56: {  	s1 =	ssub.s32 @!p0 $0x0, s1;
	[sflag:s0] =	ssyncset.done @!p0 $0x0  }
0x57: {  	[sflag:s0] =	ssyncadd.s32 @!p0 s1  }
0x58: {  	[bflag:$0x3] =	sbarrier.arrive $0xFFFF  }
0x59: {  	_ =	shalt  }

// kernel: gather_offload_async_start
scs
__scs_entry_jumppad:
0x0: {  	(pc) =	sbr.rel $0x88, $3  }
0x1: {  	(tag) =	ssettag $0x0;
	lr =	simm.s32 $0x1  }
0x2: {  	[smem:$0x3F9D] =	sst lr;
	_ =	strace $0xD0000000  }
0x3: {  	_ = 	snop  }
0x4: {  	_ = 	snop  }
0x5: {  	_ = 	snop  }
0x6: {  	_ = 	snop  }
0x7: {  	_ = 	snop  }
__scs_overlays_trampoline_lowered:
0x8: {  	[smem:$0x3FAC] =	sst s0  }
0x9: {  	[smem:$0x3FAD] =	sst s1  }
0xa: {  	[smem:$0x3FAE] =	sst s2  }
0xb: {  	[smem:$0x3FAF] =	sst s3  }
0xc: {  	[smem:$0x3FB0] =	sst s4  }
0xd: {  	[smem:$0x3FB1] =	sst s5  }
0xe: {  	[smem:$0x3FB2] =	sst s6  }
0xf: {  	[smem:$0x3FB3] =	sst s7  }
0x10: {  	[smem:$0x3FB4] =	sst s8  }
0x11: {  	[smem:$0x3FB5] =	sst s9;
	s0 =	simm.s32 @!p0 $0x0  }
0x12: {  	s1 =	sld [smem:$0x3F9B];
	s0 =	simm.s32 @p0 $0x1  }
0x13: {  	[smem:$0x3FB6] =	sst s0;
	s0 =	simm.s32 @!p1 $0x0  }
0x14: {  	s2 =	sld [smem:$0x3F9A];
	s0 =	simm.s32 @p1 $0x1  }
0x15: {  	[smem:$0x3FB7] =	sst s0;
	s0 =	simm.s32 @!p2 $0x0  }
0x16: {  	s3 =	sld [smem:$0x3FDB];
	s0 =	simm.s32 @p2 $0x1  }
0x17: {  	s4 =	simm.s32 $0x1BF5;
	[smem:$0x3FB9] =	sst s0  }
0x18: {  	s0 =	sld [smem:$0x3F9C];
	_ =	swait.ge [sflag:s4], $0x0  }
0x19: {  	s7 =	sld [smem:$0x3F9D]  }
0x1a: {  	s8 =	sadd.s32 $0xFFFFE003, lr  }
0x1b: {  	s9 =	sadd.s32 $0xFFFFFEF7, lr;
	s5 =	simm.s32 $0xFFFFFFFF;
	p2 =	slt.u32 s8, $0xFFFFF086  }
0x1c: {  	p1 =	slt.u32 s9, $0xF7A;
	s5 =	simm.s32 @!p2 $0x0  }
0x1d: {  	s5 =	simm.s32 @p1 $0x1;
	p0 =	seq.s32 s7, s2  }
0x1e: {  	s7 =	smul.u32 @!p0 $0xF7A, s2;
	p2 =	seq.s32 @!p0 s5, $0x0  }
0x1f: {  	s9 =	smul.u32 $0xF7A, s1;
	s8 =	simm.s32 @!p0 $0x1BF5;
	p2 =	por !p2, p0  }
0x20: {  	[sflag:s8] =	ssyncset.s32 @!p0 $0xFFFFF086;
	s6 =	sadd.s32 @!p0 s3, s7;
	s7 =	simm.s32 @!p0 $0x108  }
0x21: {  	s3 =	sadd.s32 s3, s9;
	s6 =	sadd.s32 @!p0 $0x88, s6;
	s7 =	simm.s32 @p2 $0x1082  }
0x22: {  	[simem:s7], [sflag:s8] =	dma.local @!p0 [hbm:s6], $0xF7A  }
0x23: {  	s9 =	sor.u32 $0xD0000000, s2;
	s6 =	simm.s32 $0x108;
	_ =	swait.ge @!p0 [sflag:s8], $0x0  }
0x24: {  	s3 =	sadd.s32 $0x88, s3;
	s6 =	simm.s32 @!p1 $0x1082;
	[sflag:s4] =	ssyncset.s32 $0xFFFFF086  }
0x25: {  	[simem:s6], [sflag:s4] =	dma.local [hbm:s3], $0xF7A  }
0x26: {  	[smem:$0x3F9D] =	sst s1;
	(tag) =	ssettag s2;
	_ =	strace s9  }
0x27: {  	s1 =	sld [smem:$0x3FAD]  }
0x28: {  	s2 =	sld [smem:$0x3FAE]  }
0x29: {  	s4 =	sld [smem:$0x3FB0]  }
0x2a: {  	p0 =	seq.s32 s5, $0x0;
	s5 =	sld [smem:$0x3FB1]  }
0x2b: {  	s6 =	sld [smem:$0x3FB2]  }
0x2c: {  	s7 =	sld [smem:$0x3FB3]  }
0x2d: {  	s3 =	simm.s32 $0x108;
	s8 =	sld [smem:$0x3FB4]  }
0x2e: {  	s3 =	simm.s32 @!p0 $0x1082;
	s9 =	sld [smem:$0x3FB5]  }
0x2f: {  	lr =	sadd.s32 s0, s3;
	s0 =	sld [smem:$0x3FAC]  }
0x30: {  	s3 =	sld [smem:$0x3FAF]  }
0x31: {  	[smem:$0x3FB8] =	sst s10  }
0x32: {  	s10 =	sld [smem:$0x3FB6];
	_ =	sdelay $0x3  }
0x33: {  	p0 =	seq.s32 s10, $0x1;
	s10 =	sld [smem:$0x3FB8];
	_ =	sdelay $0x3  }
0x34: {  	[smem:$0x3FB8] =	sst s10  }
0x35: {  	s10 =	sld [smem:$0x3FB7];
	_ =	sdelay $0x3  }
0x36: {  	p1 =	seq.s32 s10, $0x1;
	s10 =	sld [smem:$0x3FB8];
	_ =	sdelay $0x3  }
0x37: {  	[smem:$0x3FB8] =	sst s10  }
0x38: {  	s10 =	sld [smem:$0x3FB9]  }
0x39: {  	_ = 	snop;
	(pc) =	sbr.ind lr, $3  }
0x3a: {  	_ = 	snop  }
0x3b: {  	_ = 	snop  }
0x3c: {  	p2 =	seq.s32 s10, $0x1;
	s10 =	sld [smem:$0x3FB8]  }
0x3d: {  	_ =	shalt  }
0x3e: {  	_ =	shalt  }
0x3f: {  	_ =	shalt  }
0x40: {  	_ =	shalt  }
0x41: {  	_ =	shalt  }
0x42: {  	_ =	shalt  }
0x43: {  	_ =	shalt  }
0x44: {  	_ =	shalt  }
0x45: {  	_ =	shalt  }
0x46: {  	_ =	shalt  }
0x47: {  	_ =	shalt  }
0x48: {  	_ =	shalt  }
0x49: {  	_ =	shalt  }
0x4a: {  	_ =	shalt  }
0x4b: {  	_ =	shalt  }
0x4c: {  	_ =	shalt  }
0x4d: {  	_ =	shalt  }
0x4e: {  	_ =	shalt  }
0x4f: {  	_ =	shalt  }
0x50: {  	_ =	shalt  }
0x51: {  	_ =	shalt  }
0x52: {  	_ =	shalt  }
0x53: {  	_ =	shalt  }
0x54: {  	_ =	shalt  }
0x55: {  	_ =	shalt  }
0x56: {  	_ =	shalt  }
0x57: {  	_ =	shalt  }
0x58: {  	_ =	shalt  }
0x59: {  	_ =	shalt  }
0x5a: {  	_ =	shalt  }
0x5b: {  	_ =	shalt  }
0x5c: {  	_ =	shalt  }
0x5d: {  	_ =	shalt  }
0x5e: {  	_ =	shalt  }
0x5f: {  	_ =	shalt  }
0x60: {  	_ =	shalt  }
0x61: {  	_ =	shalt  }
0x62: {  	_ =	shalt  }
0x63: {  	_ =	shalt  }
0x64: {  	_ =	shalt  }
0x65: {  	_ =	shalt  }
0x66: {  	_ =	shalt  }
0x67: {  	_ =	shalt  }
0x68: {  	_ =	shalt  }
0x69: {  	_ =	shalt  }
0x6a: {  	_ =	shalt  }
0x6b: {  	_ =	shalt  }
0x6c: {  	_ =	shalt  }
0x6d: {  	_ =	shalt  }
0x6e: {  	_ =	shalt  }
0x6f: {  	_ =	shalt  }
0x70: {  	_ =	shalt  }
0x71: {  	_ =	shalt  }
0x72: {  	_ =	shalt  }
0x73: {  	_ =	shalt  }
0x74: {  	_ =	shalt  }
0x75: {  	_ =	shalt  }
0x76: {  	_ =	shalt  }
0x77: {  	_ =	shalt  }
0x78: {  	_ =	shalt  }
0x79: {  	_ =	shalt  }
0x7a: {  	_ =	shalt  }
0x7b: {  	_ =	shalt  }
0x7c: {  	_ =	shalt  }
0x7d: {  	_ =	shalt  }
0x7e: {  	_ =	shalt  }
0x7f: {  	_ =	shalt  }
0x80: {  	_ =	shalt  }
0x81: {  	_ =	shalt  }
0x82: {  	_ =	shalt  }
0x83: {  	_ =	shalt  }
0x84: {  	_ =	shalt  }
0x85: {  	_ =	shalt  }
0x86: {  	_ =	shalt  }
0x87: {  	_ =	shalt  }
.Lfunc_end0:
.L_simem_size_0:
called_computation_lowered:
.L_overlay_start_0:
0x88: {  	s2 =	sld [smem:$0x3FD9]  }
0x89: {  	s3 =	sld [smem:$0x3FFE];
	_ =	sdelay $0x1  }
0x8a: {  	s1 =	srdreg.scid  }
0x8b: {  	s0 =	sand.u32 $0x1, s1  }
0x8c: {  	s17 =	sshll.u32 s0, $0xA;
	s2 =	sadd.s32 s3, s2  }
0x8d: {  	s2 =	sadd.s32 s2, s17  }
0x8e: {  	[smem:$0x3FC4] =	sst s2  }
0x8f: {  	_ = 	snop  }
0x90: {  	s18 =	sld [smem:$0x3FD0];
	(tm) =	ssettm $0x1  }
0x91: {  	s19 =	sld [smem:$0x3FFB];
	_ =	sdelay $0x3  }
0x92: {  	_ =	strace s19  }
0x93: {  	s2 =	sld [smem:$0x3FFC];
	_ =	sdelay $0x3  }
0x94: {  	_ =	strace s2  }
0x95: {  	s2 =	sld [smem:$0x3FFD];
	_ =	sdelay $0x3  }
0x96: {  	_ =	strace s2  }
0x97: {  	_ =	strace $0x8FFFFFFF  }
0x98: {  	s20 =	sld [smem:$0x3FDB];
	_ =	sdelay $0x1  }
0x99: {  	s4 =	simm.s32 $_scs_section_size  }
0x9a: {  	s5 =	simm.s32 $_size__tile_overlayer_lowered;
	s6 =	simm.s32 $_tile_overlayer_lowered  }
0x9b: {  	s7 =	simm.s32 $0x1BFF;
	s21 =	sshll.u32 s6, $0x1;
	s4 =	sadd.s32 s4, s20  }
0x9c: {  	s22 =	simm.s32 $0x0;
	s5 =	sshll.u32 s5, $0x1;
	s6 =	sadd.s32 s21, s4  }
0x9d: {  	[timem:s22], [sflag:s7] =	dma.local [hbm:s6], s5  }
0x9e: {  	_ =	swait.ge [sflag:s7], s5  }
0x9f: {  	s5 =	ssub.s32 $0x0, s5;
	[sflag:s7] =	ssyncset.done $0x0  }
0xa0: {  	[sflag:s7] =	ssyncadd.s32 s5;
	_ =	sdelay $0x1  }
0xa1: {  	s23 =	simm.s32 $0x1B8B  }
0xa2: {  	_ =	swait.ge [sflag:s23], $0x1  }
0xa3: {  	[sflag:s23] =	ssyncset.done $0x0  }
0xa4: {  	[sflag:s23] =	ssyncadd.s32 $0xFFFFFFFF  }
0xa5: {  	s5 =	sld [smem:$0x0]  }
0xa6: {  	s6 =	sand.u32 $0xFFFFFFFE, s1  }
0xa7: {  	p0 =	sne.s32 s1, s6  }
0xa8: {  	s6 =	sshll.u32 @p0 s6, $0xE  }
0xa9: {  	s6 =	sadd.s32 @p0 $0x11B8D, s6;
	s7 =	sshll.u32 @p0 s5, $0x11  }
0xaa: {  	s6 =	sor.u32 @p0 s7, s6  }
0xab: {  	[sflag:s6] =	ssyncadd.remote.s32 @p0 $0x1;
	_ =	sdelay $0x1  }
0xac: {  	s6 =	simm.s32 @p0 $0x1B8D  }
0xad: {  	_ =	swait.eq @p0 [sflag:s6], $0x1  }
0xae: {  	[sflag:s6] =	ssyncadd.s32 @p0 $0xFFFFFFFF  }
0xaf: {  	s7 =	sshll.u32 @!p0 s1, $0xE  }
0xb0: {  	s7 =	sor.u32 @!p0 $0x4000, s7;
	s6 =	simm.s32 @!p0 $0x1B8D  }
0xb1: {  	s5 =	sshll.u32 @!p0 s5, $0x11;
	s7 =	sadd.s32 @!p0 $0x11B8D, s7;
	_ =	swait.eq @!p0 [sflag:s6], $0x1  }
0xb2: {  	s5 =	sor.u32 @!p0 s5, s7;
	[sflag:s6] =	ssyncadd.s32 @!p0 $0xFFFFFFFF  }
0xb3: {  	s25 =	simm.s32 $0x1B8E;
	s24 =	sld [smem:$0x3FFE];
	[sflag:s5] =	ssyncadd.remote.s32 @!p0 $0x1  }
0xb4: {  	s26 =	simm.s32 $execute0_lowered;
	[smem:$0x3FD2] =	sst s25  }
0xb5: {  	s6 =	sshll.u32 s26, $0x1;
	_ =	strace $0x80000049;
	[dreg:$0x1] =	wrdreg $0xFFFFFFFF  }
0xb6: {  	s28 =	simm.s32 $_size_execute0_lowered;
	s4 =	sadd.s32 s4, s6;
	[dreg:$0x0] =	wrdreg $0x0  }
0xb7: {  	s6 =	sshll.u32 s28, $0x1;
	[dreg:$0x2] =	wrdreg s4  }
0xb8: {  	[dreg:$0x3] =	wrdreg s6  }
0xb9: {  	[dreg:$0x4] =	wrdreg $0xC0  }
0xba: {  	_ =	task [dreg:s22], $0x5FFFF  }
0xbb: {  	[dreg:$0x1] =	wrdreg $0xFFFFFFFF  }
0xbc: {  	[dreg:$0x0] =	wrdreg $0x60  }
0xbd: {  	[dreg:$0x2] =	wrdreg s18  }
0xbe: {  	[dreg:$0x3] =	wrdreg s24  }
0xbf: {  	[dreg:$0x4] =	wrdreg $0x9  }
0xc0: {  	_ =	task.clear_ibuf [dreg:s22], $0x5FFFF;
	_ =	strace $0x90000049  }
0xc1: {  	s29 =	simm.s32 $0x9;
	_ =	strace $0x8000004B  }
0xc2: {  	_ =	swait.ge [sflag:s29], $0x1  }
0xc3: {  	[sflag:s29] =	ssyncadd.s32 $0xFFFFFFFF  }
0xc4: {  	_ =	strace $0x9000004B  }
0xc5: {  	_ =	sfence  }
0xc6: {  	s30 =	sld [smem:$0x0];
	_ =	sdelay $0x2  }
0xc7: {  	s31 =	sshll.u32 s1, $0xD;
	s1 =	sshrl.u32 s1, $0x2  }
0xc8: {  	s4 =	sand.u32 $0x4000, s31;
	s1 =	sadd.s32 s1, s30  }
0xc9: {  	s0 =	sor.u32 s4, s0;
	s1 =	sshll.u32 s1, $0x11  }
0xca: {  	s0 =	sor.u32 s1, s0  }
0xcb: {  	s0 =	sadd.s32 $0x8F2B, s0  }
0xcc: {  	[sflag:s0] =	ssyncadd.remote.s32 $0x1  }
0xcd: {  	_ =	sfence.sel $0xFFFF  }
0xce: {  	[dreg:$0x0] =	wrdreg $0xFFFFFFFF;
	(pc) =	sbr.abs _section_cstart, $3  }
0xcf: {  	[dreg:$0x1] =	wrdreg $0xFFFFFFFF  }
0xd0: {  	_ =	task.clear_ibuf [dreg:s22], $0x2FFFF;
	_ =	strace $0x9FFFFFFF  }
0xd1: {  	(tm) =	ssettm $0x7FFFFFFF  }
tec
execute0_lowered:
.L_overlay_start_1:
0x0: {  	(tag) =	ssettag $0x1  }
0x1: {  	s1 =	srdreg.scid;
	s2 =	rddreg [dreg:$0x0]  }
0x2: {  	s0 =	stileid.u32;
	s5 =	rddreg [dreg:$0x1];
	s6 =	simm.s32 $0x1  }
0x3: {  	s9 =	simm.s32 $0x1;
	s10 =	simm.s32 $0x3;
	s1 =	sshll.u32 s1, $0x8  }
0x4: {  	s13 =	simm.s32 $0x0;
	s3 =	sshll.u32 s0, $0x9;
	s4 =	sand.u32 $0x100, s1  }
0x5: {  	s12 =	simm.s32 $0x0;
	s1 =	rddreg [dreg:$0x2];
	s3 =	sor.u32 s3, s4  }
0x6: {  	_ =	strace $0x8000004A;
	s4 =	sadd.s32 $0x1000, s5;
	s8 =	ssub.s32 $0x4000, s3  }
.Ltmp0:
0x7: {  	s5 =	sadd.s32 $0x3000, s5;
	s7 =	sand.u32 $0x1F00, s8;
	(pc) =	sbr.rel .LBB2_1-.Ltmp0, $4  }
0x8: {  	[sflag:s6] =	ssyncpa.u1 $0x0;
	s11 =	smov.u32 s3;
	p0 =	sne.s32 s7, $0x0  }
0x9: {  	s8 =	sshrl.u32 s8, $0xD;
	s7 =	simm.s32 $0x2;
	s9 =	simm.s32 @!p0 $0x0  }
0xa: {  	[sflag:s7] =	ssyncpa.u1 $0x0;
	p0 =	por $0x0, $0x0;
	s8 =	sadd.s32 s9, s8  }
0xb: {  	vm0 =	vmmov $0xffff;
	[sflag:s10] =	ssyncpa.u1 $0x0;
	s10 =	simm.s32 $0x0;
	s9 =	sadd.s32 $0x1, s8  }
.LBB2_4:
0xc: {  	vm1 =	veq.s32 v0, $0x80000000;
	v63 =	vand.u32 $0xF, v0;
	v2 =	vand.u32 $0x3FF, v2  }
0xd: {  	v0 =	vsel vm1, $0xFFFFFFFF, v63;
	v2 =	vsel vm1, $0xFFFFFFFF, v2  }
0xe: {  	v3 =	vshll.u32 v0, $0xA;
	v4 =	vshll.u32 v2, $0x3  }
0xf: {  	v0 =	vshll.u32 v0, $0x7;
	v3 =	vand.u32 $0xFFFFE000, v3;
	v4 =	vand.u32 $0xFFFFFC00, v4  }
0x10: {  	v0 =	vand.u32 $0x380, v0;
	v3 =	vadd.s32 v3, v4  }
0x11: {  	v2 =	vand.u32 $0x7F, v2;
	v0 =	vor.u32 v0, v3  }
0x12: {  	v0 =	vor.u32 v2, v0;
	_ =	sdelay $0x1  }
0x13: {  	(ifvalue) =	ssetifvalue $0x7FFFFFFF;
	s14 =	sadd.s32 $0x10, s14  }
0x14: {  	[tilespmem:s14], [sflag:$0x1] =	stream.indirect_vreg.gather [hbm4b:s2+s10], $0x1, v1, vm0, $0x4038;
	[tilespmem:$0x400] =	vst v63  }
0x15: {  	(ifvalue) =	ssetifvalue $0x7FFFFFFF;
	s14 =	sadd.s32 $0x10, s14  }
0x16: {  	[tilespmem:s14], [sflag:$0x1] =	stream.indirect_vreg.gather [hbm4b:s2+s10], $0x1, v0, vm0, $0x4038;
	[tilespmem:$0x400] =	vst v63  }
0x17: {  	_ =	swait.ge [sflag:s6], $0x100  }
0x18: {  	s30 =	sshrl.u32 s13, $0x3;
	[sflag:s6] =	ssyncset.done $0x0  }
0x19: {  	s31 =	sand.u32 $0x7, s13;
	s14 =	sadd.s32 s5, s30;
	[sflag:s6] =	ssyncadd.s32 $0xFFFFFF00  }
0x1a: {  	[hbm4b:s14+s31] =	stream.linear.scatter [tilespmem:s15], [sflag:$0x3], $0x100, $0x38;
	[tilespmem:$0x400] =	vst v63  }
.LBB2_5:
0x1b: {  	s15 =	sadd.s32 $0x2000, s11  }
0x1c: {  	p2 =	sgt.s32 s15, $0x3FFF  }
0x1d: {  	s15 =	smov.u32 @p2 s3;
	p2 =	sne.s32 s12, s9  }
.Ltmp1:
0x1e: {  	p1 =	slt.u32 s12, $0x2;
	(pc) =	sbr.rel @!p2 .LBB2_6-.Ltmp1, $4  }
0x1f: {  	s14 =	simm.s32 @!p1 $0x3  }
0x20: {  	s16 =	sadd.s32 $0x1, s12;
	_ =	swait.ge @!p1 [sflag:s14], $0x100  }
0x21: {  	s13 =	smov.u32 s11;
	p0 =	por !p0, !p0;
	[sflag:s14] =	ssyncset.done @!p1 $0x0  }
0x22: {  	s12 =	smov.u32 s16;
	s11 =	smov.u32 s15;
	[sflag:s14] =	ssyncadd.s32 @!p1 $0xFFFFFF00  }
.LBB2_1:
0x23: {  	p1 =	sge.u32 s12, s8  }
0x24: {  	s14 =	sxor.u32 @!p1 $0xFFFFFFFF, s12  }
0x25: {  	s31 =	sadd.s32 $0xFFFFFFFF, s12;
	s15 =	sshrl.u32 @!p1 s11, $0x3;
	s14 =	sshll.u32 @!p1 s14, $0x8  }
0x26: {  	s16 =	sand.u32 @!p1 $0x7, s11;
	s15 =	sadd.s32 @!p1 s4, s15;
	s14 =	sand.u32 @!p1 $0x100, s14  }
0x27: {  	[tilespmem:s14], [sflag:$0x2] =	stream.linear.gather @!p1 [hbm4b:s15+s16], $0x100, $0x38;
	[tilespmem:$0x400] =	vst v63  }
0x28: {  	p1 =	sge.u32 s31, s8  }
.Ltmp2:
0x29: {  	_ = 	snop;
	(pc) =	sbr.rel @p1 .LBB2_5-.Ltmp2, $1  }
0x2a: {  	_ =	sdelay $0x3  }
0x2b: {  	s14 =	simm.s32 $0x1  }
0x2c: {  	_ =	swait.ge [sflag:s7], $0x100;
	s14 =	simm.s32 @!p0 $0x0  }
0x2d: {  	[sflag:s7] =	ssyncset.done $0x0;
	s14 =	sshll.u32 s14, $0x8  }
0x2e: {  	[sflag:s7] =	ssyncadd.s32 $0xFFFFFF00;
	(ifvalue) =	ssetifvalue $0x7FFFFFFF;
	v0 =	vld.msk [tilespmem:s14+$0x0 ss:$0x1], $0xffff;
	_ =	sdelay $0x3  }
0x2f: {  	s15 =	sadd.s32 $0x10, s14  }
0x30: {  	v2 =	vld.msk [tilespmem:s15+$0x0 ss:$0x1], $0xffff;
	v1 =	vshrl.u32 v0, $0x4  }
0x31: {  	vm1 =	veq.s32 v0, $0x80000000;
	v0 =	vand.u32 $0xF, v0;
	v1 =	vand.u32 $0x3FF, v1  }
0x32: {  	v0 =	vsel vm1, $0xFFFFFFFF, v0;
	v1 =	vsel vm1, $0xFFFFFFFF, v1  }
0x33: {  	v3 =	vshll.u32 v0, $0xA;
	v4 =	vshll.u32 v1, $0x3  }
0x34: {  	v0 =	vshll.u32 v0, $0x7;
	v3 =	vand.u32 $0xFFFFE000, v3;
	v4 =	vand.u32 $0xFFFFFC00, v4  }
0x35: {  	vm1 =	veq.s32 v2, $0x80000000;
	v0 =	vand.u32 $0x380, v0;
	v3 =	vadd.s32 v3, v4  }
0x36: {  	v1 =	vand.u32 $0x7F, v1;
	v0 =	vor.u32 v0, v3;
	v3 =	vshrl.u32 v2, $0x4  }
0x37: {  	s17 =	sadd.s32 $0x10, s15;
	v2 =	vand.u32 $0xF, v2;
	v1 =	vor.u32 v1, v0;
	v3 =	vand.u32 $0x3FF, v3  }
0x38: {  	v0 =	vld.msk [tilespmem:s17+$0x0 ss:$0x1], $0xffff;
	v2 =	vsel vm1, $0xFFFFFFFF, v2;
	v3 =	vsel vm1, $0xFFFFFFFF, v3  }
0x39: {  	v63 =	vshll.u32 v2, $0xA;
	v5 =	vshll.u32 v3, $0x3  }
0x3a: {  	s31 =	sshll.u32 s12, $0x8;
	v2 =	vshll.u32 v2, $0x7;
	v4 =	vand.u32 $0xFFFFE000, v63;
	v5 =	vand.u32 $0xFFFFFC00, v5  }
0x3b: {  	s14 =	sor.u32 $0x200, s14;
	s15 =	sand.u32 $0x100, s31;
	(ifvalue) =	ssetifvalue $0x7FFFFFFF;
	v2 =	vand.u32 $0x380, v2;
	v4 =	vadd.s32 v4, v5  }
0x3c: {  	[tilespmem:s14], [sflag:$0x1] =	stream.indirect_vreg.gather [hbm4b:s2+s10], $0x1, v1, vm0, $0x4038;
	v1 =	vand.u32 $0x7F, v3;
	v3 =	vor.u32 v2, v4;
	[tilespmem:$0x400] =	vst v63  }
0x3d: {  	s16 =	simm.s32 $0x20;
	s15 =	sor.u32 $0x200, s15;
	s17 =	sadd.s32 $0x10, s17;
	v2 =	vshrl.u32 v0, $0x4;
	v1 =	vor.u32 v1, v3  }
.LBB2_3:
0x3e: {  	s16 =	sadd.s32 $0x10, s16;
	vm1 =	veq.s32 v0, $0x80000000;
	v3 =	vand.u32 $0xF, v0;
	v0 =	vld.msk [tilespmem:s17+$0x0 ss:$0x1], $0xffff;
	v2 =	vand.u32 $0x3FF, v2  }
0x3f: {  	p1 =	slt.u32 s16, $0xF0;
	v3 =	vsel vm1, $0xFFFFFFFF, v3;
	v2 =	vsel vm1, $0xFFFFFFFF, v2  }
.Ltmp3:
0x40: {  	v4 =	vshll.u32 v3, $0xA;
	v5 =	vshll.u32 v2, $0x3;
	(pc) =	sbr.rel @p1 .LBB2_3-.Ltmp3, $4  }
0x41: {  	s14 =	sadd.s32 $0x10, s14;
	v3 =	vshll.u32 v3, $0x7;
	v4 =	vand.u32 $0xFFFFE000, v4;
	v5 =	vand.u32 $0xFFFFFC00, v5;
	(ifvalue) =	ssetifvalue $0x7FFFFFFF  }
0x42: {  	v3 =	vand.u32 $0x380, v3;
	v4 =	vadd.s32 v4, v5;
	[tilespmem:s14], [sflag:$0x1] =	stream.indirect_vreg.gather [hbm4b:s2+s10], $0x1, v1, vm0, $0x4038;
	[tilespmem:$0x400] =	vst v63  }
0x43: {  	v1 =	vand.u32 $0x7F, v2;
	v3 =	vor.u32 v3, v4  }
0x44: {  	s17 =	sadd.s32 $0x10, s17;
	v2 =	vshrl.u32 v0, $0x4;
	v1 =	vor.u32 v1, v3  }
.Ltmp4:
0x45: {  	_ = 	snop;
	(pc) =	sbr.rel .LBB2_4-.Ltmp4, $1  }
0x46: {  	_ =	sdelay $0x3  }
.LBB2_6:
0x47: {  	_ =	sfence.sel $0x180000  }
0x48: {  	s2 =	simm.s32 $0x2;
	[bflag:$0x0] =	sbarrier.arrive $0xFFFF  }
0x49: {  	s30 =	simm.s32 $0x3;
	[sflag:s2] =	ssyncpa.u1 $0x1  }
0x4a: {  	s31 =	simm.s32 $0x1;
	[sflag:s30] =	ssyncpa.u1 $0x1  }
0x4b: {  	[sflag:s31] =	ssyncpa.u1 $0x1  }
0x4c: {  	p0 =	sne.s32 s0, $0x0;
	_ =	strace $0x9000004A  }
0x4d: {  	s0 =	sadd.s32 @!p0 $0x100000, s1;
	[bflag:$0x2] =	sbarrier.arrive $0xFFFF  }
0x4e: {  	[sflag:s0] =	ssyncadd.tile.s32 @!p0 $0x1;
	_ =	shalt  }
.Lfunc_end2:
_tile_overlayer_lowered:
.L_overlay_start_2:
0x4f: {  	(tag) =	ssettag $0x2  }
0x50: {  	s0 =	rddreg [dreg:$0x0];
	s2 =	stileid.u32  }
0x51: {  	s1 =	rddreg [dreg:$0x1];
	p0 =	sne.s32 s2, $0x0  }
0x52: {  	s3 =	rddreg [dreg:$0x2];
	[bflag:$0x3] =	sbarrier.arrive $0xFFFF;
	s2 =	simm.s32 @!p0 $0x1C01  }
0x53: {  	[timem:s3], [sflag:s2] =	dma.local @!p0 [hbm:s0], s1  }
0x54: {  	s0 =	simm.s32 @!p0 $0x1  }
0x55: {  	_ =	swait.ge @!p0 [sflag:s0], s1  }
0x56: {  	s1 =	ssub.s32 @!p0 $0x0, s1;
	[sflag:s0] =	ssyncset.done @!p0 $0x0  }
0x57: {  	[sflag:s0] =	ssyncadd.s32 @!p0 s1  }
0x58: {  	[bflag:$0x3] =	sbarrier.arrive $0xFFFF  }
0x59: {  	_ =	shalt  }

// kernel: kernel.3.cloned.1.call-start
scs
__scs_entry_jumppad:
0x0: {  	(pc) =	sbr.rel $0x88, $3  }
0x1: {  	(tag) =	ssettag $0x0;
	lr =	simm.s32 $0x1  }
0x2: {  	[smem:$0x3F9D] =	sst lr;
	_ =	strace $0xD0000000  }
0x3: {  	_ = 	snop  }
0x4: {  	_ = 	snop  }
0x5: {  	_ = 	snop  }
0x6: {  	_ = 	snop  }
0x7: {  	_ = 	snop  }
__scs_overlays_trampoline_lowered:
0x8: {  	[smem:$0x3FAC] =	sst s0  }
0x9: {  	[smem:$0x3FAD] =	sst s1  }
0xa: {  	[smem:$0x3FAE] =	sst s2  }
0xb: {  	[smem:$0x3FAF] =	sst s3  }
0xc: {  	[smem:$0x3FB0] =	sst s4  }
0xd: {  	[smem:$0x3FB1] =	sst s5  }
0xe: {  	[smem:$0x3FB2] =	sst s6  }
0xf: {  	[smem:$0x3FB3] =	sst s7  }
0x10: {  	[smem:$0x3FB4] =	sst s8  }
0x11: {  	[smem:$0x3FB5] =	sst s9;
	s0 =	simm.s32 @!p0 $0x0  }
0x12: {  	s1 =	sld [smem:$0x3F9B];
	s0 =	simm.s32 @p0 $0x1  }
0x13: {  	[smem:$0x3FB6] =	sst s0;
	s0 =	simm.s32 @!p1 $0x0  }
0x14: {  	s2 =	sld [smem:$0x3F9A];
	s0 =	simm.s32 @p1 $0x1  }
0x15: {  	[smem:$0x3FB7] =	sst s0;
	s0 =	simm.s32 @!p2 $0x0  }
0x16: {  	s3 =	sld [smem:$0x3FDB];
	s0 =	simm.s32 @p2 $0x1  }
0x17: {  	s4 =	simm.s32 $0x1BF5;
	[smem:$0x3FB9] =	sst s0  }
0x18: {  	s0 =	sld [smem:$0x3F9C];
	_ =	swait.ge [sflag:s4], $0x0  }
0x19: {  	s7 =	sld [smem:$0x3F9D]  }
0x1a: {  	s8 =	sadd.s32 $0xFFFFE003, lr  }
0x1b: {  	s9 =	sadd.s32 $0xFFFFFEF7, lr;
	s5 =	simm.s32 $0xFFFFFFFF;
	p2 =	slt.u32 s8, $0xFFFFF086  }
0x1c: {  	p1 =	slt.u32 s9, $0xF7A;
	s5 =	simm.s32 @!p2 $0x0  }
0x1d: {  	s5 =	simm.s32 @p1 $0x1;
	p0 =	seq.s32 s7, s2  }
0x1e: {  	s7 =	smul.u32 @!p0 $0xF7A, s2;
	p2 =	seq.s32 @!p0 s5, $0x0  }
0x1f: {  	s9 =	smul.u32 $0xF7A, s1;
	s8 =	simm.s32 @!p0 $0x1BF5;
	p2 =	por !p2, p0  }
0x20: {  	[sflag:s8] =	ssyncset.s32 @!p0 $0xFFFFF086;
	s6 =	sadd.s32 @!p0 s3, s7;
	s7 =	simm.s32 @!p0 $0x108  }
0x21: {  	s3 =	sadd.s32 s3, s9;
	s6 =	sadd.s32 @!p0 $0x88, s6;
	s7 =	simm.s32 @p2 $0x1082  }
0x22: {  	[simem:s7], [sflag:s8] =	dma.local @!p0 [hbm:s6], $0xF7A  }
0x23: {  	s9 =	sor.u32 $0xD0000000, s2;
	s6 =	simm.s32 $0x108;
	_ =	swait.ge @!p0 [sflag:s8], $0x0  }
0x24: {  	s3 =	sadd.s32 $0x88, s3;
	s6 =	simm.s32 @!p1 $0x1082;
	[sflag:s4] =	ssyncset.s32 $0xFFFFF086  }
0x25: {  	[simem:s6], [sflag:s4] =	dma.local [hbm:s3], $0xF7A  }
0x26: {  	[smem:$0x3F9D] =	sst s1;
	(tag) =	ssettag s2;
	_ =	strace s9  }
0x27: {  	s1 =	sld [smem:$0x3FAD]  }
0x28: {  	s2 =	sld [smem:$0x3FAE]  }
0x29: {  	s4 =	sld [smem:$0x3FB0]  }
0x2a: {  	p0 =	seq.s32 s5, $0x0;
	s5 =	sld [smem:$0x3FB1]  }
0x2b: {  	s6 =	sld [smem:$0x3FB2]  }
0x2c: {  	s7 =	sld [smem:$0x3FB3]  }
0x2d: {  	s3 =	simm.s32 $0x108;
	s8 =	sld [smem:$0x3FB4]  }
0x2e: {  	s3 =	simm.s32 @!p0 $0x1082;
	s9 =	sld [smem:$0x3FB5]  }
0x2f: {  	lr =	sadd.s32 s0, s3;
	s0 =	sld [smem:$0x3FAC]  }
0x30: {  	s3 =	sld [smem:$0x3FAF]  }
0x31: {  	[smem:$0x3FB8] =	sst s10  }
0x32: {  	s10 =	sld [smem:$0x3FB6];
	_ =	sdelay $0x3  }
0x33: {  	p0 =	seq.s32 s10, $0x1;
	s10 =	sld [smem:$0x3FB8];
	_ =	sdelay $0x3  }
0x34: {  	[smem:$0x3FB8] =	sst s10  }
0x35: {  	s10 =	sld [smem:$0x3FB7];
	_ =	sdelay $0x3  }
0x36: {  	p1 =	seq.s32 s10, $0x1;
	s10 =	sld [smem:$0x3FB8];
	_ =	sdelay $0x3  }
0x37: {  	[smem:$0x3FB8] =	sst s10  }
0x38: {  	s10 =	sld [smem:$0x3FB9]  }
0x39: {  	_ = 	snop;
	(pc) =	sbr.ind lr, $3  }
0x3a: {  	_ = 	snop  }
0x3b: {  	_ = 	snop  }
0x3c: {  	p2 =	seq.s32 s10, $0x1;
	s10 =	sld [smem:$0x3FB8]  }
0x3d: {  	_ =	shalt  }
0x3e: {  	_ =	shalt  }
0x3f: {  	_ =	shalt  }
0x40: {  	_ =	shalt  }
0x41: {  	_ =	shalt  }
0x42: {  	_ =	shalt  }
0x43: {  	_ =	shalt  }
0x44: {  	_ =	shalt  }
0x45: {  	_ =	shalt  }
0x46: {  	_ =	shalt  }
0x47: {  	_ =	shalt  }
0x48: {  	_ =	shalt  }
0x49: {  	_ =	shalt  }
0x4a: {  	_ =	shalt  }
0x4b: {  	_ =	shalt  }
0x4c: {  	_ =	shalt  }
0x4d: {  	_ =	shalt  }
0x4e: {  	_ =	shalt  }
0x4f: {  	_ =	shalt  }
0x50: {  	_ =	shalt  }
0x51: {  	_ =	shalt  }
0x52: {  	_ =	shalt  }
0x53: {  	_ =	shalt  }
0x54: {  	_ =	shalt  }
0x55: {  	_ =	shalt  }
0x56: {  	_ =	shalt  }
0x57: {  	_ =	shalt  }
0x58: {  	_ =	shalt  }
0x59: {  	_ =	shalt  }
0x5a: {  	_ =	shalt  }
0x5b: {  	_ =	shalt  }
0x5c: {  	_ =	shalt  }
0x5d: {  	_ =	shalt  }
0x5e: {  	_ =	shalt  }
0x5f: {  	_ =	shalt  }
0x60: {  	_ =	shalt  }
0x61: {  	_ =	shalt  }
0x62: {  	_ =	shalt  }
0x63: {  	_ =	shalt  }
0x64: {  	_ =	shalt  }
0x65: {  	_ =	shalt  }
0x66: {  	_ =	shalt  }
0x67: {  	_ =	shalt  }
0x68: {  	_ =	shalt  }
0x69: {  	_ =	shalt  }
0x6a: {  	_ =	shalt  }
0x6b: {  	_ =	shalt  }
0x6c: {  	_ =	shalt  }
0x6d: {  	_ =	shalt  }
0x6e: {  	_ =	shalt  }
0x6f: {  	_ =	shalt  }
0x70: {  	_ =	shalt  }
0x71: {  	_ =	shalt  }
0x72: {  	_ =	shalt  }
0x73: {  	_ =	shalt  }
0x74: {  	_ =	shalt  }
0x75: {  	_ =	shalt  }
0x76: {  	_ =	shalt  }
0x77: {  	_ =	shalt  }
0x78: {  	_ =	shalt  }
0x79: {  	_ =	shalt  }
0x7a: {  	_ =	shalt  }
0x7b: {  	_ =	shalt  }
0x7c: {  	_ =	shalt  }
0x7d: {  	_ =	shalt  }
0x7e: {  	_ =	shalt  }
0x7f: {  	_ =	shalt  }
0x80: {  	_ =	shalt  }
0x81: {  	_ =	shalt  }
0x82: {  	_ =	shalt  }
0x83: {  	_ =	shalt  }
0x84: {  	_ =	shalt  }
0x85: {  	_ =	shalt  }
0x86: {  	_ =	shalt  }
0x87: {  	_ =	shalt  }
.Lfunc_end0:
.L_simem_size_0:
called_computation.2_lowered:
.L_overlay_start_0:
0x88: {  	s2 =	sld [smem:$0x3FD9]  }
0x89: {  	s3 =	sld [smem:$0x3FFE];
	_ =	sdelay $0x1  }
0x8a: {  	s1 =	srdreg.scid  }
0x8b: {  	s0 =	sand.u32 $0x1, s1  }
0x8c: {  	s17 =	sshll.u32 s0, $0xA;
	s2 =	sadd.s32 s3, s2  }
0x8d: {  	s2 =	sadd.s32 s2, s17  }
0x8e: {  	[smem:$0x3FC4] =	sst s2  }
0x8f: {  	_ = 	snop  }
0x90: {  	s2 =	sld [smem:$0x3FC6]  }
0x91: {  	s18 =	sld [smem:$0x3FD0];
	(tm) =	ssettm $0x1  }
0x92: {  	s4 =	sld [smem:$0x3FFB];
	_ =	sdelay $0x3  }
0x93: {  	_ =	strace s4  }
0x94: {  	s4 =	sld [smem:$0x3FFC];
	_ =	sdelay $0x3  }
0x95: {  	_ =	strace s4  }
0x96: {  	s4 =	sld [smem:$0x3FFD];
	_ =	sdelay $0x3  }
0x97: {  	_ =	strace s4  }
0x98: {  	_ =	strace $0x8FFFFFFF  }
0x99: {  	s19 =	sld [smem:$0x3FDB];
	_ =	sdelay $0x1  }
0x9a: {  	s5 =	simm.s32 $_scs_section_size  }
0x9b: {  	s6 =	simm.s32 $_size__tile_overlayer_lowered;
	s7 =	simm.s32 $_tile_overlayer_lowered  }
0x9c: {  	s22 =	simm.s32 $0x1BFF;
	s21 =	sshll.u32 s7, $0x1;
	s4 =	sadd.s32 s5, s19  }
0x9d: {  	s8 =	simm.s32 $0x0;
	s20 =	sshll.u32 s6, $0x1;
	s6 =	sadd.s32 s21, s4  }
0x9e: {  	[timem:s8], [sflag:s22] =	dma.local [hbm:s6], s20  }
0x9f: {  	_ =	swait.ge [sflag:s22], s20  }
0xa0: {  	s5 =	ssub.s32 $0x0, s20;
	[sflag:s22] =	ssyncset.done $0x0  }
0xa1: {  	[sflag:s22] =	ssyncadd.s32 s5;
	_ =	sdelay $0x1  }
0xa2: {  	s23 =	simm.s32 $0x1B8B  }
0xa3: {  	_ =	swait.ge [sflag:s23], $0x1  }
0xa4: {  	[sflag:s23] =	ssyncset.done $0x0  }
0xa5: {  	s25 =	simm.s32 $0x1B8E;
	s24 =	sld [smem:$0x3FFE];
	[sflag:s23] =	ssyncadd.s32 $0xFFFFFFFF  }
0xa6: {  	s26 =	simm.s32 $execute0_lowered;
	[smem:$0x3FD2] =	sst s25  }
0xa7: {  	s6 =	sshll.u32 s26, $0x1;
	_ =	strace $0x8000004C;
	[dreg:$0x1] =	wrdreg $0xFFFFFFFF  }
0xa8: {  	s28 =	simm.s32 $_size_execute0_lowered;
	s4 =	sadd.s32 s4, s6;
	[dreg:$0x0] =	wrdreg $0x0  }
0xa9: {  	s6 =	sshll.u32 s28, $0x1;
	[dreg:$0x2] =	wrdreg s4  }
0xaa: {  	[dreg:$0x3] =	wrdreg s6  }
0xab: {  	[dreg:$0x4] =	wrdreg $0xC0  }
0xac: {  	_ =	task [dreg:s8], $0x5FFFF  }
0xad: {  	[dreg:$0x1] =	wrdreg $0xFFFFFFFF  }
0xae: {  	[dreg:$0x0] =	wrdreg $0x60  }
0xaf: {  	[dreg:$0x2] =	wrdreg s24  }
0xb0: {  	[dreg:$0x3] =	wrdreg s2  }
0xb1: {  	[dreg:$0x4] =	wrdreg s18  }
0xb2: {  	[dreg:$0x5] =	wrdreg $0x9  }
0xb3: {  	_ =	task.clear_ibuf [dreg:s8], $0x6FFFF;
	_ =	strace $0x9000004C  }
0xb4: {  	s29 =	simm.s32 $0x9;
	_ =	strace $0x8000004E  }
0xb5: {  	_ =	swait.ge [sflag:s29], $0x1  }
0xb6: {  	[sflag:s29] =	ssyncadd.s32 $0xFFFFFFFF  }
0xb7: {  	_ =	strace $0x9000004E  }
0xb8: {  	_ =	sfence  }
0xb9: {  	s30 =	sld [smem:$0x0];
	_ =	sdelay $0x2  }
0xba: {  	s31 =	sshll.u32 s1, $0xD;
	s1 =	sshrl.u32 s1, $0x2  }
0xbb: {  	s3 =	sand.u32 $0x4000, s31;
	s1 =	sadd.s32 s1, s30  }
0xbc: {  	s0 =	sor.u32 s3, s0;
	s1 =	sshll.u32 s1, $0x11  }
0xbd: {  	s0 =	sor.u32 s1, s0  }
0xbe: {  	s0 =	sadd.s32 $0x8F2B, s0  }
0xbf: {  	[sflag:s0] =	ssyncadd.remote.s32 $0x1  }
0xc0: {  	_ =	sfence.sel $0xFFFF  }
0xc1: {  	[dreg:$0x0] =	wrdreg $0xFFFFFFFF;
	(pc) =	sbr.abs _section_cstart, $3  }
0xc2: {  	[dreg:$0x1] =	wrdreg $0xFFFFFFFF  }
0xc3: {  	_ =	task.clear_ibuf [dreg:s8], $0x2FFFF;
	_ =	strace $0x9FFFFFFF  }
0xc4: {  	(tm) =	ssettm $0x7FFFFFFF  }
0xc5: {  	_ =	shalt  }
tec
execute0_lowered:
.L_overlay_start_1:
0x0: {  	(tag) =	ssettag $0x1  }
0x1: {  	s0 =	srdreg.scid  }
0x2: {  	s3 =	stileid.u32;
	s19 =	rddreg [dreg:$0x0];
	s0 =	sand.u32 $0x1, s0  }
0x3: {  	s2 =	simm.s32 $0x1;
	s13 =	rddreg [dreg:$0x2];
	s1 =	sor.u32 s0, s3  }
0x4: {  	s20 =	simm.s32 $0x0;
	p1 =	seq.s32 s0, $0x1;
	p0 =	seq.s32 s1, $0x0  }
0x5: {  	s15 =	simm.s32 $0x80;
	s16 =	simm.s32 $0x400;
	p0 =	por !p0, !p1  }
0x6: {  	s18 =	simm.s32 $0xC00;
	[smem:$0x7FF] =	sst s20;
	p0 =	por !p0, !p0  }
0x7: {  	_ =	strace $0x8000004D;
	s21 =	ssub.s32 $0x2, s0;
	s2 =	simm.s32 @!p0 $0x0  }
0x8: {  	s10 =	sshll.u32 s0, $0x7;
	s22 =	sshrl.u32 s21, $0x1;
	s2 =	ssub.s32 s3, s2  }
0x9: {  	s4 =	sshrl.u32 s2, $0x3;
	s5 =	sshll.u32 s2, $0x7;
	s24 =	smul.u32 $0x1200, s2  }
0xa: {  	s5 =	sand.u32 $0x380, s5;
	s6 =	sshll.u32 s4, $0xA;
	s7 =	sshll.u32 s4, $0xD  }
0xb: {  	s14 =	ssub.s32 s21, s22;
	s6 =	sor.u32 s5, s6;
	s5 =	sor.u32 s5, s7  }
0xc: {  	v0 =	vimm.s32 $0x6040200;
	v1 =	vimm.s32 $0x66646260;
	s31 =	smax.u32 s14, $0x1;
	s1 =	sor.u32 s10, s24;
	s5 =	sshrl.u32 s5, $0x3  }
0xd: {  	v2 =	vimm.s32 $0xC6C4C2C0;
	v0 =	vunpack.c.0.s8.s32 v0;
	v1 =	vunpack.c.0.s8.s32 v1;
	[dreg:$0xc] =	wrdreg s31;
	s1 =	sshrl.u32 s1, $0x3;
	s23 =	sadd.s32 s19, s5  }
0xe: {  	vm0 =	vcmask $0xF00;
	v2 =	vunpack.c.0.s8.s32 v2;
	s20 =	simm.s32 $0x1080;
	s30 =	sadd.s32 s13, s1;
	[dreg:$0x4] =	wrdreg s23  }
0xf: {  	vm11 =	vcmask $0x1F10;
	v0 =	vnsel vm0, $0x126, v0;
	v1 =	vand.u32 $0xFF, v1;
	s6 =	sshrl.u32 s6, $0x3;
	s5 =	sadd.s32 $0x1000, s23;
	[dreg:$0xb] =	wrdreg s30  }
0x10: {  	vm12 =	vcmask $0x2F20;
	v0 =	vsel vm11, v1, v0;
	v1 =	vand.u32 $0xFF, v2;
	s9 =	sadd.s32 s6, s19;
	s25 =	sadd.s32 $0x2800, s23;
	[dreg:$0x5] =	wrdreg s5  }
.Ltmp0:
0x11: {  	vm13 =	vcmask $0x3330;
	v1 =	vsel vm12, v1, v0;
	s26 =	sadd.s32 $0x800, s23;
	[dreg:$0x6] =	wrdreg s25;
	(pc) =	sbr.rel .LBB2_1-.Ltmp0, $4  }
0x12: {  	vm14 =	vcmask $0x3734;
	s12 =	smul.u32 $0x18, s0;
	v2 =	vsel vm13, $0x120, v1;
	s28 =	sadd.s32 $0x3000, s9;
	[dreg:$0x7] =	wrdreg s26  }
0x13: {  	vm15 =	vcmask $0x3B38;
	s21 =	simm.s32 $0x1480;
	v4 =	vsel vm14, $0x122, v2;
	v0 =	vmov s2;
	s29 =	sadd.s32 $0x2000, s23;
	[dreg:$0x8] =	wrdreg s28  }
0x14: {  	s4 =	simm.s32 $0x1;
	[tilespmem:$0x1FFE0] =	vst v0;
	v0 =	vsel vm15, $0x124, v4;
	s3 =	sadd.s32 $0x1800, s23;
	[dreg:$0x9] =	wrdreg s29  }
0x15: {  	v3 =	vimm.f32 $0.0e+00;
	v1 =	vimm.s32 $0x0;
	v2 =	vlaneseq.u32;
	[tilespmem:$0x1FFF0] =	vst v0;
	s23 =	simm.s32 $0x1900;
	[dreg:$0xa] =	wrdreg s3;
	s25 =	simm.s32 $0x0  }
.LBB2_9:
0x16: {  	s0 =	rddreg [dreg:$0xb];
	s1 =	simm.s32 $0x100  }
0x17: {  	[hbm4b:s0+s15] =	stream.strided.scatter [tilespmem:s23], [sflag:$0x1], $0x900, s1, s15, $0x38;
	[tilespmem:$0x2200] =	vst v63  }
0x18: {  	_ =	swait.ge [sflag:s4], $0x900  }
0x19: {  	s25 =	sadd.s32 $0x1, s25;
	s31 =	rddreg [dreg:$0xc]  }
0x1a: {  	p0 =	sne.s32 s25, s31  }
.Ltmp1:
0x1b: {  	_ = 	snop;
	(pc) =	sbr.rel @!p0 .LBB2_10-.Ltmp1, $3  }
0x1c: {  	_ =	sdelay $0x1  }
0x1d: {  	[sflag:s4] =	ssyncset.done $0x0  }
0x1e: {  	[sflag:s4] =	ssyncadd.s32 $0xFFFFF700  }
.LBB2_1:
0x1f: {  	s1 =	simm.s32 $0x0;
	s0 =	rddreg [dreg:$0x5]  }
0x20: {  	[tilespmem:s1], [sflag:$0x1] =	stream.strided.gather [hbm4b:s0+s15], $0x400, s16, s15, $0x38;
	[tilespmem:$0x2200] =	vst v63  }
0x21: {  	_ =	swait.ge [sflag:s4], $0x400  }
0x22: {  	[sflag:s4] =	ssyncset.done $0x0  }
0x23: {  	s17 =	rddreg [dreg:$0x6];
	[sflag:s4] =	ssyncadd.s32 $0xFFFFFC00  }
0x24: {  	[tilespmem:s16], [sflag:$0x1] =	stream.strided.gather [hbm4b:s17+s15], $0x400, s16, s15, $0x38;
	[tilespmem:$0x2200] =	vst v63  }
0x25: {  	_ =	swait.ge [sflag:s4], $0x400  }
0x26: {  	[sflag:s4] =	ssyncset.done $0x0  }
0x27: {  	s2 =	simm.s32 $0x800;
	s19 =	rddreg [dreg:$0x4];
	[sflag:s4] =	ssyncadd.s32 $0xFFFFFC00  }
0x28: {  	[tilespmem:s2], [sflag:$0x1] =	stream.strided.gather [hbm4b:s19+s15], $0x400, s16, s15, $0x38;
	[tilespmem:$0x2200] =	vst v63  }
0x29: {  	_ =	swait.ge [sflag:s4], $0x400  }
0x2a: {  	[sflag:s4] =	ssyncset.done $0x0  }
0x2b: {  	s22 =	rddreg [dreg:$0x7];
	[sflag:s4] =	ssyncadd.s32 $0xFFFFFC00  }
0x2c: {  	[tilespmem:s18], [sflag:$0x1] =	stream.strided.gather [hbm4b:s22+s15], $0x400, s16, s15, $0x38;
	[tilespmem:$0x2200] =	vst v63  }
0x2d: {  	_ =	swait.ge [sflag:s4], $0x400  }
0x2e: {  	[sflag:s4] =	ssyncset.done $0x0  }
0x2f: {  	s26 =	simm.s32 $0x1000;
	s24 =	rddreg [dreg:$0x8];
	[sflag:s4] =	ssyncadd.s32 $0xFFFFFC00  }
0x30: {  	[tilespmem:s26], [sflag:$0x1] =	stream.linear.gather [hbm4b:s24+s1], $0x80, $0x38;
	[tilespmem:$0x2200] =	vst v63  }
0x31: {  	_ =	swait.ge [sflag:s4], $0x80  }
0x32: {  	[sflag:s4] =	ssyncset.done $0x0  }
0x33: {  	s28 =	rddreg [dreg:$0x9];
	[sflag:s4] =	ssyncadd.s32 $0xFFFFFF80  }
0x34: {  	[tilespmem:s20], [sflag:$0x1] =	stream.strided.gather [hbm4b:s28+s15], $0x400, s16, s15, $0x38;
	[tilespmem:$0x2200] =	vst v63  }
0x35: {  	_ =	swait.ge [sflag:s4], $0x400  }
0x36: {  	[sflag:s4] =	ssyncset.done $0x0  }
0x37: {  	s29 =	rddreg [dreg:$0xa];
	[sflag:s4] =	ssyncadd.s32 $0xFFFFFC00  }
0x38: {  	[tilespmem:s21], [sflag:$0x1] =	stream.strided.gather [hbm4b:s29+s15], $0x400, s16, s15, $0x38;
	[tilespmem:$0x2200] =	vst v63  }
0x39: {  	_ =	swait.ge [sflag:s4], $0x400  }
0x3a: {  	[sflag:s4] =	ssyncset.done $0x0  }
0x3b: {  	[sflag:s4] =	ssyncadd.s32 $0xFFFFFC00  }
0x3c: {  	s31 =	simm.s32 $0x1880;
	s30 =	rddreg [dreg:$0x1]  }
0x3d: {  	[tilespmem:s31], [sflag:$0x1] =	stream.linear.gather [hbm4b:s30+s1], $0x80, $0x38;
	[tilespmem:$0x2200] =	vst v63  }
0x3e: {  	_ =	swait.ge [sflag:s4], $0x80  }
0x3f: {  	v0 =	vld [tilespmem:$0x1FFE0];
	_ =	sdelay $0x5  }
0x40: {  	[sflag:s4] =	ssyncset.done $0x0  }
0x41: {  	[sflag:s4] =	ssyncadd.s32 $0xFFFFFF80  }
0x42: {  	v0 =	vld.idx.msk [tilespmem:v0+s31+$0x0], $0xffff  }
.Ltmp2:
0x43: {  	_ = 	snop;
	(pc) =	sbr.rel .LBB2_2-.Ltmp2, $2  }
0x44: {  	_ =	sdelay $0x2  }
0x45: {  	s26 =	simm.s32 $0x0;
	[tilespmem:$0x1FFD0] =	vst v0  }
.LBB2_8:
0x46: {  	_ =	sdelay $0x2  }
0x47: {  	v4 =	vld [tilespmem:$0x1FFD0]  }
0x48: {  	v0 =	vld.idx.msk [tilespmem:v44+s18+$0x0], $0xffff;
	_ =	sdelay $0x3  }
0x49: {  	vm0 =	vlt.s32 v4, $0x10;
	v4 =	vld.idx.msk [tilespmem:v46+s18+$0x0], $0xffff  }
0x4a: {  	v0 =	vsel vm0, v2, v0;
	_ =	sdelay $0x1  }
0x4b: {  	v5 =	vld.idx.msk [tilespmem:v43+s18+$0x0], $0xffff;
	_ =	sdelay $0x1  }
0x4c: {  	v4 =	vsel vm0, v2, v4  }
0x4d: {  	v6 =	vld.idx.msk [tilespmem:v0+s20+$0x0], $0xffff  }
0x4e: {  	v0 =	vld.idx.msk [tilespmem:v0+s21+$0x0], $0xffff  }
0x4f: {  	v5 =	vsel vm0, v2, v5;
	_ =	sdelay $0x1  }
0x50: {  	v7 =	vld.idx.msk [tilespmem:v4+s20+$0x0], $0xffff  }
0x51: {  	v4 =	vld.idx.msk [tilespmem:v4+s21+$0x0], $0xffff;
	vm1 =	vlt.f32 v6, $0.0e+00;
	vm2 =	vgt.f32 v6, $0.0e+00  }
0x52: {  	(xrf2) =	vadd.scan.msk.f32 $0xffff, v6;
	vm8 =	vlt.f32 v0, $0.0e+00;
	vm3 =	vgt.f32 v0, $0.0e+00;
	vm1 =	vmor vm2, vm1  }
0x53: {  	v56 =	vld.idx.msk [tilespmem:v5+s20+$0x0], $0xffff;
	(xrf2) =	vadd.scan.msk.f32 $0xffff, v0;
	vm9 =	vmor vm3, vm8;
	v0 =	vsel vm1, $0x3F800000, v3  }
0x54: {  	(xrf2) =	vadd.scan.msk.f32 $0xffff, v0;
	v0 =	vsel vm9, $0x3F800000, v3  }
0x55: {  	(xrf2) =	vadd.scan.msk.f32 $0xffff, v0;
	vm10 =	vlt.f32 v7, $0.0e+00;
	vm11 =	vgt.f32 v7, $0.0e+00  }
0x56: {  	vm12 =	vlt.f32 v4, $0.0e+00;
	vm13 =	vgt.f32 v4, $0.0e+00;
	(xrf2) =	vadd.scan.msk.f32 $0xffff, v7;
	vm1 =	vmor vm11, vm10  }
0x57: {  	v0 =	vld.idx.msk [tilespmem:v5+s21+$0x0], $0xffff;
	vm14 =	vmor vm13, vm12;
	(xrf2) =	vadd.scan.msk.f32 $0xffff, v4;
	v4 =	vsel vm1, $0x3F800000, v3  }
0x58: {  	vm15 =	vlt.f32 v56, $0.0e+00;
	vm4 =	vgt.f32 v56, $0.0e+00;
	(xrf2) =	vadd.scan.msk.f32 $0xffff, v4;
	v4 =	vsel vm14, $0x3F800000, v3  }
0x59: {  	vm1 =	vmor vm4, vm15;
	(xrf2) =	vadd.scan.msk.f32 $0xffff, v4  }
0x5a: {  	v4 =	vsel vm1, $0x3F800000, v3  }
0x5b: {  	(xrf2) =	vadd.scan.msk.f32 $0xffff, v56  }
0x5c: {  	(xrf2) =	vadd.scan.msk.f32 $0xffff, v0;
	v5, _, _ =	vpop (xrf2)  }
0x5d: {  	(xrf2) =	vadd.scan.msk.f32 $0xffff, v4;
	v4, _, _ =	vpop (xrf2)  }
0x5e: {  	v62 =	vld.idx.msk [tilespmem:v34+s18+$0x0], $0xffff;
	v57, _, _ =	vpop (xrf2)  }
0x5f: {  	v58, _, _ =	vpop (xrf2);
	(v2sf) =	vpush v57, $0xF  }
0x60: {  	v8, _, _ =	vpop (xrf2);
	(v2sf) =	vpush v58, $0xF  }
0x61: {  	v59, _, _ =	vpop (xrf2)  }
0x62: {  	v10 =	vld.idx.msk [tilespmem:v33+s18+$0x0], $0xffff;
	v60, _, _ =	vpop (xrf2)  }
0x63: {  	v7 =	vsel vm0, v2, v62;
	v9, _, _ =	vpop (xrf2);
	(v2sf) =	vpush v60, $0xF  }
0x64: {  	(v2sf) =	vpush v9, $0xF;
	_ =	sdelay $0x1  }
0x65: {  	v17, _, _ =	vpop (xrf2)  }
0x66: {  	v10 =	vsel vm0, v2, v10;
	v9, _, _ =	vpop (xrf2)  }
0x67: {  	v13 =	vld.idx.msk [tilespmem:v7+s20+$0x0], $0xffff;
	v61, _, _ =	vpop (xrf2)  }
0x68: {  	v7 =	vld.idx.msk [tilespmem:v7+s21+$0x0], $0xffff;
	(v2sf) =	vpush v61, $0xF  }
0x69: {  	v12 =	vld.idx.msk [tilespmem:v32+s18+$0x0], $0xffff;
	vm5 =	vlt.f32 v0, $0.0e+00;
	vm6 =	vgt.f32 v0, $0.0e+00  }
0x6a: {  	vm1 =	vmor vm6, vm5  }
0x6b: {  	v14 =	vld.idx.msk [tilespmem:v10+s20+$0x0], $0xffff;
	v18 =	vsel vm1, $0x3F800000, v3  }
0x6c: {  	v10 =	vld.idx.msk [tilespmem:v10+s21+$0x0], $0xffff;
	(xrf2) =	vadd.scan.msk.f32 $0xffff, v18;
	vm7 =	vlt.f32 v13, $0.0e+00;
	vm8 =	vgt.f32 v13, $0.0e+00  }
0x6d: {  	v0 =	vld.idx.msk [tilespmem:v31+s18+$0x0], $0xffff;
	(xrf2) =	vadd.scan.msk.f32 $0xffff, v13;
	vm9 =	vlt.f32 v7, $0.0e+00;
	vm10 =	vgt.f32 v7, $0.0e+00;
	vm1 =	vmor vm8, vm7;
	s0 =	spop (v2sf)  }
0x6e: {  	v12 =	vsel vm0, v2, v12;
	(xrf2) =	vadd.scan.msk.f32 $0xffff, v7;
	vm11 =	vmor vm10, vm9;
	v21 =	vsel vm1, $0x3F800000, v3;
	s1 =	spop (v2sf);
	p0 =	seq.f32 s0, $0.0e+00  }
0x6f: {  	v20 =	vld.idx.msk [tilespmem:v30+s18+$0x0], $0xffff;
	v30 =	vsel vm11, $0x3F800000, v3;
	(xrf2) =	vadd.scan.msk.f32 $0xffff, v21;
	p1 =	seq.f32 s1, $0.0e+00  }
0x70: {  	vm12 =	vlt.f32 v14, $0.0e+00;
	(xrf2) =	vadd.scan.msk.f32 $0xffff, v30;
	s0 =	simm.s32 @p0 $0x3F800000  }
0x71: {  	v34 =	vld.idx.msk [tilespmem:v29+s18+$0x0], $0xffff;
	vm13 =	vgt.f32 v14, $0.0e+00;
	vm15 =	vgt.f32 v10, $0.0e+00;
	s1 =	simm.s32 @p1 $0x3F800000;
	s2 =	spop (v2sf);
	v11 =	vmov s0  }
0x72: {  	v27 =	vld.idx.msk [tilespmem:v27+s18+$0x0], $0xffff;
	v0 =	vsel vm0, v2, v0;
	s0 =	spop (v2sf);
	p0 =	seq.f32 s2, $0.0e+00;
	(erf) = vrcp.f32 v11;
	v63 =	vmov s1  }
0x73: {  	vm14 =	vlt.f32 v10, $0.0e+00;
	v31 =	vld.idx.msk [tilespmem:v12+s20+$0x0], $0xffff;
	vm1 =	vmor vm13, vm12;
	(xrf2) =	vadd.scan.msk.f32 $0xffff, v14;
	p1 =	seq.f32 s0, $0.0e+00;
	(erf) = vrcp.f32 v63  }
0x74: {  	v32 =	vld.idx.msk [tilespmem:v12+s21+$0x0], $0xffff;
	vm6 =	vmor vm15, vm14;
	v35 =	vsel vm1, $0x3F800000, v3;
	(xrf2) =	vadd.scan.msk.f32 $0xffff, v10;
	s2 =	simm.s32 @p0 $0x3F800000  }
0x75: {  	v38 =	vld.idx.msk [tilespmem:v28+s18+$0x0], $0xffff;
	v36 =	vsel vm6, $0x3F800000, v3;
	(xrf2) =	vadd.scan.msk.f32 $0xffff, v35;
	s0 =	simm.s32 @p1 $0x3F800000;
	v15 =	vmov s2  }
0x76: {  	v26 =	vld.idx.msk [tilespmem:v26+s18+$0x0], $0xffff;
	v11 =	vsel vm0, v2, v20;
	v20, _, _ =	vpop (xrf2);
	(erf) = vrcp.f32 v15;
	v16 =	vmov s0  }
0x77: {  	(xrf2) =	vadd.scan.msk.f32 $0xffff, v36;
	v28, _, _ =	vpop (xrf2);
	s1 =	spop (v2sf);
	(erf) = vrcp.f32 v16;
	v16 =	vld.idx.msk [tilespmem:v0+s20+$0x0], $0xffff  }
0x78: {  	v46 =	vsel vm0, v2, v27;
	vm7 =	vlt.f32 v31, $0.0e+00;
	vm8 =	vgt.f32 v31, $0.0e+00;
	v21, _, _ =	vpop (xrf2);
	p0 =	seq.f32 s1, $0.0e+00;
	v0 =	vld.idx.msk [tilespmem:v0+s21+$0x0], $0xffff  }
0x79: {  	vm9 =	vlt.f32 v32, $0.0e+00;
	vm10 =	vgt.f32 v32, $0.0e+00;
	vm1 =	vmor vm8, vm7;
	(xrf2) =	vadd.scan.msk.f32 $0xffff, v31;
	v43, _, _ =	vpop (xrf2)  }
0x7a: {  	v25 =	vld.idx.msk [tilespmem:v25+s18+$0x0], $0xffff;
	vm11 =	vmor vm10, vm9;
	v39 =	vsel vm1, $0x3F800000, v3;
	v10 =	vsel vm0, v2, v38;
	(xrf2) =	vadd.scan.msk.f32 $0xffff, v32;
	v44, _, _ =	vpop (xrf2);
	s1 =	simm.s32 @p0 $0x3F800000  }
0x7b: {  	v23 =	vld.idx.msk [tilespmem:v23+s18+$0x0], $0xffff;
	v41 =	vsel vm11, $0x3F800000, v3;
	v14 =	vsel vm0, v2, v34;
	(xrf2) =	vadd.scan.msk.f32 $0xffff, v39;
	v19 =	vmov s1;
	v33 =	vpop (erf)  }
0x7c: {  	v52 =	vsel vm0, v2, v26;
	v4 =	vbroadcast v4, $0xF;
	(xrf2) =	vadd.scan.msk.f32 $0xffff, v41;
	v40 =	vld.idx.msk [tilespmem:v11+s20+$0x0], $0xffff;
	(erf) = vrcp.f32 v19;
	v15 =	vpop (erf)  }
0x7d: {  	v42 =	vld.idx.msk [tilespmem:v11+s21+$0x0], $0xffff;
	vm12 =	vlt.f32 v16, $0.0e+00;
	vm13 =	vgt.f32 v16, $0.0e+00;
	(xrf2) =	vadd.scan.msk.f32 $0xffff, v16;
	vm14 =	vlt.f32 v0, $0.0e+00;
	v16, _, _ =	vpop (xrf2)  }
0x7e: {  	vm15 =	vgt.f32 v0, $0.0e+00;
	vm1 =	vmor vm13, vm12;
	v4 =	vmul.f32 v15, v4;
	v15, _, _ =	vpop (xrf2)  }
0x7f: {  	v25 =	vsel vm0, v2, v25;
	v50 =	vld.idx.msk [tilespmem:v10+s20+$0x0], $0xffff;
	(xrf2) =	vadd.scan.msk.f32 $0xffff, v0;
	vm6 =	vmor vm15, vm14;
	v0 =	vsel vm1, $0x3F800000, v3;
	v47, _, _ =	vpop (xrf2)  }
0x80: {  	v23 =	vsel vm0, v2, v23;
	v5 =	vbroadcast v5, $0xF;
	v45 =	vld.idx.msk [tilespmem:v14+s20+$0x0], $0xffff;
	v18 =	vpop (erf);
	(xrf2) =	vadd.scan.msk.f32 $0xffff, v0;
	v0 =	vsel vm6, $0x3F800000, v3  }
0x81: {  	v8 =	vbroadcast v8, $0xF;
	vm7 =	vlt.f32 v40, $0.0e+00;
	vm8 =	vgt.f32 v40, $0.0e+00;
	v48, _, _ =	vpop (xrf2);
	(xrf2) =	vadd.scan.msk.f32 $0xffff, v0;
	v0 =	vld.idx.msk [tilespmem:v14+s21+$0x0], $0xffff  }
0x82: {  	vm9 =	vlt.f32 v42, $0.0e+00;
	vm10 =	vgt.f32 v42, $0.0e+00;
	vm1 =	vmor vm8, vm7;
	v37 =	vpop (erf);
	(xrf2) =	vadd.scan.msk.f32 $0xffff, v40  }
0x83: {  	(v2sf) =	vpush v20, $0xF;
	vm11 =	vmor vm10, vm9;
	v49 =	vsel vm1, $0x3F800000, v3;
	v13, _, _ =	vpop (xrf2);
	(xrf2) =	vadd.scan.msk.f32 $0xffff, v42  }
0x84: {  	v54 =	vld.idx.msk [tilespmem:v46+s20+$0x0], $0xffff;
	v6 =	vbroadcast v59, $0xF;
	vm5 =	vlt.f32 v50, $0.0e+00;
	v51 =	vsel vm11, $0x3F800000, v3;
	v14, _, _ =	vpop (xrf2);
	(xrf2) =	vadd.scan.msk.f32 $0xffff, v49  }
0x85: {  	v10 =	vld.idx.msk [tilespmem:v10+s21+$0x0], $0xffff;
	(v2sf) =	vpush v43, $0xF;
	vm12 =	vlt.f32 v45, $0.0e+00;
	vm13 =	vgt.f32 v45, $0.0e+00;
	v53, _, _ =	vpop (xrf2);
	(xrf2) =	vadd.scan.msk.f32 $0xffff, v51  }
0x86: {  	vm1 =	vmor vm13, vm12;
	v19 =	vpop (erf);
	(xrf2) =	vadd.scan.msk.f32 $0xffff, v45;
	vm14 =	vlt.f32 v0, $0.0e+00;
	vm15 =	vgt.f32 v0, $0.0e+00  }
0x87: {  	(v2sf) =	vpush v44, $0xF;
	v55, _, _ =	vpop (xrf2);
	(xrf2) =	vadd.scan.msk.f32 $0xffff, v0;
	v0 =	vsel vm1, $0x3F800000, v3;
	vm4 =	vmor vm15, vm14  }
0x88: {  	v5 =	vmul.f32 v33, v5;
	v12 =	vmul.f32 v37, v6;
	v6, _, _ =	vpop (xrf2);
	(xrf2) =	vadd.scan.msk.f32 $0xffff, v0;
	v0 =	vsel vm4, $0x3F800000, v3  }
0x89: {  	v20 =	vld.idx.msk [tilespmem:v46+s21+$0x0], $0xffff;
	vm9 =	vlt.f32 v54, $0.0e+00;
	vm10 =	vgt.f32 v54, $0.0e+00;
	vm6 =	vgt.f32 v50, $0.0e+00;
	v7, _, _ =	vpop (xrf2);
	(xrf2) =	vadd.scan.msk.f32 $0xffff, v0  }
0x8a: {  	v59 =	vld.idx.msk [tilespmem:v52+s21+$0x0], $0xffff;
	vm7 =	vlt.f32 v10, $0.0e+00;
	vm8 =	vgt.f32 v10, $0.0e+00;
	vm1 =	vmor vm6, vm5;
	v56, _, _ =	vpop (xrf2);
	(xrf2) =	vadd.scan.msk.f32 $0xffff, v50  }
0x8b: {  	v63 =	vld.idx.msk [tilespmem:v25+s21+$0x0], $0xffff;
	(v2sf) =	vpush v47, $0xF;
	v57 =	vsel vm1, $0x3F800000, v3;
	vm1 =	vmor vm8, vm7;
	v58, _, _ =	vpop (xrf2);
	(xrf2) =	vadd.scan.msk.f32 $0xffff, v10  }
0x8c: {  	v18 =	vmul.f32 v18, v8;
	(v2sf) =	vpush v48, $0xF;
	v0 =	vld.idx.msk [tilespmem:v52+s20+$0x0], $0xffff;
	v60 =	vsel vm1, $0x3F800000, v3;
	v8, _, _ =	vpop (xrf2);
	(xrf2) =	vadd.scan.msk.f32 $0xffff, v57  }
0x8d: {  	v24 =	vld.idx.msk [tilespmem:v24+s18+$0x0], $0xffff;
	v28 =	vbroadcast v28, $0xF;
	v16 =	vbroadcast v16, $0xF;
	vm11 =	vmor vm10, vm9;
	v10, _, _ =	vpop (xrf2);
	(xrf2) =	vadd.scan.msk.f32 $0xffff, v60  }
0x8e: {  	vm12 =	vmmov $0x1;
	vm13 =	vlt.f32 v20, $0.0e+00;
	vm14 =	vgt.f32 v20, $0.0e+00;
	v35, _, _ =	vpop (xrf2);
	(xrf2) =	vadd.scan.msk.f32 $0xffff, v54  }
0x8f: {  	v61 =	vsel vm11, $0x3F800000, v3;
	v26 =	vsel vm12, v5, v18;
	vm1 =	vmor vm14, vm13;
	v5, _, _ =	vpop (xrf2);
	(xrf2) =	vadd.scan.msk.f32 $0xffff, v20  }
0x90: {  	v36 =	vld.idx.msk [tilespmem:v25+s20+$0x0], $0xffff;
	vm9 =	vlt.f32 v63, $0.0e+00;
	v27 =	vsel vm12, v4, v12;
	v4 =	vsel vm1, $0x3F800000, v3;
	v11, _, _ =	vpop (xrf2);
	(xrf2) =	vadd.scan.msk.f32 $0xffff, v61  }
0x91: {  	v22 =	vld.idx.msk [tilespmem:v22+s18+$0x0], $0xffff;
	vm6 =	vgt.f32 v59, $0.0e+00;
	vm4 =	vlt.f32 v0, $0.0e+00;
	vm5 =	vgt.f32 v0, $0.0e+00;
	v12, _, _ =	vpop (xrf2);
	(xrf2) =	vadd.scan.msk.f32 $0xffff, v4  }
0x92: {  	s0 =	spop (v2sf);
	vm15 =	vmor vm5, vm4;
	vm5 =	vlt.f32 v59, $0.0e+00;
	v4 =	vsel vm0, v2, v24;
	v38, _, _ =	vpop (xrf2);
	(xrf2) =	vadd.scan.msk.f32 $0xffff, v0  }
0x93: {  	p0 =	seq.f32 s0, $0.0e+00;
	(v2sf) =	vpush v53, $0xF;
	v62 =	vsel vm15, $0x3F800000, v3;
	vm1 =	vmor vm6, vm5;
	v0, _, _ =	vpop (xrf2);
	(xrf2) =	vadd.scan.msk.f32 $0xffff, v59  }
0x94: {  	v37 =	vbroadcast v17, $0xF;
	(v2sf) =	vpush v55, $0xF;
	s1 =	spop (v2sf);
	v39 =	vsel vm1, $0x3F800000, v3;
	v17, _, _ =	vpop (xrf2);
	(xrf2) =	vadd.scan.msk.f32 $0xffff, v62  }
0x95: {  	s0 =	simm.s32 @p0 $0x3F800000;
	p0 =	seq.f32 s1, $0.0e+00;
	vm7 =	vlt.f32 v36, $0.0e+00;
	vm8 =	vgt.f32 v36, $0.0e+00;
	(v2sf) =	vpush v56, $0xF;
	v18, _, _ =	vpop (xrf2);
	(xrf2) =	vadd.scan.msk.f32 $0xffff, v39  }
0x96: {  	v49 =	vsel vm0, v2, v22;
	v40 =	vmov s0;
	s0 =	spop (v2sf);
	vm1 =	vmor vm8, vm7;
	v42, _, _ =	vpop (xrf2);
	(xrf2) =	vadd.scan.msk.f32 $0xffff, v36  }
0x97: {  	vm10 =	vgt.f32 v63, $0.0e+00;
	s1 =	simm.s32 @p0 $0x3F800000;
	p0 =	seq.f32 s0, $0.0e+00;
	(v2sf) =	vpush v58, $0xF;
	v41 =	vsel vm1, $0x3F800000, v3;
	v43 =	vld.idx.msk [tilespmem:v4+s20+$0x0], $0xffff;
	v45, _, _ =	vpop (xrf2);
	(xrf2) =	vadd.scan.msk.f32 $0xffff, v63  }
0x98: {  	v46 =	vmul.f32 v19, v37;
	(erf) = vrcp.f32 v40;
	v44 =	vmov s1;
	v4 =	vld.idx.msk [tilespmem:v4+s21+$0x0], $0xffff;
	v19, _, _ =	vpop (xrf2);
	(xrf2) =	vadd.scan.msk.f32 $0xffff, v41  }
0x99: {  	s0 =	simm.s32 @p0 $0x3F800000;
	(erf) = vrcp.f32 v44;
	(v2sf) =	vpush v35, $0xF;
	vm1 =	vmor vm10, vm9;
	v20, _, _ =	vpop (xrf2)  }
0x9a: {  	v52 =	vld.idx.msk [tilespmem:v23+s20+$0x0], $0xffff;
	v48 =	vmov s0;
	s1 =	spop (v2sf);
	(v2sf) =	vpush v5, $0xF;
	v47 =	vsel vm1, $0x3F800000, v3;
	v50, _, _ =	vpop (xrf2)  }
0x9b: {  	v51 =	vbroadcast v9, $0xF;
	v55 =	vld.idx.msk [tilespmem:v49+s20+$0x0], $0xffff;
	(erf) = vrcp.f32 v48;
	s0 =	spop (v2sf);
	(v2sf) =	vpush v38, $0xF;
	(xrf2) =	vadd.scan.msk.f32 $0xffff, v47;
	v5, _, _ =	vpop (xrf2)  }
0x9c: {  	(v2sf) =	vpush v0, $0xF;
	vm11 =	vlt.f32 v43, $0.0e+00;
	vm12 =	vgt.f32 v43, $0.0e+00;
	v22, _, _ =	vpop (xrf2)  }
0x9d: {  	p0 =	seq.f32 s1, $0.0e+00;
	v0 =	vld.idx.msk [tilespmem:v23+s21+$0x0], $0xffff;
	(xrf2) =	vadd.scan.msk.f32 $0xffff, v43;
	vm13 =	vlt.f32 v4, $0.0e+00;
	vm14 =	vgt.f32 v4, $0.0e+00;
	vm0 =	vmor vm12, vm11;
	v9, _, _ =	vpop (xrf2)  }
0x9e: {  	v15 =	vbroadcast v15, $0xF;
	(xrf2) =	vadd.scan.msk.f32 $0xffff, v4;
	v54 =	vsel vm0, $0x3F800000, v3;
	vm0 =	vmor vm14, vm13;
	v4, _, _ =	vpop (xrf2)  }
0x9f: {  	vm4 =	vgt.f32 v52, $0.0e+00;
	s1 =	simm.s32 @p0 $0x3F800000;
	p0 =	seq.f32 s0, $0.0e+00;
	(v2sf) =	vpush v42, $0xF;
	(xrf2) =	vadd.scan.msk.f32 $0xffff, v54;
	v58 =	vsel vm0, $0x3F800000, v3;
	v56, _, _ =	vpop (xrf2)  }
0xa0: {  	vm15 =	vlt.f32 v52, $0.0e+00;
	vm8 =	vlt.f32 v55, $0.0e+00;
	(v2sf) =	vpush v45, $0xF;
	(xrf2) =	vadd.scan.msk.f32 $0xffff, v58;
	v24, _, _ =	vpop (xrf2)  }
0xa1: {  	vm9 =	vgt.f32 v55, $0.0e+00;
	v53 =	vmov s1;
	s0 =	simm.s32 @p0 $0x3F800000;
	(v2sf) =	vpush v50, $0xF;
	(xrf2) =	vadd.scan.msk.f32 $0xffff, v52;
	v23, _, _ =	vpop (xrf2)  }
0xa2: {  	vm10 =	vmor vm9, vm8;
	v57 =	vmov s0;
	s0 =	spop (v2sf);
	(v2sf) =	vpush v5, $0xF;
	v5, _, _ =	vpop (xrf2);
	(xrf2) =	vadd.scan.msk.f32 $0xffff, v0  }
0xa3: {  	v61 =	vpop (erf);
	v59 =	vld.idx.msk [tilespmem:v49+s21+$0x0], $0xffff;
	p0 =	seq.f32 s0, $0.0e+00;
	s1 =	spop (v2sf);
	vm5 =	vlt.f32 v0, $0.0e+00;
	vm6 =	vgt.f32 v0, $0.0e+00;
	vm0 =	vmor vm4, vm15  }
0xa4: {  	v62 =	vpop (erf);
	vm7 =	vmor vm6, vm5;
	s2 =	spop (v2sf);
	(v2sf) =	vpush v4, $0xF;
	v0 =	vsel vm0, $0x3F800000, v3  }
0xa5: {  	(erf) = vrcp.f32 v53;
	s0 =	simm.s32 @p0 $0x3F800000;
	(v2sf) =	vpush v56, $0xF;
	v60, _, _ =	vpop (xrf2);
	(xrf2) =	vadd.scan.msk.f32 $0xffff, v0;
	v0 =	vsel vm7, $0x3F800000, v3  }
0xa6: {  	(erf) = vrcp.f32 v57;
	p0 =	seq.f32 s1, $0.0e+00;
	(xrf2) =	vadd.scan.msk.f32 $0xffff, v0;
	v0 =	vmov s0;
	s0 =	spop (v2sf);
	(v2sf) =	vpush v5, $0xF;
	v5 =	vpop (erf)  }
0xa7: {  	v37 =	vbroadcast v21, $0xF;
	v40 =	vsel vm10, $0x3F800000, v3;
	p1 =	seq.f32 s2, $0.0e+00;
	vm13 =	vmmov $0x3;
	v25, _, _ =	vpop (xrf2)  }
0xa8: {  	s1 =	simm.s32 @p0 $0x3F800000;
	vm11 =	vlt.f32 v59, $0.0e+00;
	vm12 =	vgt.f32 v59, $0.0e+00;
	v34 =	vsel vm13, v26, v46;
	p0 =	seq.f32 s0, $0.0e+00;
	v26, _, _ =	vpop (xrf2)  }
0xa9: {  	v36 =	vmov s1;
	vm1 =	vmor vm12, vm11;
	s2 =	simm.s32 @p1 $0x3F800000;
	s1 =	spop (v2sf);
	(erf) = vrcp.f32 v0;
	(xrf2) =	vadd.scan.msk.f32 $0xffff, v55;
	v63, _, _ =	vpop (xrf2)  }
0xaa: {  	v41 =	vsel vm1, $0x3F800000, v3;
	v4 =	vmul.f32 v61, v51;
	v0 =	vmov s2;
	s2 =	spop (v2sf);
	s0 =	simm.s32 @p0 $0x3F800000;
	(xrf2) =	vadd.scan.msk.f32 $0xffff, v59;
	v38, _, _ =	vpop (xrf2)  }
0xab: {  	v5 =	vmul.f32 v5, v37;
	p0 =	seq.f32 s1, $0.0e+00;
	v39 =	vmov s0;
	s0 =	spop (v2sf);
	(v2sf) =	vpush v60, $0xF;
	v21, _, _ =	vpop (xrf2);
	(xrf2) =	vadd.scan.msk.f32 $0xffff, v40  }
0xac: {  	v14 =	vbroadcast v14, $0xF;
	v6 =	vbroadcast v6, $0xF;
	v4 =	vsel vm13, v27, v4;
	p1 =	seq.f32 s2, $0.0e+00;
	v27, _, _ =	vpop (xrf2);
	(xrf2) =	vadd.scan.msk.f32 $0xffff, v41  }
0xad: {  	v7 =	vbroadcast v7, $0xF;
	vm14 =	vmmov $0x7;
	(erf) = vrcp.f32 v36;
	s1 =	simm.s32 @p0 $0x3F800000  }
0xae: {  	v43 =	vpop (erf);
	(erf) = vrcp.f32 v0;
	s2 =	simm.s32 @p1 $0x3F800000;
	p0 =	seq.f32 s0, $0.0e+00;
	v0 =	vmov s1;
	s1 =	spop (v2sf);
	(v2sf) =	vpush v63, $0xF  }
0xaf: {  	v4 =	vsel vm14, v4, v5;
	v5 =	vpop (erf);
	v44 =	vmov s2;
	p1 =	seq.f32 s1, $0.0e+00;
	s2 =	spop (v2sf);
	(v2sf) =	vpush v38, $0xF  }
0xb0: {  	v8 =	vbroadcast v8, $0xF;
	v10 =	vbroadcast v10, $0xF;
	s0 =	simm.s32 @p0 $0x3F800000;
	p0 =	seq.f32 s2, $0.0e+00;
	v42, _, _ =	vpop (xrf2)  }
0xb1: {  	v11 =	vbroadcast v11, $0xF;
	(erf) = vrcp.f32 v39;
	v46 =	vmov s0;
	s0 =	spop (v2sf);
	s1 =	simm.s32 @p1 $0x3F800000;
	v45, _, _ =	vpop (xrf2)  }
0xb2: {  	(erf) = vrcp.f32 v0;
	v48 =	vmov s1;
	s2 =	simm.s32 @p0 $0x3F800000;
	s1 =	spop (v2sf);
	v0 =	vpop (erf);
	(v2sf) =	vpush v42, $0xF  }
0xb3: {  	v5 =	vmul.f32 v5, v15;
	p0 =	seq.f32 s0, $0.0e+00;
	v50 =	vmov s2;
	s2 =	spop (v2sf);
	(v2sf) =	vpush v45, $0xF;
	v15, _, _ =	vpop (xrf2)  }
0xb4: {  	v12 =	vbroadcast v12, $0xF;
	vm8 =	vmmov $0x1ff;
	v47 =	vbroadcast v13, $0xF;
	v13, _, _ =	vpop (xrf2)  }
0xb5: {  	vm9 =	vmmov $0x3ff;
	vm10 =	vmmov $0x7ff;
	(erf) = vrcp.f32 v44;
	p1 =	seq.f32 s1, $0.0e+00;
	s0 =	simm.s32 @p0 $0x3F800000;
	p0 =	seq.f32 s2, $0.0e+00;
	v51, _, _ =	vpop (xrf2)  }
0xb6: {  	(erf) = vrcp.f32 v46;
	v52 =	vmov s0;
	s0 =	spop (v2sf);
	(v2sf) =	vpush v51, $0xF;
	v54, _, _ =	vpop (xrf2)  }
0xb7: {  	v28 =	vmul.f32 v62, v28;
	v30 =	vbroadcast v17, $0xF;
	s1 =	simm.s32 @p1 $0x3F800000;
	s2 =	simm.s32 @p0 $0x3F800000;
	p0 =	seq.f32 s0, $0.0e+00;
	(v2sf) =	vpush v54, $0xF  }
0xb8: {  	vm15 =	vmmov $0xf;
	(erf) = vrcp.f32 v48;
	v53 =	vmov s1;
	s1 =	spop (v2sf)  }
0xb9: {  	v31 =	vbroadcast v18, $0xF;
	v4 =	vsel vm15, v4, v5;
	v5 =	vmov s2;
	s2 =	spop (v2sf);
	s0 =	simm.s32 @p0 $0x3F800000;
	p0 =	seq.f32 s1, $0.0e+00  }
0xba: {  	vm5 =	vmmov $0x3f;
	vm6 =	vmmov $0x7f;
	v49 =	vpop (erf);
	v57 =	vmov s0;
	s0 =	spop (v2sf)  }
0xbb: {  	vm11 =	vmmov $0xfff;
	v16 =	vmul.f32 v43, v16;
	v55 =	vpop (erf);
	(erf) = vrcp.f32 v50;
	s1 =	simm.s32 @p0 $0x3F800000;
	p0 =	seq.f32 s0, $0.0e+00  }
0xbc: {  	vm4 =	vmmov $0x1f;
	v28 =	vsel vm14, v34, v28;
	v56 =	vpop (erf);
	(erf) = vrcp.f32 v52  }
0xbd: {  	v16 =	vsel vm15, v28, v16;
	v0 =	vmul.f32 v0, v47;
	p1 =	seq.f32 s2, $0.0e+00;
	v58 =	vpop (erf);
	v59 =	vmov s1;
	s1 =	spop (v2sf);
	s0 =	simm.s32 @p0 $0x3F800000  }
0xbe: {  	v6 =	vmul.f32 v55, v6;
	(erf) = vrcp.f32 v53;
	v60 =	vpop (erf);
	p0 =	seq.f32 s1, $0.0e+00;
	v63 =	vmov s0;
	s0 =	spop (v2sf)  }
0xbf: {  	v9 =	vbroadcast v9, $0xF;
	v0 =	vsel vm4, v16, v0;
	s2 =	simm.s32 @p1 $0x3F800000;
	(erf) = vrcp.f32 v5;
	v5 =	vpop (erf);
	p1 =	seq.f32 s0, $0.0e+00  }
0xc0: {  	v34 =	vbroadcast v19, $0xF;
	v0 =	vsel vm5, v0, v6;
	v5 =	vmul.f32 v5, v11;
	s1 =	simm.s32 @p0 $0x3F800000  }
0xc1: {  	v61 =	vmul.f32 v58, v8;
	v11 =	vpop (erf);
	(erf) = vrcp.f32 v57;
	v16 =	vmov s1;
	s1 =	spop (v2sf);
	s0 =	simm.s32 @p1 $0x3F800000  }
0xc2: {  	v62 =	vmov s2;
	(erf) = vrcp.f32 v59;
	p0 =	seq.f32 s1, $0.0e+00;
	v29 =	vmov s0;
	s0 =	spop (v2sf)  }
0xc3: {  	vm7 =	vmmov $0xff;
	v0 =	vsel vm6, v0, v61;
	(erf) = vrcp.f32 v62;
	p1 =	seq.f32 s0, $0.0e+00  }
0xc4: {  	v37 =	vbroadcast v20, $0xF;
	v0 =	vsel vm7, v0, v5;
	v5 =	vpop (erf);
	(erf) = vrcp.f32 v63;
	s1 =	simm.s32 @p0 $0x3F800000  }
0xc5: {  	v14 =	vmul.f32 v49, v14;
	v32 =	vpop (erf);
	(erf) = vrcp.f32 v16;
	v33 =	vmov s1;
	s0 =	simm.s32 @p1 $0x3F800000;
	s1 =	spop (v2sf)  }
0xc6: {  	v7 =	vmul.f32 v56, v7;
	v5 =	vmul.f32 v5, v30;
	v35 =	vmov s0;
	p0 =	seq.f32 s1, $0.0e+00;
	s0 =	spop (v2sf)  }
0xc7: {  	v41 =	vbroadcast v22, $0xF;
	v4 =	vsel vm4, v4, v14;
	(erf) = vrcp.f32 v29;
	p1 =	seq.f32 s0, $0.0e+00  }
0xc8: {  	v4 =	vsel vm5, v4, v7;
	v36 =	vpop (erf);
	v0 =	vsel vm8, v0, v5;
	(erf) = vrcp.f32 v33;
	s1 =	simm.s32 @p0 $0x3F800000  }
0xc9: {  	v5 =	vmul.f32 v36, v34;
	v38 =	vpop (erf);
	(erf) = vrcp.f32 v35;
	v40 =	vmov s1;
	s0 =	simm.s32 @p1 $0x3F800000  }
0xca: {  	v6 =	vmul.f32 v60, v10;
	v43 =	vpop (erf);
	(erf) = vrcp.f32 v40;
	v42 =	vmov s0  }
0xcb: {  	v0 =	vsel vm9, v0, v5;
	v5 =	vbroadcast v24, $0xF;
	v44 =	vpop (erf);
	(erf) = vrcp.f32 v42  }
0xcc: {  	v4 =	vsel vm6, v4, v6;
	v6 =	vmul.f32 v11, v12;
	v46 =	vmul.f32 v43, v41;
	v45 =	vpop (erf)  }
0xcd: {  	vm12 =	vmmov $0x1fff;
	v50 =	vbroadcast v25, $0xF;
	v5 =	vmul.f32 v45, v5;
	v47 =	vpop (erf)  }
0xce: {  	v48 =	vbroadcast v23, $0xF;
	v4 =	vsel vm7, v4, v6;
	v0 =	vsel vm10, v0, v46;
	v49 =	vpop (erf)  }
0xcf: {  	v6 =	vmul.f32 v32, v31;
	v0 =	vsel vm11, v0, v5;
	v5 =	vmul.f32 v49, v50  }
0xd0: {  	vm13 =	vmmov $0x3fff;
	v56 =	vbroadcast v21, $0xF;
	v39 =	vmul.f32 v38, v37;
	v52 =	vpop (erf)  }
0xd1: {  	v51 =	vbroadcast v26, $0xF;
	v4 =	vsel vm8, v4, v6;
	v7 =	vmul.f32 v44, v9;
	v53 =	vpop (erf)  }
0xd2: {  	v57 =	vbroadcast v27, $0xF;
	v4 =	vsel vm9, v4, v39;
	v6 =	vmul.f32 v47, v48;
	v55 =	vpop (erf)  }
0xd3: {  	v4 =	vsel vm10, v4, v7;
	v54 =	vmul.f32 v52, v51;
	v0 =	vsel vm12, v0, v5;
	v5 =	vpop (erf)  }
0xd4: {  	v4 =	vsel vm11, v4, v6;
	v58 =	vmul.f32 v53, v56;
	v59 =	vmul.f32 v55, v57;
	v60 =	vpop (erf)  }
0xd5: {  	v4 =	vsel vm12, v4, v54;
	v5 =	vmul.f32 v5, v15;
	v8 =	vmul.f32 v60, v13  }
0xd6: {  	vm14 =	vmmov $0x7fff;
	v0 =	vsel vm13, v0, v58;
	v4 =	vsel vm13, v4, v59  }
0xd7: {  	v0 =	vsel vm14, v0, v5;
	v4 =	vsel vm14, v4, v8  }
0xd8: {  	v5 =	vmax.f32 v0, v4  }
0xd9: {  	v0 =	vsub.f32 v0, v5  }
0xda: {  	v4 =	vsub.f32 v4, v5  }
0xdb: {  	v0 =	vmul.f32 $1.442695020e+00, v0  }
0xdc: {  	v4 =	vmul.f32 $1.442695020e+00, v4  }
0xdd: {  	(erf) = vpow2.f32 v0  }
0xde: {  	(erf) = vpow2.f32 v4;
	_ =	sdelay $0x7  }
0xdf: {  	v0 =	vpop (erf)  }
0xe0: {  	v4 =	vpop (erf)  }
0xe1: {  	v5 =	vadd.f32 v4, v0;
	_ =	sdelay $0x1  }
0xe2: {  	(erf) = vrcp.f32 v5;
	_ =	sdelay $0x1  }
0xe3: {  	v5 =	vmov s29  }
0xe4: {  	v5 =	vmul.u32 $0x30, v5  }
0xe5: {  	v62 =	vld [tilespmem:$0x1FFF0]  }
0xe6: {  	v5 =	vadd.s32 s28, v5  }
0xe7: {  	v5 =	vshll.u32 v5, $0x1  }
0xe8: {  	v5 =	vbroadcast v5, $0x0;
	_ =	sdelay $0x1  }
0xe9: {  	s26 =	sadd.s32 $0x1, s26;
	v5 =	vadd.s32 v62, v5;
	v61 =	vpop (erf)  }
0xea: {  	p0 =	sne.s32 s26, $0x48;
	v63 =	vor.u32 $0x1, v5;
	v0 =	vmul.f32 v61, v0;
	v4 =	vmul.f32 v61, v4  }
.Ltmp3:
0xeb: {  	_ = 	snop;
	(pc) =	sbr.rel @!p0 .LBB2_9-.Ltmp3, $4  }
0xec: {  	vm15 =	veq.f32 v0, v4  }
0xed: {  	v0 =	vsel vm15, $0x3F800000, v0  }
0xee: {  	v4 =	vsel vm15, $0x0, v4;
	[tilespmem:v5+s23+$0x0] =	vst.idx.msk $0xffff, v0  }
0xef: {  	[tilespmem:v63+s23+$0x0] =	vst.idx.msk $0xffff, v4  }
.LBB2_2:
0xf0: {  	s0 =	smul.u32 $0xAB, s26;
	_ =	sdelay $0x1  }
0xf1: {  	s0 =	sshrl.u32 s0, $0xB  }
0xf2: {  	s0 =	sand.u32 $0x1F, s0  }
0xf3: {  	s1 =	smul.u32 $0xC, s0;
	_ =	sdelay $0x1  }
0xf4: {  	s1 =	ssub.s32 s26, s1  }
0xf5: {  	v6 =	vld [tilespmem:$0x1000];
	s2 =	sand.u32 $0xFF, s1  }
0xf6: {  	v7 =	vld [tilespmem:$0x1010];
	s28 =	sshll.u32 s2, $0x2  }
0xf7: {  	v8 =	vld [tilespmem:$0x1020];
	s31 =	scvt.s32.f32 s28  }
0xf8: {  	v9 =	vld [tilespmem:$0x1030]  }
0xf9: {  	s10 =	sadd.f32 $1.500000000e+00, s31;
	_ =	sdelay $0x1  }
0xfa: {  	vm0 =	vle.f32 v6, s10;
	vm1 =	vle.f32 v7, s10  }
0xfb: {  	vm10 =	vle.f32 v8, s10;
	v6 =	vsel vm0, $0x1, v1;
	v7 =	vsel vm1, $0x1, v1  }
0xfc: {  	vm11 =	vle.f32 v9, s10;
	v6 =	vadd.s32 v6, v7;
	v7 =	vsel vm10, $0x1, v1  }
0xfd: {  	v6 =	vadd.s32 v7, v6;
	v7 =	vsel vm11, $0x1, v1  }
0xfe: {  	v6 =	vadd.s32 v7, v6  }
0xff: {  	(xrf0) =	vadd.scan.msk.s32 $0xffff, v6;
	_ =	sdelay $0x5  }
0x100: {  	v6, _, _ =	vpop (xrf0)  }
0x101: {  	(v2sf) =	vpush v6, $0xF;
	_ =	sdelay $0xe  }
0x102: {  	s11 =	spop (v2sf)  }
0x103: {  	s1 =	sadd.s32 $0xFFFFFFFF, s11  }
0x104: {  	s29 =	sshll.u32 s0, $0x2;
	p0 =	sgt.s32 s1, $0xE;
	s17 =	smov.u32 s1  }
0x105: {  	s19 =	sadd.s32 s29, s12;
	s17 =	simm.s32 @!p0 $0xE  }
0x106: {  	s13 =	sshll.u32 s19, $0x1;
	s0 =	smin.u32 s17, $0x32  }
0x107: {  	s6 =	sor.u32 $0x1, s19;
	s24 =	sor.u32 $0x2, s19;
	s22 =	sshll.u32 s0, $0x4  }
0x108: {  	s30 =	scvt.s32.f32 s13;
	s14 =	sshll.u32 s6, $0x1;
	s8 =	sor.u32 $0x400, s22;
	v22 =	vmov s22  }
0x109: {  	s7 =	sshll.u32 s24, $0x1;
	s6 =	smul.u32 s6, s6;
	s11 =	sor.u32 $0x800, s22;
	v23 =	vmov s8  }
0x10a: {  	s7 =	scvt.s32.f32 s7;
	s9 =	sshll.u32 s2, $0x3;
	s13 =	sor.u32 $0x2, s28;
	v24 =	vmov s11  }
0x10b: {  	s5 =	sshll.u32 s13, $0x1;
	s13 =	smul.u32 s13, s13;
	s17 =	scvt.s32.f32 s14  }
0x10c: {  	s14 =	smul.u32 s19, s19;
	s11 =	scvt.s32.f32 s5;
	s5 =	simm.s32 $0xFFFFFF20  }
0x10d: {  	s6 =	scvt.s32.f32 s6;
	s13 =	scvt.s32.f32 s13;
	s10 =	sor.u32 $0x1, s28;
	v21 =	vld.idx.msk [tilespmem:v22+s5+$0x0 ss:$0x1], $0xffff  }
0x10e: {  	s3 =	sshll.u32 s10, $0x1;
	s14 =	scvt.s32.f32 s14;
	s8 =	scvt.s32.f32 s9;
	v19 =	vld.idx.msk [tilespmem:v23+s5+$0x0 ss:$0x1], $0xffff  }
0x10f: {  	s9 =	scvt.s32.f32 s3;
	s3 =	smul.u32 s28, s28;
	v25 =	vld.idx.msk [tilespmem:v24+s5+$0x0 ss:$0x1], $0xffff  }
0x110: {  	s2 =	sshllo.u32 s2, $0x2;
	v10 =	vmov s7;
	v9 =	vmov s6;
	s10 =	smul.u32 s10, s10;
	v16 =	vmov s13  }
0x111: {  	v6 =	vmov s30;
	v8 =	vmov s17;
	s13 =	sadd.s32 $0xFFFFFF20, s22;
	v7 =	vmov s14;
	s14 =	sshll.u32 s2, $0x1;
	s3 =	scvt.s32.f32 s3  }
0x112: {  	v31 =	vor.u32 s13, v2;
	v11 =	vmov s8;
	s8 =	scvt.s32.f32 s14;
	v18 =	vmul.f32 v21, v6  }
0x113: {  	v13 =	vmov s9;
	v15 =	vmov s11;
	v12 =	vmov s3;
	s5 =	scvt.s32.f32 s10  }
0x114: {  	s17 =	smul.u32 s2, s2;
	v17 =	vmov s8;
	v20 =	vmul.f32 v19, v11;
	v26 =	vsub.f32 v25, v18  }
0x115: {  	v14 =	vmov s5;
	v27 =	vmul.f32 v19, v13;
	v28 =	vmul.f32 v19, v15  }
0x116: {  	s10 =	scvt.s32.f32 s17;
	v29 =	vmul.f32 v21, v8;
	v30 =	vsub.f32 v20, v12;
	v26 =	vadd.f32 v26, v7  }
0x117: {  	v19 =	vmul.f32 v19, v17;
	v27 =	vsub.f32 v27, v14;
	v28 =	vsub.f32 v28, v16  }
0x118: {  	s14 =	sor.u32 $0x3, s19;
	v18 =	vmov s10;
	v20 =	vsub.f32 v25, v29;
	v29 =	vsub.f32 v26, v30  }
0x119: {  	s22 =	smul.u32 s24, s24;
	s19 =	sshll.u32 s14, $0x1;
	v32 =	vmul.f32 v21, v10;
	v33 =	vsub.f32 v19, v18;
	v19 =	vsub.f32 v26, v27  }
0x11a: {  	s5 =	scvt.s32.f32 s19;
	v34 =	vadd.f32 v20, v9;
	v20 =	vsub.f32 v26, v28;
	(xrf1) =	vsort.dscd.msk.f32 $0xffff, v29, v31  }
0x11b: {  	s6 =	scvt.s32.f32 s22;
	v26 =	vsub.f32 v26, v33;
	(xrf1) =	vsort.dscd.msk.f32 $0xffff, v19, v31  }
0x11c: {  	s3 =	smul.u32 s14, s14;
	v37 =	vsub.f32 v34, v30;
	v29 =	vsub.f32 v25, v32;
	v19 =	vmov s5;
	(xrf1) =	vsort.dscd.msk.f32 $0xffff, v20, v31  }
0x11d: {  	v35 =	vsub.f32 v34, v27;
	v20 =	vmov s6;
	v21 =	vmul.f32 v21, v19;
	(xrf1) =	vsort.dscd.msk.f32 $0xffff, v26, v31  }
0x11e: {  	s3 =	scvt.s32.f32 s3;
	v26 =	vadd.f32 v29, v20;
	v29 =	vsub.f32 v34, v28;
	(xrf1) =	vsort.dscd.msk.f32 $0xffff, v37, v31  }
0x11f: {  	v38 =	vsub.f32 v34, v33;
	v25 =	vsub.f32 v25, v21;
	(xrf1) =	vsort.dscd.msk.f32 $0xffff, v35, v31  }
0x120: {  	v21 =	vmov s3;
	v39 =	vsub.f32 v26, v30;
	(xrf1) =	vsort.dscd.msk.f32 $0xffff, v29, v31  }
0x121: {  	v29 =	vsub.f32 v26, v27;
	v25 =	vadd.f32 v25, v21;
	(xrf1) =	vsort.dscd.msk.f32 $0xffff, v38, v31  }
0x122: {  	v40 =	vsub.f32 v26, v28;
	(xrf1) =	vsort.dscd.msk.f32 $0xffff, v39, v31  }
0x123: {  	v26 =	vsub.f32 v26, v33;
	(xrf1) =	vsort.dscd.msk.f32 $0xffff, v29, v31;
	v29 =	vsub.f32 v25, v30  }
0x124: {  	(xrf1) =	vsort.dscd.msk.f32 $0xffff, v40, v31  }
0x125: {  	v27 =	vsub.f32 v25, v27;
	(xrf1) =	vsort.dscd.msk.f32 $0xffff, v26, v31  }
0x126: {  	v26 =	vsub.f32 v25, v28;
	(xrf1) =	vsort.dscd.msk.f32 $0xffff, v29, v31  }
0x127: {  	v25 =	vsub.f32 v25, v33;
	(xrf1) =	vsort.dscd.msk.f32 $0xffff, v27, v31  }
0x128: {  	v27 =	vimm.f32 $+Inf;
	v28, v29, _ =	vpop (xrf1);
	(xrf1) =	vsort.dscd.msk.f32 $0xffff, v26, v31  }
0x129: {  	v26 =	vimm.s32 $0x40000000;
	vm12 =	vlt.f32 v28, v27;
	v30, v41, _ =	vpop (xrf1);
	(xrf1) =	vsort.dscd.msk.f32 $0xffff, v25, v31  }
0x12a: {  	v25 =	vsel vm12, v28, v27;
	v28 =	vsel vm12, v29, v26;
	vm13 =	vlt.f32 v30, v27  }
0x12b: {  	v29, v31, _ =	vpop (xrf1);
	v30 =	vsel vm13, v30, v27  }
0x12c: {  	v32 =	vsel vm13, v41, v26;
	(xrf1) =	vsort.ascd.msk.f32 $0xffff, v25, v28;
	vm14 =	vlt.f32 v29, v27  }
0x12d: {  	(xrf1) =	vsort.ascd.msk.f32 $0xffff, v30, v32;
	v30 =	vsel vm14, v31, v26  }
0x12e: {  	v29 =	vsel vm14, v29, v27;
	v25, v28, _ =	vpop (xrf1)  }
0x12f: {  	vm15 =	vlt.f32 v25, v27  }
0x130: {  	(xrf1) =	vsort.ascd.msk.f32 $0xffff, v29, v30;
	v31, v42, _ =	vpop (xrf1);
	v25 =	vsel vm15, v25, v27;
	v28 =	vsel vm15, v28, v26  }
0x131: {  	s24 =	simm.s32 $0xFFFFFF30;
	v29, v30, _ =	vpop (xrf1);
	vm4 =	vlt.f32 v31, v27;
	(xrf1) =	vsort.ascd.msk.f32 $0xffff, v25, v28  }
0x132: {  	v25 =	vld.idx.msk [tilespmem:v23+s24+$0x0 ss:$0x1], $0xffff;
	v28 =	vsel vm4, v31, v27;
	v31 =	vsel vm4, v42, v26;
	vm5 =	vlt.f32 v29, v27  }
0x133: {  	v44, v43, _ =	vpop (xrf1);
	v29 =	vsel vm5, v29, v27  }
0x134: {  	v30 =	vsel vm5, v30, v26;
	(xrf1) =	vsort.ascd.msk.f32 $0xffff, v28, v31;
	vm6 =	vlt.f32 v44, v27  }
0x135: {  	(xrf1) =	vsort.ascd.msk.f32 $0xffff, v29, v30;
	v30 =	vsel vm6, v43, v26  }
0x136: {  	v29 =	vsel vm6, v44, v27;
	v28, v31, _ =	vpop (xrf1)  }
0x137: {  	(xrf1) =	vsort.ascd.msk.f32 $0xffff, v29, v30;
	vm7 =	vlt.f32 v28, v27;
	v45, v46, _ =	vpop (xrf1);
	v29 =	vmul.f32 v25, v11  }
0x138: {  	v61 =	vmul.f32 v25, v15;
	v28 =	vsel vm7, v28, v27;
	v31 =	vsel vm7, v31, v26;
	v30, v47, _ =	vpop (xrf1)  }
0x139: {  	vm8 =	vlt.f32 v45, v27;
	(xrf1) =	vsort.ascd.msk.f32 $0xffff, v28, v31;
	vm9 =	vlt.f32 v30, v27  }
0x13a: {  	v31 =	vsel vm8, v45, v27;
	v48 =	vsel vm8, v46, v26;
	v30 =	vsel vm9, v30, v27  }
0x13b: {  	v28 =	vld.idx.msk [tilespmem:v22+s24+$0x0 ss:$0x1], $0xffff;
	v50, v49, _ =	vpop (xrf1);
	v34 =	vsel vm9, v47, v26;
	(xrf1) =	vsort.ascd.msk.f32 $0xffff, v31, v48;
	v31 =	vmul.f32 v25, v13  }
0x13c: {  	v51, v36, _ =	vpop (xrf1);
	vm10 =	vlt.f32 v50, v27;
	v25 =	vmul.f32 v25, v17;
	(xrf1) =	vsort.ascd.msk.f32 $0xffff, v30, v34  }
0x13d: {  	v30 =	vsel vm10, v50, v27;
	v52 =	vsel vm10, v49, v26;
	vm11 =	vlt.f32 v51, v27;
	v53, v54, _ =	vpop (xrf1)  }
0x13e: {  	v59 =	vld.idx.msk [tilespmem:v24+s24+$0x0 ss:$0x1], $0xffff;
	v32 =	vsel vm11, v51, v27;
	v36 =	vsel vm11, v36, v26;
	vm12 =	vlt.f32 v53, v27  }
0x13f: {  	(xrf1) =	vsort.ascd.msk.f32 $0xffff, v30, v52;
	v55 =	vsel vm12, v53, v27;
	v56 =	vsel vm12, v54, v26  }
0x140: {  	v54 =	vsub.f32 v29, v12;
	v30, v33, _ =	vpop (xrf1);
	v37 =	vmul.f32 v28, v6;
	(xrf1) =	vsort.ascd.msk.f32 $0xffff, v32, v36  }
0x141: {  	v62 =	vmul.f32 v28, v8;
	vm13 =	vlt.f32 v30, v27;
	v58, v57, _ =	vpop (xrf1);
	(xrf1) =	vsort.ascd.msk.f32 $0xffff, v55, v56  }
0x142: {  	v56 =	vsub.f32 v31, v14;
	v30 =	vsel vm13, v30, v27;
	v33 =	vsel vm13, v33, v26  }
0x143: {  	v32, v34, _ =	vpop (xrf1);
	v37 =	vsub.f32 v59, v37;
	vm14 =	vlt.f32 v58, v27;
	(xrf1) =	vsort.ascd.msk.f32 $0xffff, v30, v33  }
0x144: {  	v51, v48, _ =	vpop (xrf1);
	v30 =	vsel vm14, v58, v27;
	v60 =	vsel vm14, v57, v26;
	vm15 =	vlt.f32 v32, v27  }
0x145: {  	v52, v49, _ =	vpop (xrf1);
	v27 =	vsel vm15, v32, v27;
	v26 =	vsel vm15, v34, v26;
	(xrf1) =	vsort.ascd.msk.f32 $0xffff, v30, v60  }
0x146: {  	s17 =	sadd.s32 $0x10, s13;
	v29 =	vsub.f32 v59, v62;
	v63 =	vadd.f32 v37, v7;
	v50, v46, _ =	vpop (xrf1);
	(xrf1) =	vsort.ascd.msk.f32 $0xffff, v27, v26  }
0x147: {  	v53 =	vor.u32 s17, v2;
	v55 =	vsub.f32 v61, v16;
	v57 =	vsub.f32 v25, v18;
	v47, v43, _ =	vpop (xrf1)  }
0x148: {  	v29 =	vadd.f32 v29, v9;
	v27 =	vmul.f32 v28, v10;
	v30 =	vsub.f32 v63, v54;
	v44, v39, _ =	vpop (xrf1)  }
0x149: {  	v28 =	vmul.f32 v28, v19;
	v25 =	vsub.f32 v63, v56;
	v26 =	vsub.f32 v63, v55;
	v45, v40, _ =	vpop (xrf1)  }
0x14a: {  	v31 =	vsub.f32 v63, v57;
	v27 =	vsub.f32 v59, v27;
	(xrf1) =	vsort.dscd.msk.f32 $0xffff, v30, v53;
	v41, v37, _ =	vpop (xrf1)  }
0x14b: {  	v33 =	vsub.f32 v29, v56;
	(xrf1) =	vsort.dscd.msk.f32 $0xffff, v25, v53;
	v25 =	vsub.f32 v29, v54;
	v42, v38, _ =	vpop (xrf1)  }
0x14c: {  	v60 =	vsub.f32 v29, v55;
	v29 =	vsub.f32 v29, v57;
	(xrf1) =	vsort.dscd.msk.f32 $0xffff, v26, v53;
	v36, v34, _ =	vpop (xrf1)  }
0x14d: {  	(xrf1) =	vsort.dscd.msk.f32 $0xffff, v31, v53;
	v35, v30, _ =	vpop (xrf1)  }
0x14e: {  	v58 =	vadd.f32 v27, v20;
	(xrf1) =	vsort.dscd.msk.f32 $0xffff, v25, v53;
	v31, v26, _ =	vpop (xrf1)  }
0x14f: {  	v32, v27, _ =	vpop (xrf1);
	(xrf1) =	vsort.dscd.msk.f32 $0xffff, v33, v53  }
0x150: {  	v59 =	vsub.f32 v59, v28;
	(xrf1) =	vsort.dscd.msk.f32 $0xffff, v60, v53;
	v28, v25, _ =	vpop (xrf1);
	v60 =	vsub.f32 v58, v54  }
0x151: {  	s30 =	sadd.s32 $0xFFFFFFF2, s0;
	s19 =	simm.s32 $0xFFFFFD00;
	v61 =	vsub.f32 v58, v56;
	(xrf1) =	vsort.dscd.msk.f32 $0xffff, v29, v53;
	v33, v29, _ =	vpop (xrf1)  }
.LBB2_3:
0x152: {  	p1 =	sne.s32 s19, $0x340;
	v59 =	vadd.f32 v59, v21;
	v0 =	vsub.f32 v58, v55;
	(xrf1) =	vsort.dscd.msk.f32 $0xffff, v60, v53  }
0x153: {  	v58 =	vsub.f32 v58, v57;
	(xrf1) =	vsort.dscd.msk.f32 $0xffff, v61, v53;
	v60, v61, _ =	vpop (xrf1)  }
0x154: {  	v63 =	vsub.f32 v59, v54;
	(xrf1) =	vsort.dscd.msk.f32 $0xffff, v0, v53;
	v62, v54, _ =	vpop (xrf1);
	v56 =	vsub.f32 v59, v56  }
0x155: {  	(xrf1) =	vsort.dscd.msk.f32 $0xffff, v58, v53  }
0x156: {  	v55 =	vsub.f32 v59, v55;
	(xrf1) =	vsort.dscd.msk.f32 $0xffff, v63, v53  }
0x157: {  	v57 =	vsub.f32 v59, v57;
	(xrf1) =	vsort.dscd.msk.f32 $0xffff, v56, v53  }
0x158: {  	v56, v58, _ =	vpop (xrf1)  }
0x159: {  	vm0 =	vlt.f32 v56, v51  }
0x15a: {  	s24 =	sshra.s32 s19, $0x2;
	(xrf1) =	vsort.dscd.msk.f32 $0xffff, v55, v53;
	v51 =	vsel vm0, v56, v51  }
0x15b: {  	v59 =	vld.idx.msk [tilespmem:v23+s24+$0x0 ss:$0x1], $0xffff;
	v55, v63, _ =	vpop (xrf1);
	(xrf1) =	vsort.dscd.msk.f32 $0xffff, v57, v53;
	v48 =	vsel vm0, v58, v48  }
0x15c: {  	vm0 =	vlt.f32 v55, v52;
	v53, v56, _ =	vpop (xrf1)  }
0x15d: {  	v4 =	vsel vm0, v55, v52;
	v0 =	vsel vm0, v63, v49;
	vm0 =	vlt.f32 v53, v50  }
0x15e: {  	(xrf1) =	vsort.ascd.msk.f32 $0xffff, v51, v48;
	v50 =	vsel vm0, v53, v50;
	v48, v51, _ =	vpop (xrf1)  }
0x15f: {  	(xrf1) =	vsort.ascd.msk.f32 $0xffff, v4, v0;
	v49, v52, _ =	vpop (xrf1);
	v0 =	vsel vm0, v56, v46;
	vm0 =	vlt.f32 v48, v47  }
0x160: {  	v53, v55, _ =	vpop (xrf1);
	v47 =	vsel vm0, v48, v47  }
0x161: {  	v43 =	vsel vm0, v51, v43;
	vm0 =	vlt.f32 v49, v44;
	(xrf1) =	vsort.ascd.msk.f32 $0xffff, v50, v0  }
0x162: {  	v4 =	vsel vm0, v49, v44;
	v0 =	vsel vm0, v52, v39;
	vm0 =	vlt.f32 v53, v45  }
0x163: {  	v56 =	vmul.f32 v59, v11;
	v46, v48, _ =	vpop (xrf1);
	v45 =	vsel vm0, v53, v45  }
0x164: {  	(xrf1) =	vsort.ascd.msk.f32 $0xffff, v47, v43;
	v40 =	vsel vm0, v55, v40;
	vm0 =	vlt.f32 v46, v41;
	v43, v47, _ =	vpop (xrf1)  }
0x165: {  	v41 =	vsel vm0, v46, v41;
	v37 =	vsel vm0, v48, v37;
	v49, v50, _ =	vpop (xrf1);
	vm0 =	vlt.f32 v43, v42  }
0x166: {  	v53 =	vmul.f32 v59, v13;
	(xrf1) =	vsort.ascd.msk.f32 $0xffff, v4, v0;
	v39, v44, _ =	vpop (xrf1);
	v42 =	vsel vm0, v43, v42  }
0x167: {  	v38 =	vsel vm0, v47, v38;
	vm0 =	vlt.f32 v49, v36;
	v58 =	vld.idx.msk [tilespmem:v22+s24+$0x0 ss:$0x1], $0xffff;
	(xrf1) =	vsort.ascd.msk.f32 $0xffff, v45, v40;
	v40, v45, _ =	vpop (xrf1)  }
0x168: {  	v36 =	vsel vm0, v49, v36;
	v46, v52, _ =	vpop (xrf1)  }
0x169: {  	v34 =	vsel vm0, v50, v34;
	(xrf1) =	vsort.ascd.msk.f32 $0xffff, v41, v37;
	v37, v41, _ =	vpop (xrf1)  }
0x16a: {  	v55 =	vmul.f32 v59, v15;
	(xrf1) =	vsort.ascd.msk.f32 $0xffff, v42, v38;
	v38, v42, _ =	vpop (xrf1)  }
0x16b: {  	vm0 =	vlt.f32 v39, v35;
	v57, v63, _ =	vpop (xrf1)  }
0x16c: {  	v35 =	vsel vm0, v39, v35;
	v30 =	vsel vm0, v44, v30;
	(xrf1) =	vsort.ascd.msk.f32 $0xffff, v36, v34;
	v34, v36, _ =	vpop (xrf1)  }
0x16d: {  	vm0 =	vlt.f32 v40, v31;
	v39 =	vmul.f32 v58, v6;
	v0 =	vld.idx.msk [tilespmem:v24+s24+$0x0 ss:$0x1], $0xffff;
	(xrf1) =	vsort.ascd.msk.f32 $0xffff, v35, v30  }
0x16e: {  	v26 =	vsel vm0, v45, v26;
	v30 =	vsel vm0, v40, v31;
	vm0 =	vlt.f32 v46, v32;
	v51, v48, _ =	vpop (xrf1)  }
0x16f: {  	v31 =	vsel vm0, v46, v32;
	v27 =	vsel vm0, v52, v27;
	v52, v49, _ =	vpop (xrf1);
	(xrf1) =	vsort.ascd.msk.f32 $0xffff, v30, v26  }
0x170: {  	vm0 =	vlt.f32 v37, v28;
	v26 =	vmul.f32 v58, v8;
	(xrf1) =	vsort.ascd.msk.f32 $0xffff, v31, v27  }
0x171: {  	v25 =	vsel vm0, v41, v25;
	v27 =	vsel vm0, v37, v28;
	vm0 =	vlt.f32 v38, v33;
	v50, v46, _ =	vpop (xrf1)  }
0x172: {  	v28 =	vsel vm0, v38, v33;
	v29 =	vsel vm0, v42, v29;
	v47, v43, _ =	vpop (xrf1);
	(xrf1) =	vsort.ascd.msk.f32 $0xffff, v27, v25  }
0x173: {  	vm0 =	vlt.f32 v57, v60;
	v25 =	vsub.f32 v0, v39;
	(xrf1) =	vsort.ascd.msk.f32 $0xffff, v28, v29  }
0x174: {  	v27 =	vsel vm0, v57, v60;
	v28 =	vsel vm0, v63, v61;
	vm0 =	vlt.f32 v34, v62;
	v44, v39, _ =	vpop (xrf1)  }
0x175: {  	v29 =	vsel vm0, v34, v62;
	v30 =	vsel vm0, v36, v54;
	v45, v40, _ =	vpop (xrf1);
	(xrf1) =	vsort.ascd.msk.f32 $0xffff, v27, v28  }
0x176: {  	v25 =	vadd.f32 v25, v7;
	v54 =	vsub.f32 v56, v12;
	(xrf1) =	vsort.ascd.msk.f32 $0xffff, v29, v30  }
0x177: {  	s17 =	sadd.s32 $0x10, s17;
	v55 =	vsub.f32 v55, v16;
	v56 =	vsub.f32 v53, v14;
	v27 =	vmul.f32 v59, v17;
	v41, v37, _ =	vpop (xrf1)  }
0x178: {  	v26 =	vsub.f32 v0, v26;
	v53 =	vor.u32 s17, v2;
	v28 =	vsub.f32 v25, v54;
	v42, v38, _ =	vpop (xrf1)  }
0x179: {  	v29 =	vmul.f32 v58, v10;
	v57 =	vsub.f32 v27, v18;
	v27 =	vsub.f32 v25, v56  }
0x17a: {  	v33 =	vadd.f32 v26, v9;
	v4 =	vsub.f32 v25, v55;
	(xrf1) =	vsort.dscd.msk.f32 $0xffff, v28, v53;
	v36, v34, _ =	vpop (xrf1)  }
0x17b: {  	v25 =	vsub.f32 v25, v57;
	(xrf1) =	vsort.dscd.msk.f32 $0xffff, v27, v53;
	v35, v30, _ =	vpop (xrf1)  }
0x17c: {  	v5 =	vsub.f32 v0, v29;
	v28 =	vsub.f32 v33, v54;
	(xrf1) =	vsort.dscd.msk.f32 $0xffff, v4, v53  }
.Ltmp4:
0x17d: {  	v62 =	vmul.f32 v58, v19;
	v59 =	vsub.f32 v33, v56;
	(xrf1) =	vsort.dscd.msk.f32 $0xffff, v25, v53;
	v31, v26, _ =	vpop (xrf1);
	(pc) =	sbr.rel @p1 .LBB2_3-.Ltmp4, $4  }
0x17e: {  	v58 =	vadd.f32 v5, v20;
	v4 =	vsub.f32 v33, v55;
	(xrf1) =	vsort.dscd.msk.f32 $0xffff, v28, v53;
	v32, v27, _ =	vpop (xrf1)  }
0x17f: {  	v5 =	vsub.f32 v33, v57;
	(xrf1) =	vsort.dscd.msk.f32 $0xffff, v59, v53  }
0x180: {  	v60 =	vsub.f32 v58, v54;
	v59 =	vsub.f32 v0, v62;
	(xrf1) =	vsort.dscd.msk.f32 $0xffff, v4, v53;
	v28, v25, _ =	vpop (xrf1)  }
0x181: {  	s19 =	sadd.s32 $0x40, s19;
	v61 =	vsub.f32 v58, v56;
	(xrf1) =	vsort.dscd.msk.f32 $0xffff, v5, v53;
	v33, v29, _ =	vpop (xrf1)  }
0x182: {  	v0 =	vadd.f32 v59, v21  }
0x183: {  	v22 =	vsub.f32 v58, v55;
	(xrf1) =	vsort.dscd.msk.f32 $0xffff, v60, v53;
	v23 =	vsub.f32 v58, v57  }
0x184: {  	(xrf1) =	vsort.dscd.msk.f32 $0xffff, v61, v53;
	v24 =	vsub.f32 v0, v54  }
0x185: {  	(xrf1) =	vsort.dscd.msk.f32 $0xffff, v22, v53;
	v22 =	vsub.f32 v0, v56;
	_ =	sdelay $0x1  }
0x186: {  	(xrf1) =	vsort.dscd.msk.f32 $0xffff, v23, v53;
	v23, v54, _ =	vpop (xrf1)  }
0x187: {  	v60 =	vsub.f32 v0, v55;
	(xrf1) =	vsort.dscd.msk.f32 $0xffff, v24, v53;
	v24, v56, _ =	vpop (xrf1)  }
0x188: {  	v0 =	vsub.f32 v0, v57;
	(xrf1) =	vsort.dscd.msk.f32 $0xffff, v22, v53;
	v22, v61, _ =	vpop (xrf1)  }
0x189: {  	(xrf1) =	vsort.dscd.msk.f32 $0xffff, v60, v53;
	vm0 =	vlt.f32 v22, v51  }
0x18a: {  	v63, v62, _ =	vpop (xrf1);
	(xrf1) =	vsort.dscd.msk.f32 $0xffff, v0, v53;
	v0 =	vsel vm0, v22, v51;
	v22 =	vsel vm0, v61, v48  }
0x18b: {  	vm13 =	vlt.f32 v63, v52  }
0x18c: {  	v61, v60, _ =	vpop (xrf1);
	v52 =	vsel vm13, v63, v52  }
0x18d: {  	v49 =	vsel vm13, v62, v49;
	(xrf1) =	vsort.ascd.msk.f32 $0xffff, v0, v22;
	vm14 =	vlt.f32 v61, v50  }
0x18e: {  	(xrf1) =	vsort.ascd.msk.f32 $0xffff, v52, v49;
	v48 =	vsel vm14, v61, v50;
	v46 =	vsel vm14, v60, v46;
	v0, v22, _ =	vpop (xrf1)  }
0x18f: {  	vm15 =	vlt.f32 v0, v47;
	v62, v63, _ =	vpop (xrf1);
	(xrf1) =	vsort.ascd.msk.f32 $0xffff, v48, v46  }
0x190: {  	v0 =	vsel vm15, v0, v47;
	v22 =	vsel vm15, v22, v43;
	vm4 =	vlt.f32 v62, v44  }
0x191: {  	v48, v51, _ =	vpop (xrf1);
	(xrf1) =	vsort.ascd.msk.f32 $0xffff, v0, v22;
	v22 =	vsel vm4, v63, v39  }
0x192: {  	v0 =	vsel vm4, v62, v44;
	vm5 =	vlt.f32 v48, v45  }
0x193: {  	v53, v52, _ =	vpop (xrf1);
	v43 =	vsel vm5, v48, v45  }
0x194: {  	v40 =	vsel vm5, v51, v40;
	(xrf1) =	vsort.ascd.msk.f32 $0xffff, v0, v22;
	vm6 =	vlt.f32 v53, v41  }
0x195: {  	v39 =	vsel vm6, v53, v41;
	v37 =	vsel vm6, v52, v37;
	v0, v22, _ =	vpop (xrf1);
	(xrf1) =	vsort.ascd.msk.f32 $0xffff, v43, v40  }
0x196: {  	vm7 =	vlt.f32 v0, v42;
	v55, v57, _ =	vpop (xrf1);
	(xrf1) =	vsort.ascd.msk.f32 $0xffff, v39, v37  }
0x197: {  	v0 =	vsel vm7, v0, v42;
	v22 =	vsel vm7, v22, v38;
	vm8 =	vlt.f32 v55, v36  }
0x198: {  	v59, v58, _ =	vpop (xrf1);
	(xrf1) =	vsort.ascd.msk.f32 $0xffff, v0, v22;
	v22 =	vsel vm8, v57, v34  }
0x199: {  	v0 =	vsel vm8, v55, v36;
	vm9 =	vlt.f32 v59, v35  }
0x19a: {  	v61, v60, _ =	vpop (xrf1);
	v35 =	vsel vm9, v59, v35  }
0x19b: {  	v30 =	vsel vm9, v58, v30;
	(xrf1) =	vsort.ascd.msk.f32 $0xffff, v0, v22;
	vm10 =	vlt.f32 v61, v31  }
0x19c: {  	(xrf1) =	vsort.ascd.msk.f32 $0xffff, v35, v30;
	v30 =	vsel vm10, v61, v31;
	v26 =	vsel vm10, v60, v26;
	v0, v22, _ =	vpop (xrf1)  }
0x19d: {  	(xrf1) =	vsort.ascd.msk.f32 $0xffff, v30, v26;
	vm11 =	vlt.f32 v0, v32;
	v31, v34, _ =	vpop (xrf1)  }
0x19e: {  	v0 =	vsel vm11, v0, v32;
	v22 =	vsel vm11, v22, v27;
	vm12 =	vlt.f32 v31, v28  }
0x19f: {  	(xrf1) =	vsort.ascd.msk.f32 $0xffff, v0, v22;
	v22 =	vsel vm12, v34, v25  }
0x1a0: {  	v26, v27, _ =	vpop (xrf1);
	v0 =	vsel vm12, v31, v28  }
0x1a1: {  	vm13 =	vlt.f32 v26, v33;
	v25, v28, _ =	vpop (xrf1)  }
0x1a2: {  	v26 =	vsel vm13, v26, v33;
	vm14 =	vlt.f32 v25, v23  }
0x1a3: {  	v27 =	vsel vm13, v27, v29;
	(xrf1) =	vsort.ascd.msk.f32 $0xffff, v0, v22;
	v23 =	vsel vm14, v25, v23;
	v0, v22, _ =	vpop (xrf1)  }
0x1a4: {  	v25 =	vsel vm14, v28, v54;
	(xrf1) =	vsort.ascd.msk.f32 $0xffff, v26, v27;
	vm15 =	vlt.f32 v0, v24  }
0x1a5: {  	v52, v44, _ =	vpop (xrf1);
	(xrf1) =	vsort.ascd.msk.f32 $0xffff, v23, v25;
	v0 =	vsel vm15, v0, v24;
	v22 =	vsel vm15, v22, v56  }
0x1a6: {  	v53, v46, _ =	vpop (xrf1);
	(xrf1) =	vsort.ascd.msk.f32 $0xffff, v0, v22  }
0x1a7: {  	v51, v43, _ =	vpop (xrf1);
	v0 =	vmax.f32 v52, v53  }
0x1a8: {  	v50, v34, _ =	vpop (xrf1);
	v0 =	vmax.f32 v0, v51  }
0x1a9: {  	v49, v33, _ =	vpop (xrf1);
	v0 =	vmax.f32 v0, v50  }
0x1aa: {  	v48, v32, _ =	vpop (xrf1);
	v0 =	vmax.f32 v0, v49  }
0x1ab: {  	v47, v31, _ =	vpop (xrf1);
	v0 =	vmax.f32 v0, v48  }
0x1ac: {  	v45, v30, _ =	vpop (xrf1);
	v0 =	vmax.f32 v0, v47  }
0x1ad: {  	v42, v29, _ =	vpop (xrf1);
	v0 =	vmax.f32 v0, v45  }
0x1ae: {  	v41, v28, _ =	vpop (xrf1);
	v0 =	vmax.f32 v0, v42  }
0x1af: {  	v62 =	vld [tilespmem:s30+$0x1000];
	v40, v27, _ =	vpop (xrf1);
	v0 =	vmax.f32 v0, v41  }
0x1b0: {  	v63 =	vld [tilespmem:s0+$0x100E];
	v39, v26, _ =	vpop (xrf1);
	v0 =	vmax.f32 v0, v40  }
0x1b1: {  	v38, v25, _ =	vpop (xrf1);
	v0 =	vmax.f32 v0, v39  }
0x1b2: {  	v37, v24, _ =	vpop (xrf1);
	v0 =	vmax.f32 v0, v38  }
0x1b3: {  	v36, v23, _ =	vpop (xrf1);
	v0 =	vmax.f32 v0, v37  }
0x1b4: {  	(v2sf) =	vpush v62, $0x0;
	v0 =	vmax.f32 v0, v36;
	v35, v22, _ =	vpop (xrf1)  }
0x1b5: {  	(v2sf) =	vpush v63, $0x0;
	v0 =	vmax.f32 v0, v35  }
0x1b6: {  	(xrf0) =	vmax.scan.msk.f32 $0xffff, v0;
	_ =	sdelay $0x5  }
0x1b7: {  	v0, _, _ =	vpop (xrf0)  }
0x1b8: {  	(v2sf) =	vpush v0, $0xF;
	_ =	sdelay $0x5  }
0x1b9: {  	s2 =	scvt.s32.f32 s2;
	s24 =	spop (v2sf)  }
0x1ba: {  	s3 =	spop (v2sf);
	s0 =	ssub.f32 s31, s24  }
0x1bb: {  	s2 =	ssub.f32 s3, s2  }
0x1bc: {  	s0 =	smax.f32 s0, $0.0e+00  }
0x1bd: {  	s2 =	smax.f32 s2, $0.0e+00;
	s0 =	smul.f32 s0, s0  }
0x1be: {  	s2 =	smul.f32 s2, s2;
	_ =	sdelay $0x1  }
0x1bf: {  	p1 =	slt.s32 s1, $0x32;
	s1 =	smin.f32 s0, s2  }
0x1c0: {  	s0 =	smov.u32 @p1 s1  }
0x1c1: {  	s2 =	smov.u32 @p0 s0;
	s31 =	spop (v2sf)  }
0x1c2: {  	p0 =	sgt.f32 s31, s2  }
.Ltmp5:
0x1c3: {  	_ = 	snop;
	(pc) =	sbr.rel @!p0 .LBB2_8-.Ltmp5, $2  }
0x1c4: {  	_ =	sdelay $0x2  }
0x1c5: {  	s0 =	simm.s32 $0x0  }
0x1c6: {  	p0 =	slt.u32 s0, s30;
	s1 =	sadd.s32 $0x1C0, s0  }
0x1c7: {  	s1 =	smov.u32 @p0 s0  }
0x1c8: {  	v0 =	vld [tilespmem:s1+$0x0]  }
0x1c9: {  	v54 =	vld [tilespmem:s1+$0x400]  }
0x1ca: {  	v55 =	vld [tilespmem:s1+$0x800];
	_ =	sdelay $0x2  }
0x1cb: {  	v56 =	vmul.f32 v0, v6;
	_ =	sdelay $0x1  }
0x1cc: {  	v57 =	vmul.f32 v54, v11;
	v56 =	vsub.f32 v55, v56;
	_ =	sdelay $0x1  }
0x1cd: {  	v58 =	vmul.f32 v54, v13;
	v57 =	vsub.f32 v57, v12;
	v56 =	vadd.f32 v56, v7  }
0x1ce: {  	v59 =	vmul.f32 v54, v15;
	v60 =	vmul.f32 v0, v8  }
0x1cf: {  	v54 =	vmul.f32 v54, v17;
	v58 =	vsub.f32 v58, v14;
	v62 =	vsub.f32 v56, v57  }
0x1d0: {  	v61 =	vor.u32 s1, v2;
	v59 =	vsub.f32 v59, v16;
	v60 =	vsub.f32 v55, v60  }
0x1d1: {  	v54 =	vsub.f32 v54, v18;
	v4 =	vsub.f32 v56, v58;
	(xrf1) =	vsort.dscd.msk.f32 $0xffff, v62, v61  }
0x1d2: {  	v63 =	vmul.f32 v0, v10;
	v60 =	vadd.f32 v60, v9;
	v5 =	vsub.f32 v56, v59  }
0x1d3: {  	v56 =	vsub.f32 v56, v54;
	(xrf1) =	vsort.dscd.msk.f32 $0xffff, v4, v61  }
0x1d4: {  	v62 =	vsub.f32 v60, v57;
	v4 =	vsub.f32 v55, v63;
	(xrf1) =	vsort.dscd.msk.f32 $0xffff, v5, v61  }
0x1d5: {  	v0 =	vmul.f32 v0, v19;
	v5 =	vsub.f32 v60, v58;
	(xrf1) =	vsort.dscd.msk.f32 $0xffff, v56, v61  }
0x1d6: {  	v4 =	vadd.f32 v4, v20;
	v56 =	vsub.f32 v60, v59;
	(xrf1) =	vsort.dscd.msk.f32 $0xffff, v62, v61  }
0x1d7: {  	v0 =	vsub.f32 v55, v0;
	v60 =	vsub.f32 v60, v54;
	(xrf1) =	vsort.dscd.msk.f32 $0xffff, v5, v61  }
0x1d8: {  	v5 =	vsub.f32 v4, v57;
	(xrf1) =	vsort.dscd.msk.f32 $0xffff, v56, v61  }
0x1d9: {  	v0 =	vadd.f32 v0, v21;
	v62 =	vsub.f32 v4, v58;
	(xrf1) =	vsort.dscd.msk.f32 $0xffff, v60, v61  }
0x1da: {  	v63 =	vsub.f32 v4, v59;
	(xrf1) =	vsort.dscd.msk.f32 $0xffff, v5, v61  }
0x1db: {  	v4 =	vsub.f32 v4, v54;
	v5 =	vsub.f32 v0, v57;
	(xrf1) =	vsort.dscd.msk.f32 $0xffff, v62, v61  }
0x1dc: {  	(xrf1) =	vsort.dscd.msk.f32 $0xffff, v63, v61  }
0x1dd: {  	v58 =	vsub.f32 v0, v58;
	(xrf1) =	vsort.dscd.msk.f32 $0xffff, v4, v61;
	v4 =	vsub.f32 v0, v59  }
0x1de: {  	(xrf1) =	vsort.dscd.msk.f32 $0xffff, v5, v61  }
0x1df: {  	v0 =	vsub.f32 v0, v54;
	(xrf1) =	vsort.dscd.msk.f32 $0xffff, v58, v61;
	v5, v59, _ =	vpop (xrf1)  }
0x1e0: {  	(xrf1) =	vsort.dscd.msk.f32 $0xffff, v4, v61;
	vm0 =	vlt.f32 v5, v52  }
0x1e1: {  	v4, v60, _ =	vpop (xrf1);
	(xrf1) =	vsort.dscd.msk.f32 $0xffff, v0, v61;
	v0 =	vsel vm0, v5, v52;
	v5 =	vsel vm0, v59, v44  }
0x1e2: {  	vm13 =	vlt.f32 v4, v53  }
0x1e3: {  	v63, v62, _ =	vpop (xrf1);
	v4 =	vsel vm13, v4, v53  }
0x1e4: {  	v46 =	vsel vm13, v60, v46;
	(xrf1) =	vsort.ascd.msk.f32 $0xffff, v0, v5;
	vm14 =	vlt.f32 v63, v51  }
0x1e5: {  	(xrf1) =	vsort.ascd.msk.f32 $0xffff, v4, v46;
	v4 =	vsel vm14, v63, v51;
	v0, v5, _ =	vpop (xrf1)  }
0x1e6: {  	v43 =	vsel vm14, v62, v43;
	v52, v51, _ =	vpop (xrf1)  }
0x1e7: {  	(xrf1) =	vsort.ascd.msk.f32 $0xffff, v4, v43;
	vm15 =	vlt.f32 v0, v50;
	vm4 =	vlt.f32 v52, v49  }
0x1e8: {  	v0 =	vsel vm15, v0, v50;
	v5 =	vsel vm15, v5, v34;
	v4, v53, _ =	vpop (xrf1);
	v33 =	vsel vm4, v51, v33  }
0x1e9: {  	(xrf1) =	vsort.ascd.msk.f32 $0xffff, v0, v5;
	v5 =	vsel vm4, v52, v49;
	v54, v55, _ =	vpop (xrf1)  }
0x1ea: {  	s31 =	sadd.s32 $0x1, s0;
	s0 =	sadd.s32 $0x10, s0;
	vm6 =	vlt.f32 v54, v47  }
0x1eb: {  	p0 =	slt.u32 s31, s30;
	s2 =	sadd.s32 $0x1C0, s0;
	vm5 =	vlt.f32 v4, v48;
	v31 =	vsel vm6, v55, v31  }
0x1ec: {  	s2 =	smov.u32 @p0 s0;
	v4 =	vsel vm5, v4, v48;
	v32 =	vsel vm5, v53, v32;
	(xrf1) =	vsort.ascd.msk.f32 $0xffff, v5, v33;
	v5, v33, _ =	vpop (xrf1)  }
0x1ed: {  	v0 =	vld [tilespmem:s2+$0x400];
	(xrf1) =	vsort.ascd.msk.f32 $0xffff, v4, v32;
	v4 =	vsel vm6, v54, v47;
	vm7 =	vlt.f32 v5, v45;
	v56, v34, _ =	vpop (xrf1)  }
0x1ee: {  	(xrf1) =	vsort.ascd.msk.f32 $0xffff, v4, v31;
	v5 =	vsel vm7, v5, v45;
	v30 =	vsel vm7, v33, v30;
	v31, v57, _ =	vpop (xrf1)  }
0x1ef: {  	vm8 =	vlt.f32 v56, v42;
	(xrf1) =	vsort.ascd.msk.f32 $0xffff, v5, v30;
	vm9 =	vlt.f32 v31, v41  }
0x1f0: {  	v30 =	vsel vm8, v56, v42;
	v29 =	vsel vm8, v34, v29;
	v58, v59, _ =	vpop (xrf1);
	v31 =	vsel vm9, v31, v41  }
0x1f1: {  	v28 =	vsel vm9, v57, v28;
	(xrf1) =	vsort.ascd.msk.f32 $0xffff, v30, v29;
	vm10 =	vlt.f32 v58, v40  }
0x1f2: {  	v4 =	vmul.f32 v0, v11;
	v5 =	vld [tilespmem:s2+$0x0];
	(xrf1) =	vsort.ascd.msk.f32 $0xffff, v31, v28;
	v28 =	vsel vm10, v58, v40  }
0x1f3: {  	v27 =	vsel vm10, v59, v27;
	v30, v60, _ =	vpop (xrf1)  }
0x1f4: {  	v61 =	vld [tilespmem:s2+$0x800];
	v51 =	vsub.f32 v4, v12;
	vm11 =	vlt.f32 v30, v39;
	v31, v62, _ =	vpop (xrf1);
	(xrf1) =	vsort.ascd.msk.f32 $0xffff, v28, v27  }
0x1f5: {  	v30 =	vsel vm11, v30, v39;
	v26 =	vsel vm11, v60, v26;
	vm12 =	vlt.f32 v31, v38  }
0x1f6: {  	v29 =	vmul.f32 v0, v13;
	v27, v28, _ =	vpop (xrf1);
	(xrf1) =	vsort.ascd.msk.f32 $0xffff, v30, v26;
	v26 =	vsel vm12, v31, v38  }
0x1f7: {  	v63 =	vmul.f32 v5, v6;
	v25 =	vsel vm12, v62, v25;
	vm13 =	vlt.f32 v27, v37  }
0x1f8: {  	v56 =	vsub.f32 v29, v14;
	v30, v31, _ =	vpop (xrf1);
	v27 =	vsel vm13, v27, v37;
	v24 =	vsel vm13, v28, v24  }
0x1f9: {  	(xrf1) =	vsort.ascd.msk.f32 $0xffff, v26, v25;
	v28 =	vsub.f32 v61, v63;
	vm14 =	vlt.f32 v30, v36  }
0x1fa: {  	(xrf1) =	vsort.ascd.msk.f32 $0xffff, v27, v24;
	v27 =	vmul.f32 v0, v15;
	v0 =	vmul.f32 v0, v17;
	v25, v26, _ =	vpop (xrf1)  }
0x1fb: {  	v24 =	vsel vm14, v30, v36;
	v23 =	vsel vm14, v31, v23;
	vm15 =	vlt.f32 v25, v35  }
0x1fc: {  	v30 =	vmul.f32 v5, v8;
	v48, v45, _ =	vpop (xrf1);
	v55 =	vsub.f32 v27, v16;
	v25 =	vsel vm15, v25, v35  }
0x1fd: {  	v49, v46, _ =	vpop (xrf1);
	v22 =	vsel vm15, v26, v22;
	v26 =	vadd.f32 v28, v7;
	(xrf1) =	vsort.ascd.msk.f32 $0xffff, v24, v23  }
0x1fe: {  	v57 =	vsub.f32 v0, v18;
	v4 =	vsub.f32 v61, v30;
	v47, v43, _ =	vpop (xrf1);
	(xrf1) =	vsort.ascd.msk.f32 $0xffff, v25, v22  }
0x1ff: {  	v44, v41, _ =	vpop (xrf1);
	v23 =	vsub.f32 v26, v51;
	v0 =	vsub.f32 v26, v56  }
0x200: {  	v50 =	vor.u32 s2, v2;
	v4 =	vadd.f32 v4, v9;
	v22 =	vsub.f32 v26, v55;
	v42, v39, _ =	vpop (xrf1)  }
0x201: {  	v24 =	vsub.f32 v26, v57;
	v40, v36, _ =	vpop (xrf1);
	(xrf1) =	vsort.dscd.msk.f32 $0xffff, v23, v50;
	v23 =	vmul.f32 v5, v10  }
0x202: {  	v37, v34, _ =	vpop (xrf1);
	(xrf1) =	vsort.dscd.msk.f32 $0xffff, v0, v50  }
0x203: {  	v26 =	vsub.f32 v4, v55;
	v38, v35, _ =	vpop (xrf1);
	(xrf1) =	vsort.dscd.msk.f32 $0xffff, v22, v50;
	v22 =	vsub.f32 v61, v23  }
0x204: {  	v0 =	vsub.f32 v4, v51;
	v23 =	vsub.f32 v4, v56;
	v33, v31, _ =	vpop (xrf1)  }
0x205: {  	(xrf1) =	vsort.dscd.msk.f32 $0xffff, v24, v50;
	v32, v28, _ =	vpop (xrf1)  }
0x206: {  	v5 =	vmul.f32 v5, v19;
	v52 =	vadd.f32 v22, v20;
	v29, v24, _ =	vpop (xrf1);
	(xrf1) =	vsort.dscd.msk.f32 $0xffff, v0, v50  }
0x207: {  	v0 =	vsub.f32 v4, v57;
	v30, v25, _ =	vpop (xrf1);
	(xrf1) =	vsort.dscd.msk.f32 $0xffff, v23, v50  }
0x208: {  	v53 =	vsub.f32 v61, v5;
	v54 =	vsub.f32 v52, v51;
	(xrf1) =	vsort.dscd.msk.f32 $0xffff, v26, v50;
	v26, v22, _ =	vpop (xrf1)  }
0x209: {  	s1 =	sadd.s32 $0x1, s31;
	v58 =	vsub.f32 v52, v56;
	(xrf1) =	vsort.dscd.msk.f32 $0xffff, v0, v50;
	v27, v23, _ =	vpop (xrf1)  }
.LBB2_6:
0x20a: {  	p0 =	sne.s32 s1, $0x23;
	v0 =	vadd.f32 v53, v21;
	v4 =	vsub.f32 v52, v55;
	(xrf1) =	vsort.dscd.msk.f32 $0xffff, v54, v50  }
0x20b: {  	v5 =	vsub.f32 v52, v57;
	(xrf1) =	vsort.dscd.msk.f32 $0xffff, v58, v50;
	v54, v52, _ =	vpop (xrf1)  }
0x20c: {  	v58 =	vsub.f32 v0, v51;
	(xrf1) =	vsort.dscd.msk.f32 $0xffff, v4, v50;
	v53, v51, _ =	vpop (xrf1)  }
0x20d: {  	v60 =	vsub.f32 v0, v56;
	(xrf1) =	vsort.dscd.msk.f32 $0xffff, v5, v50  }
0x20e: {  	v59 =	vsub.f32 v0, v55;
	(xrf1) =	vsort.dscd.msk.f32 $0xffff, v58, v50  }
0x20f: {  	s0 =	sadd.s32 $0x10, s0;
	v0 =	vsub.f32 v0, v57;
	(xrf1) =	vsort.dscd.msk.f32 $0xffff, v60, v50  }
0x210: {  	p1 =	slt.u32 s1, s30;
	s2 =	sadd.s32 $0x1C0, s0;
	v4, v55, _ =	vpop (xrf1);
	(xrf1) =	vsort.dscd.msk.f32 $0xffff, v59, v50  }
0x211: {  	s2 =	smov.u32 @p1 s0;
	vm0 =	vlt.f32 v4, v48;
	v5, v56, _ =	vpop (xrf1);
	(xrf1) =	vsort.dscd.msk.f32 $0xffff, v0, v50  }
0x212: {  	v0 =	vld [tilespmem:s2+$0x400];
	v57 =	vsel vm0, v4, v48;
	v55 =	vsel vm0, v55, v45;
	vm0 =	vlt.f32 v5, v49;
	v48, v50, _ =	vpop (xrf1)  }
0x213: {  	v58 =	vsel vm0, v5, v49;
	v56 =	vsel vm0, v56, v46;
	(xrf1) =	vsort.ascd.msk.f32 $0xffff, v57, v55;
	v4, v45, _ =	vpop (xrf1)  }
0x214: {  	vm0 =	vlt.f32 v48, v47;
	(xrf1) =	vsort.ascd.msk.f32 $0xffff, v58, v56  }
0x215: {  	v5, v46, _ =	vpop (xrf1);
	v47 =	vsel vm0, v48, v47;
	v50 =	vsel vm0, v50, v43;
	vm0 =	vlt.f32 v4, v44  }
0x216: {  	v48, v49, _ =	vpop (xrf1);
	v55 =	vsel vm0, v4, v44  }
0x217: {  	v56 =	vsel vm0, v45, v41;
	vm0 =	vlt.f32 v5, v42;
	(xrf1) =	vsort.ascd.msk.f32 $0xffff, v47, v50  }
0x218: {  	v47 =	vsel vm0, v5, v42;
	v46 =	vsel vm0, v46, v39;
	vm0 =	vlt.f32 v48, v40  }
0x219: {  	v43, v44, _ =	vpop (xrf1);
	v50 =	vmul.f32 v0, v11;
	v40 =	vsel vm0, v48, v40  }
0x21a: {  	(xrf1) =	vsort.ascd.msk.f32 $0xffff, v55, v56;
	v4, v41, _ =	vpop (xrf1);
	v36 =	vsel vm0, v49, v36;
	vm0 =	vlt.f32 v43, v37  }
0x21b: {  	v42, v45, _ =	vpop (xrf1);
	v37 =	vsel vm0, v43, v37  }
0x21c: {  	v34 =	vsel vm0, v44, v34;
	(xrf1) =	vsort.ascd.msk.f32 $0xffff, v47, v46;
	v5, v39, _ =	vpop (xrf1)  }
0x21d: {  	v55 =	vmul.f32 v0, v13;
	vm0 =	vlt.f32 v4, v38;
	(xrf1) =	vsort.ascd.msk.f32 $0xffff, v40, v36;
	v36, v40, _ =	vpop (xrf1)  }
0x21e: {  	v46 =	vsel vm0, v4, v38;
	v41 =	vsel vm0, v41, v35;
	vm0 =	vlt.f32 v42, v33;
	v58 =	vld [tilespmem:s2+$0x0];
	v43, v44, _ =	vpop (xrf1)  }
0x21f: {  	v31 =	vsel vm0, v45, v31;
	(xrf1) =	vsort.ascd.msk.f32 $0xffff, v37, v34;
	v34, v37, _ =	vpop (xrf1)  }
0x220: {  	v38 =	vmul.f32 v0, v15;
	(xrf1) =	vsort.ascd.msk.f32 $0xffff, v46, v41;
	v4, v35, _ =	vpop (xrf1)  }
0x221: {  	v33 =	vsel vm0, v42, v33;
	vm0 =	vlt.f32 v5, v32;
	v42, v56, _ =	vpop (xrf1)  }
0x222: {  	v5 =	vsel vm0, v5, v32;
	v28 =	vsel vm0, v39, v28;
	(xrf1) =	vsort.ascd.msk.f32 $0xffff, v33, v31;
	v31, v32, _ =	vpop (xrf1)  }
0x223: {  	vm0 =	vlt.f32 v36, v29;
	v33 =	vmul.f32 v58, v6;
	(xrf1) =	vsort.ascd.msk.f32 $0xffff, v5, v28  }
0x224: {  	v24 =	vsel vm0, v40, v24;
	v28 =	vsel vm0, v36, v29;
	vm0 =	vlt.f32 v43, v30;
	v5 =	vld [tilespmem:s2+$0x800];
	v48, v45, _ =	vpop (xrf1)  }
0x225: {  	v29 =	vsel vm0, v43, v30;
	v25 =	vsel vm0, v44, v25;
	v49, v46, _ =	vpop (xrf1);
	(xrf1) =	vsort.ascd.msk.f32 $0xffff, v28, v24  }
0x226: {  	vm0 =	vlt.f32 v34, v26;
	v24 =	vmul.f32 v58, v8;
	(xrf1) =	vsort.ascd.msk.f32 $0xffff, v29, v25  }
0x227: {  	v22 =	vsel vm0, v37, v22;
	v25 =	vsel vm0, v34, v26;
	vm0 =	vlt.f32 v4, v27;
	v47, v43, _ =	vpop (xrf1)  }
0x228: {  	v4 =	vsel vm0, v4, v27;
	v23 =	vsel vm0, v35, v23;
	v44, v41, _ =	vpop (xrf1);
	(xrf1) =	vsort.ascd.msk.f32 $0xffff, v25, v22  }
0x229: {  	vm0 =	vlt.f32 v42, v54;
	v22 =	vsub.f32 v5, v33;
	(xrf1) =	vsort.ascd.msk.f32 $0xffff, v4, v23  }
0x22a: {  	v4 =	vsel vm0, v42, v54;
	v23 =	vsel vm0, v56, v52;
	vm0 =	vlt.f32 v31, v53;
	v42, v39, _ =	vpop (xrf1)  }
0x22b: {  	v25 =	vsel vm0, v31, v53;
	v26 =	vsel vm0, v32, v51;
	v40, v36, _ =	vpop (xrf1);
	(xrf1) =	vsort.ascd.msk.f32 $0xffff, v4, v23  }
0x22c: {  	v51 =	vsub.f32 v50, v12;
	v4 =	vadd.f32 v22, v7;
	(xrf1) =	vsort.ascd.msk.f32 $0xffff, v25, v26  }
0x22d: {  	v0 =	vmul.f32 v0, v17;
	v56 =	vsub.f32 v55, v14;
	v55 =	vsub.f32 v38, v16;
	v37, v34, _ =	vpop (xrf1)  }
0x22e: {  	v50 =	vor.u32 s2, v2;
	v22 =	vsub.f32 v5, v24;
	v23 =	vsub.f32 v4, v51;
	v38, v35, _ =	vpop (xrf1)  }
0x22f: {  	v57 =	vsub.f32 v0, v18;
	v30 =	vmul.f32 v58, v10;
	v0 =	vsub.f32 v4, v56  }
0x230: {  	v22 =	vadd.f32 v22, v9;
	v53 =	vsub.f32 v4, v55;
	(xrf1) =	vsort.dscd.msk.f32 $0xffff, v23, v50;
	v33, v31, _ =	vpop (xrf1)  }
0x231: {  	v4 =	vsub.f32 v4, v57;
	(xrf1) =	vsort.dscd.msk.f32 $0xffff, v0, v50;
	v32, v28, _ =	vpop (xrf1)  }
0x232: {  	v23 =	vsub.f32 v22, v51;
	v0 =	vsub.f32 v5, v30;
	(xrf1) =	vsort.dscd.msk.f32 $0xffff, v53, v50  }
.Ltmp6:
0x233: {  	v58 =	vmul.f32 v58, v19;
	v27 =	vsub.f32 v22, v56;
	(xrf1) =	vsort.dscd.msk.f32 $0xffff, v4, v50;
	v29, v24, _ =	vpop (xrf1);
	(pc) =	sbr.rel @p0 .LBB2_6-.Ltmp6, $4  }
0x234: {  	v52 =	vadd.f32 v0, v20;
	v0 =	vsub.f32 v22, v55;
	(xrf1) =	vsort.dscd.msk.f32 $0xffff, v23, v50;
	v30, v25, _ =	vpop (xrf1)  }
0x235: {  	v4 =	vsub.f32 v22, v57;
	(xrf1) =	vsort.dscd.msk.f32 $0xffff, v27, v50  }
0x236: {  	v53 =	vsub.f32 v5, v58;
	v54 =	vsub.f32 v52, v51;
	(xrf1) =	vsort.dscd.msk.f32 $0xffff, v0, v50;
	v26, v22, _ =	vpop (xrf1)  }
0x237: {  	s1 =	sadd.s32 $0x1, s1;
	v58 =	vsub.f32 v52, v56;
	(xrf1) =	vsort.dscd.msk.f32 $0xffff, v4, v50;
	v27, v23, _ =	vpop (xrf1)  }
0x238: {  	v0 =	vadd.f32 v53, v21  }
0x239: {  	v4 =	vsub.f32 v52, v55;
	(xrf1) =	vsort.dscd.msk.f32 $0xffff, v54, v50;
	v5 =	vsub.f32 v52, v57  }
0x23a: {  	(xrf1) =	vsort.dscd.msk.f32 $0xffff, v58, v50  }
0x23b: {  	(xrf1) =	vsort.dscd.msk.f32 $0xffff, v4, v50;
	v4 =	vsub.f32 v0, v56  }
0x23c: {  	v6 =	vsub.f32 v0, v51  }
0x23d: {  	(xrf1) =	vsort.dscd.msk.f32 $0xffff, v5, v50;
	v5, v7, _ =	vpop (xrf1)  }
0x23e: {  	v8 =	vsub.f32 v0, v55;
	(xrf1) =	vsort.dscd.msk.f32 $0xffff, v6, v50;
	v17, v9, _ =	vpop (xrf1)  }
0x23f: {  	v0 =	vsub.f32 v0, v57;
	(xrf1) =	vsort.dscd.msk.f32 $0xffff, v4, v50;
	v4, v10, _ =	vpop (xrf1)  }
0x240: {  	(xrf1) =	vsort.dscd.msk.f32 $0xffff, v8, v50;
	vm0 =	vlt.f32 v4, v48  }
0x241: {  	v18, v11, _ =	vpop (xrf1);
	(xrf1) =	vsort.dscd.msk.f32 $0xffff, v0, v50;
	v0 =	vsel vm0, v4, v48;
	v4 =	vsel vm0, v10, v45  }
0x242: {  	vm13 =	vlt.f32 v18, v49  }
0x243: {  	v19, v12, _ =	vpop (xrf1);
	v8 =	vsel vm13, v18, v49  }
0x244: {  	v11 =	vsel vm13, v11, v46;
	(xrf1) =	vsort.ascd.msk.f32 $0xffff, v0, v4;
	vm14 =	vlt.f32 v19, v47  }
0x245: {  	(xrf1) =	vsort.ascd.msk.f32 $0xffff, v8, v11;
	v45 =	vsel vm14, v19, v47;
	v46 =	vsel vm14, v12, v43;
	v0, v4, _ =	vpop (xrf1)  }
0x246: {  	vm15 =	vlt.f32 v0, v44;
	v47, v48, _ =	vpop (xrf1);
	(xrf1) =	vsort.ascd.msk.f32 $0xffff, v45, v46  }
0x247: {  	v0 =	vsel vm15, v0, v44;
	v4 =	vsel vm15, v4, v41;
	vm4 =	vlt.f32 v47, v42  }
0x248: {  	v8, v10, _ =	vpop (xrf1);
	(xrf1) =	vsort.ascd.msk.f32 $0xffff, v0, v4;
	v4 =	vsel vm4, v48, v39  }
0x249: {  	v0 =	vsel vm4, v47, v42;
	vm5 =	vlt.f32 v8, v40  }
0x24a: {  	v49, v50, _ =	vpop (xrf1);
	v8 =	vsel vm5, v8, v40  }
0x24b: {  	v10 =	vsel vm5, v10, v36;
	(xrf1) =	vsort.ascd.msk.f32 $0xffff, v0, v4;
	vm6 =	vlt.f32 v49, v37  }
0x24c: {  	v51 =	vsel vm6, v49, v37;
	v52 =	vsel vm6, v50, v34;
	v0, v4, _ =	vpop (xrf1);
	(xrf1) =	vsort.ascd.msk.f32 $0xffff, v8, v10  }
0x24d: {  	vm7 =	vlt.f32 v0, v38;
	v53, v54, _ =	vpop (xrf1);
	(xrf1) =	vsort.ascd.msk.f32 $0xffff, v51, v52  }
0x24e: {  	v0 =	vsel vm7, v0, v38;
	v4 =	vsel vm7, v4, v35;
	vm8 =	vlt.f32 v53, v33  }
0x24f: {  	v8, v10, _ =	vpop (xrf1);
	(xrf1) =	vsort.ascd.msk.f32 $0xffff, v0, v4;
	v4 =	vsel vm8, v54, v31  }
0x250: {  	v0 =	vsel vm8, v53, v33;
	vm9 =	vlt.f32 v8, v32  }
0x251: {  	v55, v56, _ =	vpop (xrf1);
	v8 =	vsel vm9, v8, v32  }
0x252: {  	v10 =	vsel vm9, v10, v28;
	(xrf1) =	vsort.ascd.msk.f32 $0xffff, v0, v4;
	vm10 =	vlt.f32 v55, v29  }
0x253: {  	(xrf1) =	vsort.ascd.msk.f32 $0xffff, v8, v10;
	v57 =	vsel vm10, v55, v29;
	v58 =	vsel vm10, v56, v24;
	v0, v4, _ =	vpop (xrf1)  }
0x254: {  	(xrf1) =	vsort.ascd.msk.f32 $0xffff, v57, v58;
	vm11 =	vlt.f32 v0, v30;
	v59, v60, _ =	vpop (xrf1)  }
0x255: {  	v0 =	vsel vm11, v0, v30;
	v4 =	vsel vm11, v4, v25;
	vm12 =	vlt.f32 v59, v26  }
0x256: {  	(xrf1) =	vsort.ascd.msk.f32 $0xffff, v0, v4;
	v4 =	vsel vm12, v60, v22  }
0x257: {  	v0 =	vsel vm12, v59, v26  }
0x258: {  	v8, v10, _ =	vpop (xrf1)  }
0x259: {  	vm13 =	vlt.f32 v8, v27;
	v61, v62, _ =	vpop (xrf1)  }
0x25a: {  	v8 =	vsel vm13, v8, v27;
	(xrf1) =	vsort.ascd.msk.f32 $0xffff, v0, v4;
	vm14 =	vlt.f32 v61, v5;
	v0, v4, _ =	vpop (xrf1)  }
0x25b: {  	v10 =	vsel vm13, v10, v23;
	v5 =	vsel vm14, v61, v5;
	vm15 =	vlt.f32 v0, v17  }
0x25c: {  	v7 =	vsel vm14, v62, v7;
	(xrf1) =	vsort.ascd.msk.f32 $0xffff, v8, v10;
	v0 =	vsel vm15, v0, v17  }
0x25d: {  	v63, v44, _ =	vpop (xrf1);
	(xrf1) =	vsort.ascd.msk.f32 $0xffff, v5, v7;
	v4 =	vsel vm15, v4, v9  }
0x25e: {  	v5, v46, _ =	vpop (xrf1);
	(xrf1) =	vsort.ascd.msk.f32 $0xffff, v0, v4  }
0x25f: {  	v0, v43, _ =	vpop (xrf1)  }
0x260: {  	v0, v34, _ =	vpop (xrf1)  }
0x261: {  	v0, v33, _ =	vpop (xrf1)  }
0x262: {  	v0, v32, _ =	vpop (xrf1)  }
0x263: {  	v0, v31, _ =	vpop (xrf1)  }
0x264: {  	v0, v30, _ =	vpop (xrf1)  }
0x265: {  	v0, v29, _ =	vpop (xrf1)  }
0x266: {  	v0, v28, _ =	vpop (xrf1)  }
0x267: {  	v0, v27, _ =	vpop (xrf1)  }
.Ltmp7:
0x268: {  	v0, v26, _ =	vpop (xrf1);
	(pc) =	sbr.rel .LBB2_8-.Ltmp7, $4  }
0x269: {  	v0, v25, _ =	vpop (xrf1)  }
0x26a: {  	v0, v24, _ =	vpop (xrf1)  }
0x26b: {  	v0, v23, _ =	vpop (xrf1)  }
0x26c: {  	v0, v22, _ =	vpop (xrf1)  }
.LBB2_10:
0x26d: {  	_ =	sfence.sel $0x180000  }
0x26e: {  	[bflag:$0x0] =	sbarrier.arrive $0xFFFF  }
0x26f: {  	_ =	strace $0x9000004D  }
0x270: {  	s0 =	stileid.u32;
	[bflag:$0x2] =	sbarrier.arrive $0xFFFF  }
0x271: {  	p0 =	sne.s32 s0, $0x0;
	s0 =	rddreg [dreg:$0x3]  }
0x272: {  	s0 =	sadd.s32 @!p0 $0x100000, s0  }
0x273: {  	[sflag:s0] =	ssyncadd.tile.s32 @!p0 $0x1;
	_ =	shalt  }
.Lfunc_end2:
_tile_overlayer_lowered:
.L_overlay_start_2:
0x274: {  	(tag) =	ssettag $0x2  }
0x275: {  	s0 =	rddreg [dreg:$0x0];
	s2 =	stileid.u32  }
0x276: {  	s1 =	rddreg [dreg:$0x1];
	p0 =	sne.s32 s2, $0x0  }
0x277: {  	s3 =	rddreg [dreg:$0x2];
	[bflag:$0x3] =	sbarrier.arrive $0xFFFF;
	s2 =	simm.s32 @!p0 $0x1C01  }
0x278: {  	[timem:s3], [sflag:s2] =	dma.local @!p0 [hbm:s0], s1  }
0x279: {  	s0 =	simm.s32 @!p0 $0x1  }
0x27a: {  	_ =	swait.ge @!p0 [sflag:s0], s1  }
0x27b: {  	s1 =	ssub.s32 @!p0 $0x0, s1;
	[sflag:s0] =	ssyncset.done @!p0 $0x0  }
0x27c: {  	[sflag:s0] =	ssyncadd.s32 @!p0 s1  }
0x27d: {  	[bflag:$0x3] =	sbarrier.arrive $0xFFFF  }
0x27e: {  	_ =	shalt  }

</sc_bundles>
